<compile_context>
chip_gen: v7x
topology: tpu7x:2x2x1
jax: 0.10.2.dev20260603
libtpu: 0.0.44.dev20260713+nightly
codegen_flags: <defaults>
</compile_context>

<pallas_src>
import functools

import jax
import jax.numpy as jnp
from jax import lax
from jax.experimental import pallas as pl
from jax.experimental.pallas import tpu as pltpu, tpu_sc as plsc

M = 50000
K = 25000
N_INC = 320000
NC, NS, L = 2, 16, 16
FULL = 50176
TPC = FULL // NS
CHUNK = 1568
NVREG = CHUNK // L
EPT = N_INC // NS
EPTH = EPT // 2
VB = 16
SOFF = NS * FULL
TOFF = SOFF + 32 * VB
TAIL = M - 31 * CHUNK
PADV = float((NVREG - TAIL // L) * L)

_mesh = plsc.VectorSubcoreMesh(
    core_axis_name="c", subcore_axis_name="s", num_cores=NC, num_subcores=NS)


@functools.partial(
    pl.kernel,
    out_type=(
        jax.ShapeDtypeStruct((M,), jnp.float32),
        jax.ShapeDtypeStruct((M,), jnp.float32),
        jax.ShapeDtypeStruct((M,), jnp.float32),
    ),
    mesh=_mesh,
    compiler_params=pltpu.CompilerParams(needs_layout_passes=False),
    scratch_types=(
        pltpu.VMEM((EPTH,), jnp.float32),
        pltpu.VMEM((FULL,), jnp.float32),
        pltpu.VMEM_SHARED((SOFF + 64 * VB,), jnp.float32),
        pltpu.VMEM((TPC,), jnp.float32),
        pltpu.VMEM((TPC,), jnp.float32),
        pltpu.VMEM((TPC,), jnp.float32),
        pltpu.VMEM((VB,), jnp.float32),
        pltpu.VMEM((L,), jnp.float32),
        pltpu.VMEM((64 * VB,), jnp.float32),
        pltpu.VMEM((3 * CHUNK,), jnp.float32),
        pltpu.VMEM(((NVREG + 14) * L,), jnp.float32),
        pltpu.VMEM((NVREG + 14,), jnp.float32),
        pltpu.SemaphoreType.DMA,
        pltpu.SemaphoreType.DMA,
        pltpu.SemaphoreType.DMA,
        pltpu.SemaphoreType.DMA,
        pltpu.SemaphoreType.DMA,
        pltpu.SemaphoreType.DMA,
        pltpu.SemaphoreType.DMA,
    ),
)
def _degree_mask(e_hbm, probs_hbm, soft_hbm, hard_hbm,
                 idx_v, hist_v, stage_sh, acc_v, tmp_a, tmp_b, h16_v, spl_v,
                 stats_v, out_v, cs_v, off_v,
                 sem0, s1, s2, s3, s4, s5, s6):
    c = lax.axis_index("c")
    s = lax.axis_index("s")
    zeros = jnp.zeros((L,), jnp.float32)
    ones = jnp.ones((L,), jnp.float32)

    stage = pltpu.async_copy(e_hbm.at[pl.ds(s * EPT, EPTH)], idx_v, sem0)

    def _z(i, _):
        hist_v[pl.ds(i * L, L)] = zeros
        return 0
    lax.fori_loop(0, FULL // L, _z, 0, unroll=8)

    SU = 5
    def _scat(j, _):
        vs = [idx_v[pl.ds((j * SU + u) * L, L)] for u in range(SU)]
        for v in vs:
            plsc.addupdate_scatter(hist_v, [plsc.bitcast(v, jnp.int32)], ones)
        return 0
    for p in range(2):
        stage.wait()
        if p == 0:
            lax.fori_loop(0, EPTH // L // SU, _scat, 0)
            stage = pltpu.async_copy(
                e_hbm.at[pl.ds(s * EPT + EPTH, EPTH)], idx_v, sem0)
        else:
            lax.fori_loop(0, EPTH // L // SU, _scat, 0)

    pltpu.sync_copy(hist_v, stage_sh.at[pl.ds(s * FULL, FULL)])
    plsc.subcore_barrier()

    rbufs = (tmp_a, tmp_b,
             idx_v.at[pl.ds(0, TPC)], idx_v.at[pl.ds(TPC, TPC)],
             idx_v.at[pl.ds(2 * TPC, TPC)], out_v.at[pl.ds(0, TPC)])
    rsems = (s1, s2, s3, s4, s5, s6)
    descs = [None] * 16
    def _fetch(row):
        b = rbufs[row % 6]
        descs[row] = pltpu.async_copy(
            stage_sh.at[pl.ds(row * FULL + s * TPC, TPC)], b, rsems[row % 6])
    for row in range(6):
        _fetch(row)
    passes = [[0, 1, 2, 3], [4, 5, 6], [7, 8, 9], [10, 11, 12], [13, 14, 15]]
    AU = 7
    for pi, rows in enumerate(passes):
        for row in rows:
            descs[row].wait()
        bs = [rbufs[row % 6] for row in rows]
        first = (pi == 0)
        def _add(j, _, bs=bs, first=first):
            for u in range(AU):
                sl = pl.ds((j * AU + u) * L, L)
                v = bs[0][sl] if first else acc_v[sl] + bs[0][sl]
                for b in bs[1:]:
                    v = v + b[sl]
                acc_v[sl] = v
            return 0
        lax.fori_loop(0, TPC // L // AU, _add, 0)
        nxt = {0: [6, 7, 8, 9], 1: [10, 11, 12], 2: [13, 14, 15]}.get(pi, [])
        for row in nxt:
            _fetch(row)

    iota = lax.iota(jnp.int32, VB)
    for h in range(2):
        q2 = 2 * s + h
        h16_v[...] = zeros
        def _stat(g, sv, h=h):
            dvs = [acc_v[pl.ds(h * CHUNK + (g * AU + u) * L, L)]
                   for u in range(AU)]
            cis = [jnp.minimum(dv, float(VB - 1)).astype(jnp.int32)
                   for dv in dvs]
            for ci in cis:
                plsc.addupdate_scatter(h16_v, [ci], ones)
            for dv in dvs:
                sv = sv + dv
            return sv
        sv = lax.fori_loop(0, NVREG // AU, _stat, zeros)

        @pl.when(q2 == 31)
        def _():
            h16_v[...] = h16_v[...] - jnp.where(iota == 0, PADV, 0.0)
        pltpu.sync_copy(h16_v, stage_sh.at[pl.ds(SOFF + q2 * VB, VB)])
        spl_v[...] = jnp.full((L,), jnp.sum(sv), jnp.float32)
        pltpu.sync_copy(spl_v, stage_sh.at[pl.ds(TOFF + q2 * VB, VB)])
    plsc.subcore_barrier()

    pltpu.sync_copy(stage_sh.at[pl.ds(SOFF, 64 * VB)], stats_v)

    def _acc2(v, carry):
        hv, tv = carry
        return (hv + stats_v[pl.ds(v * VB, VB)],
                tv + stats_v[pl.ds(32 * VB + v * VB, VB)])
    hvec, tvec = lax.fori_loop(
        0, 32, _acc2,
        (jnp.zeros((VB,), jnp.float32), jnp.zeros((L,), jnp.float32)),
        unroll=8)

    c_ge = jnp.flip(jnp.cumsum(jnp.flip(hvec, 0)), 0)
    ge_mask = c_ge >= float(K)
    t_i = plsc.all_reduce_population_count(ge_mask) - 1
    t_f32 = t_i.astype(jnp.float32)
    c_gt = jnp.sum(jnp.where(iota > t_i, hvec, 0.0))
    r = float(K) - c_gt

    q = 2 * s + c
    def _off(v, off):
        tie_v = jnp.sum(jnp.where(iota == t_i, stats_v[pl.ds(v * VB, VB)], 0.0))
        return off + jnp.where(v < q, tie_v, 0.0)
    offset = lax.fori_loop(0, 32, _off, jnp.float32(0.0), unroll=8)

    cb = c * CHUNK
    def _pa(g, _):
        for u in range(AU):
            j = g * AU + u
            dv = acc_v[pl.ds(cb + j * L, L)]
            eqf = (dv == t_f32).astype(jnp.float32)
            out_v[pl.ds(j * L, L)] = dv / tvec
            cs_v[pl.ds(j * L, L)] = jnp.cumsum(eqf)
        return 0
    lax.fori_loop(0, NVREG // AU, _pa, 0)

    lane15 = iota * L + L - 1
    def _pb(u, carry):
        cvec = plsc.load_gather(cs_v, [lane15 + u * (L * L)])
        csum = jnp.cumsum(cvec)
        off_v[pl.ds(u * L, L)] = csum - cvec + carry
        return carry + jnp.sum(cvec)
    lax.fori_loop(0, (NVREG + L - 1) // L, _pb, offset)

    def _pc(g, _):
        for u in range(AU):
            j = g * AU + u
            ofs = plsc.load_gather(off_v, [jnp.zeros((L,), jnp.int32) + j])
            crank = cs_v[pl.ds(j * L, L)] + ofs
            dv = acc_v[pl.ds(cb + j * L, L)]
            eq = dv == t_f32
            keep = (dv > t_f32) | (eq & (crank <= r))
            hv = jnp.where(keep, 1.0, 0.0)
            pv = out_v[pl.ds(j * L, L)]
            out_v[pl.ds(CHUNK + j * L, L)] = (hv - pv) + pv
            out_v[pl.ds(2 * CHUNK + j * L, L)] = hv
        return 0
    lax.fori_loop(0, NVREG // AU, _pc, 0)

    base = q * CHUNK

    @pl.when(q < 31)
    def _():
        pltpu.sync_copy(out_v.at[pl.ds(0, CHUNK)],
                        probs_hbm.at[pl.ds(base, CHUNK)])
        pltpu.sync_copy(out_v.at[pl.ds(CHUNK, CHUNK)],
                        soft_hbm.at[pl.ds(base, CHUNK)])
        pltpu.sync_copy(out_v.at[pl.ds(2 * CHUNK, CHUNK)],
                        hard_hbm.at[pl.ds(base, CHUNK)])

    @pl.when(q == 31)
    def _():
        pltpu.sync_copy(out_v.at[pl.ds(0, TAIL)],
                        probs_hbm.at[pl.ds(base, TAIL)])
        pltpu.sync_copy(out_v.at[pl.ds(CHUNK, TAIL)],
                        soft_hbm.at[pl.ds(base, TAIL)])
        pltpu.sync_copy(out_v.at[pl.ds(2 * CHUNK, TAIL)],
                        hard_hbm.at[pl.ds(base, TAIL)])


def kernel(x, V_idx, E_idx, num_nodes, num_hyperedges, token_valid, inv_node,
           is_test):
    e = lax.bitcast_convert_type(E_idx.astype(jnp.int32), jnp.float32)
    return _degree_mask(e)

# --- scband reference (transcript-rebuilt; emitter-appended) ---
"""Pipeline reference for scband-degree-distribution-edge-mask-45921790329383 (READ-ONLY COPY).

The authoritative reference and input builder live on the scoring server;
editing this copy changes nothing except your own understanding.
"""

import jax, jax.numpy as jnp
import numpy as np

NUM_NODES = 10000
NUM_HYPEREDGES = 50000
NUM_INC = 320000
D_FEAT = 128


def setup_inputs(seed: int = 0) -> dict:
    key = jax.random.key(seed)
    k1, k2, k3, k4 = jax.random.split(key, 4)
    x = jax.random.normal(k1, (NUM_NODES, D_FEAT), dtype=jnp.float32)
    V_idx = jax.random.randint(k2, (NUM_INC,), 0, NUM_NODES, dtype=jnp.int64 if jax.config.read('jax_enable_x64') else jnp.int32)
    E_idx = jax.random.randint(k3, (NUM_INC,), 0, NUM_HYPEREDGES, dtype=jnp.int64 if jax.config.read('jax_enable_x64') else jnp.int32)
    inv_node = jax.random.randint(k4, (NUM_INC,), 0, NUM_NODES, dtype=jnp.int64 if jax.config.read('jax_enable_x64') else jnp.int32)
    token_valid = jnp.ones((NUM_INC,), dtype=bool)
    return {
        'x': x,
        'V_idx': V_idx,
        'E_idx': E_idx,
        'num_nodes': NUM_NODES,
        'num_hyperedges': NUM_HYPEREDGES,
        'token_valid': token_valid,
        'inv_node': inv_node,
        'is_test': 1,
    }


def reference(x, V_idx, E_idx, num_nodes, num_hyperedges, token_valid, inv_node, is_test):
    m = NUM_HYPEREDGES
    keep_ratio = 0.5
    # edge_deg = torch.bincount(E_idx, minlength=m).float()
    edge_deg = jnp.bincount(E_idx, length=m).astype(jnp.float32)
    valid_edges = (jnp.arange(m) < num_hyperedges).astype(jnp.float32)
    edge_deg = edge_deg * valid_edges
    total = jnp.maximum(edge_deg.sum(), 1e-12)
    probs = edge_deg / total
    k = max(1, int(keep_ratio * m))
    # is_test=True path: deterministic top-k over edge probabilities
    _, keep_e = jax.lax.top_k(probs, k)
    hard = jnp.zeros((m,), dtype=jnp.float32).at[keep_e].set(1.0)
    # straight-through estimator: soft = (hard - probs).detach() + probs
    soft = jax.lax.stop_gradient(hard - probs) + probs
    return (probs, soft, hard)

if __name__ == "__main__":
    import jax
    _d = setup_inputs()
    print(jax.jit(kernel)(*tuple(_d.values())))

</pallas_src>

<mosaic_0001>
#map = affine_map<(d0, d1) -> (0)>
module attributes {stable_mosaic.version = 14 : i64} {
  func.func @_degree_mask(%arg0: i32, %arg1: i32, %arg2: memref<320000xf32, #tpu.memory_space<hbm>>, %arg3: memref<50000xf32, #tpu.memory_space<hbm>>, %arg4: memref<50000xf32, #tpu.memory_space<hbm>>, %arg5: memref<50000xf32, #tpu.memory_space<hbm>>, %arg6: memref<10000xf32, #tpu.memory_space<vmem>>, %arg7: memref<50176xf32, #tpu.memory_space<vmem>>, %arg8: memref<803840xf32, #tpu.memory_space<vmem_shared>>, %arg9: memref<3136xf32, #tpu.memory_space<vmem>>, %arg10: memref<3136xf32, #tpu.memory_space<vmem>>, %arg11: memref<3136xf32, #tpu.memory_space<vmem>>, %arg12: memref<16xf32, #tpu.memory_space<vmem>>, %arg13: memref<16xf32, #tpu.memory_space<vmem>>, %arg14: memref<1024xf32, #tpu.memory_space<vmem>>, %arg15: memref<4704xf32, #tpu.memory_space<vmem>>, %arg16: memref<1792xf32, #tpu.memory_space<vmem>>, %arg17: memref<112xf32, #tpu.memory_space<vmem>>, %arg18: memref<!tpu.dma_semaphore, #tpu.memory_space<semaphore_mem>>, %arg19: memref<!tpu.dma_semaphore, #tpu.memory_space<semaphore_mem>>, %arg20: memref<!tpu.dma_semaphore, #tpu.memory_space<semaphore_mem>>, %arg21: memref<!tpu.dma_semaphore, #tpu.memory_space<semaphore_mem>>, %arg22: memref<!tpu.dma_semaphore, #tpu.memory_space<semaphore_mem>>, %arg23: memref<!tpu.dma_semaphore, #tpu.memory_space<semaphore_mem>>, %arg24: memref<!tpu.dma_semaphore, #tpu.memory_space<semaphore_mem>>) attributes {dimension_semantics = [#tpu.dimension_semantics<core_parallel>, #tpu.dimension_semantics<subcore_parallel>], iteration_bounds = array<i64: 2, 16>, scalar_prefetch = 0 : i64, scratch_operands = 19 : i64, tpu.core_type = #tpu.core_type<sc_vector_subcore>, window_params = [{transform_indices = #map}, {transform_indices = #map}, {transform_indices = #map}, {transform_indices = #map}]} {
    %broadcast_in_dim3A = arith.constant 0.000000e+00 : f32
    %broadcast_in_dim3A_0 = vector.broadcast %broadcast_in_dim3A : f32 to vector<16xf32>
    %broadcast_in_dim3A_1 = arith.constant 1.000000e+00 : f32
    %broadcast_in_dim3A_2 = vector.broadcast %broadcast_in_dim3A_1 : f32 to vector<16xf32>
    %mul3A = arith.constant 20000 : i32
    %mul3A_3 = arith.muli %arg1, %mul3A : i32
    %dma_start3A = tpu.memref_slice %arg2[%mul3A_3] : memref<320000xf32, #tpu.memory_space<hbm>> -> memref<10000xf32, #tpu.memory_space<hbm>>
    %dma_start3A_4 = tpu.memref_slice %arg2[%mul3A_3] : memref<320000xf32, #tpu.memory_space<hbm>> -> memref<10000xf32, #tpu.memory_space<hbm>>
    tpu.enqueue_dma source(%dma_start3A_4 : memref<10000xf32, #tpu.memory_space<hbm>>) target(%arg6 : memref<10000xf32, #tpu.memory_space<vmem>>) target_semaphore(%arg18 : memref<!tpu.dma_semaphore, #tpu.memory_space<semaphore_mem>>)
    %scan3A = arith.constant 0 : i32
    %scan3A_5 = arith.constant 0 : i32
    %scan3A_6 = arith.constant 3136 : i32
    %scan3A_7 = arith.addi %scan3A_5, %scan3A_6 : i32
    %scan3A_8 = arith.constant 8 : i32
    %scan3A_9 = scf.for %scan3A_423 = %scan3A_5 to %scan3A_7 step %scan3A_8 iter_args(%scan3A_424 = %scan3A) -> (i32)  : i32 {
      %mul3A_425 = arith.constant 16 : i32
      %mul3A_426 = arith.muli %scan3A_423, %mul3A_425 : i32
      %swap3A_427 = arith.index_cast %mul3A_426 : i32 to index
      %swap3A_428 = tpu.vector_load %arg7[%swap3A_427] {strides = array<i32>} : memref<50176xf32, #tpu.memory_space<vmem>>, vector<16xf32>,
      tpu.vector_store %arg7[%swap3A_427], %broadcast_in_dim3A_0 {strides = array<i32>} : memref<50176xf32, #tpu.memory_space<vmem>>, vector<16xf32>,
      %scan3A_429 = arith.constant 0 : i32
      %scan3A_430 = arith.constant 1 : i32
      %scan3A_431 = arith.addi %scan3A_423, %scan3A_430 : i32
      %mul3A_432 = arith.constant 16 : i32
      %mul3A_433 = arith.muli %scan3A_431, %mul3A_432 : i32
      %swap3A_434 = arith.index_cast %mul3A_433 : i32 to index
      %swap3A_435 = tpu.vector_load %arg7[%swap3A_434] {strides = array<i32>} : memref<50176xf32, #tpu.memory_space<vmem>>, vector<16xf32>,
      tpu.vector_store %arg7[%swap3A_434], %broadcast_in_dim3A_0 {strides = array<i32>} : memref<50176xf32, #tpu.memory_space<vmem>>, vector<16xf32>,
      %scan3A_436 = arith.constant 0 : i32
      %scan3A_437 = arith.constant 2 : i32
      %scan3A_438 = arith.addi %scan3A_423, %scan3A_437 : i32
      %mul3A_439 = arith.constant 16 : i32
      %mul3A_440 = arith.muli %scan3A_438, %mul3A_439 : i32
      %swap3A_441 = arith.index_cast %mul3A_440 : i32 to index
      %swap3A_442 = tpu.vector_load %arg7[%swap3A_441] {strides = array<i32>} : memref<50176xf32, #tpu.memory_space<vmem>>, vector<16xf32>,
      tpu.vector_store %arg7[%swap3A_441], %broadcast_in_dim3A_0 {strides = array<i32>} : memref<50176xf32, #tpu.memory_space<vmem>>, vector<16xf32>,
      %scan3A_443 = arith.constant 0 : i32
      %scan3A_444 = arith.constant 3 : i32
      %scan3A_445 = arith.addi %scan3A_423, %scan3A_444 : i32
      %mul3A_446 = arith.constant 16 : i32
      %mul3A_447 = arith.muli %scan3A_445, %mul3A_446 : i32
      %swap3A_448 = arith.index_cast %mul3A_447 : i32 to index
      %swap3A_449 = tpu.vector_load %arg7[%swap3A_448] {strides = array<i32>} : memref<50176xf32, #tpu.memory_space<vmem>>, vector<16xf32>,
      tpu.vector_store %arg7[%swap3A_448], %broadcast_in_dim3A_0 {strides = array<i32>} : memref<50176xf32, #tpu.memory_space<vmem>>, vector<16xf32>,
      %scan3A_450 = arith.constant 0 : i32
      %scan3A_451 = arith.constant 4 : i32
      %scan3A_452 = arith.addi %scan3A_423, %scan3A_451 : i32
      %mul3A_453 = arith.constant 16 : i32
      %mul3A_454 = arith.muli %scan3A_452, %mul3A_453 : i32
      %swap3A_455 = arith.index_cast %mul3A_454 : i32 to index
      %swap3A_456 = tpu.vector_load %arg7[%swap3A_455] {strides = array<i32>} : memref<50176xf32, #tpu.memory_space<vmem>>, vector<16xf32>,
      tpu.vector_store %arg7[%swap3A_455], %broadcast_in_dim3A_0 {strides = array<i32>} : memref<50176xf32, #tpu.memory_space<vmem>>, vector<16xf32>,
      %scan3A_457 = arith.constant 0 : i32
      %scan3A_458 = arith.constant 5 : i32
      %scan3A_459 = arith.addi %scan3A_423, %scan3A_458 : i32
      %mul3A_460 = arith.constant 16 : i32
      %mul3A_461 = arith.muli %scan3A_459, %mul3A_460 : i32
      %swap3A_462 = arith.index_cast %mul3A_461 : i32 to index
      %swap3A_463 = tpu.vector_load %arg7[%swap3A_462] {strides = array<i32>} : memref<50176xf32, #tpu.memory_space<vmem>>, vector<16xf32>,
      tpu.vector_store %arg7[%swap3A_462], %broadcast_in_dim3A_0 {strides = array<i32>} : memref<50176xf32, #tpu.memory_space<vmem>>, vector<16xf32>,
      %scan3A_464 = arith.constant 0 : i32
      %scan3A_465 = arith.constant 6 : i32
      %scan3A_466 = arith.addi %scan3A_423, %scan3A_465 : i32
      %mul3A_467 = arith.constant 16 : i32
      %mul3A_468 = arith.muli %scan3A_466, %mul3A_467 : i32
      %swap3A_469 = arith.index_cast %mul3A_468 : i32 to index
      %swap3A_470 = tpu.vector_load %arg7[%swap3A_469] {strides = array<i32>} : memref<50176xf32, #tpu.memory_space<vmem>>, vector<16xf32>,
      tpu.vector_store %arg7[%swap3A_469], %broadcast_in_dim3A_0 {strides = array<i32>} : memref<50176xf32, #tpu.memory_space<vmem>>, vector<16xf32>,
      %scan3A_471 = arith.constant 0 : i32
      %scan3A_472 = arith.constant 7 : i32
      %scan3A_473 = arith.addi %scan3A_423, %scan3A_472 : i32
      %mul3A_474 = arith.constant 16 : i32
      %mul3A_475 = arith.muli %scan3A_473, %mul3A_474 : i32
      %swap3A_476 = arith.index_cast %mul3A_475 : i32 to index
      %swap3A_477 = tpu.vector_load %arg7[%swap3A_476] {strides = array<i32>} : memref<50176xf32, #tpu.memory_space<vmem>>, vector<16xf32>,
      tpu.vector_store %arg7[%swap3A_476], %broadcast_in_dim3A_0 {strides = array<i32>} : memref<50176xf32, #tpu.memory_space<vmem>>, vector<16xf32>,
      %scan3A_478 = arith.constant 0 : i32
      scf.yield %scan3A_478 : i32
    }
    %scan3A_10 = arith.constant 3136 : i32
    %dma_wait3A = tpu.memref_slice %arg2[%mul3A_3] : memref<320000xf32, #tpu.memory_space<hbm>> -> memref<10000xf32, #tpu.memory_space<hbm>>
    %dma_wait3A_11 = tpu.memref_slice %arg2[%mul3A_3] : memref<320000xf32, #tpu.memory_space<hbm>> -> memref<10000xf32, #tpu.memory_space<hbm>>
    tpu.wait_dma2 semaphore(%arg18 : memref<!tpu.dma_semaphore, #tpu.memory_space<semaphore_mem>>) src(%dma_wait3A_11 : memref<10000xf32, #tpu.memory_space<hbm>>) dst(%arg6 : memref<10000xf32, #tpu.memory_space<vmem>>)
    %scan3A_12 = arith.constant 0 : i32
    %scan3A_13 = arith.constant 0 : i32
    %scan3A_14 = arith.constant 125 : i32
    %scan3A_15 = arith.addi %scan3A_13, %scan3A_14 : i32
    %scan3A_16 = arith.constant 1 : i32
    %scan3A_17 = scf.for %scan3A_423 = %scan3A_13 to %scan3A_15 step %scan3A_16 iter_args(%scan3A_424 = %scan3A_12) -> (i32)  : i32 {
      %mul3A_425 = arith.constant 5 : i32
      %mul3A_426 = arith.muli %scan3A_423, %mul3A_425 : i32
      %add3A_427 = arith.constant 0 : i32
      %add3A_428 = arith.addi %mul3A_426, %add3A_427 : i32
      %mul3A_429 = arith.constant 16 : i32
      %mul3A_430 = arith.muli %add3A_428, %mul3A_429 : i32
      %get3A = arith.index_cast %mul3A_430 : i32 to index
      %get3A_431 = tpu.vector_load %arg6[%get3A] {strides = array<i32>} : memref<10000xf32, #tpu.memory_space<vmem>>, vector<16xf32>,
      %mul3A_432 = arith.constant 5 : i32
      %mul3A_433 = arith.muli %scan3A_423, %mul3A_432 : i32
      %add3A_434 = arith.constant 1 : i32
      %add3A_435 = arith.addi %mul3A_433, %add3A_434 : i32
      %mul3A_436 = arith.constant 16 : i32
      %mul3A_437 = arith.muli %add3A_435, %mul3A_436 : i32
      %get3A_438 = arith.index_cast %mul3A_437 : i32 to index
      %get3A_439 = tpu.vector_load %arg6[%get3A_438] {strides = array<i32>} : memref<10000xf32, #tpu.memory_space<vmem>>, vector<16xf32>,
      %mul3A_440 = arith.constant 5 : i32
      %mul3A_441 = arith.muli %scan3A_423, %mul3A_440 : i32
      %add3A_442 = arith.constant 2 : i32
      %add3A_443 = arith.addi %mul3A_441, %add3A_442 : i32
      %mul3A_444 = arith.constant 16 : i32
      %mul3A_445 = arith.muli %add3A_443, %mul3A_444 : i32
      %get3A_446 = arith.index_cast %mul3A_445 : i32 to index
      %get3A_447 = tpu.vector_load %arg6[%get3A_446] {strides = array<i32>} : memref<10000xf32, #tpu.memory_space<vmem>>, vector<16xf32>,
      %mul3A_448 = arith.constant 5 : i32
      %mul3A_449 = arith.muli %scan3A_423, %mul3A_448 : i32
      %add3A_450 = arith.constant 3 : i32
      %add3A_451 = arith.addi %mul3A_449, %add3A_450 : i32
      %mul3A_452 = arith.constant 16 : i32
      %mul3A_453 = arith.muli %add3A_451, %mul3A_452 : i32
      %get3A_454 = arith.index_cast %mul3A_453 : i32 to index
      %get3A_455 = tpu.vector_load %arg6[%get3A_454] {strides = array<i32>} : memref<10000xf32, #tpu.memory_space<vmem>>, vector<16xf32>,
      %mul3A_456 = arith.constant 5 : i32
      %mul3A_457 = arith.muli %scan3A_423, %mul3A_456 : i32
      %add3A_458 = arith.constant 4 : i32
      %add3A_459 = arith.addi %mul3A_457, %add3A_458 : i32
      %mul3A_460 = arith.constant 16 : i32
      %mul3A_461 = arith.muli %add3A_459, %mul3A_460 : i32
      %get3A_462 = arith.index_cast %mul3A_461 : i32 to index
      %get3A_463 = tpu.vector_load %arg6[%get3A_462] {strides = array<i32>} : memref<10000xf32, #tpu.memory_space<vmem>>, vector<16xf32>,
      %bitcast3A = vector.bitcast %get3A_431 : vector<16xf32> to vector<16xi32>
      tpu.vector_store_idx %arg7[%bitcast3A], %broadcast_in_dim3A_2 {add = true} : memref<50176xf32, #tpu.memory_space<vmem>>[vector<16xi32>], vector<16xf32>,
      %bitcast3A_464 = vector.bitcast %get3A_439 : vector<16xf32> to vector<16xi32>
      tpu.vector_store_idx %arg7[%bitcast3A_464], %broadcast_in_dim3A_2 {add = true} : memref<50176xf32, #tpu.memory_space<vmem>>[vector<16xi32>], vector<16xf32>,
      %bitcast3A_465 = vector.bitcast %get3A_447 : vector<16xf32> to vector<16xi32>
      tpu.vector_store_idx %arg7[%bitcast3A_465], %broadcast_in_dim3A_2 {add = true} : memref<50176xf32, #tpu.memory_space<vmem>>[vector<16xi32>], vector<16xf32>,
      %bitcast3A_466 = vector.bitcast %get3A_455 : vector<16xf32> to vector<16xi32>
      tpu.vector_store_idx %arg7[%bitcast3A_466], %broadcast_in_dim3A_2 {add = true} : memref<50176xf32, #tpu.memory_space<vmem>>[vector<16xi32>], vector<16xf32>,
      %bitcast3A_467 = vector.bitcast %get3A_463 : vector<16xf32> to vector<16xi32>
      tpu.vector_store_idx %arg7[%bitcast3A_467], %broadcast_in_dim3A_2 {add = true} : memref<50176xf32, #tpu.memory_space<vmem>>[vector<16xi32>], vector<16xf32>,
      %scan3A_468 = arith.constant 0 : i32
      scf.yield %scan3A_468 : i32
    }
    %scan3A_18 = arith.constant 125 : i32
    %mul3A_19 = arith.constant 20000 : i32
    %mul3A_20 = arith.muli %arg1, %mul3A_19 : i32
    %add3A = arith.constant 10000 : i32
    %add3A_21 = arith.addi %mul3A_20, %add3A : i32
    %dma_start3A_22 = tpu.memref_slice %arg2[%add3A_21] : memref<320000xf32, #tpu.memory_space<hbm>> -> memref<10000xf32, #tpu.memory_space<hbm>>
    %dma_start3A_23 = tpu.memref_slice %arg2[%add3A_21] : memref<320000xf32, #tpu.memory_space<hbm>> -> memref<10000xf32, #tpu.memory_space<hbm>>
    tpu.enqueue_dma source(%dma_start3A_23 : memref<10000xf32, #tpu.memory_space<hbm>>) target(%arg6 : memref<10000xf32, #tpu.memory_space<vmem>>) target_semaphore(%arg18 : memref<!tpu.dma_semaphore, #tpu.memory_space<semaphore_mem>>)
    %dma_wait3A_24 = tpu.memref_slice %arg2[%add3A_21] : memref<320000xf32, #tpu.memory_space<hbm>> -> memref<10000xf32, #tpu.memory_space<hbm>>
    %dma_wait3A_25 = tpu.memref_slice %arg2[%add3A_21] : memref<320000xf32, #tpu.memory_space<hbm>> -> memref<10000xf32, #tpu.memory_space<hbm>>
    tpu.wait_dma2 semaphore(%arg18 : memref<!tpu.dma_semaphore, #tpu.memory_space<semaphore_mem>>) src(%dma_wait3A_25 : memref<10000xf32, #tpu.memory_space<hbm>>) dst(%arg6 : memref<10000xf32, #tpu.memory_space<vmem>>)
    %scan3A_26 = arith.constant 0 : i32
    %scan3A_27 = arith.constant 0 : i32
    %scan3A_28 = arith.constant 125 : i32
    %scan3A_29 = arith.addi %scan3A_27, %scan3A_28 : i32
    %scan3A_30 = arith.constant 1 : i32
    %scan3A_31 = scf.for %scan3A_423 = %scan3A_27 to %scan3A_29 step %scan3A_30 iter_args(%scan3A_424 = %scan3A_26) -> (i32)  : i32 {
      %mul3A_425 = arith.constant 5 : i32
      %mul3A_426 = arith.muli %scan3A_423, %mul3A_425 : i32
      %add3A_427 = arith.constant 0 : i32
      %add3A_428 = arith.addi %mul3A_426, %add3A_427 : i32
      %mul3A_429 = arith.constant 16 : i32
      %mul3A_430 = arith.muli %add3A_428, %mul3A_429 : i32
      %get3A = arith.index_cast %mul3A_430 : i32 to index
      %get3A_431 = tpu.vector_load %arg6[%get3A] {strides = array<i32>} : memref<10000xf32, #tpu.memory_space<vmem>>, vector<16xf32>,
      %mul3A_432 = arith.constant 5 : i32
      %mul3A_433 = arith.muli %scan3A_423, %mul3A_432 : i32
      %add3A_434 = arith.constant 1 : i32
      %add3A_435 = arith.addi %mul3A_433, %add3A_434 : i32
      %mul3A_436 = arith.constant 16 : i32
      %mul3A_437 = arith.muli %add3A_435, %mul3A_436 : i32
      %get3A_438 = arith.index_cast %mul3A_437 : i32 to index
      %get3A_439 = tpu.vector_load %arg6[%get3A_438] {strides = array<i32>} : memref<10000xf32, #tpu.memory_space<vmem>>, vector<16xf32>,
      %mul3A_440 = arith.constant 5 : i32
      %mul3A_441 = arith.muli %scan3A_423, %mul3A_440 : i32
      %add3A_442 = arith.constant 2 : i32
      %add3A_443 = arith.addi %mul3A_441, %add3A_442 : i32
      %mul3A_444 = arith.constant 16 : i32
      %mul3A_445 = arith.muli %add3A_443, %mul3A_444 : i32
      %get3A_446 = arith.index_cast %mul3A_445 : i32 to index
      %get3A_447 = tpu.vector_load %arg6[%get3A_446] {strides = array<i32>} : memref<10000xf32, #tpu.memory_space<vmem>>, vector<16xf32>,
      %mul3A_448 = arith.constant 5 : i32
      %mul3A_449 = arith.muli %scan3A_423, %mul3A_448 : i32
      %add3A_450 = arith.constant 3 : i32
      %add3A_451 = arith.addi %mul3A_449, %add3A_450 : i32
      %mul3A_452 = arith.constant 16 : i32
      %mul3A_453 = arith.muli %add3A_451, %mul3A_452 : i32
      %get3A_454 = arith.index_cast %mul3A_453 : i32 to index
      %get3A_455 = tpu.vector_load %arg6[%get3A_454] {strides = array<i32>} : memref<10000xf32, #tpu.memory_space<vmem>>, vector<16xf32>,
      %mul3A_456 = arith.constant 5 : i32
      %mul3A_457 = arith.muli %scan3A_423, %mul3A_456 : i32
      %add3A_458 = arith.constant 4 : i32
      %add3A_459 = arith.addi %mul3A_457, %add3A_458 : i32
      %mul3A_460 = arith.constant 16 : i32
      %mul3A_461 = arith.muli %add3A_459, %mul3A_460 : i32
      %get3A_462 = arith.index_cast %mul3A_461 : i32 to index
      %get3A_463 = tpu.vector_load %arg6[%get3A_462] {strides = array<i32>} : memref<10000xf32, #tpu.memory_space<vmem>>, vector<16xf32>,
      %bitcast3A = vector.bitcast %get3A_431 : vector<16xf32> to vector<16xi32>
      tpu.vector_store_idx %arg7[%bitcast3A], %broadcast_in_dim3A_2 {add = true} : memref<50176xf32, #tpu.memory_space<vmem>>[vector<16xi32>], vector<16xf32>,
      %bitcast3A_464 = vector.bitcast %get3A_439 : vector<16xf32> to vector<16xi32>
      tpu.vector_store_idx %arg7[%bitcast3A_464], %broadcast_in_dim3A_2 {add = true} : memref<50176xf32, #tpu.memory_space<vmem>>[vector<16xi32>], vector<16xf32>,
      %bitcast3A_465 = vector.bitcast %get3A_447 : vector<16xf32> to vector<16xi32>
      tpu.vector_store_idx %arg7[%bitcast3A_465], %broadcast_in_dim3A_2 {add = true} : memref<50176xf32, #tpu.memory_space<vmem>>[vector<16xi32>], vector<16xf32>,
      %bitcast3A_466 = vector.bitcast %get3A_455 : vector<16xf32> to vector<16xi32>
      tpu.vector_store_idx %arg7[%bitcast3A_466], %broadcast_in_dim3A_2 {add = true} : memref<50176xf32, #tpu.memory_space<vmem>>[vector<16xi32>], vector<16xf32>,
      %bitcast3A_467 = vector.bitcast %get3A_463 : vector<16xf32> to vector<16xi32>
      tpu.vector_store_idx %arg7[%bitcast3A_467], %broadcast_in_dim3A_2 {add = true} : memref<50176xf32, #tpu.memory_space<vmem>>[vector<16xi32>], vector<16xf32>,
      %scan3A_468 = arith.constant 0 : i32
      scf.yield %scan3A_468 : i32
    }
    %scan3A_32 = arith.constant 125 : i32
    %mul3A_33 = arith.constant 50176 : i32
    %mul3A_34 = arith.muli %arg1, %mul3A_33 : i32
    "tpu.region"() ({
      %run_scoped3A = tpu.sem_alloc : memref<!tpu.dma_semaphore, #tpu.memory_space<semaphore_mem>>
      %dma_start3A_423 = tpu.memref_slice %arg8[%mul3A_34] : memref<803840xf32, #tpu.memory_space<vmem_shared>> -> memref<50176xf32, #tpu.memory_space<vmem_shared>>
      %dma_start3A_424 = tpu.memref_slice %arg8[%mul3A_34] : memref<803840xf32, #tpu.memory_space<vmem_shared>> -> memref<50176xf32, #tpu.memory_space<vmem_shared>>
      tpu.enqueue_dma source(%arg7 : memref<50176xf32, #tpu.memory_space<vmem>>) target(%dma_start3A_424 : memref<50176xf32, #tpu.memory_space<vmem_shared>>) target_semaphore(%run_scoped3A : memref<!tpu.dma_semaphore, #tpu.memory_space<semaphore_mem>>)
      %dma_wait3A_425 = tpu.memref_slice %arg8[%mul3A_34] : memref<803840xf32, #tpu.memory_space<vmem_shared>> -> memref<50176xf32, #tpu.memory_space<vmem_shared>>
      %dma_wait3A_426 = tpu.memref_slice %arg8[%mul3A_34] : memref<803840xf32, #tpu.memory_space<vmem_shared>> -> memref<50176xf32, #tpu.memory_space<vmem_shared>>
      tpu.wait_dma2 semaphore(%run_scoped3A : memref<!tpu.dma_semaphore, #tpu.memory_space<semaphore_mem>>) src(%arg7 : memref<50176xf32, #tpu.memory_space<vmem>>) dst(%dma_wait3A_426 : memref<50176xf32, #tpu.memory_space<vmem_shared>>)
      tpu.yield
    }) : () -> ()
    %barrier3A = arith.constant 0 : index
    tpu.barrier barrier_id(%barrier3A)
    %mul3A_35 = arith.constant 3136 : i32
    %mul3A_36 = arith.muli %arg1, %mul3A_35 : i32
    %add3A_37 = arith.constant 0 : i32
    %add3A_38 = arith.addi %add3A_37, %mul3A_36 : i32
    %dma_start3A_39 = tpu.memref_slice %arg8[%add3A_38] : memref<803840xf32, #tpu.memory_space<vmem_shared>> -> memref<3136xf32, #tpu.memory_space<vmem_shared>>
    %dma_start3A_40 = tpu.memref_slice %arg8[%add3A_38] : memref<803840xf32, #tpu.memory_space<vmem_shared>> -> memref<3136xf32, #tpu.memory_space<vmem_shared>>
    tpu.enqueue_dma source(%dma_start3A_40 : memref<3136xf32, #tpu.memory_space<vmem_shared>>) target(%arg10 : memref<3136xf32, #tpu.memory_space<vmem>>) target_semaphore(%arg19 : memref<!tpu.dma_semaphore, #tpu.memory_space<semaphore_mem>>)
    %mul3A_41 = arith.constant 3136 : i32
    %mul3A_42 = arith.muli %arg1, %mul3A_41 : i32
    %add3A_43 = arith.constant 50176 : i32
    %add3A_44 = arith.addi %add3A_43, %mul3A_42 : i32
    %dma_start3A_45 = tpu.memref_slice %arg8[%add3A_44] : memref<803840xf32, #tpu.memory_space<vmem_shared>> -> memref<3136xf32, #tpu.memory_space<vmem_shared>>
    %dma_start3A_46 = tpu.memref_slice %arg8[%add3A_44] : memref<803840xf32, #tpu.memory_space<vmem_shared>> -> memref<3136xf32, #tpu.memory_space<vmem_shared>>
    tpu.enqueue_dma source(%dma_start3A_46 : memref<3136xf32, #tpu.memory_space<vmem_shared>>) target(%arg11 : memref<3136xf32, #tpu.memory_space<vmem>>) target_semaphore(%arg20 : memref<!tpu.dma_semaphore, #tpu.memory_space<semaphore_mem>>)
    %mul3A_47 = arith.constant 3136 : i32
    %mul3A_48 = arith.muli %arg1, %mul3A_47 : i32
    %add3A_49 = arith.constant 100352 : i32
    %add3A_50 = arith.addi %add3A_49, %mul3A_48 : i32
    %dma_start3A_51 = arith.constant 0 : i32
    %dma_start3A_52 = tpu.memref_slice %arg6[%dma_start3A_51] : memref<10000xf32, #tpu.memory_space<vmem>> -> memref<3136xf32, #tpu.memory_space<vmem>>
    %dma_start3A_53 = tpu.memref_slice %arg8[%add3A_50] : memref<803840xf32, #tpu.memory_space<vmem_shared>> -> memref<3136xf32, #tpu.memory_space<vmem_shared>>
    %dma_start3A_54 = arith.constant 0 : i32
    %dma_start3A_55 = tpu.memref_slice %arg6[%dma_start3A_54] : memref<10000xf32, #tpu.memory_space<vmem>> -> memref<3136xf32, #tpu.memory_space<vmem>>
    %dma_start3A_56 = tpu.memref_slice %arg8[%add3A_50] : memref<803840xf32, #tpu.memory_space<vmem_shared>> -> memref<3136xf32, #tpu.memory_space<vmem_shared>>
    tpu.enqueue_dma source(%dma_start3A_56 : memref<3136xf32, #tpu.memory_space<vmem_shared>>) target(%dma_start3A_55 : memref<3136xf32, #tpu.memory_space<vmem>>) target_semaphore(%arg21 : memref<!tpu.dma_semaphore, #tpu.memory_space<semaphore_mem>>)
    %mul3A_57 = arith.constant 3136 : i32
    %mul3A_58 = arith.muli %arg1, %mul3A_57 : i32
    %add3A_59 = arith.constant 150528 : i32
    %add3A_60 = arith.addi %add3A_59, %mul3A_58 : i32
    %dma_start3A_61 = arith.constant 3136 : i32
    %dma_start3A_62 = tpu.memref_slice %arg6[%dma_start3A_61] : memref<10000xf32, #tpu.memory_space<vmem>> -> memref<3136xf32, #tpu.memory_space<vmem>>
    %dma_start3A_63 = tpu.memref_slice %arg8[%add3A_60] : memref<803840xf32, #tpu.memory_space<vmem_shared>> -> memref<3136xf32, #tpu.memory_space<vmem_shared>>
    %dma_start3A_64 = arith.constant 3136 : i32
    %dma_start3A_65 = tpu.memref_slice %arg6[%dma_start3A_64] : memref<10000xf32, #tpu.memory_space<vmem>> -> memref<3136xf32, #tpu.memory_space<vmem>>
    %dma_start3A_66 = tpu.memref_slice %arg8[%add3A_60] : memref<803840xf32, #tpu.memory_space<vmem_shared>> -> memref<3136xf32, #tpu.memory_space<vmem_shared>>
    tpu.enqueue_dma source(%dma_start3A_66 : memref<3136xf32, #tpu.memory_space<vmem_shared>>) target(%dma_start3A_65 : memref<3136xf32, #tpu.memory_space<vmem>>) target_semaphore(%arg22 : memref<!tpu.dma_semaphore, #tpu.memory_space<semaphore_mem>>)
    %mul3A_67 = arith.constant 3136 : i32
    %mul3A_68 = arith.muli %arg1, %mul3A_67 : i32
    %add3A_69 = arith.constant 200704 : i32
    %add3A_70 = arith.addi %add3A_69, %mul3A_68 : i32
    %dma_start3A_71 = arith.constant 6272 : i32
    %dma_start3A_72 = tpu.memref_slice %arg6[%dma_start3A_71] : memref<10000xf32, #tpu.memory_space<vmem>> -> memref<3136xf32, #tpu.memory_space<vmem>>
    %dma_start3A_73 = tpu.memref_slice %arg8[%add3A_70] : memref<803840xf32, #tpu.memory_space<vmem_shared>> -> memref<3136xf32, #tpu.memory_space<vmem_shared>>
    %dma_start3A_74 = arith.constant 6272 : i32
    %dma_start3A_75 = tpu.memref_slice %arg6[%dma_start3A_74] : memref<10000xf32, #tpu.memory_space<vmem>> -> memref<3136xf32, #tpu.memory_space<vmem>>
    %dma_start3A_76 = tpu.memref_slice %arg8[%add3A_70] : memref<803840xf32, #tpu.memory_space<vmem_shared>> -> memref<3136xf32, #tpu.memory_space<vmem_shared>>
    tpu.enqueue_dma source(%dma_start3A_76 : memref<3136xf32, #tpu.memory_space<vmem_shared>>) target(%dma_start3A_75 : memref<3136xf32, #tpu.memory_space<vmem>>) target_semaphore(%arg23 : memref<!tpu.dma_semaphore, #tpu.memory_space<semaphore_mem>>)
    %mul3A_77 = arith.constant 3136 : i32
    %mul3A_78 = arith.muli %arg1, %mul3A_77 : i32
    %add3A_79 = arith.constant 250880 : i32
    %add3A_80 = arith.addi %add3A_79, %mul3A_78 : i32
    %dma_start3A_81 = arith.constant 0 : i32
    %dma_start3A_82 = tpu.memref_slice %arg15[%dma_start3A_81] : memref<4704xf32, #tpu.memory_space<vmem>> -> memref<3136xf32, #tpu.memory_space<vmem>>
    %dma_start3A_83 = tpu.memref_slice %arg8[%add3A_80] : memref<803840xf32, #tpu.memory_space<vmem_shared>> -> memref<3136xf32, #tpu.memory_space<vmem_shared>>
    %dma_start3A_84 = arith.constant 0 : i32
    %dma_start3A_85 = tpu.memref_slice %arg15[%dma_start3A_84] : memref<4704xf32, #tpu.memory_space<vmem>> -> memref<3136xf32, #tpu.memory_space<vmem>>
    %dma_start3A_86 = tpu.memref_slice %arg8[%add3A_80] : memref<803840xf32, #tpu.memory_space<vmem_shared>> -> memref<3136xf32, #tpu.memory_space<vmem_shared>>
    tpu.enqueue_dma source(%dma_start3A_86 : memref<3136xf32, #tpu.memory_space<vmem_shared>>) target(%dma_start3A_85 : memref<3136xf32, #tpu.memory_space<vmem>>) target_semaphore(%arg24 : memref<!tpu.dma_semaphore, #tpu.memory_space<semaphore_mem>>)
    %dma_wait3A_87 = tpu.memref_slice %arg8[%add3A_38] : memref<803840xf32, #tpu.memory_space<vmem_shared>> -> memref<3136xf32, #tpu.memory_space<vmem_shared>>
    %dma_wait3A_88 = tpu.memref_slice %arg8[%add3A_38] : memref<803840xf32, #tpu.memory_space<vmem_shared>> -> memref<3136xf32, #tpu.memory_space<vmem_shared>>
    tpu.wait_dma2 semaphore(%arg19 : memref<!tpu.dma_semaphore, #tpu.memory_space<semaphore_mem>>) src(%dma_wait3A_88 : memref<3136xf32, #tpu.memory_space<vmem_shared>>) dst(%arg10 : memref<3136xf32, #tpu.memory_space<vmem>>)
    %dma_wait3A_89 = tpu.memref_slice %arg8[%add3A_44] : memref<803840xf32, #tpu.memory_space<vmem_shared>> -> memref<3136xf32, #tpu.memory_space<vmem_shared>>
    %dma_wait3A_90 = tpu.memref_slice %arg8[%add3A_44] : memref<803840xf32, #tpu.memory_space<vmem_shared>> -> memref<3136xf32, #tpu.memory_space<vmem_shared>>
    tpu.wait_dma2 semaphore(%arg20 : memref<!tpu.dma_semaphore, #tpu.memory_space<semaphore_mem>>) src(%dma_wait3A_90 : memref<3136xf32, #tpu.memory_space<vmem_shared>>) dst(%arg11 : memref<3136xf32, #tpu.memory_space<vmem>>)
    %dma_wait3A_91 = arith.constant 0 : i32
    %dma_wait3A_92 = tpu.memref_slice %arg6[%dma_wait3A_91] : memref<10000xf32, #tpu.memory_space<vmem>> -> memref<3136xf32, #tpu.memory_space<vmem>>
    %dma_wait3A_93 = tpu.memref_slice %arg8[%add3A_50] : memref<803840xf32, #tpu.memory_space<vmem_shared>> -> memref<3136xf32, #tpu.memory_space<vmem_shared>>
    %dma_wait3A_94 = arith.constant 0 : i32
    %dma_wait3A_95 = tpu.memref_slice %arg6[%dma_wait3A_94] : memref<10000xf32, #tpu.memory_space<vmem>> -> memref<3136xf32, #tpu.memory_space<vmem>>
    %dma_wait3A_96 = tpu.memref_slice %arg8[%add3A_50] : memref<803840xf32, #tpu.memory_space<vmem_shared>> -> memref<3136xf32, #tpu.memory_space<vmem_shared>>
    tpu.wait_dma2 semaphore(%arg21 : memref<!tpu.dma_semaphore, #tpu.memory_space<semaphore_mem>>) src(%dma_wait3A_96 : memref<3136xf32, #tpu.memory_space<vmem_shared>>) dst(%dma_wait3A_95 : memref<3136xf32, #tpu.memory_space<vmem>>)
    %dma_wait3A_97 = arith.constant 3136 : i32
    %dma_wait3A_98 = tpu.memref_slice %arg6[%dma_wait3A_97] : memref<10000xf32, #tpu.memory_space<vmem>> -> memref<3136xf32, #tpu.memory_space<vmem>>
    %dma_wait3A_99 = tpu.memref_slice %arg8[%add3A_60] : memref<803840xf32, #tpu.memory_space<vmem_shared>> -> memref<3136xf32, #tpu.memory_space<vmem_shared>>
    %dma_wait3A_100 = arith.constant 3136 : i32
    %dma_wait3A_101 = tpu.memref_slice %arg6[%dma_wait3A_100] : memref<10000xf32, #tpu.memory_space<vmem>> -> memref<3136xf32, #tpu.memory_space<vmem>>
    %dma_wait3A_102 = tpu.memref_slice %arg8[%add3A_60] : memref<803840xf32, #tpu.memory_space<vmem_shared>> -> memref<3136xf32, #tpu.memory_space<vmem_shared>>
    tpu.wait_dma2 semaphore(%arg22 : memref<!tpu.dma_semaphore, #tpu.memory_space<semaphore_mem>>) src(%dma_wait3A_102 : memref<3136xf32, #tpu.memory_space<vmem_shared>>) dst(%dma_wait3A_101 : memref<3136xf32, #tpu.memory_space<vmem>>)
    %scan3A_103 = arith.constant 0 : i32
    %scan3A_104 = arith.constant 0 : i32
    %scan3A_105 = arith.constant 28 : i32
    %scan3A_106 = arith.addi %scan3A_104, %scan3A_105 : i32
    %scan3A_107 = arith.constant 1 : i32
    %scan3A_108 = scf.for %scan3A_423 = %scan3A_104 to %scan3A_106 step %scan3A_107 iter_args(%scan3A_424 = %scan3A_103) -> (i32)  : i32 {
      %mul3A_425 = arith.constant 7 : i32
      %mul3A_426 = arith.muli %scan3A_423, %mul3A_425 : i32
      %add3A_427 = arith.constant 0 : i32
      %add3A_428 = arith.addi %mul3A_426, %add3A_427 : i32
      %mul3A_429 = arith.constant 16 : i32
      %mul3A_430 = arith.muli %add3A_428, %mul3A_429 : i32
      %get3A = arith.index_cast %mul3A_430 : i32 to index
      %get3A_431 = tpu.vector_load %arg10[%get3A] {strides = array<i32>} : memref<3136xf32, #tpu.memory_space<vmem>>, vector<16xf32>,
      %get3A_432 = arith.index_cast %mul3A_430 : i32 to index
      %get3A_433 = tpu.vector_load %arg11[%get3A_432] {strides = array<i32>} : memref<3136xf32, #tpu.memory_space<vmem>>, vector<16xf32>,
      %add3A_434 = arith.addf %get3A_431, %get3A_433 : vector<16xf32>
      %get3A_435 = arith.constant 0 : i32
      %get3A_436 = tpu.memref_slice %arg6[%get3A_435] : memref<10000xf32, #tpu.memory_space<vmem>> -> memref<3136xf32, #tpu.memory_space<vmem>>
      %get3A_437 = arith.index_cast %mul3A_430 : i32 to index
      %get3A_438 = tpu.vector_load %get3A_436[%get3A_437] {strides = array<i32>} : memref<3136xf32, #tpu.memory_space<vmem>>, vector<16xf32>,
      %add3A_439 = arith.addf %add3A_434, %get3A_438 : vector<16xf32>
      %get3A_440 = arith.constant 3136 : i32
      %get3A_441 = tpu.memref_slice %arg6[%get3A_440] : memref<10000xf32, #tpu.memory_space<vmem>> -> memref<3136xf32, #tpu.memory_space<vmem>>
      %get3A_442 = arith.index_cast %mul3A_430 : i32 to index
      %get3A_443 = tpu.vector_load %get3A_441[%get3A_442] {strides = array<i32>} : memref<3136xf32, #tpu.memory_space<vmem>>, vector<16xf32>,
      %add3A_444 = arith.addf %add3A_439, %get3A_443 : vector<16xf32>
      %swap3A_445 = arith.index_cast %mul3A_430 : i32 to index
      %swap3A_446 = tpu.vector_load %arg9[%swap3A_445] {strides = array<i32>} : memref<3136xf32, #tpu.memory_space<vmem>>, vector<16xf32>,
      tpu.vector_store %arg9[%swap3A_445], %add3A_444 {strides = array<i32>} : memref<3136xf32, #tpu.memory_space<vmem>>, vector<16xf32>,
      %mul3A_447 = arith.constant 7 : i32
      %mul3A_448 = arith.muli %scan3A_423, %mul3A_447 : i32
      %add3A_449 = arith.constant 1 : i32
      %add3A_450 = arith.addi %mul3A_448, %add3A_449 : i32
      %mul3A_451 = arith.constant 16 : i32
      %mul3A_452 = arith.muli %add3A_450, %mul3A_451 : i32
      %get3A_453 = arith.index_cast %mul3A_452 : i32 to index
      %get3A_454 = tpu.vector_load %arg10[%get3A_453] {strides = array<i32>} : memref<3136xf32, #tpu.memory_space<vmem>>, vector<16xf32>,
      %get3A_455 = arith.index_cast %mul3A_452 : i32 to index
      %get3A_456 = tpu.vector_load %arg11[%get3A_455] {strides = array<i32>} : memref<3136xf32, #tpu.memory_space<vmem>>, vector<16xf32>,
      %add3A_457 = arith.addf %get3A_454, %get3A_456 : vector<16xf32>
      %get3A_458 = arith.constant 0 : i32
      %get3A_459 = tpu.memref_slice %arg6[%get3A_458] : memref<10000xf32, #tpu.memory_space<vmem>> -> memref<3136xf32, #tpu.memory_space<vmem>>
      %get3A_460 = arith.index_cast %mul3A_452 : i32 to index
      %get3A_461 = tpu.vector_load %get3A_459[%get3A_460] {strides = array<i32>} : memref<3136xf32, #tpu.memory_space<vmem>>, vector<16xf32>,
      %add3A_462 = arith.addf %add3A_457, %get3A_461 : vector<16xf32>
      %get3A_463 = arith.constant 3136 : i32
      %get3A_464 = tpu.memref_slice %arg6[%get3A_463] : memref<10000xf32, #tpu.memory_space<vmem>> -> memref<3136xf32, #tpu.memory_space<vmem>>
      %get3A_465 = arith.index_cast %mul3A_452 : i32 to index
      %get3A_466 = tpu.vector_load %get3A_464[%get3A_465] {strides = array<i32>} : memref<3136xf32, #tpu.memory_space<vmem>>, vector<16xf32>,
      %add3A_467 = arith.addf %add3A_462, %get3A_466 : vector<16xf32>
      %swap3A_468 = arith.index_cast %mul3A_452 : i32 to index
      %swap3A_469 = tpu.vector_load %arg9[%swap3A_468] {strides = array<i32>} : memref<3136xf32, #tpu.memory_space<vmem>>, vector<16xf32>,
      tpu.vector_store %arg9[%swap3A_468], %add3A_467 {strides = array<i32>} : memref<3136xf32, #tpu.memory_space<vmem>>, vector<16xf32>,
      %mul3A_470 = arith.constant 7 : i32
      %mul3A_471 = arith.muli %scan3A_423, %mul3A_470 : i32
      %add3A_472 = arith.constant 2 : i32
      %add3A_473 = arith.addi %mul3A_471, %add3A_472 : i32
      %mul3A_474 = arith.constant 16 : i32
      %mul3A_475 = arith.muli %add3A_473, %mul3A_474 : i32
      %get3A_476 = arith.index_cast %mul3A_475 : i32 to index
      %get3A_477 = tpu.vector_load %arg10[%get3A_476] {strides = array<i32>} : memref<3136xf32, #tpu.memory_space<vmem>>, vector<16xf32>,
      %get3A_478 = arith.index_cast %mul3A_475 : i32 to index
      %get3A_479 = tpu.vector_load %arg11[%get3A_478] {strides = array<i32>} : memref<3136xf32, #tpu.memory_space<vmem>>, vector<16xf32>,
      %add3A_480 = arith.addf %get3A_477, %get3A_479 : vector<16xf32>
      %get3A_481 = arith.constant 0 : i32
      %get3A_482 = tpu.memref_slice %arg6[%get3A_481] : memref<10000xf32, #tpu.memory_space<vmem>> -> memref<3136xf32, #tpu.memory_space<vmem>>
      %get3A_483 = arith.index_cast %mul3A_475 : i32 to index
      %get3A_484 = tpu.vector_load %get3A_482[%get3A_483] {strides = array<i32>} : memref<3136xf32, #tpu.memory_space<vmem>>, vector<16xf32>,
      %add3A_485 = arith.addf %add3A_480, %get3A_484 : vector<16xf32>
      %get3A_486 = arith.constant 3136 : i32
      %get3A_487 = tpu.memref_slice %arg6[%get3A_486] : memref<10000xf32, #tpu.memory_space<vmem>> -> memref<3136xf32, #tpu.memory_space<vmem>>
      %get3A_488 = arith.index_cast %mul3A_475 : i32 to index
      %get3A_489 = tpu.vector_load %get3A_487[%get3A_488] {strides = array<i32>} : memref<3136xf32, #tpu.memory_space<vmem>>, vector<16xf32>,
      %add3A_490 = arith.addf %add3A_485, %get3A_489 : vector<16xf32>
      %swap3A_491 = arith.index_cast %mul3A_475 : i32 to index
      %swap3A_492 = tpu.vector_load %arg9[%swap3A_491] {strides = array<i32>} : memref<3136xf32, #tpu.memory_space<vmem>>, vector<16xf32>,
      tpu.vector_store %arg9[%swap3A_491], %add3A_490 {strides = array<i32>} : memref<3136xf32, #tpu.memory_space<vmem>>, vector<16xf32>,
      %mul3A_493 = arith.constant 7 : i32
      %mul3A_494 = arith.muli %scan3A_423, %mul3A_493 : i32
      %add3A_495 = arith.constant 3 : i32
      %add3A_496 = arith.addi %mul3A_494, %add3A_495 : i32
      %mul3A_497 = arith.constant 16 : i32
      %mul3A_498 = arith.muli %add3A_496, %mul3A_497 : i32
      %get3A_499 = arith.index_cast %mul3A_498 : i32 to index
      %get3A_500 = tpu.vector_load %arg10[%get3A_499] {strides = array<i32>} : memref<3136xf32, #tpu.memory_space<vmem>>, vector<16xf32>,
      %get3A_501 = arith.index_cast %mul3A_498 : i32 to index
      %get3A_502 = tpu.vector_load %arg11[%get3A_501] {strides = array<i32>} : memref<3136xf32, #tpu.memory_space<vmem>>, vector<16xf32>,
      %add3A_503 = arith.addf %get3A_500, %get3A_502 : vector<16xf32>
      %get3A_504 = arith.constant 0 : i32
      %get3A_505 = tpu.memref_slice %arg6[%get3A_504] : memref<10000xf32, #tpu.memory_space<vmem>> -> memref<3136xf32, #tpu.memory_space<vmem>>
      %get3A_506 = arith.index_cast %mul3A_498 : i32 to index
      %get3A_507 = tpu.vector_load %get3A_505[%get3A_506] {strides = array<i32>} : memref<3136xf32, #tpu.memory_space<vmem>>, vector<16xf32>,
      %add3A_508 = arith.addf %add3A_503, %get3A_507 : vector<16xf32>
      %get3A_509 = arith.constant 3136 : i32
      %get3A_510 = tpu.memref_slice %arg6[%get3A_509] : memref<10000xf32, #tpu.memory_space<vmem>> -> memref<3136xf32, #tpu.memory_space<vmem>>
      %get3A_511 = arith.index_cast %mul3A_498 : i32 to index
      %get3A_512 = tpu.vector_load %get3A_510[%get3A_511] {strides = array<i32>} : memref<3136xf32, #tpu.memory_space<vmem>>, vector<16xf32>,
      %add3A_513 = arith.addf %add3A_508, %get3A_512 : vector<16xf32>
      %swap3A_514 = arith.index_cast %mul3A_498 : i32 to index
      %swap3A_515 = tpu.vector_load %arg9[%swap3A_514] {strides = array<i32>} : memref<3136xf32, #tpu.memory_space<vmem>>, vector<16xf32>,
      tpu.vector_store %arg9[%swap3A_514], %add3A_513 {strides = array<i32>} : memref<3136xf32, #tpu.memory_space<vmem>>, vector<16xf32>,
      %mul3A_516 = arith.constant 7 : i32
      %mul3A_517 = arith.muli %scan3A_423, %mul3A_516 : i32
      %add3A_518 = arith.constant 4 : i32
      %add3A_519 = arith.addi %mul3A_517, %add3A_518 : i32
      %mul3A_520 = arith.constant 16 : i32
      %mul3A_521 = arith.muli %add3A_519, %mul3A_520 : i32
      %get3A_522 = arith.index_cast %mul3A_521 : i32 to index
      %get3A_523 = tpu.vector_load %arg10[%get3A_522] {strides = array<i32>} : memref<3136xf32, #tpu.memory_space<vmem>>, vector<16xf32>,
      %get3A_524 = arith.index_cast %mul3A_521 : i32 to index
      %get3A_525 = tpu.vector_load %arg11[%get3A_524] {strides = array<i32>} : memref<3136xf32, #tpu.memory_space<vmem>>, vector<16xf32>,
      %add3A_526 = arith.addf %get3A_523, %get3A_525 : vector<16xf32>
      %get3A_527 = arith.constant 0 : i32
      %get3A_528 = tpu.memref_slice %arg6[%get3A_527] : memref<10000xf32, #tpu.memory_space<vmem>> -> memref<3136xf32, #tpu.memory_space<vmem>>
      %get3A_529 = arith.index_cast %mul3A_521 : i32 to index
      %get3A_530 = tpu.vector_load %get3A_528[%get3A_529] {strides = array<i32>} : memref<3136xf32, #tpu.memory_space<vmem>>, vector<16xf32>,
      %add3A_531 = arith.addf %add3A_526, %get3A_530 : vector<16xf32>
      %get3A_532 = arith.constant 3136 : i32
      %get3A_533 = tpu.memref_slice %arg6[%get3A_532] : memref<10000xf32, #tpu.memory_space<vmem>> -> memref<3136xf32, #tpu.memory_space<vmem>>
      %get3A_534 = arith.index_cast %mul3A_521 : i32 to index
      %get3A_535 = tpu.vector_load %get3A_533[%get3A_534] {strides = array<i32>} : memref<3136xf32, #tpu.memory_space<vmem>>, vector<16xf32>,
      %add3A_536 = arith.addf %add3A_531, %get3A_535 : vector<16xf32>
      %swap3A_537 = arith.index_cast %mul3A_521 : i32 to index
      %swap3A_538 = tpu.vector_load %arg9[%swap3A_537] {strides = array<i32>} : memref<3136xf32, #tpu.memory_space<vmem>>, vector<16xf32>,
      tpu.vector_store %arg9[%swap3A_537], %add3A_536 {strides = array<i32>} : memref<3136xf32, #tpu.memory_space<vmem>>, vector<16xf32>,
      %mul3A_539 = arith.constant 7 : i32
      %mul3A_540 = arith.muli %scan3A_423, %mul3A_539 : i32
      %add3A_541 = arith.constant 5 : i32
      %add3A_542 = arith.addi %mul3A_540, %add3A_541 : i32
      %mul3A_543 = arith.constant 16 : i32
      %mul3A_544 = arith.muli %add3A_542, %mul3A_543 : i32
      %get3A_545 = arith.index_cast %mul3A_544 : i32 to index
      %get3A_546 = tpu.vector_load %arg10[%get3A_545] {strides = array<i32>} : memref<3136xf32, #tpu.memory_space<vmem>>, vector<16xf32>,
      %get3A_547 = arith.index_cast %mul3A_544 : i32 to index
      %get3A_548 = tpu.vector_load %arg11[%get3A_547] {strides = array<i32>} : memref<3136xf32, #tpu.memory_space<vmem>>, vector<16xf32>,
      %add3A_549 = arith.addf %get3A_546, %get3A_548 : vector<16xf32>
      %get3A_550 = arith.constant 0 : i32
      %get3A_551 = tpu.memref_slice %arg6[%get3A_550] : memref<10000xf32, #tpu.memory_space<vmem>> -> memref<3136xf32, #tpu.memory_space<vmem>>
      %get3A_552 = arith.index_cast %mul3A_544 : i32 to index
      %get3A_553 = tpu.vector_load %get3A_551[%get3A_552] {strides = array<i32>} : memref<3136xf32, #tpu.memory_space<vmem>>, vector<16xf32>,
      %add3A_554 = arith.addf %add3A_549, %get3A_553 : vector<16xf32>
      %get3A_555 = arith.constant 3136 : i32
      %get3A_556 = tpu.memref_slice %arg6[%get3A_555] : memref<10000xf32, #tpu.memory_space<vmem>> -> memref<3136xf32, #tpu.memory_space<vmem>>
      %get3A_557 = arith.index_cast %mul3A_544 : i32 to index
      %get3A_558 = tpu.vector_load %get3A_556[%get3A_557] {strides = array<i32>} : memref<3136xf32, #tpu.memory_space<vmem>>, vector<16xf32>,
      %add3A_559 = arith.addf %add3A_554, %get3A_558 : vector<16xf32>
      %swap3A_560 = arith.index_cast %mul3A_544 : i32 to index
      %swap3A_561 = tpu.vector_load %arg9[%swap3A_560] {strides = array<i32>} : memref<3136xf32, #tpu.memory_space<vmem>>, vector<16xf32>,
      tpu.vector_store %arg9[%swap3A_560], %add3A_559 {strides = array<i32>} : memref<3136xf32, #tpu.memory_space<vmem>>, vector<16xf32>,
      %mul3A_562 = arith.constant 7 : i32
      %mul3A_563 = arith.muli %scan3A_423, %mul3A_562 : i32
      %add3A_564 = arith.constant 6 : i32
      %add3A_565 = arith.addi %mul3A_563, %add3A_564 : i32
      %mul3A_566 = arith.constant 16 : i32
      %mul3A_567 = arith.muli %add3A_565, %mul3A_566 : i32
      %get3A_568 = arith.index_cast %mul3A_567 : i32 to index
      %get3A_569 = tpu.vector_load %arg10[%get3A_568] {strides = array<i32>} : memref<3136xf32, #tpu.memory_space<vmem>>, vector<16xf32>,
      %get3A_570 = arith.index_cast %mul3A_567 : i32 to index
      %get3A_571 = tpu.vector_load %arg11[%get3A_570] {strides = array<i32>} : memref<3136xf32, #tpu.memory_space<vmem>>, vector<16xf32>,
      %add3A_572 = arith.addf %get3A_569, %get3A_571 : vector<16xf32>
      %get3A_573 = arith.constant 0 : i32
      %get3A_574 = tpu.memref_slice %arg6[%get3A_573] : memref<10000xf32, #tpu.memory_space<vmem>> -> memref<3136xf32, #tpu.memory_space<vmem>>
      %get3A_575 = arith.index_cast %mul3A_567 : i32 to index
      %get3A_576 = tpu.vector_load %get3A_574[%get3A_575] {strides = array<i32>} : memref<3136xf32, #tpu.memory_space<vmem>>, vector<16xf32>,
      %add3A_577 = arith.addf %add3A_572, %get3A_576 : vector<16xf32>
      %get3A_578 = arith.constant 3136 : i32
      %get3A_579 = tpu.memref_slice %arg6[%get3A_578] : memref<10000xf32, #tpu.memory_space<vmem>> -> memref<3136xf32, #tpu.memory_space<vmem>>
      %get3A_580 = arith.index_cast %mul3A_567 : i32 to index
      %get3A_581 = tpu.vector_load %get3A_579[%get3A_580] {strides = array<i32>} : memref<3136xf32, #tpu.memory_space<vmem>>, vector<16xf32>,
      %add3A_582 = arith.addf %add3A_577, %get3A_581 : vector<16xf32>
      %swap3A_583 = arith.index_cast %mul3A_567 : i32 to index
      %swap3A_584 = tpu.vector_load %arg9[%swap3A_583] {strides = array<i32>} : memref<3136xf32, #tpu.memory_space<vmem>>, vector<16xf32>,
      tpu.vector_store %arg9[%swap3A_583], %add3A_582 {strides = array<i32>} : memref<3136xf32, #tpu.memory_space<vmem>>, vector<16xf32>,
      %scan3A_585 = arith.constant 0 : i32
      scf.yield %scan3A_585 : i32
    }
    %scan3A_109 = arith.constant 28 : i32
    %mul3A_110 = arith.constant 3136 : i32
    %mul3A_111 = arith.muli %arg1, %mul3A_110 : i32
    %add3A_112 = arith.constant 301056 : i32
    %add3A_113 = arith.addi %add3A_112, %mul3A_111 : i32
    %dma_start3A_114 = tpu.memref_slice %arg8[%add3A_113] : memref<803840xf32, #tpu.memory_space<vmem_shared>> -> memref<3136xf32, #tpu.memory_space<vmem_shared>>
    %dma_start3A_115 = tpu.memref_slice %arg8[%add3A_113] : memref<803840xf32, #tpu.memory_space<vmem_shared>> -> memref<3136xf32, #tpu.memory_space<vmem_shared>>
    tpu.enqueue_dma source(%dma_start3A_115 : memref<3136xf32, #tpu.memory_space<vmem_shared>>) target(%arg10 : memref<3136xf32, #tpu.memory_space<vmem>>) target_semaphore(%arg19 : memref<!tpu.dma_semaphore, #tpu.memory_space<semaphore_mem>>)
    %mul3A_116 = arith.constant 3136 : i32
    %mul3A_117 = arith.muli %arg1, %mul3A_116 : i32
    %add3A_118 = arith.constant 351232 : i32
    %add3A_119 = arith.addi %add3A_118, %mul3A_117 : i32
    %dma_start3A_120 = tpu.memref_slice %arg8[%add3A_119] : memref<803840xf32, #tpu.memory_space<vmem_shared>> -> memref<3136xf32, #tpu.memory_space<vmem_shared>>
    %dma_start3A_121 = tpu.memref_slice %arg8[%add3A_119] : memref<803840xf32, #tpu.memory_space<vmem_shared>> -> memref<3136xf32, #tpu.memory_space<vmem_shared>>
    tpu.enqueue_dma source(%dma_start3A_121 : memref<3136xf32, #tpu.memory_space<vmem_shared>>) target(%arg11 : memref<3136xf32, #tpu.memory_space<vmem>>) target_semaphore(%arg20 : memref<!tpu.dma_semaphore, #tpu.memory_space<semaphore_mem>>)
    %mul3A_122 = arith.constant 3136 : i32
    %mul3A_123 = arith.muli %arg1, %mul3A_122 : i32
    %add3A_124 = arith.constant 401408 : i32
    %add3A_125 = arith.addi %add3A_124, %mul3A_123 : i32
    %dma_start3A_126 = arith.constant 0 : i32
    %dma_start3A_127 = tpu.memref_slice %arg6[%dma_start3A_126] : memref<10000xf32, #tpu.memory_space<vmem>> -> memref<3136xf32, #tpu.memory_space<vmem>>
    %dma_start3A_128 = tpu.memref_slice %arg8[%add3A_125] : memref<803840xf32, #tpu.memory_space<vmem_shared>> -> memref<3136xf32, #tpu.memory_space<vmem_shared>>
    %dma_start3A_129 = arith.constant 0 : i32
    %dma_start3A_130 = tpu.memref_slice %arg6[%dma_start3A_129] : memref<10000xf32, #tpu.memory_space<vmem>> -> memref<3136xf32, #tpu.memory_space<vmem>>
    %dma_start3A_131 = tpu.memref_slice %arg8[%add3A_125] : memref<803840xf32, #tpu.memory_space<vmem_shared>> -> memref<3136xf32, #tpu.memory_space<vmem_shared>>
    tpu.enqueue_dma source(%dma_start3A_131 : memref<3136xf32, #tpu.memory_space<vmem_shared>>) target(%dma_start3A_130 : memref<3136xf32, #tpu.memory_space<vmem>>) target_semaphore(%arg21 : memref<!tpu.dma_semaphore, #tpu.memory_space<semaphore_mem>>)
    %mul3A_132 = arith.constant 3136 : i32
    %mul3A_133 = arith.muli %arg1, %mul3A_132 : i32
    %add3A_134 = arith.constant 451584 : i32
    %add3A_135 = arith.addi %add3A_134, %mul3A_133 : i32
    %dma_start3A_136 = arith.constant 3136 : i32
    %dma_start3A_137 = tpu.memref_slice %arg6[%dma_start3A_136] : memref<10000xf32, #tpu.memory_space<vmem>> -> memref<3136xf32, #tpu.memory_space<vmem>>
    %dma_start3A_138 = tpu.memref_slice %arg8[%add3A_135] : memref<803840xf32, #tpu.memory_space<vmem_shared>> -> memref<3136xf32, #tpu.memory_space<vmem_shared>>
    %dma_start3A_139 = arith.constant 3136 : i32
    %dma_start3A_140 = tpu.memref_slice %arg6[%dma_start3A_139] : memref<10000xf32, #tpu.memory_space<vmem>> -> memref<3136xf32, #tpu.memory_space<vmem>>
    %dma_start3A_141 = tpu.memref_slice %arg8[%add3A_135] : memref<803840xf32, #tpu.memory_space<vmem_shared>> -> memref<3136xf32, #tpu.memory_space<vmem_shared>>
    tpu.enqueue_dma source(%dma_start3A_141 : memref<3136xf32, #tpu.memory_space<vmem_shared>>) target(%dma_start3A_140 : memref<3136xf32, #tpu.memory_space<vmem>>) target_semaphore(%arg22 : memref<!tpu.dma_semaphore, #tpu.memory_space<semaphore_mem>>)
    %dma_wait3A_142 = arith.constant 6272 : i32
    %dma_wait3A_143 = tpu.memref_slice %arg6[%dma_wait3A_142] : memref<10000xf32, #tpu.memory_space<vmem>> -> memref<3136xf32, #tpu.memory_space<vmem>>
    %dma_wait3A_144 = tpu.memref_slice %arg8[%add3A_70] : memref<803840xf32, #tpu.memory_space<vmem_shared>> -> memref<3136xf32, #tpu.memory_space<vmem_shared>>
    %dma_wait3A_145 = arith.constant 6272 : i32
    %dma_wait3A_146 = tpu.memref_slice %arg6[%dma_wait3A_145] : memref<10000xf32, #tpu.memory_space<vmem>> -> memref<3136xf32, #tpu.memory_space<vmem>>
    %dma_wait3A_147 = tpu.memref_slice %arg8[%add3A_70] : memref<803840xf32, #tpu.memory_space<vmem_shared>> -> memref<3136xf32, #tpu.memory_space<vmem_shared>>
    tpu.wait_dma2 semaphore(%arg23 : memref<!tpu.dma_semaphore, #tpu.memory_space<semaphore_mem>>) src(%dma_wait3A_147 : memref<3136xf32, #tpu.memory_space<vmem_shared>>) dst(%dma_wait3A_146 : memref<3136xf32, #tpu.memory_space<vmem>>)
    %dma_wait3A_148 = arith.constant 0 : i32
    %dma_wait3A_149 = tpu.memref_slice %arg15[%dma_wait3A_148] : memref<4704xf32, #tpu.memory_space<vmem>> -> memref<3136xf32, #tpu.memory_space<vmem>>
    %dma_wait3A_150 = tpu.memref_slice %arg8[%add3A_80] : memref<803840xf32, #tpu.memory_space<vmem_shared>> -> memref<3136xf32, #tpu.memory_space<vmem_shared>>
    %dma_wait3A_151 = arith.constant 0 : i32
    %dma_wait3A_152 = tpu.memref_slice %arg15[%dma_wait3A_151] : memref<4704xf32, #tpu.memory_space<vmem>> -> memref<3136xf32, #tpu.memory_space<vmem>>
    %dma_wait3A_153 = tpu.memref_slice %arg8[%add3A_80] : memref<803840xf32, #tpu.memory_space<vmem_shared>> -> memref<3136xf32, #tpu.memory_space<vmem_shared>>
    tpu.wait_dma2 semaphore(%arg24 : memref<!tpu.dma_semaphore, #tpu.memory_space<semaphore_mem>>) src(%dma_wait3A_153 : memref<3136xf32, #tpu.memory_space<vmem_shared>>) dst(%dma_wait3A_152 : memref<3136xf32, #tpu.memory_space<vmem>>)
    %dma_wait3A_154 = tpu.memref_slice %arg8[%add3A_113] : memref<803840xf32, #tpu.memory_space<vmem_shared>> -> memref<3136xf32, #tpu.memory_space<vmem_shared>>
    %dma_wait3A_155 = tpu.memref_slice %arg8[%add3A_113] : memref<803840xf32, #tpu.memory_space<vmem_shared>> -> memref<3136xf32, #tpu.memory_space<vmem_shared>>
    tpu.wait_dma2 semaphore(%arg19 : memref<!tpu.dma_semaphore, #tpu.memory_space<semaphore_mem>>) src(%dma_wait3A_155 : memref<3136xf32, #tpu.memory_space<vmem_shared>>) dst(%arg10 : memref<3136xf32, #tpu.memory_space<vmem>>)
    %scan3A_156 = arith.constant 0 : i32
    %scan3A_157 = arith.constant 0 : i32
    %scan3A_158 = arith.constant 28 : i32
    %scan3A_159 = arith.addi %scan3A_157, %scan3A_158 : i32
    %scan3A_160 = arith.constant 1 : i32
    %scan3A_161 = scf.for %scan3A_423 = %scan3A_157 to %scan3A_159 step %scan3A_160 iter_args(%scan3A_424 = %scan3A_156) -> (i32)  : i32 {
      %mul3A_425 = arith.constant 7 : i32
      %mul3A_426 = arith.muli %scan3A_423, %mul3A_425 : i32
      %add3A_427 = arith.constant 0 : i32
      %add3A_428 = arith.addi %mul3A_426, %add3A_427 : i32
      %mul3A_429 = arith.constant 16 : i32
      %mul3A_430 = arith.muli %add3A_428, %mul3A_429 : i32
      %get3A = arith.index_cast %mul3A_430 : i32 to index
      %get3A_431 = tpu.vector_load %arg9[%get3A] {strides = array<i32>} : memref<3136xf32, #tpu.memory_space<vmem>>, vector<16xf32>,
      %get3A_432 = arith.constant 6272 : i32
      %get3A_433 = tpu.memref_slice %arg6[%get3A_432] : memref<10000xf32, #tpu.memory_space<vmem>> -> memref<3136xf32, #tpu.memory_space<vmem>>
      %get3A_434 = arith.index_cast %mul3A_430 : i32 to index
      %get3A_435 = tpu.vector_load %get3A_433[%get3A_434] {strides = array<i32>} : memref<3136xf32, #tpu.memory_space<vmem>>, vector<16xf32>,
      %add3A_436 = arith.addf %get3A_431, %get3A_435 : vector<16xf32>
      %get3A_437 = arith.constant 0 : i32
      %get3A_438 = tpu.memref_slice %arg15[%get3A_437] : memref<4704xf32, #tpu.memory_space<vmem>> -> memref<3136xf32, #tpu.memory_space<vmem>>
      %get3A_439 = arith.index_cast %mul3A_430 : i32 to index
      %get3A_440 = tpu.vector_load %get3A_438[%get3A_439] {strides = array<i32>} : memref<3136xf32, #tpu.memory_space<vmem>>, vector<16xf32>,
      %add3A_441 = arith.addf %add3A_436, %get3A_440 : vector<16xf32>
      %get3A_442 = arith.index_cast %mul3A_430 : i32 to index
      %get3A_443 = tpu.vector_load %arg10[%get3A_442] {strides = array<i32>} : memref<3136xf32, #tpu.memory_space<vmem>>, vector<16xf32>,
      %add3A_444 = arith.addf %add3A_441, %get3A_443 : vector<16xf32>
      %swap3A_445 = arith.index_cast %mul3A_430 : i32 to index
      %swap3A_446 = tpu.vector_load %arg9[%swap3A_445] {strides = array<i32>} : memref<3136xf32, #tpu.memory_space<vmem>>, vector<16xf32>,
      tpu.vector_store %arg9[%swap3A_445], %add3A_444 {strides = array<i32>} : memref<3136xf32, #tpu.memory_space<vmem>>, vector<16xf32>,
      %mul3A_447 = arith.constant 7 : i32
      %mul3A_448 = arith.muli %scan3A_423, %mul3A_447 : i32
      %add3A_449 = arith.constant 1 : i32
      %add3A_450 = arith.addi %mul3A_448, %add3A_449 : i32
      %mul3A_451 = arith.constant 16 : i32
      %mul3A_452 = arith.muli %add3A_450, %mul3A_451 : i32
      %get3A_453 = arith.index_cast %mul3A_452 : i32 to index
      %get3A_454 = tpu.vector_load %arg9[%get3A_453] {strides = array<i32>} : memref<3136xf32, #tpu.memory_space<vmem>>, vector<16xf32>,
      %get3A_455 = arith.constant 6272 : i32
      %get3A_456 = tpu.memref_slice %arg6[%get3A_455] : memref<10000xf32, #tpu.memory_space<vmem>> -> memref<3136xf32, #tpu.memory_space<vmem>>
      %get3A_457 = arith.index_cast %mul3A_452 : i32 to index
      %get3A_458 = tpu.vector_load %get3A_456[%get3A_457] {strides = array<i32>} : memref<3136xf32, #tpu.memory_space<vmem>>, vector<16xf32>,
      %add3A_459 = arith.addf %get3A_454, %get3A_458 : vector<16xf32>
      %get3A_460 = arith.constant 0 : i32
      %get3A_461 = tpu.memref_slice %arg15[%get3A_460] : memref<4704xf32, #tpu.memory_space<vmem>> -> memref<3136xf32, #tpu.memory_space<vmem>>
      %get3A_462 = arith.index_cast %mul3A_452 : i32 to index
      %get3A_463 = tpu.vector_load %get3A_461[%get3A_462] {strides = array<i32>} : memref<3136xf32, #tpu.memory_space<vmem>>, vector<16xf32>,
      %add3A_464 = arith.addf %add3A_459, %get3A_463 : vector<16xf32>
      %get3A_465 = arith.index_cast %mul3A_452 : i32 to index
      %get3A_466 = tpu.vector_load %arg10[%get3A_465] {strides = array<i32>} : memref<3136xf32, #tpu.memory_space<vmem>>, vector<16xf32>,
      %add3A_467 = arith.addf %add3A_464, %get3A_466 : vector<16xf32>
      %swap3A_468 = arith.index_cast %mul3A_452 : i32 to index
      %swap3A_469 = tpu.vector_load %arg9[%swap3A_468] {strides = array<i32>} : memref<3136xf32, #tpu.memory_space<vmem>>, vector<16xf32>,
      tpu.vector_store %arg9[%swap3A_468], %add3A_467 {strides = array<i32>} : memref<3136xf32, #tpu.memory_space<vmem>>, vector<16xf32>,
      %mul3A_470 = arith.constant 7 : i32
      %mul3A_471 = arith.muli %scan3A_423, %mul3A_470 : i32
      %add3A_472 = arith.constant 2 : i32
      %add3A_473 = arith.addi %mul3A_471, %add3A_472 : i32
      %mul3A_474 = arith.constant 16 : i32
      %mul3A_475 = arith.muli %add3A_473, %mul3A_474 : i32
      %get3A_476 = arith.index_cast %mul3A_475 : i32 to index
      %get3A_477 = tpu.vector_load %arg9[%get3A_476] {strides = array<i32>} : memref<3136xf32, #tpu.memory_space<vmem>>, vector<16xf32>,
      %get3A_478 = arith.constant 6272 : i32
      %get3A_479 = tpu.memref_slice %arg6[%get3A_478] : memref<10000xf32, #tpu.memory_space<vmem>> -> memref<3136xf32, #tpu.memory_space<vmem>>
      %get3A_480 = arith.index_cast %mul3A_475 : i32 to index
      %get3A_481 = tpu.vector_load %get3A_479[%get3A_480] {strides = array<i32>} : memref<3136xf32, #tpu.memory_space<vmem>>, vector<16xf32>,
      %add3A_482 = arith.addf %get3A_477, %get3A_481 : vector<16xf32>
      %get3A_483 = arith.constant 0 : i32
      %get3A_484 = tpu.memref_slice %arg15[%get3A_483] : memref<4704xf32, #tpu.memory_space<vmem>> -> memref<3136xf32, #tpu.memory_space<vmem>>
      %get3A_485 = arith.index_cast %mul3A_475 : i32 to index
      %get3A_486 = tpu.vector_load %get3A_484[%get3A_485] {strides = array<i32>} : memref<3136xf32, #tpu.memory_space<vmem>>, vector<16xf32>,
      %add3A_487 = arith.addf %add3A_482, %get3A_486 : vector<16xf32>
      %get3A_488 = arith.index_cast %mul3A_475 : i32 to index
      %get3A_489 = tpu.vector_load %arg10[%get3A_488] {strides = array<i32>} : memref<3136xf32, #tpu.memory_space<vmem>>, vector<16xf32>,
      %add3A_490 = arith.addf %add3A_487, %get3A_489 : vector<16xf32>
      %swap3A_491 = arith.index_cast %mul3A_475 : i32 to index
      %swap3A_492 = tpu.vector_load %arg9[%swap3A_491] {strides = array<i32>} : memref<3136xf32, #tpu.memory_space<vmem>>, vector<16xf32>,
      tpu.vector_store %arg9[%swap3A_491], %add3A_490 {strides = array<i32>} : memref<3136xf32, #tpu.memory_space<vmem>>, vector<16xf32>,
      %mul3A_493 = arith.constant 7 : i32
      %mul3A_494 = arith.muli %scan3A_423, %mul3A_493 : i32
      %add3A_495 = arith.constant 3 : i32
      %add3A_496 = arith.addi %mul3A_494, %add3A_495 : i32
      %mul3A_497 = arith.constant 16 : i32
      %mul3A_498 = arith.muli %add3A_496, %mul3A_497 : i32
      %get3A_499 = arith.index_cast %mul3A_498 : i32 to index
      %get3A_500 = tpu.vector_load %arg9[%get3A_499] {strides = array<i32>} : memref<3136xf32, #tpu.memory_space<vmem>>, vector<16xf32>,
      %get3A_501 = arith.constant 6272 : i32
      %get3A_502 = tpu.memref_slice %arg6[%get3A_501] : memref<10000xf32, #tpu.memory_space<vmem>> -> memref<3136xf32, #tpu.memory_space<vmem>>
      %get3A_503 = arith.index_cast %mul3A_498 : i32 to index
      %get3A_504 = tpu.vector_load %get3A_502[%get3A_503] {strides = array<i32>} : memref<3136xf32, #tpu.memory_space<vmem>>, vector<16xf32>,
      %add3A_505 = arith.addf %get3A_500, %get3A_504 : vector<16xf32>
      %get3A_506 = arith.constant 0 : i32
      %get3A_507 = tpu.memref_slice %arg15[%get3A_506] : memref<4704xf32, #tpu.memory_space<vmem>> -> memref<3136xf32, #tpu.memory_space<vmem>>
      %get3A_508 = arith.index_cast %mul3A_498 : i32 to index
      %get3A_509 = tpu.vector_load %get3A_507[%get3A_508] {strides = array<i32>} : memref<3136xf32, #tpu.memory_space<vmem>>, vector<16xf32>,
      %add3A_510 = arith.addf %add3A_505, %get3A_509 : vector<16xf32>
      %get3A_511 = arith.index_cast %mul3A_498 : i32 to index
      %get3A_512 = tpu.vector_load %arg10[%get3A_511] {strides = array<i32>} : memref<3136xf32, #tpu.memory_space<vmem>>, vector<16xf32>,
      %add3A_513 = arith.addf %add3A_510, %get3A_512 : vector<16xf32>
      %swap3A_514 = arith.index_cast %mul3A_498 : i32 to index
      %swap3A_515 = tpu.vector_load %arg9[%swap3A_514] {strides = array<i32>} : memref<3136xf32, #tpu.memory_space<vmem>>, vector<16xf32>,
      tpu.vector_store %arg9[%swap3A_514], %add3A_513 {strides = array<i32>} : memref<3136xf32, #tpu.memory_space<vmem>>, vector<16xf32>,
      %mul3A_516 = arith.constant 7 : i32
      %mul3A_517 = arith.muli %scan3A_423, %mul3A_516 : i32
      %add3A_518 = arith.constant 4 : i32
      %add3A_519 = arith.addi %mul3A_517, %add3A_518 : i32
      %mul3A_520 = arith.constant 16 : i32
      %mul3A_521 = arith.muli %add3A_519, %mul3A_520 : i32
      %get3A_522 = arith.index_cast %mul3A_521 : i32 to index
      %get3A_523 = tpu.vector_load %arg9[%get3A_522] {strides = array<i32>} : memref<3136xf32, #tpu.memory_space<vmem>>, vector<16xf32>,
      %get3A_524 = arith.constant 6272 : i32
      %get3A_525 = tpu.memref_slice %arg6[%get3A_524] : memref<10000xf32, #tpu.memory_space<vmem>> -> memref<3136xf32, #tpu.memory_space<vmem>>
      %get3A_526 = arith.index_cast %mul3A_521 : i32 to index
      %get3A_527 = tpu.vector_load %get3A_525[%get3A_526] {strides = array<i32>} : memref<3136xf32, #tpu.memory_space<vmem>>, vector<16xf32>,
      %add3A_528 = arith.addf %get3A_523, %get3A_527 : vector<16xf32>
      %get3A_529 = arith.constant 0 : i32
      %get3A_530 = tpu.memref_slice %arg15[%get3A_529] : memref<4704xf32, #tpu.memory_space<vmem>> -> memref<3136xf32, #tpu.memory_space<vmem>>
      %get3A_531 = arith.index_cast %mul3A_521 : i32 to index
      %get3A_532 = tpu.vector_load %get3A_530[%get3A_531] {strides = array<i32>} : memref<3136xf32, #tpu.memory_space<vmem>>, vector<16xf32>,
      %add3A_533 = arith.addf %add3A_528, %get3A_532 : vector<16xf32>
      %get3A_534 = arith.index_cast %mul3A_521 : i32 to index
      %get3A_535 = tpu.vector_load %arg10[%get3A_534] {strides = array<i32>} : memref<3136xf32, #tpu.memory_space<vmem>>, vector<16xf32>,
      %add3A_536 = arith.addf %add3A_533, %get3A_535 : vector<16xf32>
      %swap3A_537 = arith.index_cast %mul3A_521 : i32 to index
      %swap3A_538 = tpu.vector_load %arg9[%swap3A_537] {strides = array<i32>} : memref<3136xf32, #tpu.memory_space<vmem>>, vector<16xf32>,
      tpu.vector_store %arg9[%swap3A_537], %add3A_536 {strides = array<i32>} : memref<3136xf32, #tpu.memory_space<vmem>>, vector<16xf32>,
      %mul3A_539 = arith.constant 7 : i32
      %mul3A_540 = arith.muli %scan3A_423, %mul3A_539 : i32
      %add3A_541 = arith.constant 5 : i32
      %add3A_542 = arith.addi %mul3A_540, %add3A_541 : i32
      %mul3A_543 = arith.constant 16 : i32
      %mul3A_544 = arith.muli %add3A_542, %mul3A_543 : i32
      %get3A_545 = arith.index_cast %mul3A_544 : i32 to index
      %get3A_546 = tpu.vector_load %arg9[%get3A_545] {strides = array<i32>} : memref<3136xf32, #tpu.memory_space<vmem>>, vector<16xf32>,
      %get3A_547 = arith.constant 6272 : i32
      %get3A_548 = tpu.memref_slice %arg6[%get3A_547] : memref<10000xf32, #tpu.memory_space<vmem>> -> memref<3136xf32, #tpu.memory_space<vmem>>
      %get3A_549 = arith.index_cast %mul3A_544 : i32 to index
      %get3A_550 = tpu.vector_load %get3A_548[%get3A_549] {strides = array<i32>} : memref<3136xf32, #tpu.memory_space<vmem>>, vector<16xf32>,
      %add3A_551 = arith.addf %get3A_546, %get3A_550 : vector<16xf32>
      %get3A_552 = arith.constant 0 : i32
      %get3A_553 = tpu.memref_slice %arg15[%get3A_552] : memref<4704xf32, #tpu.memory_space<vmem>> -> memref<3136xf32, #tpu.memory_space<vmem>>
      %get3A_554 = arith.index_cast %mul3A_544 : i32 to index
      %get3A_555 = tpu.vector_load %get3A_553[%get3A_554] {strides = array<i32>} : memref<3136xf32, #tpu.memory_space<vmem>>, vector<16xf32>,
      %add3A_556 = arith.addf %add3A_551, %get3A_555 : vector<16xf32>
      %get3A_557 = arith.index_cast %mul3A_544 : i32 to index
      %get3A_558 = tpu.vector_load %arg10[%get3A_557] {strides = array<i32>} : memref<3136xf32, #tpu.memory_space<vmem>>, vector<16xf32>,
      %add3A_559 = arith.addf %add3A_556, %get3A_558 : vector<16xf32>
      %swap3A_560 = arith.index_cast %mul3A_544 : i32 to index
      %swap3A_561 = tpu.vector_load %arg9[%swap3A_560] {strides = array<i32>} : memref<3136xf32, #tpu.memory_space<vmem>>, vector<16xf32>,
      tpu.vector_store %arg9[%swap3A_560], %add3A_559 {strides = array<i32>} : memref<3136xf32, #tpu.memory_space<vmem>>, vector<16xf32>,
      %mul3A_562 = arith.constant 7 : i32
      %mul3A_563 = arith.muli %scan3A_423, %mul3A_562 : i32
      %add3A_564 = arith.constant 6 : i32
      %add3A_565 = arith.addi %mul3A_563, %add3A_564 : i32
      %mul3A_566 = arith.constant 16 : i32
      %mul3A_567 = arith.muli %add3A_565, %mul3A_566 : i32
      %get3A_568 = arith.index_cast %mul3A_567 : i32 to index
      %get3A_569 = tpu.vector_load %arg9[%get3A_568] {strides = array<i32>} : memref<3136xf32, #tpu.memory_space<vmem>>, vector<16xf32>,
      %get3A_570 = arith.constant 6272 : i32
      %get3A_571 = tpu.memref_slice %arg6[%get3A_570] : memref<10000xf32, #tpu.memory_space<vmem>> -> memref<3136xf32, #tpu.memory_space<vmem>>
      %get3A_572 = arith.index_cast %mul3A_567 : i32 to index
      %get3A_573 = tpu.vector_load %get3A_571[%get3A_572] {strides = array<i32>} : memref<3136xf32, #tpu.memory_space<vmem>>, vector<16xf32>,
      %add3A_574 = arith.addf %get3A_569, %get3A_573 : vector<16xf32>
      %get3A_575 = arith.constant 0 : i32
      %get3A_576 = tpu.memref_slice %arg15[%get3A_575] : memref<4704xf32, #tpu.memory_space<vmem>> -> memref<3136xf32, #tpu.memory_space<vmem>>
      %get3A_577 = arith.index_cast %mul3A_567 : i32 to index
      %get3A_578 = tpu.vector_load %get3A_576[%get3A_577] {strides = array<i32>} : memref<3136xf32, #tpu.memory_space<vmem>>, vector<16xf32>,
      %add3A_579 = arith.addf %add3A_574, %get3A_578 : vector<16xf32>
      %get3A_580 = arith.index_cast %mul3A_567 : i32 to index
      %get3A_581 = tpu.vector_load %arg10[%get3A_580] {strides = array<i32>} : memref<3136xf32, #tpu.memory_space<vmem>>, vector<16xf32>,
      %add3A_582 = arith.addf %add3A_579, %get3A_581 : vector<16xf32>
      %swap3A_583 = arith.index_cast %mul3A_567 : i32 to index
      %swap3A_584 = tpu.vector_load %arg9[%swap3A_583] {strides = array<i32>} : memref<3136xf32, #tpu.memory_space<vmem>>, vector<16xf32>,
      tpu.vector_store %arg9[%swap3A_583], %add3A_582 {strides = array<i32>} : memref<3136xf32, #tpu.memory_space<vmem>>, vector<16xf32>,
      %scan3A_585 = arith.constant 0 : i32
      scf.yield %scan3A_585 : i32
    }
    %scan3A_162 = arith.constant 28 : i32
    %mul3A_163 = arith.constant 3136 : i32
    %mul3A_164 = arith.muli %arg1, %mul3A_163 : i32
    %add3A_165 = arith.constant 501760 : i32
    %add3A_166 = arith.addi %add3A_165, %mul3A_164 : i32
    %dma_start3A_167 = arith.constant 6272 : i32
    %dma_start3A_168 = tpu.memref_slice %arg6[%dma_start3A_167] : memref<10000xf32, #tpu.memory_space<vmem>> -> memref<3136xf32, #tpu.memory_space<vmem>>
    %dma_start3A_169 = tpu.memref_slice %arg8[%add3A_166] : memref<803840xf32, #tpu.memory_space<vmem_shared>> -> memref<3136xf32, #tpu.memory_space<vmem_shared>>
    %dma_start3A_170 = arith.constant 6272 : i32
    %dma_start3A_171 = tpu.memref_slice %arg6[%dma_start3A_170] : memref<10000xf32, #tpu.memory_space<vmem>> -> memref<3136xf32, #tpu.memory_space<vmem>>
    %dma_start3A_172 = tpu.memref_slice %arg8[%add3A_166] : memref<803840xf32, #tpu.memory_space<vmem_shared>> -> memref<3136xf32, #tpu.memory_space<vmem_shared>>
    tpu.enqueue_dma source(%dma_start3A_172 : memref<3136xf32, #tpu.memory_space<vmem_shared>>) target(%dma_start3A_171 : memref<3136xf32, #tpu.memory_space<vmem>>) target_semaphore(%arg23 : memref<!tpu.dma_semaphore, #tpu.memory_space<semaphore_mem>>)
    %mul3A_173 = arith.constant 3136 : i32
    %mul3A_174 = arith.muli %arg1, %mul3A_173 : i32
    %add3A_175 = arith.constant 551936 : i32
    %add3A_176 = arith.addi %add3A_175, %mul3A_174 : i32
    %dma_start3A_177 = arith.constant 0 : i32
    %dma_start3A_178 = tpu.memref_slice %arg15[%dma_start3A_177] : memref<4704xf32, #tpu.memory_space<vmem>> -> memref<3136xf32, #tpu.memory_space<vmem>>
    %dma_start3A_179 = tpu.memref_slice %arg8[%add3A_176] : memref<803840xf32, #tpu.memory_space<vmem_shared>> -> memref<3136xf32, #tpu.memory_space<vmem_shared>>
    %dma_start3A_180 = arith.constant 0 : i32
    %dma_start3A_181 = tpu.memref_slice %arg15[%dma_start3A_180] : memref<4704xf32, #tpu.memory_space<vmem>> -> memref<3136xf32, #tpu.memory_space<vmem>>
    %dma_start3A_182 = tpu.memref_slice %arg8[%add3A_176] : memref<803840xf32, #tpu.memory_space<vmem_shared>> -> memref<3136xf32, #tpu.memory_space<vmem_shared>>
    tpu.enqueue_dma source(%dma_start3A_182 : memref<3136xf32, #tpu.memory_space<vmem_shared>>) target(%dma_start3A_181 : memref<3136xf32, #tpu.memory_space<vmem>>) target_semaphore(%arg24 : memref<!tpu.dma_semaphore, #tpu.memory_space<semaphore_mem>>)
    %mul3A_183 = arith.constant 3136 : i32
    %mul3A_184 = arith.muli %arg1, %mul3A_183 : i32
    %add3A_185 = arith.constant 602112 : i32
    %add3A_186 = arith.addi %add3A_185, %mul3A_184 : i32
    %dma_start3A_187 = tpu.memref_slice %arg8[%add3A_186] : memref<803840xf32, #tpu.memory_space<vmem_shared>> -> memref<3136xf32, #tpu.memory_space<vmem_shared>>
    %dma_start3A_188 = tpu.memref_slice %arg8[%add3A_186] : memref<803840xf32, #tpu.memory_space<vmem_shared>> -> memref<3136xf32, #tpu.memory_space<vmem_shared>>
    tpu.enqueue_dma source(%dma_start3A_188 : memref<3136xf32, #tpu.memory_space<vmem_shared>>) target(%arg10 : memref<3136xf32, #tpu.memory_space<vmem>>) target_semaphore(%arg19 : memref<!tpu.dma_semaphore, #tpu.memory_space<semaphore_mem>>)
    %dma_wait3A_189 = tpu.memref_slice %arg8[%add3A_119] : memref<803840xf32, #tpu.memory_space<vmem_shared>> -> memref<3136xf32, #tpu.memory_space<vmem_shared>>
    %dma_wait3A_190 = tpu.memref_slice %arg8[%add3A_119] : memref<803840xf32, #tpu.memory_space<vmem_shared>> -> memref<3136xf32, #tpu.memory_space<vmem_shared>>
    tpu.wait_dma2 semaphore(%arg20 : memref<!tpu.dma_semaphore, #tpu.memory_space<semaphore_mem>>) src(%dma_wait3A_190 : memref<3136xf32, #tpu.memory_space<vmem_shared>>) dst(%arg11 : memref<3136xf32, #tpu.memory_space<vmem>>)
    %dma_wait3A_191 = arith.constant 0 : i32
    %dma_wait3A_192 = tpu.memref_slice %arg6[%dma_wait3A_191] : memref<10000xf32, #tpu.memory_space<vmem>> -> memref<3136xf32, #tpu.memory_space<vmem>>
    %dma_wait3A_193 = tpu.memref_slice %arg8[%add3A_125] : memref<803840xf32, #tpu.memory_space<vmem_shared>> -> memref<3136xf32, #tpu.memory_space<vmem_shared>>
    %dma_wait3A_194 = arith.constant 0 : i32
    %dma_wait3A_195 = tpu.memref_slice %arg6[%dma_wait3A_194] : memref<10000xf32, #tpu.memory_space<vmem>> -> memref<3136xf32, #tpu.memory_space<vmem>>
    %dma_wait3A_196 = tpu.memref_slice %arg8[%add3A_125] : memref<803840xf32, #tpu.memory_space<vmem_shared>> -> memref<3136xf32, #tpu.memory_space<vmem_shared>>
    tpu.wait_dma2 semaphore(%arg21 : memref<!tpu.dma_semaphore, #tpu.memory_space<semaphore_mem>>) src(%dma_wait3A_196 : memref<3136xf32, #tpu.memory_space<vmem_shared>>) dst(%dma_wait3A_195 : memref<3136xf32, #tpu.memory_space<vmem>>)
    %dma_wait3A_197 = arith.constant 3136 : i32
    %dma_wait3A_198 = tpu.memref_slice %arg6[%dma_wait3A_197] : memref<10000xf32, #tpu.memory_space<vmem>> -> memref<3136xf32, #tpu.memory_space<vmem>>
    %dma_wait3A_199 = tpu.memref_slice %arg8[%add3A_135] : memref<803840xf32, #tpu.memory_space<vmem_shared>> -> memref<3136xf32, #tpu.memory_space<vmem_shared>>
    %dma_wait3A_200 = arith.constant 3136 : i32
    %dma_wait3A_201 = tpu.memref_slice %arg6[%dma_wait3A_200] : memref<10000xf32, #tpu.memory_space<vmem>> -> memref<3136xf32, #tpu.memory_space<vmem>>
    %dma_wait3A_202 = tpu.memref_slice %arg8[%add3A_135] : memref<803840xf32, #tpu.memory_space<vmem_shared>> -> memref<3136xf32, #tpu.memory_space<vmem_shared>>
    tpu.wait_dma2 semaphore(%arg22 : memref<!tpu.dma_semaphore, #tpu.memory_space<semaphore_mem>>) src(%dma_wait3A_202 : memref<3136xf32, #tpu.memory_space<vmem_shared>>) dst(%dma_wait3A_201 : memref<3136xf32, #tpu.memory_space<vmem>>)
    %scan3A_203 = arith.constant 0 : i32
    %scan3A_204 = arith.constant 0 : i32
    %scan3A_205 = arith.constant 28 : i32
    %scan3A_206 = arith.addi %scan3A_204, %scan3A_205 : i32
    %scan3A_207 = arith.constant 1 : i32
    %scan3A_208 = scf.for %scan3A_423 = %scan3A_204 to %scan3A_206 step %scan3A_207 iter_args(%scan3A_424 = %scan3A_203) -> (i32)  : i32 {
      %mul3A_425 = arith.constant 7 : i32
      %mul3A_426 = arith.muli %scan3A_423, %mul3A_425 : i32
      %add3A_427 = arith.constant 0 : i32
      %add3A_428 = arith.addi %mul3A_426, %add3A_427 : i32
      %mul3A_429 = arith.constant 16 : i32
      %mul3A_430 = arith.muli %add3A_428, %mul3A_429 : i32
      %get3A = arith.index_cast %mul3A_430 : i32 to index
      %get3A_431 = tpu.vector_load %arg9[%get3A] {strides = array<i32>} : memref<3136xf32, #tpu.memory_space<vmem>>, vector<16xf32>,
      %get3A_432 = arith.index_cast %mul3A_430 : i32 to index
      %get3A_433 = tpu.vector_load %arg11[%get3A_432] {strides = array<i32>} : memref<3136xf32, #tpu.memory_space<vmem>>, vector<16xf32>,
      %add3A_434 = arith.addf %get3A_431, %get3A_433 : vector<16xf32>
      %get3A_435 = arith.constant 0 : i32
      %get3A_436 = tpu.memref_slice %arg6[%get3A_435] : memref<10000xf32, #tpu.memory_space<vmem>> -> memref<3136xf32, #tpu.memory_space<vmem>>
      %get3A_437 = arith.index_cast %mul3A_430 : i32 to index
      %get3A_438 = tpu.vector_load %get3A_436[%get3A_437] {strides = array<i32>} : memref<3136xf32, #tpu.memory_space<vmem>>, vector<16xf32>,
      %add3A_439 = arith.addf %add3A_434, %get3A_438 : vector<16xf32>
      %get3A_440 = arith.constant 3136 : i32
      %get3A_441 = tpu.memref_slice %arg6[%get3A_440] : memref<10000xf32, #tpu.memory_space<vmem>> -> memref<3136xf32, #tpu.memory_space<vmem>>
      %get3A_442 = arith.index_cast %mul3A_430 : i32 to index
      %get3A_443 = tpu.vector_load %get3A_441[%get3A_442] {strides = array<i32>} : memref<3136xf32, #tpu.memory_space<vmem>>, vector<16xf32>,
      %add3A_444 = arith.addf %add3A_439, %get3A_443 : vector<16xf32>
      %swap3A_445 = arith.index_cast %mul3A_430 : i32 to index
      %swap3A_446 = tpu.vector_load %arg9[%swap3A_445] {strides = array<i32>} : memref<3136xf32, #tpu.memory_space<vmem>>, vector<16xf32>,
      tpu.vector_store %arg9[%swap3A_445], %add3A_444 {strides = array<i32>} : memref<3136xf32, #tpu.memory_space<vmem>>, vector<16xf32>,
      %mul3A_447 = arith.constant 7 : i32
      %mul3A_448 = arith.muli %scan3A_423, %mul3A_447 : i32
      %add3A_449 = arith.constant 1 : i32
      %add3A_450 = arith.addi %mul3A_448, %add3A_449 : i32
      %mul3A_451 = arith.constant 16 : i32
      %mul3A_452 = arith.muli %add3A_450, %mul3A_451 : i32
      %get3A_453 = arith.index_cast %mul3A_452 : i32 to index
      %get3A_454 = tpu.vector_load %arg9[%get3A_453] {strides = array<i32>} : memref<3136xf32, #tpu.memory_space<vmem>>, vector<16xf32>,
      %get3A_455 = arith.index_cast %mul3A_452 : i32 to index
      %get3A_456 = tpu.vector_load %arg11[%get3A_455] {strides = array<i32>} : memref<3136xf32, #tpu.memory_space<vmem>>, vector<16xf32>,
      %add3A_457 = arith.addf %get3A_454, %get3A_456 : vector<16xf32>
      %get3A_458 = arith.constant 0 : i32
      %get3A_459 = tpu.memref_slice %arg6[%get3A_458] : memref<10000xf32, #tpu.memory_space<vmem>> -> memref<3136xf32, #tpu.memory_space<vmem>>
      %get3A_460 = arith.index_cast %mul3A_452 : i32 to index
      %get3A_461 = tpu.vector_load %get3A_459[%get3A_460] {strides = array<i32>} : memref<3136xf32, #tpu.memory_space<vmem>>, vector<16xf32>,
      %add3A_462 = arith.addf %add3A_457, %get3A_461 : vector<16xf32>
      %get3A_463 = arith.constant 3136 : i32
      %get3A_464 = tpu.memref_slice %arg6[%get3A_463] : memref<10000xf32, #tpu.memory_space<vmem>> -> memref<3136xf32, #tpu.memory_space<vmem>>
      %get3A_465 = arith.index_cast %mul3A_452 : i32 to index
      %get3A_466 = tpu.vector_load %get3A_464[%get3A_465] {strides = array<i32>} : memref<3136xf32, #tpu.memory_space<vmem>>, vector<16xf32>,
      %add3A_467 = arith.addf %add3A_462, %get3A_466 : vector<16xf32>
      %swap3A_468 = arith.index_cast %mul3A_452 : i32 to index
      %swap3A_469 = tpu.vector_load %arg9[%swap3A_468] {strides = array<i32>} : memref<3136xf32, #tpu.memory_space<vmem>>, vector<16xf32>,
      tpu.vector_store %arg9[%swap3A_468], %add3A_467 {strides = array<i32>} : memref<3136xf32, #tpu.memory_space<vmem>>, vector<16xf32>,
      %mul3A_470 = arith.constant 7 : i32
      %mul3A_471 = arith.muli %scan3A_423, %mul3A_470 : i32
      %add3A_472 = arith.constant 2 : i32
      %add3A_473 = arith.addi %mul3A_471, %add3A_472 : i32
      %mul3A_474 = arith.constant 16 : i32
      %mul3A_475 = arith.muli %add3A_473, %mul3A_474 : i32
      %get3A_476 = arith.index_cast %mul3A_475 : i32 to index
      %get3A_477 = tpu.vector_load %arg9[%get3A_476] {strides = array<i32>} : memref<3136xf32, #tpu.memory_space<vmem>>, vector<16xf32>,
      %get3A_478 = arith.index_cast %mul3A_475 : i32 to index
      %get3A_479 = tpu.vector_load %arg11[%get3A_478] {strides = array<i32>} : memref<3136xf32, #tpu.memory_space<vmem>>, vector<16xf32>,
      %add3A_480 = arith.addf %get3A_477, %get3A_479 : vector<16xf32>
      %get3A_481 = arith.constant 0 : i32
      %get3A_482 = tpu.memref_slice %arg6[%get3A_481] : memref<10000xf32, #tpu.memory_space<vmem>> -> memref<3136xf32, #tpu.memory_space<vmem>>
      %get3A_483 = arith.index_cast %mul3A_475 : i32 to index
      %get3A_484 = tpu.vector_load %get3A_482[%get3A_483] {strides = array<i32>} : memref<3136xf32, #tpu.memory_space<vmem>>, vector<16xf32>,
      %add3A_485 = arith.addf %add3A_480, %get3A_484 : vector<16xf32>
      %get3A_486 = arith.constant 3136 : i32
      %get3A_487 = tpu.memref_slice %arg6[%get3A_486] : memref<10000xf32, #tpu.memory_space<vmem>> -> memref<3136xf32, #tpu.memory_space<vmem>>
      %get3A_488 = arith.index_cast %mul3A_475 : i32 to index
      %get3A_489 = tpu.vector_load %get3A_487[%get3A_488] {strides = array<i32>} : memref<3136xf32, #tpu.memory_space<vmem>>, vector<16xf32>,
      %add3A_490 = arith.addf %add3A_485, %get3A_489 : vector<16xf32>
      %swap3A_491 = arith.index_cast %mul3A_475 : i32 to index
      %swap3A_492 = tpu.vector_load %arg9[%swap3A_491] {strides = array<i32>} : memref<3136xf32, #tpu.memory_space<vmem>>, vector<16xf32>,
      tpu.vector_store %arg9[%swap3A_491], %add3A_490 {strides = array<i32>} : memref<3136xf32, #tpu.memory_space<vmem>>, vector<16xf32>,
      %mul3A_493 = arith.constant 7 : i32
      %mul3A_494 = arith.muli %scan3A_423, %mul3A_493 : i32
      %add3A_495 = arith.constant 3 : i32
      %add3A_496 = arith.addi %mul3A_494, %add3A_495 : i32
      %mul3A_497 = arith.constant 16 : i32
      %mul3A_498 = arith.muli %add3A_496, %mul3A_497 : i32
      %get3A_499 = arith.index_cast %mul3A_498 : i32 to index
      %get3A_500 = tpu.vector_load %arg9[%get3A_499] {strides = array<i32>} : memref<3136xf32, #tpu.memory_space<vmem>>, vector<16xf32>,
      %get3A_501 = arith.index_cast %mul3A_498 : i32 to index
      %get3A_502 = tpu.vector_load %arg11[%get3A_501] {strides = array<i32>} : memref<3136xf32, #tpu.memory_space<vmem>>, vector<16xf32>,
      %add3A_503 = arith.addf %get3A_500, %get3A_502 : vector<16xf32>
      %get3A_504 = arith.constant 0 : i32
      %get3A_505 = tpu.memref_slice %arg6[%get3A_504] : memref<10000xf32, #tpu.memory_space<vmem>> -> memref<3136xf32, #tpu.memory_space<vmem>>
      %get3A_506 = arith.index_cast %mul3A_498 : i32 to index
      %get3A_507 = tpu.vector_load %get3A_505[%get3A_506] {strides = array<i32>} : memref<3136xf32, #tpu.memory_space<vmem>>, vector<16xf32>,
      %add3A_508 = arith.addf %add3A_503, %get3A_507 : vector<16xf32>
      %get3A_509 = arith.constant 3136 : i32
      %get3A_510 = tpu.memref_slice %arg6[%get3A_509] : memref<10000xf32, #tpu.memory_space<vmem>> -> memref<3136xf32, #tpu.memory_space<vmem>>
      %get3A_511 = arith.index_cast %mul3A_498 : i32 to index
      %get3A_512 = tpu.vector_load %get3A_510[%get3A_511] {strides = array<i32>} : memref<3136xf32, #tpu.memory_space<vmem>>, vector<16xf32>,
      %add3A_513 = arith.addf %add3A_508, %get3A_512 : vector<16xf32>
      %swap3A_514 = arith.index_cast %mul3A_498 : i32 to index
      %swap3A_515 = tpu.vector_load %arg9[%swap3A_514] {strides = array<i32>} : memref<3136xf32, #tpu.memory_space<vmem>>, vector<16xf32>,
      tpu.vector_store %arg9[%swap3A_514], %add3A_513 {strides = array<i32>} : memref<3136xf32, #tpu.memory_space<vmem>>, vector<16xf32>,
      %mul3A_516 = arith.constant 7 : i32
      %mul3A_517 = arith.muli %scan3A_423, %mul3A_516 : i32
      %add3A_518 = arith.constant 4 : i32
      %add3A_519 = arith.addi %mul3A_517, %add3A_518 : i32
      %mul3A_520 = arith.constant 16 : i32
      %mul3A_521 = arith.muli %add3A_519, %mul3A_520 : i32
      %get3A_522 = arith.index_cast %mul3A_521 : i32 to index
      %get3A_523 = tpu.vector_load %arg9[%get3A_522] {strides = array<i32>} : memref<3136xf32, #tpu.memory_space<vmem>>, vector<16xf32>,
      %get3A_524 = arith.index_cast %mul3A_521 : i32 to index
      %get3A_525 = tpu.vector_load %arg11[%get3A_524] {strides = array<i32>} : memref<3136xf32, #tpu.memory_space<vmem>>, vector<16xf32>,
      %add3A_526 = arith.addf %get3A_523, %get3A_525 : vector<16xf32>
      %get3A_527 = arith.constant 0 : i32
      %get3A_528 = tpu.memref_slice %arg6[%get3A_527] : memref<10000xf32, #tpu.memory_space<vmem>> -> memref<3136xf32, #tpu.memory_space<vmem>>
      %get3A_529 = arith.index_cast %mul3A_521 : i32 to index
      %get3A_530 = tpu.vector_load %get3A_528[%get3A_529] {strides = array<i32>} : memref<3136xf32, #tpu.memory_space<vmem>>, vector<16xf32>,
      %add3A_531 = arith.addf %add3A_526, %get3A_530 : vector<16xf32>
      %get3A_532 = arith.constant 3136 : i32
      %get3A_533 = tpu.memref_slice %arg6[%get3A_532] : memref<10000xf32, #tpu.memory_space<vmem>> -> memref<3136xf32, #tpu.memory_space<vmem>>
      %get3A_534 = arith.index_cast %mul3A_521 : i32 to index
      %get3A_535 = tpu.vector_load %get3A_533[%get3A_534] {strides = array<i32>} : memref<3136xf32, #tpu.memory_space<vmem>>, vector<16xf32>,
      %add3A_536 = arith.addf %add3A_531, %get3A_535 : vector<16xf32>
      %swap3A_537 = arith.index_cast %mul3A_521 : i32 to index
      %swap3A_538 = tpu.vector_load %arg9[%swap3A_537] {strides = array<i32>} : memref<3136xf32, #tpu.memory_space<vmem>>, vector<16xf32>,
      tpu.vector_store %arg9[%swap3A_537], %add3A_536 {strides = array<i32>} : memref<3136xf32, #tpu.memory_space<vmem>>, vector<16xf32>,
      %mul3A_539 = arith.constant 7 : i32
      %mul3A_540 = arith.muli %scan3A_423, %mul3A_539 : i32
      %add3A_541 = arith.constant 5 : i32
      %add3A_542 = arith.addi %mul3A_540, %add3A_541 : i32
      %mul3A_543 = arith.constant 16 : i32
      %mul3A_544 = arith.muli %add3A_542, %mul3A_543 : i32
      %get3A_545 = arith.index_cast %mul3A_544 : i32 to index
      %get3A_546 = tpu.vector_load %arg9[%get3A_545] {strides = array<i32>} : memref<3136xf32, #tpu.memory_space<vmem>>, vector<16xf32>,
      %get3A_547 = arith.index_cast %mul3A_544 : i32 to index
      %get3A_548 = tpu.vector_load %arg11[%get3A_547] {strides = array<i32>} : memref<3136xf32, #tpu.memory_space<vmem>>, vector<16xf32>,
      %add3A_549 = arith.addf %get3A_546, %get3A_548 : vector<16xf32>
      %get3A_550 = arith.constant 0 : i32
      %get3A_551 = tpu.memref_slice %arg6[%get3A_550] : memref<10000xf32, #tpu.memory_space<vmem>> -> memref<3136xf32, #tpu.memory_space<vmem>>
      %get3A_552 = arith.index_cast %mul3A_544 : i32 to index
      %get3A_553 = tpu.vector_load %get3A_551[%get3A_552] {strides = array<i32>} : memref<3136xf32, #tpu.memory_space<vmem>>, vector<16xf32>,
      %add3A_554 = arith.addf %add3A_549, %get3A_553 : vector<16xf32>
      %get3A_555 = arith.constant 3136 : i32
      %get3A_556 = tpu.memref_slice %arg6[%get3A_555] : memref<10000xf32, #tpu.memory_space<vmem>> -> memref<3136xf32, #tpu.memory_space<vmem>>
      %get3A_557 = arith.index_cast %mul3A_544 : i32 to index
      %get3A_558 = tpu.vector_load %get3A_556[%get3A_557] {strides = array<i32>} : memref<3136xf32, #tpu.memory_space<vmem>>, vector<16xf32>,
      %add3A_559 = arith.addf %add3A_554, %get3A_558 : vector<16xf32>
      %swap3A_560 = arith.index_cast %mul3A_544 : i32 to index
      %swap3A_561 = tpu.vector_load %arg9[%swap3A_560] {strides = array<i32>} : memref<3136xf32, #tpu.memory_space<vmem>>, vector<16xf32>,
      tpu.vector_store %arg9[%swap3A_560], %add3A_559 {strides = array<i32>} : memref<3136xf32, #tpu.memory_space<vmem>>, vector<16xf32>,
      %mul3A_562 = arith.constant 7 : i32
      %mul3A_563 = arith.muli %scan3A_423, %mul3A_562 : i32
      %add3A_564 = arith.constant 6 : i32
      %add3A_565 = arith.addi %mul3A_563, %add3A_564 : i32
      %mul3A_566 = arith.constant 16 : i32
      %mul3A_567 = arith.muli %add3A_565, %mul3A_566 : i32
      %get3A_568 = arith.index_cast %mul3A_567 : i32 to index
      %get3A_569 = tpu.vector_load %arg9[%get3A_568] {strides = array<i32>} : memref<3136xf32, #tpu.memory_space<vmem>>, vector<16xf32>,
      %get3A_570 = arith.index_cast %mul3A_567 : i32 to index
      %get3A_571 = tpu.vector_load %arg11[%get3A_570] {strides = array<i32>} : memref<3136xf32, #tpu.memory_space<vmem>>, vector<16xf32>,
      %add3A_572 = arith.addf %get3A_569, %get3A_571 : vector<16xf32>
      %get3A_573 = arith.constant 0 : i32
      %get3A_574 = tpu.memref_slice %arg6[%get3A_573] : memref<10000xf32, #tpu.memory_space<vmem>> -> memref<3136xf32, #tpu.memory_space<vmem>>
      %get3A_575 = arith.index_cast %mul3A_567 : i32 to index
      %get3A_576 = tpu.vector_load %get3A_574[%get3A_575] {strides = array<i32>} : memref<3136xf32, #tpu.memory_space<vmem>>, vector<16xf32>,
      %add3A_577 = arith.addf %add3A_572, %get3A_576 : vector<16xf32>
      %get3A_578 = arith.constant 3136 : i32
      %get3A_579 = tpu.memref_slice %arg6[%get3A_578] : memref<10000xf32, #tpu.memory_space<vmem>> -> memref<3136xf32, #tpu.memory_space<vmem>>
      %get3A_580 = arith.index_cast %mul3A_567 : i32 to index
      %get3A_581 = tpu.vector_load %get3A_579[%get3A_580] {strides = array<i32>} : memref<3136xf32, #tpu.memory_space<vmem>>, vector<16xf32>,
      %add3A_582 = arith.addf %add3A_577, %get3A_581 : vector<16xf32>
      %swap3A_583 = arith.index_cast %mul3A_567 : i32 to index
      %swap3A_584 = tpu.vector_load %arg9[%swap3A_583] {strides = array<i32>} : memref<3136xf32, #tpu.memory_space<vmem>>, vector<16xf32>,
      tpu.vector_store %arg9[%swap3A_583], %add3A_582 {strides = array<i32>} : memref<3136xf32, #tpu.memory_space<vmem>>, vector<16xf32>,
      %scan3A_585 = arith.constant 0 : i32
      scf.yield %scan3A_585 : i32
    }
    %scan3A_209 = arith.constant 28 : i32
    %mul3A_210 = arith.constant 3136 : i32
    %mul3A_211 = arith.muli %arg1, %mul3A_210 : i32
    %add3A_212 = arith.constant 652288 : i32
    %add3A_213 = arith.addi %add3A_212, %mul3A_211 : i32
    %dma_start3A_214 = tpu.memref_slice %arg8[%add3A_213] : memref<803840xf32, #tpu.memory_space<vmem_shared>> -> memref<3136xf32, #tpu.memory_space<vmem_shared>>
    %dma_start3A_215 = tpu.memref_slice %arg8[%add3A_213] : memref<803840xf32, #tpu.memory_space<vmem_shared>> -> memref<3136xf32, #tpu.memory_space<vmem_shared>>
    tpu.enqueue_dma source(%dma_start3A_215 : memref<3136xf32, #tpu.memory_space<vmem_shared>>) target(%arg11 : memref<3136xf32, #tpu.memory_space<vmem>>) target_semaphore(%arg20 : memref<!tpu.dma_semaphore, #tpu.memory_space<semaphore_mem>>)
    %mul3A_216 = arith.constant 3136 : i32
    %mul3A_217 = arith.muli %arg1, %mul3A_216 : i32
    %add3A_218 = arith.constant 702464 : i32
    %add3A_219 = arith.addi %add3A_218, %mul3A_217 : i32
    %dma_start3A_220 = arith.constant 0 : i32
    %dma_start3A_221 = tpu.memref_slice %arg6[%dma_start3A_220] : memref<10000xf32, #tpu.memory_space<vmem>> -> memref<3136xf32, #tpu.memory_space<vmem>>
    %dma_start3A_222 = tpu.memref_slice %arg8[%add3A_219] : memref<803840xf32, #tpu.memory_space<vmem_shared>> -> memref<3136xf32, #tpu.memory_space<vmem_shared>>
    %dma_start3A_223 = arith.constant 0 : i32
    %dma_start3A_224 = tpu.memref_slice %arg6[%dma_start3A_223] : memref<10000xf32, #tpu.memory_space<vmem>> -> memref<3136xf32, #tpu.memory_space<vmem>>
    %dma_start3A_225 = tpu.memref_slice %arg8[%add3A_219] : memref<803840xf32, #tpu.memory_space<vmem_shared>> -> memref<3136xf32, #tpu.memory_space<vmem_shared>>
    tpu.enqueue_dma source(%dma_start3A_225 : memref<3136xf32, #tpu.memory_space<vmem_shared>>) target(%dma_start3A_224 : memref<3136xf32, #tpu.memory_space<vmem>>) target_semaphore(%arg21 : memref<!tpu.dma_semaphore, #tpu.memory_space<semaphore_mem>>)
    %mul3A_226 = arith.constant 3136 : i32
    %mul3A_227 = arith.muli %arg1, %mul3A_226 : i32
    %add3A_228 = arith.constant 752640 : i32
    %add3A_229 = arith.addi %add3A_228, %mul3A_227 : i32
    %dma_start3A_230 = arith.constant 3136 : i32
    %dma_start3A_231 = tpu.memref_slice %arg6[%dma_start3A_230] : memref<10000xf32, #tpu.memory_space<vmem>> -> memref<3136xf32, #tpu.memory_space<vmem>>
    %dma_start3A_232 = tpu.memref_slice %arg8[%add3A_229] : memref<803840xf32, #tpu.memory_space<vmem_shared>> -> memref<3136xf32, #tpu.memory_space<vmem_shared>>
    %dma_start3A_233 = arith.constant 3136 : i32
    %dma_start3A_234 = tpu.memref_slice %arg6[%dma_start3A_233] : memref<10000xf32, #tpu.memory_space<vmem>> -> memref<3136xf32, #tpu.memory_space<vmem>>
    %dma_start3A_235 = tpu.memref_slice %arg8[%add3A_229] : memref<803840xf32, #tpu.memory_space<vmem_shared>> -> memref<3136xf32, #tpu.memory_space<vmem_shared>>
    tpu.enqueue_dma source(%dma_start3A_235 : memref<3136xf32, #tpu.memory_space<vmem_shared>>) target(%dma_start3A_234 : memref<3136xf32, #tpu.memory_space<vmem>>) target_semaphore(%arg22 : memref<!tpu.dma_semaphore, #tpu.memory_space<semaphore_mem>>)
    %dma_wait3A_236 = arith.constant 6272 : i32
    %dma_wait3A_237 = tpu.memref_slice %arg6[%dma_wait3A_236] : memref<10000xf32, #tpu.memory_space<vmem>> -> memref<3136xf32, #tpu.memory_space<vmem>>
    %dma_wait3A_238 = tpu.memref_slice %arg8[%add3A_166] : memref<803840xf32, #tpu.memory_space<vmem_shared>> -> memref<3136xf32, #tpu.memory_space<vmem_shared>>
    %dma_wait3A_239 = arith.constant 6272 : i32
    %dma_wait3A_240 = tpu.memref_slice %arg6[%dma_wait3A_239] : memref<10000xf32, #tpu.memory_space<vmem>> -> memref<3136xf32, #tpu.memory_space<vmem>>
    %dma_wait3A_241 = tpu.memref_slice %arg8[%add3A_166] : memref<803840xf32, #tpu.memory_space<vmem_shared>> -> memref<3136xf32, #tpu.memory_space<vmem_shared>>
    tpu.wait_dma2 semaphore(%arg23 : memref<!tpu.dma_semaphore, #tpu.memory_space<semaphore_mem>>) src(%dma_wait3A_241 : memref<3136xf32, #tpu.memory_space<vmem_shared>>) dst(%dma_wait3A_240 : memref<3136xf32, #tpu.memory_space<vmem>>)
    %dma_wait3A_242 = arith.constant 0 : i32
    %dma_wait3A_243 = tpu.memref_slice %arg15[%dma_wait3A_242] : memref<4704xf32, #tpu.memory_space<vmem>> -> memref<3136xf32, #tpu.memory_space<vmem>>
    %dma_wait3A_244 = tpu.memref_slice %arg8[%add3A_176] : memref<803840xf32, #tpu.memory_space<vmem_shared>> -> memref<3136xf32, #tpu.memory_space<vmem_shared>>
    %dma_wait3A_245 = arith.constant 0 : i32
    %dma_wait3A_246 = tpu.memref_slice %arg15[%dma_wait3A_245] : memref<4704xf32, #tpu.memory_space<vmem>> -> memref<3136xf32, #tpu.memory_space<vmem>>
    %dma_wait3A_247 = tpu.memref_slice %arg8[%add3A_176] : memref<803840xf32, #tpu.memory_space<vmem_shared>> -> memref<3136xf32, #tpu.memory_space<vmem_shared>>
    tpu.wait_dma2 semaphore(%arg24 : memref<!tpu.dma_semaphore, #tpu.memory_space<semaphore_mem>>) src(%dma_wait3A_247 : memref<3136xf32, #tpu.memory_space<vmem_shared>>) dst(%dma_wait3A_246 : memref<3136xf32, #tpu.memory_space<vmem>>)
    %dma_wait3A_248 = tpu.memref_slice %arg8[%add3A_186] : memref<803840xf32, #tpu.memory_space<vmem_shared>> -> memref<3136xf32, #tpu.memory_space<vmem_shared>>
    %dma_wait3A_249 = tpu.memref_slice %arg8[%add3A_186] : memref<803840xf32, #tpu.memory_space<vmem_shared>> -> memref<3136xf32, #tpu.memory_space<vmem_shared>>
    tpu.wait_dma2 semaphore(%arg19 : memref<!tpu.dma_semaphore, #tpu.memory_space<semaphore_mem>>) src(%dma_wait3A_249 : memref<3136xf32, #tpu.memory_space<vmem_shared>>) dst(%arg10 : memref<3136xf32, #tpu.memory_space<vmem>>)
    %scan3A_250 = arith.constant 0 : i32
    %scan3A_251 = arith.constant 0 : i32
    %scan3A_252 = arith.constant 28 : i32
    %scan3A_253 = arith.addi %scan3A_251, %scan3A_252 : i32
    %scan3A_254 = arith.constant 1 : i32
    %scan3A_255 = scf.for %scan3A_423 = %scan3A_251 to %scan3A_253 step %scan3A_254 iter_args(%scan3A_424 = %scan3A_250) -> (i32)  : i32 {
      %mul3A_425 = arith.constant 7 : i32
      %mul3A_426 = arith.muli %scan3A_423, %mul3A_425 : i32
      %add3A_427 = arith.constant 0 : i32
      %add3A_428 = arith.addi %mul3A_426, %add3A_427 : i32
      %mul3A_429 = arith.constant 16 : i32
      %mul3A_430 = arith.muli %add3A_428, %mul3A_429 : i32
      %get3A = arith.index_cast %mul3A_430 : i32 to index
      %get3A_431 = tpu.vector_load %arg9[%get3A] {strides = array<i32>} : memref<3136xf32, #tpu.memory_space<vmem>>, vector<16xf32>,
      %get3A_432 = arith.constant 6272 : i32
      %get3A_433 = tpu.memref_slice %arg6[%get3A_432] : memref<10000xf32, #tpu.memory_space<vmem>> -> memref<3136xf32, #tpu.memory_space<vmem>>
      %get3A_434 = arith.index_cast %mul3A_430 : i32 to index
      %get3A_435 = tpu.vector_load %get3A_433[%get3A_434] {strides = array<i32>} : memref<3136xf32, #tpu.memory_space<vmem>>, vector<16xf32>,
      %add3A_436 = arith.addf %get3A_431, %get3A_435 : vector<16xf32>
      %get3A_437 = arith.constant 0 : i32
      %get3A_438 = tpu.memref_slice %arg15[%get3A_437] : memref<4704xf32, #tpu.memory_space<vmem>> -> memref<3136xf32, #tpu.memory_space<vmem>>
      %get3A_439 = arith.index_cast %mul3A_430 : i32 to index
      %get3A_440 = tpu.vector_load %get3A_438[%get3A_439] {strides = array<i32>} : memref<3136xf32, #tpu.memory_space<vmem>>, vector<16xf32>,
      %add3A_441 = arith.addf %add3A_436, %get3A_440 : vector<16xf32>
      %get3A_442 = arith.index_cast %mul3A_430 : i32 to index
      %get3A_443 = tpu.vector_load %arg10[%get3A_442] {strides = array<i32>} : memref<3136xf32, #tpu.memory_space<vmem>>, vector<16xf32>,
      %add3A_444 = arith.addf %add3A_441, %get3A_443 : vector<16xf32>
      %swap3A_445 = arith.index_cast %mul3A_430 : i32 to index
      %swap3A_446 = tpu.vector_load %arg9[%swap3A_445] {strides = array<i32>} : memref<3136xf32, #tpu.memory_space<vmem>>, vector<16xf32>,
      tpu.vector_store %arg9[%swap3A_445], %add3A_444 {strides = array<i32>} : memref<3136xf32, #tpu.memory_space<vmem>>, vector<16xf32>,
      %mul3A_447 = arith.constant 7 : i32
      %mul3A_448 = arith.muli %scan3A_423, %mul3A_447 : i32
      %add3A_449 = arith.constant 1 : i32
      %add3A_450 = arith.addi %mul3A_448, %add3A_449 : i32
      %mul3A_451 = arith.constant 16 : i32
      %mul3A_452 = arith.muli %add3A_450, %mul3A_451 : i32
      %get3A_453 = arith.index_cast %mul3A_452 : i32 to index
      %get3A_454 = tpu.vector_load %arg9[%get3A_453] {strides = array<i32>} : memref<3136xf32, #tpu.memory_space<vmem>>, vector<16xf32>,
      %get3A_455 = arith.constant 6272 : i32
      %get3A_456 = tpu.memref_slice %arg6[%get3A_455] : memref<10000xf32, #tpu.memory_space<vmem>> -> memref<3136xf32, #tpu.memory_space<vmem>>
      %get3A_457 = arith.index_cast %mul3A_452 : i32 to index
      %get3A_458 = tpu.vector_load %get3A_456[%get3A_457] {strides = array<i32>} : memref<3136xf32, #tpu.memory_space<vmem>>, vector<16xf32>,
      %add3A_459 = arith.addf %get3A_454, %get3A_458 : vector<16xf32>
      %get3A_460 = arith.constant 0 : i32
      %get3A_461 = tpu.memref_slice %arg15[%get3A_460] : memref<4704xf32, #tpu.memory_space<vmem>> -> memref<3136xf32, #tpu.memory_space<vmem>>
      %get3A_462 = arith.index_cast %mul3A_452 : i32 to index
      %get3A_463 = tpu.vector_load %get3A_461[%get3A_462] {strides = array<i32>} : memref<3136xf32, #tpu.memory_space<vmem>>, vector<16xf32>,
      %add3A_464 = arith.addf %add3A_459, %get3A_463 : vector<16xf32>
      %get3A_465 = arith.index_cast %mul3A_452 : i32 to index
      %get3A_466 = tpu.vector_load %arg10[%get3A_465] {strides = array<i32>} : memref<3136xf32, #tpu.memory_space<vmem>>, vector<16xf32>,
      %add3A_467 = arith.addf %add3A_464, %get3A_466 : vector<16xf32>
      %swap3A_468 = arith.index_cast %mul3A_452 : i32 to index
      %swap3A_469 = tpu.vector_load %arg9[%swap3A_468] {strides = array<i32>} : memref<3136xf32, #tpu.memory_space<vmem>>, vector<16xf32>,
      tpu.vector_store %arg9[%swap3A_468], %add3A_467 {strides = array<i32>} : memref<3136xf32, #tpu.memory_space<vmem>>, vector<16xf32>,
      %mul3A_470 = arith.constant 7 : i32
      %mul3A_471 = arith.muli %scan3A_423, %mul3A_470 : i32
      %add3A_472 = arith.constant 2 : i32
      %add3A_473 = arith.addi %mul3A_471, %add3A_472 : i32
      %mul3A_474 = arith.constant 16 : i32
      %mul3A_475 = arith.muli %add3A_473, %mul3A_474 : i32
      %get3A_476 = arith.index_cast %mul3A_475 : i32 to index
      %get3A_477 = tpu.vector_load %arg9[%get3A_476] {strides = array<i32>} : memref<3136xf32, #tpu.memory_space<vmem>>, vector<16xf32>,
      %get3A_478 = arith.constant 6272 : i32
      %get3A_479 = tpu.memref_slice %arg6[%get3A_478] : memref<10000xf32, #tpu.memory_space<vmem>> -> memref<3136xf32, #tpu.memory_space<vmem>>
      %get3A_480 = arith.index_cast %mul3A_475 : i32 to index
      %get3A_481 = tpu.vector_load %get3A_479[%get3A_480] {strides = array<i32>} : memref<3136xf32, #tpu.memory_space<vmem>>, vector<16xf32>,
      %add3A_482 = arith.addf %get3A_477, %get3A_481 : vector<16xf32>
      %get3A_483 = arith.constant 0 : i32
      %get3A_484 = tpu.memref_slice %arg15[%get3A_483] : memref<4704xf32, #tpu.memory_space<vmem>> -> memref<3136xf32, #tpu.memory_space<vmem>>
      %get3A_485 = arith.index_cast %mul3A_475 : i32 to index
      %get3A_486 = tpu.vector_load %get3A_484[%get3A_485] {strides = array<i32>} : memref<3136xf32, #tpu.memory_space<vmem>>, vector<16xf32>,
      %add3A_487 = arith.addf %add3A_482, %get3A_486 : vector<16xf32>
      %get3A_488 = arith.index_cast %mul3A_475 : i32 to index
      %get3A_489 = tpu.vector_load %arg10[%get3A_488] {strides = array<i32>} : memref<3136xf32, #tpu.memory_space<vmem>>, vector<16xf32>,
      %add3A_490 = arith.addf %add3A_487, %get3A_489 : vector<16xf32>
      %swap3A_491 = arith.index_cast %mul3A_475 : i32 to index
      %swap3A_492 = tpu.vector_load %arg9[%swap3A_491] {strides = array<i32>} : memref<3136xf32, #tpu.memory_space<vmem>>, vector<16xf32>,
      tpu.vector_store %arg9[%swap3A_491], %add3A_490 {strides = array<i32>} : memref<3136xf32, #tpu.memory_space<vmem>>, vector<16xf32>,
      %mul3A_493 = arith.constant 7 : i32
      %mul3A_494 = arith.muli %scan3A_423, %mul3A_493 : i32
      %add3A_495 = arith.constant 3 : i32
      %add3A_496 = arith.addi %mul3A_494, %add3A_495 : i32
      %mul3A_497 = arith.constant 16 : i32
      %mul3A_498 = arith.muli %add3A_496, %mul3A_497 : i32
      %get3A_499 = arith.index_cast %mul3A_498 : i32 to index
      %get3A_500 = tpu.vector_load %arg9[%get3A_499] {strides = array<i32>} : memref<3136xf32, #tpu.memory_space<vmem>>, vector<16xf32>,
      %get3A_501 = arith.constant 6272 : i32
      %get3A_502 = tpu.memref_slice %arg6[%get3A_501] : memref<10000xf32, #tpu.memory_space<vmem>> -> memref<3136xf32, #tpu.memory_space<vmem>>
      %get3A_503 = arith.index_cast %mul3A_498 : i32 to index
      %get3A_504 = tpu.vector_load %get3A_502[%get3A_503] {strides = array<i32>} : memref<3136xf32, #tpu.memory_space<vmem>>, vector<16xf32>,
      %add3A_505 = arith.addf %get3A_500, %get3A_504 : vector<16xf32>
      %get3A_506 = arith.constant 0 : i32
      %get3A_507 = tpu.memref_slice %arg15[%get3A_506] : memref<4704xf32, #tpu.memory_space<vmem>> -> memref<3136xf32, #tpu.memory_space<vmem>>
      %get3A_508 = arith.index_cast %mul3A_498 : i32 to index
      %get3A_509 = tpu.vector_load %get3A_507[%get3A_508] {strides = array<i32>} : memref<3136xf32, #tpu.memory_space<vmem>>, vector<16xf32>,
      %add3A_510 = arith.addf %add3A_505, %get3A_509 : vector<16xf32>
      %get3A_511 = arith.index_cast %mul3A_498 : i32 to index
      %get3A_512 = tpu.vector_load %arg10[%get3A_511] {strides = array<i32>} : memref<3136xf32, #tpu.memory_space<vmem>>, vector<16xf32>,
      %add3A_513 = arith.addf %add3A_510, %get3A_512 : vector<16xf32>
      %swap3A_514 = arith.index_cast %mul3A_498 : i32 to index
      %swap3A_515 = tpu.vector_load %arg9[%swap3A_514] {strides = array<i32>} : memref<3136xf32, #tpu.memory_space<vmem>>, vector<16xf32>,
      tpu.vector_store %arg9[%swap3A_514], %add3A_513 {strides = array<i32>} : memref<3136xf32, #tpu.memory_space<vmem>>, vector<16xf32>,
      %mul3A_516 = arith.constant 7 : i32
      %mul3A_517 = arith.muli %scan3A_423, %mul3A_516 : i32
      %add3A_518 = arith.constant 4 : i32
      %add3A_519 = arith.addi %mul3A_517, %add3A_518 : i32
      %mul3A_520 = arith.constant 16 : i32
      %mul3A_521 = arith.muli %add3A_519, %mul3A_520 : i32
      %get3A_522 = arith.index_cast %mul3A_521 : i32 to index
      %get3A_523 = tpu.vector_load %arg9[%get3A_522] {strides = array<i32>} : memref<3136xf32, #tpu.memory_space<vmem>>, vector<16xf32>,
      %get3A_524 = arith.constant 6272 : i32
      %get3A_525 = tpu.memref_slice %arg6[%get3A_524] : memref<10000xf32, #tpu.memory_space<vmem>> -> memref<3136xf32, #tpu.memory_space<vmem>>
      %get3A_526 = arith.index_cast %mul3A_521 : i32 to index
      %get3A_527 = tpu.vector_load %get3A_525[%get3A_526] {strides = array<i32>} : memref<3136xf32, #tpu.memory_space<vmem>>, vector<16xf32>,
      %add3A_528 = arith.addf %get3A_523, %get3A_527 : vector<16xf32>
      %get3A_529 = arith.constant 0 : i32
      %get3A_530 = tpu.memref_slice %arg15[%get3A_529] : memref<4704xf32, #tpu.memory_space<vmem>> -> memref<3136xf32, #tpu.memory_space<vmem>>
      %get3A_531 = arith.index_cast %mul3A_521 : i32 to index
      %get3A_532 = tpu.vector_load %get3A_530[%get3A_531] {strides = array<i32>} : memref<3136xf32, #tpu.memory_space<vmem>>, vector<16xf32>,
      %add3A_533 = arith.addf %add3A_528, %get3A_532 : vector<16xf32>
      %get3A_534 = arith.index_cast %mul3A_521 : i32 to index
      %get3A_535 = tpu.vector_load %arg10[%get3A_534] {strides = array<i32>} : memref<3136xf32, #tpu.memory_space<vmem>>, vector<16xf32>,
      %add3A_536 = arith.addf %add3A_533, %get3A_535 : vector<16xf32>
      %swap3A_537 = arith.index_cast %mul3A_521 : i32 to index
      %swap3A_538 = tpu.vector_load %arg9[%swap3A_537] {strides = array<i32>} : memref<3136xf32, #tpu.memory_space<vmem>>, vector<16xf32>,
      tpu.vector_store %arg9[%swap3A_537], %add3A_536 {strides = array<i32>} : memref<3136xf32, #tpu.memory_space<vmem>>, vector<16xf32>,
      %mul3A_539 = arith.constant 7 : i32
      %mul3A_540 = arith.muli %scan3A_423, %mul3A_539 : i32
      %add3A_541 = arith.constant 5 : i32
      %add3A_542 = arith.addi %mul3A_540, %add3A_541 : i32
      %mul3A_543 = arith.constant 16 : i32
      %mul3A_544 = arith.muli %add3A_542, %mul3A_543 : i32
      %get3A_545 = arith.index_cast %mul3A_544 : i32 to index
      %get3A_546 = tpu.vector_load %arg9[%get3A_545] {strides = array<i32>} : memref<3136xf32, #tpu.memory_space<vmem>>, vector<16xf32>,
      %get3A_547 = arith.constant 6272 : i32
      %get3A_548 = tpu.memref_slice %arg6[%get3A_547] : memref<10000xf32, #tpu.memory_space<vmem>> -> memref<3136xf32, #tpu.memory_space<vmem>>
      %get3A_549 = arith.index_cast %mul3A_544 : i32 to index
      %get3A_550 = tpu.vector_load %get3A_548[%get3A_549] {strides = array<i32>} : memref<3136xf32, #tpu.memory_space<vmem>>, vector<16xf32>,
      %add3A_551 = arith.addf %get3A_546, %get3A_550 : vector<16xf32>
      %get3A_552 = arith.constant 0 : i32
      %get3A_553 = tpu.memref_slice %arg15[%get3A_552] : memref<4704xf32, #tpu.memory_space<vmem>> -> memref<3136xf32, #tpu.memory_space<vmem>>
      %get3A_554 = arith.index_cast %mul3A_544 : i32 to index
      %get3A_555 = tpu.vector_load %get3A_553[%get3A_554] {strides = array<i32>} : memref<3136xf32, #tpu.memory_space<vmem>>, vector<16xf32>,
      %add3A_556 = arith.addf %add3A_551, %get3A_555 : vector<16xf32>
      %get3A_557 = arith.index_cast %mul3A_544 : i32 to index
      %get3A_558 = tpu.vector_load %arg10[%get3A_557] {strides = array<i32>} : memref<3136xf32, #tpu.memory_space<vmem>>, vector<16xf32>,
      %add3A_559 = arith.addf %add3A_556, %get3A_558 : vector<16xf32>
      %swap3A_560 = arith.index_cast %mul3A_544 : i32 to index
      %swap3A_561 = tpu.vector_load %arg9[%swap3A_560] {strides = array<i32>} : memref<3136xf32, #tpu.memory_space<vmem>>, vector<16xf32>,
      tpu.vector_store %arg9[%swap3A_560], %add3A_559 {strides = array<i32>} : memref<3136xf32, #tpu.memory_space<vmem>>, vector<16xf32>,
      %mul3A_562 = arith.constant 7 : i32
      %mul3A_563 = arith.muli %scan3A_423, %mul3A_562 : i32
      %add3A_564 = arith.constant 6 : i32
      %add3A_565 = arith.addi %mul3A_563, %add3A_564 : i32
      %mul3A_566 = arith.constant 16 : i32
      %mul3A_567 = arith.muli %add3A_565, %mul3A_566 : i32
      %get3A_568 = arith.index_cast %mul3A_567 : i32 to index
      %get3A_569 = tpu.vector_load %arg9[%get3A_568] {strides = array<i32>} : memref<3136xf32, #tpu.memory_space<vmem>>, vector<16xf32>,
      %get3A_570 = arith.constant 6272 : i32
      %get3A_571 = tpu.memref_slice %arg6[%get3A_570] : memref<10000xf32, #tpu.memory_space<vmem>> -> memref<3136xf32, #tpu.memory_space<vmem>>
      %get3A_572 = arith.index_cast %mul3A_567 : i32 to index
      %get3A_573 = tpu.vector_load %get3A_571[%get3A_572] {strides = array<i32>} : memref<3136xf32, #tpu.memory_space<vmem>>, vector<16xf32>,
      %add3A_574 = arith.addf %get3A_569, %get3A_573 : vector<16xf32>
      %get3A_575 = arith.constant 0 : i32
      %get3A_576 = tpu.memref_slice %arg15[%get3A_575] : memref<4704xf32, #tpu.memory_space<vmem>> -> memref<3136xf32, #tpu.memory_space<vmem>>
      %get3A_577 = arith.index_cast %mul3A_567 : i32 to index
      %get3A_578 = tpu.vector_load %get3A_576[%get3A_577] {strides = array<i32>} : memref<3136xf32, #tpu.memory_space<vmem>>, vector<16xf32>,
      %add3A_579 = arith.addf %add3A_574, %get3A_578 : vector<16xf32>
      %get3A_580 = arith.index_cast %mul3A_567 : i32 to index
      %get3A_581 = tpu.vector_load %arg10[%get3A_580] {strides = array<i32>} : memref<3136xf32, #tpu.memory_space<vmem>>, vector<16xf32>,
      %add3A_582 = arith.addf %add3A_579, %get3A_581 : vector<16xf32>
      %swap3A_583 = arith.index_cast %mul3A_567 : i32 to index
      %swap3A_584 = tpu.vector_load %arg9[%swap3A_583] {strides = array<i32>} : memref<3136xf32, #tpu.memory_space<vmem>>, vector<16xf32>,
      tpu.vector_store %arg9[%swap3A_583], %add3A_582 {strides = array<i32>} : memref<3136xf32, #tpu.memory_space<vmem>>, vector<16xf32>,
      %scan3A_585 = arith.constant 0 : i32
      scf.yield %scan3A_585 : i32
    }
    %scan3A_256 = arith.constant 28 : i32
    %dma_wait3A_257 = tpu.memref_slice %arg8[%add3A_213] : memref<803840xf32, #tpu.memory_space<vmem_shared>> -> memref<3136xf32, #tpu.memory_space<vmem_shared>>
    %dma_wait3A_258 = tpu.memref_slice %arg8[%add3A_213] : memref<803840xf32, #tpu.memory_space<vmem_shared>> -> memref<3136xf32, #tpu.memory_space<vmem_shared>>
    tpu.wait_dma2 semaphore(%arg20 : memref<!tpu.dma_semaphore, #tpu.memory_space<semaphore_mem>>) src(%dma_wait3A_258 : memref<3136xf32, #tpu.memory_space<vmem_shared>>) dst(%arg11 : memref<3136xf32, #tpu.memory_space<vmem>>)
    %dma_wait3A_259 = arith.constant 0 : i32
    %dma_wait3A_260 = tpu.memref_slice %arg6[%dma_wait3A_259] : memref<10000xf32, #tpu.memory_space<vmem>> -> memref<3136xf32, #tpu.memory_space<vmem>>
    %dma_wait3A_261 = tpu.memref_slice %arg8[%add3A_219] : memref<803840xf32, #tpu.memory_space<vmem_shared>> -> memref<3136xf32, #tpu.memory_space<vmem_shared>>
    %dma_wait3A_262 = arith.constant 0 : i32
    %dma_wait3A_263 = tpu.memref_slice %arg6[%dma_wait3A_262] : memref<10000xf32, #tpu.memory_space<vmem>> -> memref<3136xf32, #tpu.memory_space<vmem>>
    %dma_wait3A_264 = tpu.memref_slice %arg8[%add3A_219] : memref<803840xf32, #tpu.memory_space<vmem_shared>> -> memref<3136xf32, #tpu.memory_space<vmem_shared>>
    tpu.wait_dma2 semaphore(%arg21 : memref<!tpu.dma_semaphore, #tpu.memory_space<semaphore_mem>>) src(%dma_wait3A_264 : memref<3136xf32, #tpu.memory_space<vmem_shared>>) dst(%dma_wait3A_263 : memref<3136xf32, #tpu.memory_space<vmem>>)
    %dma_wait3A_265 = arith.constant 3136 : i32
    %dma_wait3A_266 = tpu.memref_slice %arg6[%dma_wait3A_265] : memref<10000xf32, #tpu.memory_space<vmem>> -> memref<3136xf32, #tpu.memory_space<vmem>>
    %dma_wait3A_267 = tpu.memref_slice %arg8[%add3A_229] : memref<803840xf32, #tpu.memory_space<vmem_shared>> -> memref<3136xf32, #tpu.memory_space<vmem_shared>>
    %dma_wait3A_268 = arith.constant 3136 : i32
    %dma_wait3A_269 = tpu.memref_slice %arg6[%dma_wait3A_268] : memref<10000xf32, #tpu.memory_space<vmem>> -> memref<3136xf32, #tpu.memory_space<vmem>>
    %dma_wait3A_270 = tpu.memref_slice %arg8[%add3A_229] : memref<803840xf32, #tpu.memory_space<vmem_shared>> -> memref<3136xf32, #tpu.memory_space<vmem_shared>>
    tpu.wait_dma2 semaphore(%arg22 : memref<!tpu.dma_semaphore, #tpu.memory_space<semaphore_mem>>) src(%dma_wait3A_270 : memref<3136xf32, #tpu.memory_space<vmem_shared>>) dst(%dma_wait3A_269 : memref<3136xf32, #tpu.memory_space<vmem>>)
    %scan3A_271 = arith.constant 0 : i32
    %scan3A_272 = arith.constant 0 : i32
    %scan3A_273 = arith.constant 28 : i32
    %scan3A_274 = arith.addi %scan3A_272, %scan3A_273 : i32
    %scan3A_275 = arith.constant 1 : i32
    %scan3A_276 = scf.for %scan3A_423 = %scan3A_272 to %scan3A_274 step %scan3A_275 iter_args(%scan3A_424 = %scan3A_271) -> (i32)  : i32 {
      %mul3A_425 = arith.constant 7 : i32
      %mul3A_426 = arith.muli %scan3A_423, %mul3A_425 : i32
      %add3A_427 = arith.constant 0 : i32
      %add3A_428 = arith.addi %mul3A_426, %add3A_427 : i32
      %mul3A_429 = arith.constant 16 : i32
      %mul3A_430 = arith.muli %add3A_428, %mul3A_429 : i32
      %get3A = arith.index_cast %mul3A_430 : i32 to index
      %get3A_431 = tpu.vector_load %arg9[%get3A] {strides = array<i32>} : memref<3136xf32, #tpu.memory_space<vmem>>, vector<16xf32>,
      %get3A_432 = arith.index_cast %mul3A_430 : i32 to index
      %get3A_433 = tpu.vector_load %arg11[%get3A_432] {strides = array<i32>} : memref<3136xf32, #tpu.memory_space<vmem>>, vector<16xf32>,
      %add3A_434 = arith.addf %get3A_431, %get3A_433 : vector<16xf32>
      %get3A_435 = arith.constant 0 : i32
      %get3A_436 = tpu.memref_slice %arg6[%get3A_435] : memref<10000xf32, #tpu.memory_space<vmem>> -> memref<3136xf32, #tpu.memory_space<vmem>>
      %get3A_437 = arith.index_cast %mul3A_430 : i32 to index
      %get3A_438 = tpu.vector_load %get3A_436[%get3A_437] {strides = array<i32>} : memref<3136xf32, #tpu.memory_space<vmem>>, vector<16xf32>,
      %add3A_439 = arith.addf %add3A_434, %get3A_438 : vector<16xf32>
      %get3A_440 = arith.constant 3136 : i32
      %get3A_441 = tpu.memref_slice %arg6[%get3A_440] : memref<10000xf32, #tpu.memory_space<vmem>> -> memref<3136xf32, #tpu.memory_space<vmem>>
      %get3A_442 = arith.index_cast %mul3A_430 : i32 to index
      %get3A_443 = tpu.vector_load %get3A_441[%get3A_442] {strides = array<i32>} : memref<3136xf32, #tpu.memory_space<vmem>>, vector<16xf32>,
      %add3A_444 = arith.addf %add3A_439, %get3A_443 : vector<16xf32>
      %swap3A_445 = arith.index_cast %mul3A_430 : i32 to index
      %swap3A_446 = tpu.vector_load %arg9[%swap3A_445] {strides = array<i32>} : memref<3136xf32, #tpu.memory_space<vmem>>, vector<16xf32>,
      tpu.vector_store %arg9[%swap3A_445], %add3A_444 {strides = array<i32>} : memref<3136xf32, #tpu.memory_space<vmem>>, vector<16xf32>,
      %mul3A_447 = arith.constant 7 : i32
      %mul3A_448 = arith.muli %scan3A_423, %mul3A_447 : i32
      %add3A_449 = arith.constant 1 : i32
      %add3A_450 = arith.addi %mul3A_448, %add3A_449 : i32
      %mul3A_451 = arith.constant 16 : i32
      %mul3A_452 = arith.muli %add3A_450, %mul3A_451 : i32
      %get3A_453 = arith.index_cast %mul3A_452 : i32 to index
      %get3A_454 = tpu.vector_load %arg9[%get3A_453] {strides = array<i32>} : memref<3136xf32, #tpu.memory_space<vmem>>, vector<16xf32>,
      %get3A_455 = arith.index_cast %mul3A_452 : i32 to index
      %get3A_456 = tpu.vector_load %arg11[%get3A_455] {strides = array<i32>} : memref<3136xf32, #tpu.memory_space<vmem>>, vector<16xf32>,
      %add3A_457 = arith.addf %get3A_454, %get3A_456 : vector<16xf32>
      %get3A_458 = arith.constant 0 : i32
      %get3A_459 = tpu.memref_slice %arg6[%get3A_458] : memref<10000xf32, #tpu.memory_space<vmem>> -> memref<3136xf32, #tpu.memory_space<vmem>>
      %get3A_460 = arith.index_cast %mul3A_452 : i32 to index
      %get3A_461 = tpu.vector_load %get3A_459[%get3A_460] {strides = array<i32>} : memref<3136xf32, #tpu.memory_space<vmem>>, vector<16xf32>,
      %add3A_462 = arith.addf %add3A_457, %get3A_461 : vector<16xf32>
      %get3A_463 = arith.constant 3136 : i32
      %get3A_464 = tpu.memref_slice %arg6[%get3A_463] : memref<10000xf32, #tpu.memory_space<vmem>> -> memref<3136xf32, #tpu.memory_space<vmem>>
      %get3A_465 = arith.index_cast %mul3A_452 : i32 to index
      %get3A_466 = tpu.vector_load %get3A_464[%get3A_465] {strides = array<i32>} : memref<3136xf32, #tpu.memory_space<vmem>>, vector<16xf32>,
      %add3A_467 = arith.addf %add3A_462, %get3A_466 : vector<16xf32>
      %swap3A_468 = arith.index_cast %mul3A_452 : i32 to index
      %swap3A_469 = tpu.vector_load %arg9[%swap3A_468] {strides = array<i32>} : memref<3136xf32, #tpu.memory_space<vmem>>, vector<16xf32>,
      tpu.vector_store %arg9[%swap3A_468], %add3A_467 {strides = array<i32>} : memref<3136xf32, #tpu.memory_space<vmem>>, vector<16xf32>,
      %mul3A_470 = arith.constant 7 : i32
      %mul3A_471 = arith.muli %scan3A_423, %mul3A_470 : i32
      %add3A_472 = arith.constant 2 : i32
      %add3A_473 = arith.addi %mul3A_471, %add3A_472 : i32
      %mul3A_474 = arith.constant 16 : i32
      %mul3A_475 = arith.muli %add3A_473, %mul3A_474 : i32
      %get3A_476 = arith.index_cast %mul3A_475 : i32 to index
      %get3A_477 = tpu.vector_load %arg9[%get3A_476] {strides = array<i32>} : memref<3136xf32, #tpu.memory_space<vmem>>, vector<16xf32>,
      %get3A_478 = arith.index_cast %mul3A_475 : i32 to index
      %get3A_479 = tpu.vector_load %arg11[%get3A_478] {strides = array<i32>} : memref<3136xf32, #tpu.memory_space<vmem>>, vector<16xf32>,
      %add3A_480 = arith.addf %get3A_477, %get3A_479 : vector<16xf32>
      %get3A_481 = arith.constant 0 : i32
      %get3A_482 = tpu.memref_slice %arg6[%get3A_481] : memref<10000xf32, #tpu.memory_space<vmem>> -> memref<3136xf32, #tpu.memory_space<vmem>>
      %get3A_483 = arith.index_cast %mul3A_475 : i32 to index
      %get3A_484 = tpu.vector_load %get3A_482[%get3A_483] {strides = array<i32>} : memref<3136xf32, #tpu.memory_space<vmem>>, vector<16xf32>,
      %add3A_485 = arith.addf %add3A_480, %get3A_484 : vector<16xf32>
      %get3A_486 = arith.constant 3136 : i32
      %get3A_487 = tpu.memref_slice %arg6[%get3A_486] : memref<10000xf32, #tpu.memory_space<vmem>> -> memref<3136xf32, #tpu.memory_space<vmem>>
      %get3A_488 = arith.index_cast %mul3A_475 : i32 to index
      %get3A_489 = tpu.vector_load %get3A_487[%get3A_488] {strides = array<i32>} : memref<3136xf32, #tpu.memory_space<vmem>>, vector<16xf32>,
      %add3A_490 = arith.addf %add3A_485, %get3A_489 : vector<16xf32>
      %swap3A_491 = arith.index_cast %mul3A_475 : i32 to index
      %swap3A_492 = tpu.vector_load %arg9[%swap3A_491] {strides = array<i32>} : memref<3136xf32, #tpu.memory_space<vmem>>, vector<16xf32>,
      tpu.vector_store %arg9[%swap3A_491], %add3A_490 {strides = array<i32>} : memref<3136xf32, #tpu.memory_space<vmem>>, vector<16xf32>,
      %mul3A_493 = arith.constant 7 : i32
      %mul3A_494 = arith.muli %scan3A_423, %mul3A_493 : i32
      %add3A_495 = arith.constant 3 : i32
      %add3A_496 = arith.addi %mul3A_494, %add3A_495 : i32
      %mul3A_497 = arith.constant 16 : i32
      %mul3A_498 = arith.muli %add3A_496, %mul3A_497 : i32
      %get3A_499 = arith.index_cast %mul3A_498 : i32 to index
      %get3A_500 = tpu.vector_load %arg9[%get3A_499] {strides = array<i32>} : memref<3136xf32, #tpu.memory_space<vmem>>, vector<16xf32>,
      %get3A_501 = arith.index_cast %mul3A_498 : i32 to index
      %get3A_502 = tpu.vector_load %arg11[%get3A_501] {strides = array<i32>} : memref<3136xf32, #tpu.memory_space<vmem>>, vector<16xf32>,
      %add3A_503 = arith.addf %get3A_500, %get3A_502 : vector<16xf32>
      %get3A_504 = arith.constant 0 : i32
      %get3A_505 = tpu.memref_slice %arg6[%get3A_504] : memref<10000xf32, #tpu.memory_space<vmem>> -> memref<3136xf32, #tpu.memory_space<vmem>>
      %get3A_506 = arith.index_cast %mul3A_498 : i32 to index
      %get3A_507 = tpu.vector_load %get3A_505[%get3A_506] {strides = array<i32>} : memref<3136xf32, #tpu.memory_space<vmem>>, vector<16xf32>,
      %add3A_508 = arith.addf %add3A_503, %get3A_507 : vector<16xf32>
      %get3A_509 = arith.constant 3136 : i32
      %get3A_510 = tpu.memref_slice %arg6[%get3A_509] : memref<10000xf32, #tpu.memory_space<vmem>> -> memref<3136xf32, #tpu.memory_space<vmem>>
      %get3A_511 = arith.index_cast %mul3A_498 : i32 to index
      %get3A_512 = tpu.vector_load %get3A_510[%get3A_511] {strides = array<i32>} : memref<3136xf32, #tpu.memory_space<vmem>>, vector<16xf32>,
      %add3A_513 = arith.addf %add3A_508, %get3A_512 : vector<16xf32>
      %swap3A_514 = arith.index_cast %mul3A_498 : i32 to index
      %swap3A_515 = tpu.vector_load %arg9[%swap3A_514] {strides = array<i32>} : memref<3136xf32, #tpu.memory_space<vmem>>, vector<16xf32>,
      tpu.vector_store %arg9[%swap3A_514], %add3A_513 {strides = array<i32>} : memref<3136xf32, #tpu.memory_space<vmem>>, vector<16xf32>,
      %mul3A_516 = arith.constant 7 : i32
      %mul3A_517 = arith.muli %scan3A_423, %mul3A_516 : i32
      %add3A_518 = arith.constant 4 : i32
      %add3A_519 = arith.addi %mul3A_517, %add3A_518 : i32
      %mul3A_520 = arith.constant 16 : i32
      %mul3A_521 = arith.muli %add3A_519, %mul3A_520 : i32
      %get3A_522 = arith.index_cast %mul3A_521 : i32 to index
      %get3A_523 = tpu.vector_load %arg9[%get3A_522] {strides = array<i32>} : memref<3136xf32, #tpu.memory_space<vmem>>, vector<16xf32>,
      %get3A_524 = arith.index_cast %mul3A_521 : i32 to index
      %get3A_525 = tpu.vector_load %arg11[%get3A_524] {strides = array<i32>} : memref<3136xf32, #tpu.memory_space<vmem>>, vector<16xf32>,
      %add3A_526 = arith.addf %get3A_523, %get3A_525 : vector<16xf32>
      %get3A_527 = arith.constant 0 : i32
      %get3A_528 = tpu.memref_slice %arg6[%get3A_527] : memref<10000xf32, #tpu.memory_space<vmem>> -> memref<3136xf32, #tpu.memory_space<vmem>>
      %get3A_529 = arith.index_cast %mul3A_521 : i32 to index
      %get3A_530 = tpu.vector_load %get3A_528[%get3A_529] {strides = array<i32>} : memref<3136xf32, #tpu.memory_space<vmem>>, vector<16xf32>,
      %add3A_531 = arith.addf %add3A_526, %get3A_530 : vector<16xf32>
      %get3A_532 = arith.constant 3136 : i32
      %get3A_533 = tpu.memref_slice %arg6[%get3A_532] : memref<10000xf32, #tpu.memory_space<vmem>> -> memref<3136xf32, #tpu.memory_space<vmem>>
      %get3A_534 = arith.index_cast %mul3A_521 : i32 to index
      %get3A_535 = tpu.vector_load %get3A_533[%get3A_534] {strides = array<i32>} : memref<3136xf32, #tpu.memory_space<vmem>>, vector<16xf32>,
      %add3A_536 = arith.addf %add3A_531, %get3A_535 : vector<16xf32>
      %swap3A_537 = arith.index_cast %mul3A_521 : i32 to index
      %swap3A_538 = tpu.vector_load %arg9[%swap3A_537] {strides = array<i32>} : memref<3136xf32, #tpu.memory_space<vmem>>, vector<16xf32>,
      tpu.vector_store %arg9[%swap3A_537], %add3A_536 {strides = array<i32>} : memref<3136xf32, #tpu.memory_space<vmem>>, vector<16xf32>,
      %mul3A_539 = arith.constant 7 : i32
      %mul3A_540 = arith.muli %scan3A_423, %mul3A_539 : i32
      %add3A_541 = arith.constant 5 : i32
      %add3A_542 = arith.addi %mul3A_540, %add3A_541 : i32
      %mul3A_543 = arith.constant 16 : i32
      %mul3A_544 = arith.muli %add3A_542, %mul3A_543 : i32
      %get3A_545 = arith.index_cast %mul3A_544 : i32 to index
      %get3A_546 = tpu.vector_load %arg9[%get3A_545] {strides = array<i32>} : memref<3136xf32, #tpu.memory_space<vmem>>, vector<16xf32>,
      %get3A_547 = arith.index_cast %mul3A_544 : i32 to index
      %get3A_548 = tpu.vector_load %arg11[%get3A_547] {strides = array<i32>} : memref<3136xf32, #tpu.memory_space<vmem>>, vector<16xf32>,
      %add3A_549 = arith.addf %get3A_546, %get3A_548 : vector<16xf32>
      %get3A_550 = arith.constant 0 : i32
      %get3A_551 = tpu.memref_slice %arg6[%get3A_550] : memref<10000xf32, #tpu.memory_space<vmem>> -> memref<3136xf32, #tpu.memory_space<vmem>>
      %get3A_552 = arith.index_cast %mul3A_544 : i32 to index
      %get3A_553 = tpu.vector_load %get3A_551[%get3A_552] {strides = array<i32>} : memref<3136xf32, #tpu.memory_space<vmem>>, vector<16xf32>,
      %add3A_554 = arith.addf %add3A_549, %get3A_553 : vector<16xf32>
      %get3A_555 = arith.constant 3136 : i32
      %get3A_556 = tpu.memref_slice %arg6[%get3A_555] : memref<10000xf32, #tpu.memory_space<vmem>> -> memref<3136xf32, #tpu.memory_space<vmem>>
      %get3A_557 = arith.index_cast %mul3A_544 : i32 to index
      %get3A_558 = tpu.vector_load %get3A_556[%get3A_557] {strides = array<i32>} : memref<3136xf32, #tpu.memory_space<vmem>>, vector<16xf32>,
      %add3A_559 = arith.addf %add3A_554, %get3A_558 : vector<16xf32>
      %swap3A_560 = arith.index_cast %mul3A_544 : i32 to index
      %swap3A_561 = tpu.vector_load %arg9[%swap3A_560] {strides = array<i32>} : memref<3136xf32, #tpu.memory_space<vmem>>, vector<16xf32>,
      tpu.vector_store %arg9[%swap3A_560], %add3A_559 {strides = array<i32>} : memref<3136xf32, #tpu.memory_space<vmem>>, vector<16xf32>,
      %mul3A_562 = arith.constant 7 : i32
      %mul3A_563 = arith.muli %scan3A_423, %mul3A_562 : i32
      %add3A_564 = arith.constant 6 : i32
      %add3A_565 = arith.addi %mul3A_563, %add3A_564 : i32
      %mul3A_566 = arith.constant 16 : i32
      %mul3A_567 = arith.muli %add3A_565, %mul3A_566 : i32
      %get3A_568 = arith.index_cast %mul3A_567 : i32 to index
      %get3A_569 = tpu.vector_load %arg9[%get3A_568] {strides = array<i32>} : memref<3136xf32, #tpu.memory_space<vmem>>, vector<16xf32>,
      %get3A_570 = arith.index_cast %mul3A_567 : i32 to index
      %get3A_571 = tpu.vector_load %arg11[%get3A_570] {strides = array<i32>} : memref<3136xf32, #tpu.memory_space<vmem>>, vector<16xf32>,
      %add3A_572 = arith.addf %get3A_569, %get3A_571 : vector<16xf32>
      %get3A_573 = arith.constant 0 : i32
      %get3A_574 = tpu.memref_slice %arg6[%get3A_573] : memref<10000xf32, #tpu.memory_space<vmem>> -> memref<3136xf32, #tpu.memory_space<vmem>>
      %get3A_575 = arith.index_cast %mul3A_567 : i32 to index
      %get3A_576 = tpu.vector_load %get3A_574[%get3A_575] {strides = array<i32>} : memref<3136xf32, #tpu.memory_space<vmem>>, vector<16xf32>,
      %add3A_577 = arith.addf %add3A_572, %get3A_576 : vector<16xf32>
      %get3A_578 = arith.constant 3136 : i32
      %get3A_579 = tpu.memref_slice %arg6[%get3A_578] : memref<10000xf32, #tpu.memory_space<vmem>> -> memref<3136xf32, #tpu.memory_space<vmem>>
      %get3A_580 = arith.index_cast %mul3A_567 : i32 to index
      %get3A_581 = tpu.vector_load %get3A_579[%get3A_580] {strides = array<i32>} : memref<3136xf32, #tpu.memory_space<vmem>>, vector<16xf32>,
      %add3A_582 = arith.addf %add3A_577, %get3A_581 : vector<16xf32>
      %swap3A_583 = arith.index_cast %mul3A_567 : i32 to index
      %swap3A_584 = tpu.vector_load %arg9[%swap3A_583] {strides = array<i32>} : memref<3136xf32, #tpu.memory_space<vmem>>, vector<16xf32>,
      tpu.vector_store %arg9[%swap3A_583], %add3A_582 {strides = array<i32>} : memref<3136xf32, #tpu.memory_space<vmem>>, vector<16xf32>,
      %scan3A_585 = arith.constant 0 : i32
      scf.yield %scan3A_585 : i32
    }
    %scan3A_277 = arith.constant 28 : i32
    %iota3A = tpu.iota {dimensions = array<i32: 0>} : vector<16xi32>
    %mul3A_278 = arith.constant 2 : i32
    %mul3A_279 = arith.muli %mul3A_278, %arg1 : i32
    %add3A_280 = arith.constant 0 : i32
    %add3A_281 = arith.addi %mul3A_279, %add3A_280 : i32
    %swap3A = arith.constant 0 : index
    %swap3A_282 = tpu.vector_load %arg12[%swap3A] {strides = array<i32>} : memref<16xf32, #tpu.memory_space<vmem>>, vector<16xf32>,
    tpu.vector_store %arg12[%swap3A], %broadcast_in_dim3A_0 {strides = array<i32>} : memref<16xf32, #tpu.memory_space<vmem>>, vector<16xf32>,
    %scan3A_283 = arith.constant 0 : i32
    %scan3A_284 = arith.constant 14 : i32
    %scan3A_285 = arith.addi %scan3A_283, %scan3A_284 : i32
    %scan3A_286 = arith.constant 1 : i32
    %scan3A_287 = scf.for %scan3A_423 = %scan3A_283 to %scan3A_285 step %scan3A_286 iter_args(%scan3A_424 = %broadcast_in_dim3A_0) -> (vector<16xf32>)  : i32 {
      %mul3A_425 = arith.constant 7 : i32
      %mul3A_426 = arith.muli %scan3A_423, %mul3A_425 : i32
      %add3A_427 = arith.constant 0 : i32
      %add3A_428 = arith.addi %mul3A_426, %add3A_427 : i32
      %mul3A_429 = arith.constant 16 : i32
      %mul3A_430 = arith.muli %add3A_428, %mul3A_429 : i32
      %add3A_431 = arith.constant 0 : i32
      %add3A_432 = arith.addi %add3A_431, %mul3A_430 : i32
      %get3A = arith.index_cast %add3A_432 : i32 to index
      %get3A_433 = tpu.vector_load %arg9[%get3A] {strides = array<i32>} : memref<3136xf32, #tpu.memory_space<vmem>>, vector<16xf32>,
      %mul3A_434 = arith.constant 7 : i32
      %mul3A_435 = arith.muli %scan3A_423, %mul3A_434 : i32
      %add3A_436 = arith.constant 1 : i32
      %add3A_437 = arith.addi %mul3A_435, %add3A_436 : i32
      %mul3A_438 = arith.constant 16 : i32
      %mul3A_439 = arith.muli %add3A_437, %mul3A_438 : i32
      %add3A_440 = arith.constant 0 : i32
      %add3A_441 = arith.addi %add3A_440, %mul3A_439 : i32
      %get3A_442 = arith.index_cast %add3A_441 : i32 to index
      %get3A_443 = tpu.vector_load %arg9[%get3A_442] {strides = array<i32>} : memref<3136xf32, #tpu.memory_space<vmem>>, vector<16xf32>,
      %mul3A_444 = arith.constant 7 : i32
      %mul3A_445 = arith.muli %scan3A_423, %mul3A_444 : i32
      %add3A_446 = arith.constant 2 : i32
      %add3A_447 = arith.addi %mul3A_445, %add3A_446 : i32
      %mul3A_448 = arith.constant 16 : i32
      %mul3A_449 = arith.muli %add3A_447, %mul3A_448 : i32
      %add3A_450 = arith.constant 0 : i32
      %add3A_451 = arith.addi %add3A_450, %mul3A_449 : i32
      %get3A_452 = arith.index_cast %add3A_451 : i32 to index
      %get3A_453 = tpu.vector_load %arg9[%get3A_452] {strides = array<i32>} : memref<3136xf32, #tpu.memory_space<vmem>>, vector<16xf32>,
      %mul3A_454 = arith.constant 7 : i32
      %mul3A_455 = arith.muli %scan3A_423, %mul3A_454 : i32
      %add3A_456 = arith.constant 3 : i32
      %add3A_457 = arith.addi %mul3A_455, %add3A_456 : i32
      %mul3A_458 = arith.constant 16 : i32
      %mul3A_459 = arith.muli %add3A_457, %mul3A_458 : i32
      %add3A_460 = arith.constant 0 : i32
      %add3A_461 = arith.addi %add3A_460, %mul3A_459 : i32
      %get3A_462 = arith.index_cast %add3A_461 : i32 to index
      %get3A_463 = tpu.vector_load %arg9[%get3A_462] {strides = array<i32>} : memref<3136xf32, #tpu.memory_space<vmem>>, vector<16xf32>,
      %mul3A_464 = arith.constant 7 : i32
      %mul3A_465 = arith.muli %scan3A_423, %mul3A_464 : i32
      %add3A_466 = arith.constant 4 : i32
      %add3A_467 = arith.addi %mul3A_465, %add3A_466 : i32
      %mul3A_468 = arith.constant 16 : i32
      %mul3A_469 = arith.muli %add3A_467, %mul3A_468 : i32
      %add3A_470 = arith.constant 0 : i32
      %add3A_471 = arith.addi %add3A_470, %mul3A_469 : i32
      %get3A_472 = arith.index_cast %add3A_471 : i32 to index
      %get3A_473 = tpu.vector_load %arg9[%get3A_472] {strides = array<i32>} : memref<3136xf32, #tpu.memory_space<vmem>>, vector<16xf32>,
      %mul3A_474 = arith.constant 7 : i32
      %mul3A_475 = arith.muli %scan3A_423, %mul3A_474 : i32
      %add3A_476 = arith.constant 5 : i32
      %add3A_477 = arith.addi %mul3A_475, %add3A_476 : i32
      %mul3A_478 = arith.constant 16 : i32
      %mul3A_479 = arith.muli %add3A_477, %mul3A_478 : i32
      %add3A_480 = arith.constant 0 : i32
      %add3A_481 = arith.addi %add3A_480, %mul3A_479 : i32
      %get3A_482 = arith.index_cast %add3A_481 : i32 to index
      %get3A_483 = tpu.vector_load %arg9[%get3A_482] {strides = array<i32>} : memref<3136xf32, #tpu.memory_space<vmem>>, vector<16xf32>,
      %mul3A_484 = arith.constant 7 : i32
      %mul3A_485 = arith.muli %scan3A_423, %mul3A_484 : i32
      %add3A_486 = arith.constant 6 : i32
      %add3A_487 = arith.addi %mul3A_485, %add3A_486 : i32
      %mul3A_488 = arith.constant 16 : i32
      %mul3A_489 = arith.muli %add3A_487, %mul3A_488 : i32
      %add3A_490 = arith.constant 0 : i32
      %add3A_491 = arith.addi %add3A_490, %mul3A_489 : i32
      %get3A_492 = arith.index_cast %add3A_491 : i32 to index
      %get3A_493 = tpu.vector_load %arg9[%get3A_492] {strides = array<i32>} : memref<3136xf32, #tpu.memory_space<vmem>>, vector<16xf32>,
      %min3A = arith.constant 1.500000e+01 : f32
      %min3A_494 = vector.broadcast %min3A : f32 to vector<16xf32>
      %min3A_495 = arith.minimumf %get3A_433, %min3A_494 : vector<16xf32>
      %convert_element_type3A_496 = arith.fptosi %min3A_495 : vector<16xf32> to vector<16xi32>
      %min3A_497 = arith.constant 1.500000e+01 : f32
      %min3A_498 = vector.broadcast %min3A_497 : f32 to vector<16xf32>
      %min3A_499 = arith.minimumf %get3A_443, %min3A_498 : vector<16xf32>
      %convert_element_type3A_500 = arith.fptosi %min3A_499 : vector<16xf32> to vector<16xi32>
      %min3A_501 = arith.constant 1.500000e+01 : f32
      %min3A_502 = vector.broadcast %min3A_501 : f32 to vector<16xf32>
      %min3A_503 = arith.minimumf %get3A_453, %min3A_502 : vector<16xf32>
      %convert_element_type3A_504 = arith.fptosi %min3A_503 : vector<16xf32> to vector<16xi32>
      %min3A_505 = arith.constant 1.500000e+01 : f32
      %min3A_506 = vector.broadcast %min3A_505 : f32 to vector<16xf32>
      %min3A_507 = arith.minimumf %get3A_463, %min3A_506 : vector<16xf32>
      %convert_element_type3A_508 = arith.fptosi %min3A_507 : vector<16xf32> to vector<16xi32>
      %min3A_509 = arith.constant 1.500000e+01 : f32
      %min3A_510 = vector.broadcast %min3A_509 : f32 to vector<16xf32>
      %min3A_511 = arith.minimumf %get3A_473, %min3A_510 : vector<16xf32>
      %convert_element_type3A_512 = arith.fptosi %min3A_511 : vector<16xf32> to vector<16xi32>
      %min3A_513 = arith.constant 1.500000e+01 : f32
      %min3A_514 = vector.broadcast %min3A_513 : f32 to vector<16xf32>
      %min3A_515 = arith.minimumf %get3A_483, %min3A_514 : vector<16xf32>
      %convert_element_type3A_516 = arith.fptosi %min3A_515 : vector<16xf32> to vector<16xi32>
      %min3A_517 = arith.constant 1.500000e+01 : f32
      %min3A_518 = vector.broadcast %min3A_517 : f32 to vector<16xf32>
      %min3A_519 = arith.minimumf %get3A_493, %min3A_518 : vector<16xf32>
      %convert_element_type3A_520 = arith.fptosi %min3A_519 : vector<16xf32> to vector<16xi32>
      tpu.vector_store_idx %arg12[%convert_element_type3A_496], %broadcast_in_dim3A_2 {add = true} : memref<16xf32, #tpu.memory_space<vmem>>[vector<16xi32>], vector<16xf32>,
      tpu.vector_store_idx %arg12[%convert_element_type3A_500], %broadcast_in_dim3A_2 {add = true} : memref<16xf32, #tpu.memory_space<vmem>>[vector<16xi32>], vector<16xf32>,
      tpu.vector_store_idx %arg12[%convert_element_type3A_504], %broadcast_in_dim3A_2 {add = true} : memref<16xf32, #tpu.memory_space<vmem>>[vector<16xi32>], vector<16xf32>,
      tpu.vector_store_idx %arg12[%convert_element_type3A_508], %broadcast_in_dim3A_2 {add = true} : memref<16xf32, #tpu.memory_space<vmem>>[vector<16xi32>], vector<16xf32>,
      tpu.vector_store_idx %arg12[%convert_element_type3A_512], %broadcast_in_dim3A_2 {add = true} : memref<16xf32, #tpu.memory_space<vmem>>[vector<16xi32>], vector<16xf32>,
      tpu.vector_store_idx %arg12[%convert_element_type3A_516], %broadcast_in_dim3A_2 {add = true} : memref<16xf32, #tpu.memory_space<vmem>>[vector<16xi32>], vector<16xf32>,
      tpu.vector_store_idx %arg12[%convert_element_type3A_520], %broadcast_in_dim3A_2 {add = true} : memref<16xf32, #tpu.memory_space<vmem>>[vector<16xi32>], vector<16xf32>,
      %add3A_521 = arith.addf %scan3A_424, %get3A_433 : vector<16xf32>
      %add3A_522 = arith.addf %add3A_521, %get3A_443 : vector<16xf32>
      %add3A_523 = arith.addf %add3A_522, %get3A_453 : vector<16xf32>
      %add3A_524 = arith.addf %add3A_523, %get3A_463 : vector<16xf32>
      %add3A_525 = arith.addf %add3A_524, %get3A_473 : vector<16xf32>
      %add3A_526 = arith.addf %add3A_525, %get3A_483 : vector<16xf32>
      %add3A_527 = arith.addf %add3A_526, %get3A_493 : vector<16xf32>
      scf.yield %add3A_527 : vector<16xf32>
    }
    %scan3A_288 = arith.constant 14 : i32
    %eq3A = arith.constant 31 : i32
    %eq3A_289 = arith.cmpi eq, %add3A_281, %eq3A : i32
    %convert_element_type3A = arith.extui %eq3A_289 : i1 to i32
    %cond3A = arith.constant 0 : i32
    %cond3A_290 = arith.cmpi ne, %convert_element_type3A, %cond3A : i32
    scf.if %cond3A_290 {
      %get3A = arith.constant 0 : index
      %get3A_423 = tpu.vector_load %arg12[%get3A] {strides = array<i32>} : memref<16xf32, #tpu.memory_space<vmem>>, vector<16xf32>,
      %eq3A_424 = arith.constant 0 : i32
      %eq3A_425 = vector.broadcast %eq3A_424 : i32 to vector<16xi32>
      %eq3A_426 = arith.cmpi eq, %iota3A, %eq3A_425 : vector<16xi32>
      %jit3A_427 = arith.constant 1.760000e+02 : f32
      %jit3A_428 = arith.constant 0.000000e+00 : f32
      %broadcast_in_dim3A_429 = vector.broadcast %jit3A_427 : f32 to vector<16xf32>
      %broadcast_in_dim3A_430 = vector.broadcast %jit3A_428 : f32 to vector<16xf32>
      %select_n3A_431 = arith.select %eq3A_426, %broadcast_in_dim3A_429, %broadcast_in_dim3A_430 : vector<16xi1>, vector<16xf32>
      %sub3A_432 = arith.subf %get3A_423, %select_n3A_431 : vector<16xf32>
      %swap3A_433 = arith.constant 0 : index
      %swap3A_434 = tpu.vector_load %arg12[%swap3A_433] {strides = array<i32>} : memref<16xf32, #tpu.memory_space<vmem>>, vector<16xf32>,
      tpu.vector_store %arg12[%swap3A_433], %sub3A_432 {strides = array<i32>} : memref<16xf32, #tpu.memory_space<vmem>>, vector<16xf32>,
    } else {
    }
    %mul3A_291 = arith.constant 16 : i32
    %mul3A_292 = arith.muli %add3A_281, %mul3A_291 : i32
    %add3A_293 = arith.constant 802816 : i32
    %add3A_294 = arith.addi %add3A_293, %mul3A_292 : i32
    "tpu.region"() ({
      %run_scoped3A = tpu.sem_alloc : memref<!tpu.dma_semaphore, #tpu.memory_space<semaphore_mem>>
      %dma_start3A_423 = tpu.memref_slice %arg8[%add3A_294] : memref<803840xf32, #tpu.memory_space<vmem_shared>> -> memref<16xf32, #tpu.memory_space<vmem_shared>>
      %dma_start3A_424 = tpu.memref_slice %arg8[%add3A_294] : memref<803840xf32, #tpu.memory_space<vmem_shared>> -> memref<16xf32, #tpu.memory_space<vmem_shared>>
      tpu.enqueue_dma source(%arg12 : memref<16xf32, #tpu.memory_space<vmem>>) target(%dma_start3A_424 : memref<16xf32, #tpu.memory_space<vmem_shared>>) target_semaphore(%run_scoped3A : memref<!tpu.dma_semaphore, #tpu.memory_space<semaphore_mem>>)
      %dma_wait3A_425 = tpu.memref_slice %arg8[%add3A_294] : memref<803840xf32, #tpu.memory_space<vmem_shared>> -> memref<16xf32, #tpu.memory_space<vmem_shared>>
      %dma_wait3A_426 = tpu.memref_slice %arg8[%add3A_294] : memref<803840xf32, #tpu.memory_space<vmem_shared>> -> memref<16xf32, #tpu.memory_space<vmem_shared>>
      tpu.wait_dma2 semaphore(%run_scoped3A : memref<!tpu.dma_semaphore, #tpu.memory_space<semaphore_mem>>) src(%arg12 : memref<16xf32, #tpu.memory_space<vmem>>) dst(%dma_wait3A_426 : memref<16xf32, #tpu.memory_space<vmem_shared>>)
      tpu.yield
    }) : () -> ()
    %reduce_sum3A = arith.constant true
    %reduce_sum3A_295 = vector.broadcast %reduce_sum3A : i1 to vector<16xi1>
    %reduce_sum3A_296 = tpu.scan <sum>, %scan3A_287 masked %reduce_sum3A_295 : vector<16xf32>, vector<16xi1> -> vector<16xf32>
    %reduce_sum3A_297 = vector.extract %reduce_sum3A_296[15] : f32 from vector<16xf32>
    %broadcast_in_dim3A_298 = vector.broadcast %reduce_sum3A_297 : f32 to vector<16xf32>
    %swap3A_299 = arith.constant 0 : index
    %swap3A_300 = tpu.vector_load %arg13[%swap3A_299] {strides = array<i32>} : memref<16xf32, #tpu.memory_space<vmem>>, vector<16xf32>,
    tpu.vector_store %arg13[%swap3A_299], %broadcast_in_dim3A_298 {strides = array<i32>} : memref<16xf32, #tpu.memory_space<vmem>>, vector<16xf32>,
    %mul3A_301 = arith.constant 16 : i32
    %mul3A_302 = arith.muli %add3A_281, %mul3A_301 : i32
    %add3A_303 = arith.constant 803328 : i32
    %add3A_304 = arith.addi %add3A_303, %mul3A_302 : i32
    "tpu.region"() ({
      %run_scoped3A = tpu.sem_alloc : memref<!tpu.dma_semaphore, #tpu.memory_space<semaphore_mem>>
      %dma_start3A_423 = tpu.memref_slice %arg8[%add3A_304] : memref<803840xf32, #tpu.memory_space<vmem_shared>> -> memref<16xf32, #tpu.memory_space<vmem_shared>>
      %dma_start3A_424 = tpu.memref_slice %arg8[%add3A_304] : memref<803840xf32, #tpu.memory_space<vmem_shared>> -> memref<16xf32, #tpu.memory_space<vmem_shared>>
      tpu.enqueue_dma source(%arg13 : memref<16xf32, #tpu.memory_space<vmem>>) target(%dma_start3A_424 : memref<16xf32, #tpu.memory_space<vmem_shared>>) target_semaphore(%run_scoped3A : memref<!tpu.dma_semaphore, #tpu.memory_space<semaphore_mem>>)
      %dma_wait3A_425 = tpu.memref_slice %arg8[%add3A_304] : memref<803840xf32, #tpu.memory_space<vmem_shared>> -> memref<16xf32, #tpu.memory_space<vmem_shared>>
      %dma_wait3A_426 = tpu.memref_slice %arg8[%add3A_304] : memref<803840xf32, #tpu.memory_space<vmem_shared>> -> memref<16xf32, #tpu.memory_space<vmem_shared>>
      tpu.wait_dma2 semaphore(%run_scoped3A : memref<!tpu.dma_semaphore, #tpu.memory_space<semaphore_mem>>) src(%arg13 : memref<16xf32, #tpu.memory_space<vmem>>) dst(%dma_wait3A_426 : memref<16xf32, #tpu.memory_space<vmem_shared>>)
      tpu.yield
    }) : () -> ()
    %mul3A_305 = arith.constant 2 : i32
    %mul3A_306 = arith.muli %mul3A_305, %arg1 : i32
    %add3A_307 = arith.constant 1 : i32
    %add3A_308 = arith.addi %mul3A_306, %add3A_307 : i32
    %swap3A_309 = arith.constant 0 : index
    %swap3A_310 = tpu.vector_load %arg12[%swap3A_309] {strides = array<i32>} : memref<16xf32, #tpu.memory_space<vmem>>, vector<16xf32>,
    tpu.vector_store %arg12[%swap3A_309], %broadcast_in_dim3A_0 {strides = array<i32>} : memref<16xf32, #tpu.memory_space<vmem>>, vector<16xf32>,
    %scan3A_311 = arith.constant 0 : i32
    %scan3A_312 = arith.constant 14 : i32
    %scan3A_313 = arith.addi %scan3A_311, %scan3A_312 : i32
    %scan3A_314 = arith.constant 1 : i32
    %scan3A_315 = scf.for %scan3A_423 = %scan3A_311 to %scan3A_313 step %scan3A_314 iter_args(%scan3A_424 = %broadcast_in_dim3A_0) -> (vector<16xf32>)  : i32 {
      %mul3A_425 = arith.constant 7 : i32
      %mul3A_426 = arith.muli %scan3A_423, %mul3A_425 : i32
      %add3A_427 = arith.constant 0 : i32
      %add3A_428 = arith.addi %mul3A_426, %add3A_427 : i32
      %mul3A_429 = arith.constant 16 : i32
      %mul3A_430 = arith.muli %add3A_428, %mul3A_429 : i32
      %add3A_431 = arith.constant 1568 : i32
      %add3A_432 = arith.addi %add3A_431, %mul3A_430 : i32
      %get3A = arith.index_cast %add3A_432 : i32 to index
      %get3A_433 = tpu.vector_load %arg9[%get3A] {strides = array<i32>} : memref<3136xf32, #tpu.memory_space<vmem>>, vector<16xf32>,
      %mul3A_434 = arith.constant 7 : i32
      %mul3A_435 = arith.muli %scan3A_423, %mul3A_434 : i32
      %add3A_436 = arith.constant 1 : i32
      %add3A_437 = arith.addi %mul3A_435, %add3A_436 : i32
      %mul3A_438 = arith.constant 16 : i32
      %mul3A_439 = arith.muli %add3A_437, %mul3A_438 : i32
      %add3A_440 = arith.constant 1568 : i32
      %add3A_441 = arith.addi %add3A_440, %mul3A_439 : i32
      %get3A_442 = arith.index_cast %add3A_441 : i32 to index
      %get3A_443 = tpu.vector_load %arg9[%get3A_442] {strides = array<i32>} : memref<3136xf32, #tpu.memory_space<vmem>>, vector<16xf32>,
      %mul3A_444 = arith.constant 7 : i32
      %mul3A_445 = arith.muli %scan3A_423, %mul3A_444 : i32
      %add3A_446 = arith.constant 2 : i32
      %add3A_447 = arith.addi %mul3A_445, %add3A_446 : i32
      %mul3A_448 = arith.constant 16 : i32
      %mul3A_449 = arith.muli %add3A_447, %mul3A_448 : i32
      %add3A_450 = arith.constant 1568 : i32
      %add3A_451 = arith.addi %add3A_450, %mul3A_449 : i32
      %get3A_452 = arith.index_cast %add3A_451 : i32 to index
      %get3A_453 = tpu.vector_load %arg9[%get3A_452] {strides = array<i32>} : memref<3136xf32, #tpu.memory_space<vmem>>, vector<16xf32>,
      %mul3A_454 = arith.constant 7 : i32
      %mul3A_455 = arith.muli %scan3A_423, %mul3A_454 : i32
      %add3A_456 = arith.constant 3 : i32
      %add3A_457 = arith.addi %mul3A_455, %add3A_456 : i32
      %mul3A_458 = arith.constant 16 : i32
      %mul3A_459 = arith.muli %add3A_457, %mul3A_458 : i32
      %add3A_460 = arith.constant 1568 : i32
      %add3A_461 = arith.addi %add3A_460, %mul3A_459 : i32
      %get3A_462 = arith.index_cast %add3A_461 : i32 to index
      %get3A_463 = tpu.vector_load %arg9[%get3A_462] {strides = array<i32>} : memref<3136xf32, #tpu.memory_space<vmem>>, vector<16xf32>,
      %mul3A_464 = arith.constant 7 : i32
      %mul3A_465 = arith.muli %scan3A_423, %mul3A_464 : i32
      %add3A_466 = arith.constant 4 : i32
      %add3A_467 = arith.addi %mul3A_465, %add3A_466 : i32
      %mul3A_468 = arith.constant 16 : i32
      %mul3A_469 = arith.muli %add3A_467, %mul3A_468 : i32
      %add3A_470 = arith.constant 1568 : i32
      %add3A_471 = arith.addi %add3A_470, %mul3A_469 : i32
      %get3A_472 = arith.index_cast %add3A_471 : i32 to index
      %get3A_473 = tpu.vector_load %arg9[%get3A_472] {strides = array<i32>} : memref<3136xf32, #tpu.memory_space<vmem>>, vector<16xf32>,
      %mul3A_474 = arith.constant 7 : i32
      %mul3A_475 = arith.muli %scan3A_423, %mul3A_474 : i32
      %add3A_476 = arith.constant 5 : i32
      %add3A_477 = arith.addi %mul3A_475, %add3A_476 : i32
      %mul3A_478 = arith.constant 16 : i32
      %mul3A_479 = arith.muli %add3A_477, %mul3A_478 : i32
      %add3A_480 = arith.constant 1568 : i32
      %add3A_481 = arith.addi %add3A_480, %mul3A_479 : i32
      %get3A_482 = arith.index_cast %add3A_481 : i32 to index
      %get3A_483 = tpu.vector_load %arg9[%get3A_482] {strides = array<i32>} : memref<3136xf32, #tpu.memory_space<vmem>>, vector<16xf32>,
      %mul3A_484 = arith.constant 7 : i32
      %mul3A_485 = arith.muli %scan3A_423, %mul3A_484 : i32
      %add3A_486 = arith.constant 6 : i32
      %add3A_487 = arith.addi %mul3A_485, %add3A_486 : i32
      %mul3A_488 = arith.constant 16 : i32
      %mul3A_489 = arith.muli %add3A_487, %mul3A_488 : i32
      %add3A_490 = arith.constant 1568 : i32
      %add3A_491 = arith.addi %add3A_490, %mul3A_489 : i32
      %get3A_492 = arith.index_cast %add3A_491 : i32 to index
      %get3A_493 = tpu.vector_load %arg9[%get3A_492] {strides = array<i32>} : memref<3136xf32, #tpu.memory_space<vmem>>, vector<16xf32>,
      %min3A = arith.constant 1.500000e+01 : f32
      %min3A_494 = vector.broadcast %min3A : f32 to vector<16xf32>
      %min3A_495 = arith.minimumf %get3A_433, %min3A_494 : vector<16xf32>
      %convert_element_type3A_496 = arith.fptosi %min3A_495 : vector<16xf32> to vector<16xi32>
      %min3A_497 = arith.constant 1.500000e+01 : f32
      %min3A_498 = vector.broadcast %min3A_497 : f32 to vector<16xf32>
      %min3A_499 = arith.minimumf %get3A_443, %min3A_498 : vector<16xf32>
      %convert_element_type3A_500 = arith.fptosi %min3A_499 : vector<16xf32> to vector<16xi32>
      %min3A_501 = arith.constant 1.500000e+01 : f32
      %min3A_502 = vector.broadcast %min3A_501 : f32 to vector<16xf32>
      %min3A_503 = arith.minimumf %get3A_453, %min3A_502 : vector<16xf32>
      %convert_element_type3A_504 = arith.fptosi %min3A_503 : vector<16xf32> to vector<16xi32>
      %min3A_505 = arith.constant 1.500000e+01 : f32
      %min3A_506 = vector.broadcast %min3A_505 : f32 to vector<16xf32>
      %min3A_507 = arith.minimumf %get3A_463, %min3A_506 : vector<16xf32>
      %convert_element_type3A_508 = arith.fptosi %min3A_507 : vector<16xf32> to vector<16xi32>
      %min3A_509 = arith.constant 1.500000e+01 : f32
      %min3A_510 = vector.broadcast %min3A_509 : f32 to vector<16xf32>
      %min3A_511 = arith.minimumf %get3A_473, %min3A_510 : vector<16xf32>
      %convert_element_type3A_512 = arith.fptosi %min3A_511 : vector<16xf32> to vector<16xi32>
      %min3A_513 = arith.constant 1.500000e+01 : f32
      %min3A_514 = vector.broadcast %min3A_513 : f32 to vector<16xf32>
      %min3A_515 = arith.minimumf %get3A_483, %min3A_514 : vector<16xf32>
      %convert_element_type3A_516 = arith.fptosi %min3A_515 : vector<16xf32> to vector<16xi32>
      %min3A_517 = arith.constant 1.500000e+01 : f32
      %min3A_518 = vector.broadcast %min3A_517 : f32 to vector<16xf32>
      %min3A_519 = arith.minimumf %get3A_493, %min3A_518 : vector<16xf32>
      %convert_element_type3A_520 = arith.fptosi %min3A_519 : vector<16xf32> to vector<16xi32>
      tpu.vector_store_idx %arg12[%convert_element_type3A_496], %broadcast_in_dim3A_2 {add = true} : memref<16xf32, #tpu.memory_space<vmem>>[vector<16xi32>], vector<16xf32>,
      tpu.vector_store_idx %arg12[%convert_element_type3A_500], %broadcast_in_dim3A_2 {add = true} : memref<16xf32, #tpu.memory_space<vmem>>[vector<16xi32>], vector<16xf32>,
      tpu.vector_store_idx %arg12[%convert_element_type3A_504], %broadcast_in_dim3A_2 {add = true} : memref<16xf32, #tpu.memory_space<vmem>>[vector<16xi32>], vector<16xf32>,
      tpu.vector_store_idx %arg12[%convert_element_type3A_508], %broadcast_in_dim3A_2 {add = true} : memref<16xf32, #tpu.memory_space<vmem>>[vector<16xi32>], vector<16xf32>,
      tpu.vector_store_idx %arg12[%convert_element_type3A_512], %broadcast_in_dim3A_2 {add = true} : memref<16xf32, #tpu.memory_space<vmem>>[vector<16xi32>], vector<16xf32>,
      tpu.vector_store_idx %arg12[%convert_element_type3A_516], %broadcast_in_dim3A_2 {add = true} : memref<16xf32, #tpu.memory_space<vmem>>[vector<16xi32>], vector<16xf32>,
      tpu.vector_store_idx %arg12[%convert_element_type3A_520], %broadcast_in_dim3A_2 {add = true} : memref<16xf32, #tpu.memory_space<vmem>>[vector<16xi32>], vector<16xf32>,
      %add3A_521 = arith.addf %scan3A_424, %get3A_433 : vector<16xf32>
      %add3A_522 = arith.addf %add3A_521, %get3A_443 : vector<16xf32>
      %add3A_523 = arith.addf %add3A_522, %get3A_453 : vector<16xf32>
      %add3A_524 = arith.addf %add3A_523, %get3A_463 : vector<16xf32>
      %add3A_525 = arith.addf %add3A_524, %get3A_473 : vector<16xf32>
      %add3A_526 = arith.addf %add3A_525, %get3A_483 : vector<16xf32>
      %add3A_527 = arith.addf %add3A_526, %get3A_493 : vector<16xf32>
      scf.yield %add3A_527 : vector<16xf32>
    }
    %scan3A_316 = arith.constant 14 : i32
    %eq3A_317 = arith.constant 31 : i32
    %eq3A_318 = arith.cmpi eq, %add3A_308, %eq3A_317 : i32
    %convert_element_type3A_319 = arith.extui %eq3A_318 : i1 to i32
    %cond3A_320 = arith.constant 0 : i32
    %cond3A_321 = arith.cmpi ne, %convert_element_type3A_319, %cond3A_320 : i32
    scf.if %cond3A_321 {
      %get3A = arith.constant 0 : index
      %get3A_423 = tpu.vector_load %arg12[%get3A] {strides = array<i32>} : memref<16xf32, #tpu.memory_space<vmem>>, vector<16xf32>,
      %eq3A_424 = arith.constant 0 : i32
      %eq3A_425 = vector.broadcast %eq3A_424 : i32 to vector<16xi32>
      %eq3A_426 = arith.cmpi eq, %iota3A, %eq3A_425 : vector<16xi32>
      %jit3A_427 = arith.constant 1.760000e+02 : f32
      %jit3A_428 = arith.constant 0.000000e+00 : f32
      %broadcast_in_dim3A_429 = vector.broadcast %jit3A_427 : f32 to vector<16xf32>
      %broadcast_in_dim3A_430 = vector.broadcast %jit3A_428 : f32 to vector<16xf32>
      %select_n3A_431 = arith.select %eq3A_426, %broadcast_in_dim3A_429, %broadcast_in_dim3A_430 : vector<16xi1>, vector<16xf32>
      %sub3A_432 = arith.subf %get3A_423, %select_n3A_431 : vector<16xf32>
      %swap3A_433 = arith.constant 0 : index
      %swap3A_434 = tpu.vector_load %arg12[%swap3A_433] {strides = array<i32>} : memref<16xf32, #tpu.memory_space<vmem>>, vector<16xf32>,
      tpu.vector_store %arg12[%swap3A_433], %sub3A_432 {strides = array<i32>} : memref<16xf32, #tpu.memory_space<vmem>>, vector<16xf32>,
    } else {
    }
    %mul3A_322 = arith.constant 16 : i32
    %mul3A_323 = arith.muli %add3A_308, %mul3A_322 : i32
    %add3A_324 = arith.constant 802816 : i32
    %add3A_325 = arith.addi %add3A_324, %mul3A_323 : i32
    "tpu.region"() ({
      %run_scoped3A = tpu.sem_alloc : memref<!tpu.dma_semaphore, #tpu.memory_space<semaphore_mem>>
      %dma_start3A_423 = tpu.memref_slice %arg8[%add3A_325] : memref<803840xf32, #tpu.memory_space<vmem_shared>> -> memref<16xf32, #tpu.memory_space<vmem_shared>>
      %dma_start3A_424 = tpu.memref_slice %arg8[%add3A_325] : memref<803840xf32, #tpu.memory_space<vmem_shared>> -> memref<16xf32, #tpu.memory_space<vmem_shared>>
      tpu.enqueue_dma source(%arg12 : memref<16xf32, #tpu.memory_space<vmem>>) target(%dma_start3A_424 : memref<16xf32, #tpu.memory_space<vmem_shared>>) target_semaphore(%run_scoped3A : memref<!tpu.dma_semaphore, #tpu.memory_space<semaphore_mem>>)
      %dma_wait3A_425 = tpu.memref_slice %arg8[%add3A_325] : memref<803840xf32, #tpu.memory_space<vmem_shared>> -> memref<16xf32, #tpu.memory_space<vmem_shared>>
      %dma_wait3A_426 = tpu.memref_slice %arg8[%add3A_325] : memref<803840xf32, #tpu.memory_space<vmem_shared>> -> memref<16xf32, #tpu.memory_space<vmem_shared>>
      tpu.wait_dma2 semaphore(%run_scoped3A : memref<!tpu.dma_semaphore, #tpu.memory_space<semaphore_mem>>) src(%arg12 : memref<16xf32, #tpu.memory_space<vmem>>) dst(%dma_wait3A_426 : memref<16xf32, #tpu.memory_space<vmem_shared>>)
      tpu.yield
    }) : () -> ()
    %reduce_sum3A_326 = arith.constant true
    %reduce_sum3A_327 = vector.broadcast %reduce_sum3A_326 : i1 to vector<16xi1>
    %reduce_sum3A_328 = tpu.scan <sum>, %scan3A_315 masked %reduce_sum3A_327 : vector<16xf32>, vector<16xi1> -> vector<16xf32>
    %reduce_sum3A_329 = vector.extract %reduce_sum3A_328[15] : f32 from vector<16xf32>
    %broadcast_in_dim3A_330 = vector.broadcast %reduce_sum3A_329 : f32 to vector<16xf32>
    %swap3A_331 = arith.constant 0 : index
    %swap3A_332 = tpu.vector_load %arg13[%swap3A_331] {strides = array<i32>} : memref<16xf32, #tpu.memory_space<vmem>>, vector<16xf32>,
    tpu.vector_store %arg13[%swap3A_331], %broadcast_in_dim3A_330 {strides = array<i32>} : memref<16xf32, #tpu.memory_space<vmem>>, vector<16xf32>,
    %mul3A_333 = arith.constant 16 : i32
    %mul3A_334 = arith.muli %add3A_308, %mul3A_333 : i32
    %add3A_335 = arith.constant 803328 : i32
    %add3A_336 = arith.addi %add3A_335, %mul3A_334 : i32
    "tpu.region"() ({
      %run_scoped3A = tpu.sem_alloc : memref<!tpu.dma_semaphore, #tpu.memory_space<semaphore_mem>>
      %dma_start3A_423 = tpu.memref_slice %arg8[%add3A_336] : memref<803840xf32, #tpu.memory_space<vmem_shared>> -> memref<16xf32, #tpu.memory_space<vmem_shared>>
      %dma_start3A_424 = tpu.memref_slice %arg8[%add3A_336] : memref<803840xf32, #tpu.memory_space<vmem_shared>> -> memref<16xf32, #tpu.memory_space<vmem_shared>>
      tpu.enqueue_dma source(%arg13 : memref<16xf32, #tpu.memory_space<vmem>>) target(%dma_start3A_424 : memref<16xf32, #tpu.memory_space<vmem_shared>>) target_semaphore(%run_scoped3A : memref<!tpu.dma_semaphore, #tpu.memory_space<semaphore_mem>>)
      %dma_wait3A_425 = tpu.memref_slice %arg8[%add3A_336] : memref<803840xf32, #tpu.memory_space<vmem_shared>> -> memref<16xf32, #tpu.memory_space<vmem_shared>>
      %dma_wait3A_426 = tpu.memref_slice %arg8[%add3A_336] : memref<803840xf32, #tpu.memory_space<vmem_shared>> -> memref<16xf32, #tpu.memory_space<vmem_shared>>
      tpu.wait_dma2 semaphore(%run_scoped3A : memref<!tpu.dma_semaphore, #tpu.memory_space<semaphore_mem>>) src(%arg13 : memref<16xf32, #tpu.memory_space<vmem>>) dst(%dma_wait3A_426 : memref<16xf32, #tpu.memory_space<vmem_shared>>)
      tpu.yield
    }) : () -> ()
    %barrier3A_337 = arith.constant 0 : index
    tpu.barrier barrier_id(%barrier3A_337)
    "tpu.region"() ({
      %run_scoped3A = tpu.sem_alloc : memref<!tpu.dma_semaphore, #tpu.memory_space<semaphore_mem>>
      %dma_start3A_423 = arith.constant 802816 : i32
      %dma_start3A_424 = tpu.memref_slice %arg8[%dma_start3A_423] : memref<803840xf32, #tpu.memory_space<vmem_shared>> -> memref<1024xf32, #tpu.memory_space<vmem_shared>>
      %dma_start3A_425 = arith.constant 802816 : i32
      %dma_start3A_426 = tpu.memref_slice %arg8[%dma_start3A_425] : memref<803840xf32, #tpu.memory_space<vmem_shared>> -> memref<1024xf32, #tpu.memory_space<vmem_shared>>
      tpu.enqueue_dma source(%dma_start3A_426 : memref<1024xf32, #tpu.memory_space<vmem_shared>>) target(%arg14 : memref<1024xf32, #tpu.memory_space<vmem>>) target_semaphore(%run_scoped3A : memref<!tpu.dma_semaphore, #tpu.memory_space<semaphore_mem>>)
      %dma_wait3A_427 = arith.constant 802816 : i32
      %dma_wait3A_428 = tpu.memref_slice %arg8[%dma_wait3A_427] : memref<803840xf32, #tpu.memory_space<vmem_shared>> -> memref<1024xf32, #tpu.memory_space<vmem_shared>>
      %dma_wait3A_429 = arith.constant 802816 : i32
      %dma_wait3A_430 = tpu.memref_slice %arg8[%dma_wait3A_429] : memref<803840xf32, #tpu.memory_space<vmem_shared>> -> memref<1024xf32, #tpu.memory_space<vmem_shared>>
      tpu.wait_dma2 semaphore(%run_scoped3A : memref<!tpu.dma_semaphore, #tpu.memory_space<semaphore_mem>>) src(%dma_wait3A_430 : memref<1024xf32, #tpu.memory_space<vmem_shared>>) dst(%arg14 : memref<1024xf32, #tpu.memory_space<vmem>>)
      tpu.yield
    }) : () -> ()
    %broadcast_in_dim3A_338 = arith.constant 0.000000e+00 : f32
    %broadcast_in_dim3A_339 = vector.broadcast %broadcast_in_dim3A_338 : f32 to vector<16xf32>
    %broadcast_in_dim3A_340 = arith.constant 0.000000e+00 : f32
    %broadcast_in_dim3A_341 = vector.broadcast %broadcast_in_dim3A_340 : f32 to vector<16xf32>
    %scan3A_342 = arith.constant 0 : i32
    %scan3A_343 = arith.constant 32 : i32
    %scan3A_344 = arith.addi %scan3A_342, %scan3A_343 : i32
    %scan3A_345 = arith.constant 8 : i32
    %scan3A_346:2 = scf.for %scan3A_423 = %scan3A_342 to %scan3A_344 step %scan3A_345 iter_args(%scan3A_424 = %broadcast_in_dim3A_339, %scan3A_425 = %broadcast_in_dim3A_341) -> (vector<16xf32>, vector<16xf32>)  : i32 {
      %mul3A_426 = arith.constant 16 : i32
      %mul3A_427 = arith.muli %scan3A_423, %mul3A_426 : i32
      %get3A = arith.index_cast %mul3A_427 : i32 to index
      %get3A_428 = tpu.vector_load %arg14[%get3A] {strides = array<i32>} : memref<1024xf32, #tpu.memory_space<vmem>>, vector<16xf32>,
      %add3A_429 = arith.addf %scan3A_424, %get3A_428 : vector<16xf32>
      %mul3A_430 = arith.constant 16 : i32
      %mul3A_431 = arith.muli %scan3A_423, %mul3A_430 : i32
      %add3A_432 = arith.constant 512 : i32
      %add3A_433 = arith.addi %add3A_432, %mul3A_431 : i32
      %get3A_434 = arith.index_cast %add3A_433 : i32 to index
      %get3A_435 = tpu.vector_load %arg14[%get3A_434] {strides = array<i32>} : memref<1024xf32, #tpu.memory_space<vmem>>, vector<16xf32>,
      %add3A_436 = arith.addf %scan3A_425, %get3A_435 : vector<16xf32>
      %scan3A_437 = arith.constant 1 : i32
      %scan3A_438 = arith.addi %scan3A_423, %scan3A_437 : i32
      %mul3A_439 = arith.constant 16 : i32
      %mul3A_440 = arith.muli %scan3A_438, %mul3A_439 : i32
      %get3A_441 = arith.index_cast %mul3A_440 : i32 to index
      %get3A_442 = tpu.vector_load %arg14[%get3A_441] {strides = array<i32>} : memref<1024xf32, #tpu.memory_space<vmem>>, vector<16xf32>,
      %add3A_443 = arith.addf %add3A_429, %get3A_442 : vector<16xf32>
      %mul3A_444 = arith.constant 16 : i32
      %mul3A_445 = arith.muli %scan3A_438, %mul3A_444 : i32
      %add3A_446 = arith.constant 512 : i32
      %add3A_447 = arith.addi %add3A_446, %mul3A_445 : i32
      %get3A_448 = arith.index_cast %add3A_447 : i32 to index
      %get3A_449 = tpu.vector_load %arg14[%get3A_448] {strides = array<i32>} : memref<1024xf32, #tpu.memory_space<vmem>>, vector<16xf32>,
      %add3A_450 = arith.addf %add3A_436, %get3A_449 : vector<16xf32>
      %scan3A_451 = arith.constant 2 : i32
      %scan3A_452 = arith.addi %scan3A_423, %scan3A_451 : i32
      %mul3A_453 = arith.constant 16 : i32
      %mul3A_454 = arith.muli %scan3A_452, %mul3A_453 : i32
      %get3A_455 = arith.index_cast %mul3A_454 : i32 to index
      %get3A_456 = tpu.vector_load %arg14[%get3A_455] {strides = array<i32>} : memref<1024xf32, #tpu.memory_space<vmem>>, vector<16xf32>,
      %add3A_457 = arith.addf %add3A_443, %get3A_456 : vector<16xf32>
      %mul3A_458 = arith.constant 16 : i32
      %mul3A_459 = arith.muli %scan3A_452, %mul3A_458 : i32
      %add3A_460 = arith.constant 512 : i32
      %add3A_461 = arith.addi %add3A_460, %mul3A_459 : i32
      %get3A_462 = arith.index_cast %add3A_461 : i32 to index
      %get3A_463 = tpu.vector_load %arg14[%get3A_462] {strides = array<i32>} : memref<1024xf32, #tpu.memory_space<vmem>>, vector<16xf32>,
      %add3A_464 = arith.addf %add3A_450, %get3A_463 : vector<16xf32>
      %scan3A_465 = arith.constant 3 : i32
      %scan3A_466 = arith.addi %scan3A_423, %scan3A_465 : i32
      %mul3A_467 = arith.constant 16 : i32
      %mul3A_468 = arith.muli %scan3A_466, %mul3A_467 : i32
      %get3A_469 = arith.index_cast %mul3A_468 : i32 to index
      %get3A_470 = tpu.vector_load %arg14[%get3A_469] {strides = array<i32>} : memref<1024xf32, #tpu.memory_space<vmem>>, vector<16xf32>,
      %add3A_471 = arith.addf %add3A_457, %get3A_470 : vector<16xf32>
      %mul3A_472 = arith.constant 16 : i32
      %mul3A_473 = arith.muli %scan3A_466, %mul3A_472 : i32
      %add3A_474 = arith.constant 512 : i32
      %add3A_475 = arith.addi %add3A_474, %mul3A_473 : i32
      %get3A_476 = arith.index_cast %add3A_475 : i32 to index
      %get3A_477 = tpu.vector_load %arg14[%get3A_476] {strides = array<i32>} : memref<1024xf32, #tpu.memory_space<vmem>>, vector<16xf32>,
      %add3A_478 = arith.addf %add3A_464, %get3A_477 : vector<16xf32>
      %scan3A_479 = arith.constant 4 : i32
      %scan3A_480 = arith.addi %scan3A_423, %scan3A_479 : i32
      %mul3A_481 = arith.constant 16 : i32
      %mul3A_482 = arith.muli %scan3A_480, %mul3A_481 : i32
      %get3A_483 = arith.index_cast %mul3A_482 : i32 to index
      %get3A_484 = tpu.vector_load %arg14[%get3A_483] {strides = array<i32>} : memref<1024xf32, #tpu.memory_space<vmem>>, vector<16xf32>,
      %add3A_485 = arith.addf %add3A_471, %get3A_484 : vector<16xf32>
      %mul3A_486 = arith.constant 16 : i32
      %mul3A_487 = arith.muli %scan3A_480, %mul3A_486 : i32
      %add3A_488 = arith.constant 512 : i32
      %add3A_489 = arith.addi %add3A_488, %mul3A_487 : i32
      %get3A_490 = arith.index_cast %add3A_489 : i32 to index
      %get3A_491 = tpu.vector_load %arg14[%get3A_490] {strides = array<i32>} : memref<1024xf32, #tpu.memory_space<vmem>>, vector<16xf32>,
      %add3A_492 = arith.addf %add3A_478, %get3A_491 : vector<16xf32>
      %scan3A_493 = arith.constant 5 : i32
      %scan3A_494 = arith.addi %scan3A_423, %scan3A_493 : i32
      %mul3A_495 = arith.constant 16 : i32
      %mul3A_496 = arith.muli %scan3A_494, %mul3A_495 : i32
      %get3A_497 = arith.index_cast %mul3A_496 : i32 to index
      %get3A_498 = tpu.vector_load %arg14[%get3A_497] {strides = array<i32>} : memref<1024xf32, #tpu.memory_space<vmem>>, vector<16xf32>,
      %add3A_499 = arith.addf %add3A_485, %get3A_498 : vector<16xf32>
      %mul3A_500 = arith.constant 16 : i32
      %mul3A_501 = arith.muli %scan3A_494, %mul3A_500 : i32
      %add3A_502 = arith.constant 512 : i32
      %add3A_503 = arith.addi %add3A_502, %mul3A_501 : i32
      %get3A_504 = arith.index_cast %add3A_503 : i32 to index
      %get3A_505 = tpu.vector_load %arg14[%get3A_504] {strides = array<i32>} : memref<1024xf32, #tpu.memory_space<vmem>>, vector<16xf32>,
      %add3A_506 = arith.addf %add3A_492, %get3A_505 : vector<16xf32>
      %scan3A_507 = arith.constant 6 : i32
      %scan3A_508 = arith.addi %scan3A_423, %scan3A_507 : i32
      %mul3A_509 = arith.constant 16 : i32
      %mul3A_510 = arith.muli %scan3A_508, %mul3A_509 : i32
      %get3A_511 = arith.index_cast %mul3A_510 : i32 to index
      %get3A_512 = tpu.vector_load %arg14[%get3A_511] {strides = array<i32>} : memref<1024xf32, #tpu.memory_space<vmem>>, vector<16xf32>,
      %add3A_513 = arith.addf %add3A_499, %get3A_512 : vector<16xf32>
      %mul3A_514 = arith.constant 16 : i32
      %mul3A_515 = arith.muli %scan3A_508, %mul3A_514 : i32
      %add3A_516 = arith.constant 512 : i32
      %add3A_517 = arith.addi %add3A_516, %mul3A_515 : i32
      %get3A_518 = arith.index_cast %add3A_517 : i32 to index
      %get3A_519 = tpu.vector_load %arg14[%get3A_518] {strides = array<i32>} : memref<1024xf32, #tpu.memory_space<vmem>>, vector<16xf32>,
      %add3A_520 = arith.addf %add3A_506, %get3A_519 : vector<16xf32>
      %scan3A_521 = arith.constant 7 : i32
      %scan3A_522 = arith.addi %scan3A_423, %scan3A_521 : i32
      %mul3A_523 = arith.constant 16 : i32
      %mul3A_524 = arith.muli %scan3A_522, %mul3A_523 : i32
      %get3A_525 = arith.index_cast %mul3A_524 : i32 to index
      %get3A_526 = tpu.vector_load %arg14[%get3A_525] {strides = array<i32>} : memref<1024xf32, #tpu.memory_space<vmem>>, vector<16xf32>,
      %add3A_527 = arith.addf %add3A_513, %get3A_526 : vector<16xf32>
      %mul3A_528 = arith.constant 16 : i32
      %mul3A_529 = arith.muli %scan3A_522, %mul3A_528 : i32
      %add3A_530 = arith.constant 512 : i32
      %add3A_531 = arith.addi %add3A_530, %mul3A_529 : i32
      %get3A_532 = arith.index_cast %add3A_531 : i32 to index
      %get3A_533 = tpu.vector_load %arg14[%get3A_532] {strides = array<i32>} : memref<1024xf32, #tpu.memory_space<vmem>>, vector<16xf32>,
      %add3A_534 = arith.addf %add3A_520, %get3A_533 : vector<16xf32>
      scf.yield %add3A_527, %add3A_534 : vector<16xf32>, vector<16xf32>
    }
    %scan3A_347 = arith.constant 32 : i32
    %rev3A = arith.constant 15 : i32
    %rev3A_348 = vector.broadcast %rev3A : i32 to vector<16xi32>
    %rev3A_349 = tpu.iota {dimensions = array<i32: 0>} : vector<16xi32>
    %rev3A_350 = arith.subi %rev3A_348, %rev3A_349 : vector<16xi32>
    %rev3A_351 = tpu.dynamic_gather %scan3A_346#0[%rev3A_350] in [0] : vector<16xf32>, vector<16xi32> -> vector<16xf32>
    %cumsum3A = arith.constant true
    %cumsum3A_352 = vector.broadcast %cumsum3A : i1 to vector<16xi1>
    %cumsum3A_353 = tpu.scan <sum>, %rev3A_351 masked %cumsum3A_352 : vector<16xf32>, vector<16xi1> -> vector<16xf32>
    %rev3A_354 = arith.constant 15 : i32
    %rev3A_355 = vector.broadcast %rev3A_354 : i32 to vector<16xi32>
    %rev3A_356 = tpu.iota {dimensions = array<i32: 0>} : vector<16xi32>
    %rev3A_357 = arith.subi %rev3A_355, %rev3A_356 : vector<16xi32>
    %rev3A_358 = tpu.dynamic_gather %cumsum3A_353[%rev3A_357] in [0] : vector<16xf32>, vector<16xi32> -> vector<16xf32>
    %ge3A = arith.constant 2.500000e+04 : f32
    %ge3A_359 = vector.broadcast %ge3A : f32 to vector<16xf32>
    %ge3A_360 = arith.cmpf oge, %rev3A_358, %ge3A_359 : vector<16xf32>
    %all_reduce_population_count3A = tpu.all_reduce %ge3A_360 {dim = 0 : i64, kind = #tpu.reduction_kind<sum>} : vector<16xi1> -> vector<16xi32>
    %sub3A = arith.constant 1 : i32
    %sub3A_361 = vector.broadcast %sub3A : i32 to vector<16xi32>
    %sub3A_362 = arith.subi %all_reduce_population_count3A, %sub3A_361 : vector<16xi32>
    %convert_element_type3A_363 = arith.sitofp %sub3A_362 : vector<16xi32> to vector<16xf32>
    %gt3A = arith.cmpi sgt, %iota3A, %sub3A_362 : vector<16xi32>
    %jit3A = arith.constant 0.000000e+00 : f32
    %broadcast_in_dim3A_364 = vector.broadcast %jit3A : f32 to vector<16xf32>
    %select_n3A = arith.select %gt3A, %scan3A_346#0, %broadcast_in_dim3A_364 : vector<16xi1>, vector<16xf32>
    %reduce_sum3A_365 = arith.constant true
    %reduce_sum3A_366 = vector.broadcast %reduce_sum3A_365 : i1 to vector<16xi1>
    %reduce_sum3A_367 = tpu.scan <sum>, %select_n3A masked %reduce_sum3A_366 : vector<16xf32>, vector<16xi1> -> vector<16xf32>
    %reduce_sum3A_368 = vector.extract %reduce_sum3A_367[15] : f32 from vector<16xf32>
    %sub3A_369 = arith.constant 2.500000e+04 : f32
    %sub3A_370 = arith.subf %sub3A_369, %reduce_sum3A_368 : f32
    %mul3A_371 = arith.constant 2 : i32
    %mul3A_372 = arith.muli %mul3A_371, %arg1 : i32
    %add3A_373 = arith.addi %mul3A_372, %arg0 : i32
    %scan3A_374 = arith.constant 0.000000e+00 : f32
    %scan3A_375 = arith.constant 0 : i32
    %scan3A_376 = arith.constant 32 : i32
    %scan3A_377 = arith.addi %scan3A_375, %scan3A_376 : i32
    %scan3A_378 = arith.constant 8 : i32
    %scan3A_379 = scf.for %scan3A_423 = %scan3A_375 to %scan3A_377 step %scan3A_378 iter_args(%scan3A_424 = %scan3A_374) -> (f32)  : i32 {
      %eq3A_425 = arith.cmpi eq, %iota3A, %sub3A_362 : vector<16xi32>
      %mul3A_426 = arith.constant 16 : i32
      %mul3A_427 = arith.muli %scan3A_423, %mul3A_426 : i32
      %get3A = arith.index_cast %mul3A_427 : i32 to index
      %get3A_428 = tpu.vector_load %arg14[%get3A] {strides = array<i32>} : memref<1024xf32, #tpu.memory_space<vmem>>, vector<16xf32>,
      %jit3A_429 = arith.constant 0.000000e+00 : f32
      %broadcast_in_dim3A_430 = vector.broadcast %jit3A_429 : f32 to vector<16xf32>
      %select_n3A_431 = arith.select %eq3A_425, %get3A_428, %broadcast_in_dim3A_430 : vector<16xi1>, vector<16xf32>
      %reduce_sum3A_432 = arith.constant true
      %reduce_sum3A_433 = vector.broadcast %reduce_sum3A_432 : i1 to vector<16xi1>
      %reduce_sum3A_434 = tpu.scan <sum>, %select_n3A_431 masked %reduce_sum3A_433 : vector<16xf32>, vector<16xi1> -> vector<16xf32>
      %reduce_sum3A_435 = vector.extract %reduce_sum3A_434[15] : f32 from vector<16xf32>
      %lt3A_436 = arith.cmpi slt, %scan3A_423, %add3A_373 : i32
      %jit3A_437 = arith.constant 0.000000e+00 : f32
      %select_n3A_438 = arith.select %lt3A_436, %reduce_sum3A_435, %jit3A_437 : f32
      %add3A_439 = arith.addf %scan3A_424, %select_n3A_438 : f32
      %scan3A_440 = arith.constant 1 : i32
      %scan3A_441 = arith.addi %scan3A_423, %scan3A_440 : i32
      %eq3A_442 = arith.cmpi eq, %iota3A, %sub3A_362 : vector<16xi32>
      %mul3A_443 = arith.constant 16 : i32
      %mul3A_444 = arith.muli %scan3A_441, %mul3A_443 : i32
      %get3A_445 = arith.index_cast %mul3A_444 : i32 to index
      %get3A_446 = tpu.vector_load %arg14[%get3A_445] {strides = array<i32>} : memref<1024xf32, #tpu.memory_space<vmem>>, vector<16xf32>,
      %jit3A_447 = arith.constant 0.000000e+00 : f32
      %broadcast_in_dim3A_448 = vector.broadcast %jit3A_447 : f32 to vector<16xf32>
      %select_n3A_449 = arith.select %eq3A_442, %get3A_446, %broadcast_in_dim3A_448 : vector<16xi1>, vector<16xf32>
      %reduce_sum3A_450 = arith.constant true
      %reduce_sum3A_451 = vector.broadcast %reduce_sum3A_450 : i1 to vector<16xi1>
      %reduce_sum3A_452 = tpu.scan <sum>, %select_n3A_449 masked %reduce_sum3A_451 : vector<16xf32>, vector<16xi1> -> vector<16xf32>
      %reduce_sum3A_453 = vector.extract %reduce_sum3A_452[15] : f32 from vector<16xf32>
      %lt3A_454 = arith.cmpi slt, %scan3A_441, %add3A_373 : i32
      %jit3A_455 = arith.constant 0.000000e+00 : f32
      %select_n3A_456 = arith.select %lt3A_454, %reduce_sum3A_453, %jit3A_455 : f32
      %add3A_457 = arith.addf %add3A_439, %select_n3A_456 : f32
      %scan3A_458 = arith.constant 2 : i32
      %scan3A_459 = arith.addi %scan3A_423, %scan3A_458 : i32
      %eq3A_460 = arith.cmpi eq, %iota3A, %sub3A_362 : vector<16xi32>
      %mul3A_461 = arith.constant 16 : i32
      %mul3A_462 = arith.muli %scan3A_459, %mul3A_461 : i32
      %get3A_463 = arith.index_cast %mul3A_462 : i32 to index
      %get3A_464 = tpu.vector_load %arg14[%get3A_463] {strides = array<i32>} : memref<1024xf32, #tpu.memory_space<vmem>>, vector<16xf32>,
      %jit3A_465 = arith.constant 0.000000e+00 : f32
      %broadcast_in_dim3A_466 = vector.broadcast %jit3A_465 : f32 to vector<16xf32>
      %select_n3A_467 = arith.select %eq3A_460, %get3A_464, %broadcast_in_dim3A_466 : vector<16xi1>, vector<16xf32>
      %reduce_sum3A_468 = arith.constant true
      %reduce_sum3A_469 = vector.broadcast %reduce_sum3A_468 : i1 to vector<16xi1>
      %reduce_sum3A_470 = tpu.scan <sum>, %select_n3A_467 masked %reduce_sum3A_469 : vector<16xf32>, vector<16xi1> -> vector<16xf32>
      %reduce_sum3A_471 = vector.extract %reduce_sum3A_470[15] : f32 from vector<16xf32>
      %lt3A_472 = arith.cmpi slt, %scan3A_459, %add3A_373 : i32
      %jit3A_473 = arith.constant 0.000000e+00 : f32
      %select_n3A_474 = arith.select %lt3A_472, %reduce_sum3A_471, %jit3A_473 : f32
      %add3A_475 = arith.addf %add3A_457, %select_n3A_474 : f32
      %scan3A_476 = arith.constant 3 : i32
      %scan3A_477 = arith.addi %scan3A_423, %scan3A_476 : i32
      %eq3A_478 = arith.cmpi eq, %iota3A, %sub3A_362 : vector<16xi32>
      %mul3A_479 = arith.constant 16 : i32
      %mul3A_480 = arith.muli %scan3A_477, %mul3A_479 : i32
      %get3A_481 = arith.index_cast %mul3A_480 : i32 to index
      %get3A_482 = tpu.vector_load %arg14[%get3A_481] {strides = array<i32>} : memref<1024xf32, #tpu.memory_space<vmem>>, vector<16xf32>,
      %jit3A_483 = arith.constant 0.000000e+00 : f32
      %broadcast_in_dim3A_484 = vector.broadcast %jit3A_483 : f32 to vector<16xf32>
      %select_n3A_485 = arith.select %eq3A_478, %get3A_482, %broadcast_in_dim3A_484 : vector<16xi1>, vector<16xf32>
      %reduce_sum3A_486 = arith.constant true
      %reduce_sum3A_487 = vector.broadcast %reduce_sum3A_486 : i1 to vector<16xi1>
      %reduce_sum3A_488 = tpu.scan <sum>, %select_n3A_485 masked %reduce_sum3A_487 : vector<16xf32>, vector<16xi1> -> vector<16xf32>
      %reduce_sum3A_489 = vector.extract %reduce_sum3A_488[15] : f32 from vector<16xf32>
      %lt3A_490 = arith.cmpi slt, %scan3A_477, %add3A_373 : i32
      %jit3A_491 = arith.constant 0.000000e+00 : f32
      %select_n3A_492 = arith.select %lt3A_490, %reduce_sum3A_489, %jit3A_491 : f32
      %add3A_493 = arith.addf %add3A_475, %select_n3A_492 : f32
      %scan3A_494 = arith.constant 4 : i32
      %scan3A_495 = arith.addi %scan3A_423, %scan3A_494 : i32
      %eq3A_496 = arith.cmpi eq, %iota3A, %sub3A_362 : vector<16xi32>
      %mul3A_497 = arith.constant 16 : i32
      %mul3A_498 = arith.muli %scan3A_495, %mul3A_497 : i32
      %get3A_499 = arith.index_cast %mul3A_498 : i32 to index
      %get3A_500 = tpu.vector_load %arg14[%get3A_499] {strides = array<i32>} : memref<1024xf32, #tpu.memory_space<vmem>>, vector<16xf32>,
      %jit3A_501 = arith.constant 0.000000e+00 : f32
      %broadcast_in_dim3A_502 = vector.broadcast %jit3A_501 : f32 to vector<16xf32>
      %select_n3A_503 = arith.select %eq3A_496, %get3A_500, %broadcast_in_dim3A_502 : vector<16xi1>, vector<16xf32>
      %reduce_sum3A_504 = arith.constant true
      %reduce_sum3A_505 = vector.broadcast %reduce_sum3A_504 : i1 to vector<16xi1>
      %reduce_sum3A_506 = tpu.scan <sum>, %select_n3A_503 masked %reduce_sum3A_505 : vector<16xf32>, vector<16xi1> -> vector<16xf32>
      %reduce_sum3A_507 = vector.extract %reduce_sum3A_506[15] : f32 from vector<16xf32>
      %lt3A_508 = arith.cmpi slt, %scan3A_495, %add3A_373 : i32
      %jit3A_509 = arith.constant 0.000000e+00 : f32
      %select_n3A_510 = arith.select %lt3A_508, %reduce_sum3A_507, %jit3A_509 : f32
      %add3A_511 = arith.addf %add3A_493, %select_n3A_510 : f32
      %scan3A_512 = arith.constant 5 : i32
      %scan3A_513 = arith.addi %scan3A_423, %scan3A_512 : i32
      %eq3A_514 = arith.cmpi eq, %iota3A, %sub3A_362 : vector<16xi32>
      %mul3A_515 = arith.constant 16 : i32
      %mul3A_516 = arith.muli %scan3A_513, %mul3A_515 : i32
      %get3A_517 = arith.index_cast %mul3A_516 : i32 to index
      %get3A_518 = tpu.vector_load %arg14[%get3A_517] {strides = array<i32>} : memref<1024xf32, #tpu.memory_space<vmem>>, vector<16xf32>,
      %jit3A_519 = arith.constant 0.000000e+00 : f32
      %broadcast_in_dim3A_520 = vector.broadcast %jit3A_519 : f32 to vector<16xf32>
      %select_n3A_521 = arith.select %eq3A_514, %get3A_518, %broadcast_in_dim3A_520 : vector<16xi1>, vector<16xf32>
      %reduce_sum3A_522 = arith.constant true
      %reduce_sum3A_523 = vector.broadcast %reduce_sum3A_522 : i1 to vector<16xi1>
      %reduce_sum3A_524 = tpu.scan <sum>, %select_n3A_521 masked %reduce_sum3A_523 : vector<16xf32>, vector<16xi1> -> vector<16xf32>
      %reduce_sum3A_525 = vector.extract %reduce_sum3A_524[15] : f32 from vector<16xf32>
      %lt3A_526 = arith.cmpi slt, %scan3A_513, %add3A_373 : i32
      %jit3A_527 = arith.constant 0.000000e+00 : f32
      %select_n3A_528 = arith.select %lt3A_526, %reduce_sum3A_525, %jit3A_527 : f32
      %add3A_529 = arith.addf %add3A_511, %select_n3A_528 : f32
      %scan3A_530 = arith.constant 6 : i32
      %scan3A_531 = arith.addi %scan3A_423, %scan3A_530 : i32
      %eq3A_532 = arith.cmpi eq, %iota3A, %sub3A_362 : vector<16xi32>
      %mul3A_533 = arith.constant 16 : i32
      %mul3A_534 = arith.muli %scan3A_531, %mul3A_533 : i32
      %get3A_535 = arith.index_cast %mul3A_534 : i32 to index
      %get3A_536 = tpu.vector_load %arg14[%get3A_535] {strides = array<i32>} : memref<1024xf32, #tpu.memory_space<vmem>>, vector<16xf32>,
      %jit3A_537 = arith.constant 0.000000e+00 : f32
      %broadcast_in_dim3A_538 = vector.broadcast %jit3A_537 : f32 to vector<16xf32>
      %select_n3A_539 = arith.select %eq3A_532, %get3A_536, %broadcast_in_dim3A_538 : vector<16xi1>, vector<16xf32>
      %reduce_sum3A_540 = arith.constant true
      %reduce_sum3A_541 = vector.broadcast %reduce_sum3A_540 : i1 to vector<16xi1>
      %reduce_sum3A_542 = tpu.scan <sum>, %select_n3A_539 masked %reduce_sum3A_541 : vector<16xf32>, vector<16xi1> -> vector<16xf32>
      %reduce_sum3A_543 = vector.extract %reduce_sum3A_542[15] : f32 from vector<16xf32>
      %lt3A_544 = arith.cmpi slt, %scan3A_531, %add3A_373 : i32
      %jit3A_545 = arith.constant 0.000000e+00 : f32
      %select_n3A_546 = arith.select %lt3A_544, %reduce_sum3A_543, %jit3A_545 : f32
      %add3A_547 = arith.addf %add3A_529, %select_n3A_546 : f32
      %scan3A_548 = arith.constant 7 : i32
      %scan3A_549 = arith.addi %scan3A_423, %scan3A_548 : i32
      %eq3A_550 = arith.cmpi eq, %iota3A, %sub3A_362 : vector<16xi32>
      %mul3A_551 = arith.constant 16 : i32
      %mul3A_552 = arith.muli %scan3A_549, %mul3A_551 : i32
      %get3A_553 = arith.index_cast %mul3A_552 : i32 to index
      %get3A_554 = tpu.vector_load %arg14[%get3A_553] {strides = array<i32>} : memref<1024xf32, #tpu.memory_space<vmem>>, vector<16xf32>,
      %jit3A_555 = arith.constant 0.000000e+00 : f32
      %broadcast_in_dim3A_556 = vector.broadcast %jit3A_555 : f32 to vector<16xf32>
      %select_n3A_557 = arith.select %eq3A_550, %get3A_554, %broadcast_in_dim3A_556 : vector<16xi1>, vector<16xf32>
      %reduce_sum3A_558 = arith.constant true
      %reduce_sum3A_559 = vector.broadcast %reduce_sum3A_558 : i1 to vector<16xi1>
      %reduce_sum3A_560 = tpu.scan <sum>, %select_n3A_557 masked %reduce_sum3A_559 : vector<16xf32>, vector<16xi1> -> vector<16xf32>
      %reduce_sum3A_561 = vector.extract %reduce_sum3A_560[15] : f32 from vector<16xf32>
      %lt3A_562 = arith.cmpi slt, %scan3A_549, %add3A_373 : i32
      %jit3A_563 = arith.constant 0.000000e+00 : f32
      %select_n3A_564 = arith.select %lt3A_562, %reduce_sum3A_561, %jit3A_563 : f32
      %add3A_565 = arith.addf %add3A_547, %select_n3A_564 : f32
      scf.yield %add3A_565 : f32
    }
    %scan3A_380 = arith.constant 32 : i32
    %mul3A_381 = arith.constant 1568 : i32
    %mul3A_382 = arith.muli %arg0, %mul3A_381 : i32
    %scan3A_383 = arith.constant 0 : i32
    %scan3A_384 = arith.constant 0 : i32
    %scan3A_385 = arith.constant 14 : i32
    %scan3A_386 = arith.addi %scan3A_384, %scan3A_385 : i32
    %scan3A_387 = arith.constant 1 : i32
    %scan3A_388 = scf.for %scan3A_423 = %scan3A_384 to %scan3A_386 step %scan3A_387 iter_args(%scan3A_424 = %scan3A_383) -> (i32)  : i32 {
      %mul3A_425 = arith.constant 7 : i32
      %mul3A_426 = arith.muli %scan3A_423, %mul3A_425 : i32
      %add3A_427 = arith.constant 0 : i32
      %add3A_428 = arith.addi %mul3A_426, %add3A_427 : i32
      %mul3A_429 = arith.constant 16 : i32
      %mul3A_430 = arith.muli %add3A_428, %mul3A_429 : i32
      %add3A_431 = arith.addi %mul3A_382, %mul3A_430 : i32
      %get3A = arith.index_cast %add3A_431 : i32 to index
      %get3A_432 = tpu.vector_load %arg9[%get3A] {strides = array<i32>} : memref<3136xf32, #tpu.memory_space<vmem>>, vector<16xf32>,
      %eq3A_433 = arith.cmpf oeq, %get3A_432, %convert_element_type3A_363 : vector<16xf32>
      %convert_element_type3A_434 = arith.extui %eq3A_433 : vector<16xi1> to vector<16xi32>
      %convert_element_type3A_435 = arith.sitofp %convert_element_type3A_434 : vector<16xi32> to vector<16xf32>
      %div3A = arith.divf %get3A_432, %scan3A_346#1 : vector<16xf32>
      %mul3A_436 = arith.constant 16 : i32
      %mul3A_437 = arith.muli %add3A_428, %mul3A_436 : i32
      %swap3A_438 = arith.index_cast %mul3A_437 : i32 to index
      %swap3A_439 = tpu.vector_load %arg15[%swap3A_438] {strides = array<i32>} : memref<4704xf32, #tpu.memory_space<vmem>>, vector<16xf32>,
      tpu.vector_store %arg15[%swap3A_438], %div3A {strides = array<i32>} : memref<4704xf32, #tpu.memory_space<vmem>>, vector<16xf32>,
      %cumsum3A_440 = arith.constant true
      %cumsum3A_441 = vector.broadcast %cumsum3A_440 : i1 to vector<16xi1>
      %cumsum3A_442 = tpu.scan <sum>, %convert_element_type3A_435 masked %cumsum3A_441 : vector<16xf32>, vector<16xi1> -> vector<16xf32>
      %mul3A_443 = arith.constant 16 : i32
      %mul3A_444 = arith.muli %add3A_428, %mul3A_443 : i32
      %swap3A_445 = arith.index_cast %mul3A_444 : i32 to index
      %swap3A_446 = tpu.vector_load %arg16[%swap3A_445] {strides = array<i32>} : memref<1792xf32, #tpu.memory_space<vmem>>, vector<16xf32>,
      tpu.vector_store %arg16[%swap3A_445], %cumsum3A_442 {strides = array<i32>} : memref<1792xf32, #tpu.memory_space<vmem>>, vector<16xf32>,
      %mul3A_447 = arith.constant 7 : i32
      %mul3A_448 = arith.muli %scan3A_423, %mul3A_447 : i32
      %add3A_449 = arith.constant 1 : i32
      %add3A_450 = arith.addi %mul3A_448, %add3A_449 : i32
      %mul3A_451 = arith.constant 16 : i32
      %mul3A_452 = arith.muli %add3A_450, %mul3A_451 : i32
      %add3A_453 = arith.addi %mul3A_382, %mul3A_452 : i32
      %get3A_454 = arith.index_cast %add3A_453 : i32 to index
      %get3A_455 = tpu.vector_load %arg9[%get3A_454] {strides = array<i32>} : memref<3136xf32, #tpu.memory_space<vmem>>, vector<16xf32>,
      %eq3A_456 = arith.cmpf oeq, %get3A_455, %convert_element_type3A_363 : vector<16xf32>
      %convert_element_type3A_457 = arith.extui %eq3A_456 : vector<16xi1> to vector<16xi32>
      %convert_element_type3A_458 = arith.sitofp %convert_element_type3A_457 : vector<16xi32> to vector<16xf32>
      %div3A_459 = arith.divf %get3A_455, %scan3A_346#1 : vector<16xf32>
      %mul3A_460 = arith.constant 16 : i32
      %mul3A_461 = arith.muli %add3A_450, %mul3A_460 : i32
      %swap3A_462 = arith.index_cast %mul3A_461 : i32 to index
      %swap3A_463 = tpu.vector_load %arg15[%swap3A_462] {strides = array<i32>} : memref<4704xf32, #tpu.memory_space<vmem>>, vector<16xf32>,
      tpu.vector_store %arg15[%swap3A_462], %div3A_459 {strides = array<i32>} : memref<4704xf32, #tpu.memory_space<vmem>>, vector<16xf32>,
      %cumsum3A_464 = arith.constant true
      %cumsum3A_465 = vector.broadcast %cumsum3A_464 : i1 to vector<16xi1>
      %cumsum3A_466 = tpu.scan <sum>, %convert_element_type3A_458 masked %cumsum3A_465 : vector<16xf32>, vector<16xi1> -> vector<16xf32>
      %mul3A_467 = arith.constant 16 : i32
      %mul3A_468 = arith.muli %add3A_450, %mul3A_467 : i32
      %swap3A_469 = arith.index_cast %mul3A_468 : i32 to index
      %swap3A_470 = tpu.vector_load %arg16[%swap3A_469] {strides = array<i32>} : memref<1792xf32, #tpu.memory_space<vmem>>, vector<16xf32>,
      tpu.vector_store %arg16[%swap3A_469], %cumsum3A_466 {strides = array<i32>} : memref<1792xf32, #tpu.memory_space<vmem>>, vector<16xf32>,
      %mul3A_471 = arith.constant 7 : i32
      %mul3A_472 = arith.muli %scan3A_423, %mul3A_471 : i32
      %add3A_473 = arith.constant 2 : i32
      %add3A_474 = arith.addi %mul3A_472, %add3A_473 : i32
      %mul3A_475 = arith.constant 16 : i32
      %mul3A_476 = arith.muli %add3A_474, %mul3A_475 : i32
      %add3A_477 = arith.addi %mul3A_382, %mul3A_476 : i32
      %get3A_478 = arith.index_cast %add3A_477 : i32 to index
      %get3A_479 = tpu.vector_load %arg9[%get3A_478] {strides = array<i32>} : memref<3136xf32, #tpu.memory_space<vmem>>, vector<16xf32>,
      %eq3A_480 = arith.cmpf oeq, %get3A_479, %convert_element_type3A_363 : vector<16xf32>
      %convert_element_type3A_481 = arith.extui %eq3A_480 : vector<16xi1> to vector<16xi32>
      %convert_element_type3A_482 = arith.sitofp %convert_element_type3A_481 : vector<16xi32> to vector<16xf32>
      %div3A_483 = arith.divf %get3A_479, %scan3A_346#1 : vector<16xf32>
      %mul3A_484 = arith.constant 16 : i32
      %mul3A_485 = arith.muli %add3A_474, %mul3A_484 : i32
      %swap3A_486 = arith.index_cast %mul3A_485 : i32 to index
      %swap3A_487 = tpu.vector_load %arg15[%swap3A_486] {strides = array<i32>} : memref<4704xf32, #tpu.memory_space<vmem>>, vector<16xf32>,
      tpu.vector_store %arg15[%swap3A_486], %div3A_483 {strides = array<i32>} : memref<4704xf32, #tpu.memory_space<vmem>>, vector<16xf32>,
      %cumsum3A_488 = arith.constant true
      %cumsum3A_489 = vector.broadcast %cumsum3A_488 : i1 to vector<16xi1>
      %cumsum3A_490 = tpu.scan <sum>, %convert_element_type3A_482 masked %cumsum3A_489 : vector<16xf32>, vector<16xi1> -> vector<16xf32>
      %mul3A_491 = arith.constant 16 : i32
      %mul3A_492 = arith.muli %add3A_474, %mul3A_491 : i32
      %swap3A_493 = arith.index_cast %mul3A_492 : i32 to index
      %swap3A_494 = tpu.vector_load %arg16[%swap3A_493] {strides = array<i32>} : memref<1792xf32, #tpu.memory_space<vmem>>, vector<16xf32>,
      tpu.vector_store %arg16[%swap3A_493], %cumsum3A_490 {strides = array<i32>} : memref<1792xf32, #tpu.memory_space<vmem>>, vector<16xf32>,
      %mul3A_495 = arith.constant 7 : i32
      %mul3A_496 = arith.muli %scan3A_423, %mul3A_495 : i32
      %add3A_497 = arith.constant 3 : i32
      %add3A_498 = arith.addi %mul3A_496, %add3A_497 : i32
      %mul3A_499 = arith.constant 16 : i32
      %mul3A_500 = arith.muli %add3A_498, %mul3A_499 : i32
      %add3A_501 = arith.addi %mul3A_382, %mul3A_500 : i32
      %get3A_502 = arith.index_cast %add3A_501 : i32 to index
      %get3A_503 = tpu.vector_load %arg9[%get3A_502] {strides = array<i32>} : memref<3136xf32, #tpu.memory_space<vmem>>, vector<16xf32>,
      %eq3A_504 = arith.cmpf oeq, %get3A_503, %convert_element_type3A_363 : vector<16xf32>
      %convert_element_type3A_505 = arith.extui %eq3A_504 : vector<16xi1> to vector<16xi32>
      %convert_element_type3A_506 = arith.sitofp %convert_element_type3A_505 : vector<16xi32> to vector<16xf32>
      %div3A_507 = arith.divf %get3A_503, %scan3A_346#1 : vector<16xf32>
      %mul3A_508 = arith.constant 16 : i32
      %mul3A_509 = arith.muli %add3A_498, %mul3A_508 : i32
      %swap3A_510 = arith.index_cast %mul3A_509 : i32 to index
      %swap3A_511 = tpu.vector_load %arg15[%swap3A_510] {strides = array<i32>} : memref<4704xf32, #tpu.memory_space<vmem>>, vector<16xf32>,
      tpu.vector_store %arg15[%swap3A_510], %div3A_507 {strides = array<i32>} : memref<4704xf32, #tpu.memory_space<vmem>>, vector<16xf32>,
      %cumsum3A_512 = arith.constant true
      %cumsum3A_513 = vector.broadcast %cumsum3A_512 : i1 to vector<16xi1>
      %cumsum3A_514 = tpu.scan <sum>, %convert_element_type3A_506 masked %cumsum3A_513 : vector<16xf32>, vector<16xi1> -> vector<16xf32>
      %mul3A_515 = arith.constant 16 : i32
      %mul3A_516 = arith.muli %add3A_498, %mul3A_515 : i32
      %swap3A_517 = arith.index_cast %mul3A_516 : i32 to index
      %swap3A_518 = tpu.vector_load %arg16[%swap3A_517] {strides = array<i32>} : memref<1792xf32, #tpu.memory_space<vmem>>, vector<16xf32>,
      tpu.vector_store %arg16[%swap3A_517], %cumsum3A_514 {strides = array<i32>} : memref<1792xf32, #tpu.memory_space<vmem>>, vector<16xf32>,
      %mul3A_519 = arith.constant 7 : i32
      %mul3A_520 = arith.muli %scan3A_423, %mul3A_519 : i32
      %add3A_521 = arith.constant 4 : i32
      %add3A_522 = arith.addi %mul3A_520, %add3A_521 : i32
      %mul3A_523 = arith.constant 16 : i32
      %mul3A_524 = arith.muli %add3A_522, %mul3A_523 : i32
      %add3A_525 = arith.addi %mul3A_382, %mul3A_524 : i32
      %get3A_526 = arith.index_cast %add3A_525 : i32 to index
      %get3A_527 = tpu.vector_load %arg9[%get3A_526] {strides = array<i32>} : memref<3136xf32, #tpu.memory_space<vmem>>, vector<16xf32>,
      %eq3A_528 = arith.cmpf oeq, %get3A_527, %convert_element_type3A_363 : vector<16xf32>
      %convert_element_type3A_529 = arith.extui %eq3A_528 : vector<16xi1> to vector<16xi32>
      %convert_element_type3A_530 = arith.sitofp %convert_element_type3A_529 : vector<16xi32> to vector<16xf32>
      %div3A_531 = arith.divf %get3A_527, %scan3A_346#1 : vector<16xf32>
      %mul3A_532 = arith.constant 16 : i32
      %mul3A_533 = arith.muli %add3A_522, %mul3A_532 : i32
      %swap3A_534 = arith.index_cast %mul3A_533 : i32 to index
      %swap3A_535 = tpu.vector_load %arg15[%swap3A_534] {strides = array<i32>} : memref<4704xf32, #tpu.memory_space<vmem>>, vector<16xf32>,
      tpu.vector_store %arg15[%swap3A_534], %div3A_531 {strides = array<i32>} : memref<4704xf32, #tpu.memory_space<vmem>>, vector<16xf32>,
      %cumsum3A_536 = arith.constant true
      %cumsum3A_537 = vector.broadcast %cumsum3A_536 : i1 to vector<16xi1>
      %cumsum3A_538 = tpu.scan <sum>, %convert_element_type3A_530 masked %cumsum3A_537 : vector<16xf32>, vector<16xi1> -> vector<16xf32>
      %mul3A_539 = arith.constant 16 : i32
      %mul3A_540 = arith.muli %add3A_522, %mul3A_539 : i32
      %swap3A_541 = arith.index_cast %mul3A_540 : i32 to index
      %swap3A_542 = tpu.vector_load %arg16[%swap3A_541] {strides = array<i32>} : memref<1792xf32, #tpu.memory_space<vmem>>, vector<16xf32>,
      tpu.vector_store %arg16[%swap3A_541], %cumsum3A_538 {strides = array<i32>} : memref<1792xf32, #tpu.memory_space<vmem>>, vector<16xf32>,
      %mul3A_543 = arith.constant 7 : i32
      %mul3A_544 = arith.muli %scan3A_423, %mul3A_543 : i32
      %add3A_545 = arith.constant 5 : i32
      %add3A_546 = arith.addi %mul3A_544, %add3A_545 : i32
      %mul3A_547 = arith.constant 16 : i32
      %mul3A_548 = arith.muli %add3A_546, %mul3A_547 : i32
      %add3A_549 = arith.addi %mul3A_382, %mul3A_548 : i32
      %get3A_550 = arith.index_cast %add3A_549 : i32 to index
      %get3A_551 = tpu.vector_load %arg9[%get3A_550] {strides = array<i32>} : memref<3136xf32, #tpu.memory_space<vmem>>, vector<16xf32>,
      %eq3A_552 = arith.cmpf oeq, %get3A_551, %convert_element_type3A_363 : vector<16xf32>
      %convert_element_type3A_553 = arith.extui %eq3A_552 : vector<16xi1> to vector<16xi32>
      %convert_element_type3A_554 = arith.sitofp %convert_element_type3A_553 : vector<16xi32> to vector<16xf32>
      %div3A_555 = arith.divf %get3A_551, %scan3A_346#1 : vector<16xf32>
      %mul3A_556 = arith.constant 16 : i32
      %mul3A_557 = arith.muli %add3A_546, %mul3A_556 : i32
      %swap3A_558 = arith.index_cast %mul3A_557 : i32 to index
      %swap3A_559 = tpu.vector_load %arg15[%swap3A_558] {strides = array<i32>} : memref<4704xf32, #tpu.memory_space<vmem>>, vector<16xf32>,
      tpu.vector_store %arg15[%swap3A_558], %div3A_555 {strides = array<i32>} : memref<4704xf32, #tpu.memory_space<vmem>>, vector<16xf32>,
      %cumsum3A_560 = arith.constant true
      %cumsum3A_561 = vector.broadcast %cumsum3A_560 : i1 to vector<16xi1>
      %cumsum3A_562 = tpu.scan <sum>, %convert_element_type3A_554 masked %cumsum3A_561 : vector<16xf32>, vector<16xi1> -> vector<16xf32>
      %mul3A_563 = arith.constant 16 : i32
      %mul3A_564 = arith.muli %add3A_546, %mul3A_563 : i32
      %swap3A_565 = arith.index_cast %mul3A_564 : i32 to index
      %swap3A_566 = tpu.vector_load %arg16[%swap3A_565] {strides = array<i32>} : memref<1792xf32, #tpu.memory_space<vmem>>, vector<16xf32>,
      tpu.vector_store %arg16[%swap3A_565], %cumsum3A_562 {strides = array<i32>} : memref<1792xf32, #tpu.memory_space<vmem>>, vector<16xf32>,
      %mul3A_567 = arith.constant 7 : i32
      %mul3A_568 = arith.muli %scan3A_423, %mul3A_567 : i32
      %add3A_569 = arith.constant 6 : i32
      %add3A_570 = arith.addi %mul3A_568, %add3A_569 : i32
      %mul3A_571 = arith.constant 16 : i32
      %mul3A_572 = arith.muli %add3A_570, %mul3A_571 : i32
      %add3A_573 = arith.addi %mul3A_382, %mul3A_572 : i32
      %get3A_574 = arith.index_cast %add3A_573 : i32 to index
      %get3A_575 = tpu.vector_load %arg9[%get3A_574] {strides = array<i32>} : memref<3136xf32, #tpu.memory_space<vmem>>, vector<16xf32>,
      %eq3A_576 = arith.cmpf oeq, %get3A_575, %convert_element_type3A_363 : vector<16xf32>
      %convert_element_type3A_577 = arith.extui %eq3A_576 : vector<16xi1> to vector<16xi32>
      %convert_element_type3A_578 = arith.sitofp %convert_element_type3A_577 : vector<16xi32> to vector<16xf32>
      %div3A_579 = arith.divf %get3A_575, %scan3A_346#1 : vector<16xf32>
      %mul3A_580 = arith.constant 16 : i32
      %mul3A_581 = arith.muli %add3A_570, %mul3A_580 : i32
      %swap3A_582 = arith.index_cast %mul3A_581 : i32 to index
      %swap3A_583 = tpu.vector_load %arg15[%swap3A_582] {strides = array<i32>} : memref<4704xf32, #tpu.memory_space<vmem>>, vector<16xf32>,
      tpu.vector_store %arg15[%swap3A_582], %div3A_579 {strides = array<i32>} : memref<4704xf32, #tpu.memory_space<vmem>>, vector<16xf32>,
      %cumsum3A_584 = arith.constant true
      %cumsum3A_585 = vector.broadcast %cumsum3A_584 : i1 to vector<16xi1>
      %cumsum3A_586 = tpu.scan <sum>, %convert_element_type3A_578 masked %cumsum3A_585 : vector<16xf32>, vector<16xi1> -> vector<16xf32>
      %mul3A_587 = arith.constant 16 : i32
      %mul3A_588 = arith.muli %add3A_570, %mul3A_587 : i32
      %swap3A_589 = arith.index_cast %mul3A_588 : i32 to index
      %swap3A_590 = tpu.vector_load %arg16[%swap3A_589] {strides = array<i32>} : memref<1792xf32, #tpu.memory_space<vmem>>, vector<16xf32>,
      tpu.vector_store %arg16[%swap3A_589], %cumsum3A_586 {strides = array<i32>} : memref<1792xf32, #tpu.memory_space<vmem>>, vector<16xf32>,
      %scan3A_591 = arith.constant 0 : i32
      scf.yield %scan3A_591 : i32
    }
    %scan3A_389 = arith.constant 14 : i32
    %mul3A_390 = arith.constant 16 : i32
    %mul3A_391 = vector.broadcast %mul3A_390 : i32 to vector<16xi32>
    %mul3A_392 = arith.muli %iota3A, %mul3A_391 : vector<16xi32>
    %add3A_393 = arith.constant 16 : i32
    %add3A_394 = vector.broadcast %add3A_393 : i32 to vector<16xi32>
    %add3A_395 = arith.addi %mul3A_392, %add3A_394 : vector<16xi32>
    %sub3A_396 = arith.constant 1 : i32
    %sub3A_397 = vector.broadcast %sub3A_396 : i32 to vector<16xi32>
    %sub3A_398 = arith.subi %add3A_395, %sub3A_397 : vector<16xi32>
    %scan3A_399 = arith.constant 0 : i32
    %scan3A_400 = arith.constant 7 : i32
    %scan3A_401 = arith.addi %scan3A_399, %scan3A_400 : i32
    %scan3A_402 = arith.constant 1 : i32
    %scan3A_403 = scf.for %scan3A_423 = %scan3A_399 to %scan3A_401 step %scan3A_402 iter_args(%scan3A_424 = %scan3A_379) -> (f32)  : i32 {
      %mul3A_425 = arith.constant 256 : i32
      %mul3A_426 = arith.muli %scan3A_423, %mul3A_425 : i32
      %add3A_427 = vector.broadcast %mul3A_426 : i32 to vector<16xi32>
      %add3A_428 = arith.addi %sub3A_398, %add3A_427 : vector<16xi32>
      %gather3A = tpu.vector_load_idx %arg16[%add3A_428] : memref<1792xf32, #tpu.memory_space<vmem>>[vector<16xi32>], vector<16xf32>,
      %cumsum3A_429 = arith.constant true
      %cumsum3A_430 = vector.broadcast %cumsum3A_429 : i1 to vector<16xi1>
      %cumsum3A_431 = tpu.scan <sum>, %gather3A masked %cumsum3A_430 : vector<16xf32>, vector<16xi1> -> vector<16xf32>
      %sub3A_432 = arith.subf %cumsum3A_431, %gather3A : vector<16xf32>
      %add3A_433 = vector.broadcast %scan3A_424 : f32 to vector<16xf32>
      %add3A_434 = arith.addf %sub3A_432, %add3A_433 : vector<16xf32>
      %mul3A_435 = arith.constant 16 : i32
      %mul3A_436 = arith.muli %scan3A_423, %mul3A_435 : i32
      %swap3A_437 = arith.index_cast %mul3A_436 : i32 to index
      %swap3A_438 = tpu.vector_load %arg17[%swap3A_437] {strides = array<i32>} : memref<112xf32, #tpu.memory_space<vmem>>, vector<16xf32>,
      tpu.vector_store %arg17[%swap3A_437], %add3A_434 {strides = array<i32>} : memref<112xf32, #tpu.memory_space<vmem>>, vector<16xf32>,
      %reduce_sum3A_439 = arith.constant true
      %reduce_sum3A_440 = vector.broadcast %reduce_sum3A_439 : i1 to vector<16xi1>
      %reduce_sum3A_441 = tpu.scan <sum>, %gather3A masked %reduce_sum3A_440 : vector<16xf32>, vector<16xi1> -> vector<16xf32>
      %reduce_sum3A_442 = vector.extract %reduce_sum3A_441[15] : f32 from vector<16xf32>
      %add3A_443 = arith.addf %scan3A_424, %reduce_sum3A_442 : f32
      scf.yield %add3A_443 : f32
    }
    %scan3A_404 = arith.constant 7 : i32
    %scan3A_405 = arith.constant 0 : i32
    %scan3A_406 = arith.constant 0 : i32
    %scan3A_407 = arith.constant 14 : i32
    %scan3A_408 = arith.addi %scan3A_406, %scan3A_407 : i32
    %scan3A_409 = arith.constant 1 : i32
    %scan3A_410 = scf.for %scan3A_423 = %scan3A_406 to %scan3A_408 step %scan3A_409 iter_args(%scan3A_424 = %scan3A_405) -> (i32)  : i32 {
      %mul3A_425 = arith.constant 7 : i32
      %mul3A_426 = arith.muli %scan3A_423, %mul3A_425 : i32
      %add3A_427 = arith.constant 0 : i32
      %add3A_428 = arith.addi %mul3A_426, %add3A_427 : i32
      %broadcast_in_dim3A_429 = arith.constant 0 : i32
      %broadcast_in_dim3A_430 = vector.broadcast %broadcast_in_dim3A_429 : i32 to vector<16xi32>
      %add3A_431 = vector.broadcast %add3A_428 : i32 to vector<16xi32>
      %add3A_432 = arith.addi %broadcast_in_dim3A_430, %add3A_431 : vector<16xi32>
      %gather3A = tpu.vector_load_idx %arg17[%add3A_432] : memref<112xf32, #tpu.memory_space<vmem>>[vector<16xi32>], vector<16xf32>,
      %mul3A_433 = arith.constant 16 : i32
      %mul3A_434 = arith.muli %add3A_428, %mul3A_433 : i32
      %get3A = arith.index_cast %mul3A_434 : i32 to index
      %get3A_435 = tpu.vector_load %arg16[%get3A] {strides = array<i32>} : memref<1792xf32, #tpu.memory_space<vmem>>, vector<16xf32>,
      %add3A_436 = arith.addf %get3A_435, %gather3A : vector<16xf32>
      %mul3A_437 = arith.constant 16 : i32
      %mul3A_438 = arith.muli %add3A_428, %mul3A_437 : i32
      %add3A_439 = arith.addi %mul3A_382, %mul3A_438 : i32
      %get3A_440 = arith.index_cast %add3A_439 : i32 to index
      %get3A_441 = tpu.vector_load %arg9[%get3A_440] {strides = array<i32>} : memref<3136xf32, #tpu.memory_space<vmem>>, vector<16xf32>,
      %eq3A_442 = arith.cmpf oeq, %get3A_441, %convert_element_type3A_363 : vector<16xf32>
      %gt3A_443 = arith.cmpf ogt, %get3A_441, %convert_element_type3A_363 : vector<16xf32>
      %le3A = vector.broadcast %sub3A_370 : f32 to vector<16xf32>
      %le3A_444 = arith.cmpf ole, %add3A_436, %le3A : vector<16xf32>
      %and3A = arith.andi %eq3A_442, %le3A_444 : vector<16xi1>
      %or3A = arith.ori %gt3A_443, %and3A : vector<16xi1>
      %jit3A_445 = arith.constant 1.000000e+00 : f32
      %jit3A_446 = arith.constant 0.000000e+00 : f32
      %broadcast_in_dim3A_447 = vector.broadcast %jit3A_445 : f32 to vector<16xf32>
      %broadcast_in_dim3A_448 = vector.broadcast %jit3A_446 : f32 to vector<16xf32>
      %select_n3A_449 = arith.select %or3A, %broadcast_in_dim3A_447, %broadcast_in_dim3A_448 : vector<16xi1>, vector<16xf32>
      %mul3A_450 = arith.constant 16 : i32
      %mul3A_451 = arith.muli %add3A_428, %mul3A_450 : i32
      %get3A_452 = arith.index_cast %mul3A_451 : i32 to index
      %get3A_453 = tpu.vector_load %arg15[%get3A_452] {strides = array<i32>} : memref<4704xf32, #tpu.memory_space<vmem>>, vector<16xf32>,
      %sub3A_454 = arith.subf %select_n3A_449, %get3A_453 : vector<16xf32>
      %add3A_455 = arith.addf %sub3A_454, %get3A_453 : vector<16xf32>
      %mul3A_456 = arith.constant 16 : i32
      %mul3A_457 = arith.muli %add3A_428, %mul3A_456 : i32
      %add3A_458 = arith.constant 1568 : i32
      %add3A_459 = arith.addi %add3A_458, %mul3A_457 : i32
      %swap3A_460 = arith.index_cast %add3A_459 : i32 to index
      %swap3A_461 = tpu.vector_load %arg15[%swap3A_460] {strides = array<i32>} : memref<4704xf32, #tpu.memory_space<vmem>>, vector<16xf32>,
      tpu.vector_store %arg15[%swap3A_460], %add3A_455 {strides = array<i32>} : memref<4704xf32, #tpu.memory_space<vmem>>, vector<16xf32>,
      %mul3A_462 = arith.constant 16 : i32
      %mul3A_463 = arith.muli %add3A_428, %mul3A_462 : i32
      %add3A_464 = arith.constant 3136 : i32
      %add3A_465 = arith.addi %add3A_464, %mul3A_463 : i32
      %swap3A_466 = arith.index_cast %add3A_465 : i32 to index
      %swap3A_467 = tpu.vector_load %arg15[%swap3A_466] {strides = array<i32>} : memref<4704xf32, #tpu.memory_space<vmem>>, vector<16xf32>,
      tpu.vector_store %arg15[%swap3A_466], %select_n3A_449 {strides = array<i32>} : memref<4704xf32, #tpu.memory_space<vmem>>, vector<16xf32>,
      %mul3A_468 = arith.constant 7 : i32
      %mul3A_469 = arith.muli %scan3A_423, %mul3A_468 : i32
      %add3A_470 = arith.constant 1 : i32
      %add3A_471 = arith.addi %mul3A_469, %add3A_470 : i32
      %broadcast_in_dim3A_472 = arith.constant 0 : i32
      %broadcast_in_dim3A_473 = vector.broadcast %broadcast_in_dim3A_472 : i32 to vector<16xi32>
      %add3A_474 = vector.broadcast %add3A_471 : i32 to vector<16xi32>
      %add3A_475 = arith.addi %broadcast_in_dim3A_473, %add3A_474 : vector<16xi32>
      %gather3A_476 = tpu.vector_load_idx %arg17[%add3A_475] : memref<112xf32, #tpu.memory_space<vmem>>[vector<16xi32>], vector<16xf32>,
      %mul3A_477 = arith.constant 16 : i32
      %mul3A_478 = arith.muli %add3A_471, %mul3A_477 : i32
      %get3A_479 = arith.index_cast %mul3A_478 : i32 to index
      %get3A_480 = tpu.vector_load %arg16[%get3A_479] {strides = array<i32>} : memref<1792xf32, #tpu.memory_space<vmem>>, vector<16xf32>,
      %add3A_481 = arith.addf %get3A_480, %gather3A_476 : vector<16xf32>
      %mul3A_482 = arith.constant 16 : i32
      %mul3A_483 = arith.muli %add3A_471, %mul3A_482 : i32
      %add3A_484 = arith.addi %mul3A_382, %mul3A_483 : i32
      %get3A_485 = arith.index_cast %add3A_484 : i32 to index
      %get3A_486 = tpu.vector_load %arg9[%get3A_485] {strides = array<i32>} : memref<3136xf32, #tpu.memory_space<vmem>>, vector<16xf32>,
      %eq3A_487 = arith.cmpf oeq, %get3A_486, %convert_element_type3A_363 : vector<16xf32>
      %gt3A_488 = arith.cmpf ogt, %get3A_486, %convert_element_type3A_363 : vector<16xf32>
      %le3A_489 = vector.broadcast %sub3A_370 : f32 to vector<16xf32>
      %le3A_490 = arith.cmpf ole, %add3A_481, %le3A_489 : vector<16xf32>
      %and3A_491 = arith.andi %eq3A_487, %le3A_490 : vector<16xi1>
      %or3A_492 = arith.ori %gt3A_488, %and3A_491 : vector<16xi1>
      %jit3A_493 = arith.constant 1.000000e+00 : f32
      %jit3A_494 = arith.constant 0.000000e+00 : f32
      %broadcast_in_dim3A_495 = vector.broadcast %jit3A_493 : f32 to vector<16xf32>
      %broadcast_in_dim3A_496 = vector.broadcast %jit3A_494 : f32 to vector<16xf32>
      %select_n3A_497 = arith.select %or3A_492, %broadcast_in_dim3A_495, %broadcast_in_dim3A_496 : vector<16xi1>, vector<16xf32>
      %mul3A_498 = arith.constant 16 : i32
      %mul3A_499 = arith.muli %add3A_471, %mul3A_498 : i32
      %get3A_500 = arith.index_cast %mul3A_499 : i32 to index
      %get3A_501 = tpu.vector_load %arg15[%get3A_500] {strides = array<i32>} : memref<4704xf32, #tpu.memory_space<vmem>>, vector<16xf32>,
      %sub3A_502 = arith.subf %select_n3A_497, %get3A_501 : vector<16xf32>
      %add3A_503 = arith.addf %sub3A_502, %get3A_501 : vector<16xf32>
      %mul3A_504 = arith.constant 16 : i32
      %mul3A_505 = arith.muli %add3A_471, %mul3A_504 : i32
      %add3A_506 = arith.constant 1568 : i32
      %add3A_507 = arith.addi %add3A_506, %mul3A_505 : i32
      %swap3A_508 = arith.index_cast %add3A_507 : i32 to index
      %swap3A_509 = tpu.vector_load %arg15[%swap3A_508] {strides = array<i32>} : memref<4704xf32, #tpu.memory_space<vmem>>, vector<16xf32>,
      tpu.vector_store %arg15[%swap3A_508], %add3A_503 {strides = array<i32>} : memref<4704xf32, #tpu.memory_space<vmem>>, vector<16xf32>,
      %mul3A_510 = arith.constant 16 : i32
      %mul3A_511 = arith.muli %add3A_471, %mul3A_510 : i32
      %add3A_512 = arith.constant 3136 : i32
      %add3A_513 = arith.addi %add3A_512, %mul3A_511 : i32
      %swap3A_514 = arith.index_cast %add3A_513 : i32 to index
      %swap3A_515 = tpu.vector_load %arg15[%swap3A_514] {strides = array<i32>} : memref<4704xf32, #tpu.memory_space<vmem>>, vector<16xf32>,
      tpu.vector_store %arg15[%swap3A_514], %select_n3A_497 {strides = array<i32>} : memref<4704xf32, #tpu.memory_space<vmem>>, vector<16xf32>,
      %mul3A_516 = arith.constant 7 : i32
      %mul3A_517 = arith.muli %scan3A_423, %mul3A_516 : i32
      %add3A_518 = arith.constant 2 : i32
      %add3A_519 = arith.addi %mul3A_517, %add3A_518 : i32
      %broadcast_in_dim3A_520 = arith.constant 0 : i32
      %broadcast_in_dim3A_521 = vector.broadcast %broadcast_in_dim3A_520 : i32 to vector<16xi32>
      %add3A_522 = vector.broadcast %add3A_519 : i32 to vector<16xi32>
      %add3A_523 = arith.addi %broadcast_in_dim3A_521, %add3A_522 : vector<16xi32>
      %gather3A_524 = tpu.vector_load_idx %arg17[%add3A_523] : memref<112xf32, #tpu.memory_space<vmem>>[vector<16xi32>], vector<16xf32>,
      %mul3A_525 = arith.constant 16 : i32
      %mul3A_526 = arith.muli %add3A_519, %mul3A_525 : i32
      %get3A_527 = arith.index_cast %mul3A_526 : i32 to index
      %get3A_528 = tpu.vector_load %arg16[%get3A_527] {strides = array<i32>} : memref<1792xf32, #tpu.memory_space<vmem>>, vector<16xf32>,
      %add3A_529 = arith.addf %get3A_528, %gather3A_524 : vector<16xf32>
      %mul3A_530 = arith.constant 16 : i32
      %mul3A_531 = arith.muli %add3A_519, %mul3A_530 : i32
      %add3A_532 = arith.addi %mul3A_382, %mul3A_531 : i32
      %get3A_533 = arith.index_cast %add3A_532 : i32 to index
      %get3A_534 = tpu.vector_load %arg9[%get3A_533] {strides = array<i32>} : memref<3136xf32, #tpu.memory_space<vmem>>, vector<16xf32>,
      %eq3A_535 = arith.cmpf oeq, %get3A_534, %convert_element_type3A_363 : vector<16xf32>
      %gt3A_536 = arith.cmpf ogt, %get3A_534, %convert_element_type3A_363 : vector<16xf32>
      %le3A_537 = vector.broadcast %sub3A_370 : f32 to vector<16xf32>
      %le3A_538 = arith.cmpf ole, %add3A_529, %le3A_537 : vector<16xf32>
      %and3A_539 = arith.andi %eq3A_535, %le3A_538 : vector<16xi1>
      %or3A_540 = arith.ori %gt3A_536, %and3A_539 : vector<16xi1>
      %jit3A_541 = arith.constant 1.000000e+00 : f32
      %jit3A_542 = arith.constant 0.000000e+00 : f32
      %broadcast_in_dim3A_543 = vector.broadcast %jit3A_541 : f32 to vector<16xf32>
      %broadcast_in_dim3A_544 = vector.broadcast %jit3A_542 : f32 to vector<16xf32>
      %select_n3A_545 = arith.select %or3A_540, %broadcast_in_dim3A_543, %broadcast_in_dim3A_544 : vector<16xi1>, vector<16xf32>
      %mul3A_546 = arith.constant 16 : i32
      %mul3A_547 = arith.muli %add3A_519, %mul3A_546 : i32
      %get3A_548 = arith.index_cast %mul3A_547 : i32 to index
      %get3A_549 = tpu.vector_load %arg15[%get3A_548] {strides = array<i32>} : memref<4704xf32, #tpu.memory_space<vmem>>, vector<16xf32>,
      %sub3A_550 = arith.subf %select_n3A_545, %get3A_549 : vector<16xf32>
      %add3A_551 = arith.addf %sub3A_550, %get3A_549 : vector<16xf32>
      %mul3A_552 = arith.constant 16 : i32
      %mul3A_553 = arith.muli %add3A_519, %mul3A_552 : i32
      %add3A_554 = arith.constant 1568 : i32
      %add3A_555 = arith.addi %add3A_554, %mul3A_553 : i32
      %swap3A_556 = arith.index_cast %add3A_555 : i32 to index
      %swap3A_557 = tpu.vector_load %arg15[%swap3A_556] {strides = array<i32>} : memref<4704xf32, #tpu.memory_space<vmem>>, vector<16xf32>,
      tpu.vector_store %arg15[%swap3A_556], %add3A_551 {strides = array<i32>} : memref<4704xf32, #tpu.memory_space<vmem>>, vector<16xf32>,
      %mul3A_558 = arith.constant 16 : i32
      %mul3A_559 = arith.muli %add3A_519, %mul3A_558 : i32
      %add3A_560 = arith.constant 3136 : i32
      %add3A_561 = arith.addi %add3A_560, %mul3A_559 : i32
      %swap3A_562 = arith.index_cast %add3A_561 : i32 to index
      %swap3A_563 = tpu.vector_load %arg15[%swap3A_562] {strides = array<i32>} : memref<4704xf32, #tpu.memory_space<vmem>>, vector<16xf32>,
      tpu.vector_store %arg15[%swap3A_562], %select_n3A_545 {strides = array<i32>} : memref<4704xf32, #tpu.memory_space<vmem>>, vector<16xf32>,
      %mul3A_564 = arith.constant 7 : i32
      %mul3A_565 = arith.muli %scan3A_423, %mul3A_564 : i32
      %add3A_566 = arith.constant 3 : i32
      %add3A_567 = arith.addi %mul3A_565, %add3A_566 : i32
      %broadcast_in_dim3A_568 = arith.constant 0 : i32
      %broadcast_in_dim3A_569 = vector.broadcast %broadcast_in_dim3A_568 : i32 to vector<16xi32>
      %add3A_570 = vector.broadcast %add3A_567 : i32 to vector<16xi32>
      %add3A_571 = arith.addi %broadcast_in_dim3A_569, %add3A_570 : vector<16xi32>
      %gather3A_572 = tpu.vector_load_idx %arg17[%add3A_571] : memref<112xf32, #tpu.memory_space<vmem>>[vector<16xi32>], vector<16xf32>,
      %mul3A_573 = arith.constant 16 : i32
      %mul3A_574 = arith.muli %add3A_567, %mul3A_573 : i32
      %get3A_575 = arith.index_cast %mul3A_574 : i32 to index
      %get3A_576 = tpu.vector_load %arg16[%get3A_575] {strides = array<i32>} : memref<1792xf32, #tpu.memory_space<vmem>>, vector<16xf32>,
      %add3A_577 = arith.addf %get3A_576, %gather3A_572 : vector<16xf32>
      %mul3A_578 = arith.constant 16 : i32
      %mul3A_579 = arith.muli %add3A_567, %mul3A_578 : i32
      %add3A_580 = arith.addi %mul3A_382, %mul3A_579 : i32
      %get3A_581 = arith.index_cast %add3A_580 : i32 to index
      %get3A_582 = tpu.vector_load %arg9[%get3A_581] {strides = array<i32>} : memref<3136xf32, #tpu.memory_space<vmem>>, vector<16xf32>,
      %eq3A_583 = arith.cmpf oeq, %get3A_582, %convert_element_type3A_363 : vector<16xf32>
      %gt3A_584 = arith.cmpf ogt, %get3A_582, %convert_element_type3A_363 : vector<16xf32>
      %le3A_585 = vector.broadcast %sub3A_370 : f32 to vector<16xf32>
      %le3A_586 = arith.cmpf ole, %add3A_577, %le3A_585 : vector<16xf32>
      %and3A_587 = arith.andi %eq3A_583, %le3A_586 : vector<16xi1>
      %or3A_588 = arith.ori %gt3A_584, %and3A_587 : vector<16xi1>
      %jit3A_589 = arith.constant 1.000000e+00 : f32
      %jit3A_590 = arith.constant 0.000000e+00 : f32
      %broadcast_in_dim3A_591 = vector.broadcast %jit3A_589 : f32 to vector<16xf32>
      %broadcast_in_dim3A_592 = vector.broadcast %jit3A_590 : f32 to vector<16xf32>
      %select_n3A_593 = arith.select %or3A_588, %broadcast_in_dim3A_591, %broadcast_in_dim3A_592 : vector<16xi1>, vector<16xf32>
      %mul3A_594 = arith.constant 16 : i32
      %mul3A_595 = arith.muli %add3A_567, %mul3A_594 : i32
      %get3A_596 = arith.index_cast %mul3A_595 : i32 to index
      %get3A_597 = tpu.vector_load %arg15[%get3A_596] {strides = array<i32>} : memref<4704xf32, #tpu.memory_space<vmem>>, vector<16xf32>,
      %sub3A_598 = arith.subf %select_n3A_593, %get3A_597 : vector<16xf32>
      %add3A_599 = arith.addf %sub3A_598, %get3A_597 : vector<16xf32>
      %mul3A_600 = arith.constant 16 : i32
      %mul3A_601 = arith.muli %add3A_567, %mul3A_600 : i32
      %add3A_602 = arith.constant 1568 : i32
      %add3A_603 = arith.addi %add3A_602, %mul3A_601 : i32
      %swap3A_604 = arith.index_cast %add3A_603 : i32 to index
      %swap3A_605 = tpu.vector_load %arg15[%swap3A_604] {strides = array<i32>} : memref<4704xf32, #tpu.memory_space<vmem>>, vector<16xf32>,
      tpu.vector_store %arg15[%swap3A_604], %add3A_599 {strides = array<i32>} : memref<4704xf32, #tpu.memory_space<vmem>>, vector<16xf32>,
      %mul3A_606 = arith.constant 16 : i32
      %mul3A_607 = arith.muli %add3A_567, %mul3A_606 : i32
      %add3A_608 = arith.constant 3136 : i32
      %add3A_609 = arith.addi %add3A_608, %mul3A_607 : i32
      %swap3A_610 = arith.index_cast %add3A_609 : i32 to index
      %swap3A_611 = tpu.vector_load %arg15[%swap3A_610] {strides = array<i32>} : memref<4704xf32, #tpu.memory_space<vmem>>, vector<16xf32>,
      tpu.vector_store %arg15[%swap3A_610], %select_n3A_593 {strides = array<i32>} : memref<4704xf32, #tpu.memory_space<vmem>>, vector<16xf32>,
      %mul3A_612 = arith.constant 7 : i32
      %mul3A_613 = arith.muli %scan3A_423, %mul3A_612 : i32
      %add3A_614 = arith.constant 4 : i32
      %add3A_615 = arith.addi %mul3A_613, %add3A_614 : i32
      %broadcast_in_dim3A_616 = arith.constant 0 : i32
      %broadcast_in_dim3A_617 = vector.broadcast %broadcast_in_dim3A_616 : i32 to vector<16xi32>
      %add3A_618 = vector.broadcast %add3A_615 : i32 to vector<16xi32>
      %add3A_619 = arith.addi %broadcast_in_dim3A_617, %add3A_618 : vector<16xi32>
      %gather3A_620 = tpu.vector_load_idx %arg17[%add3A_619] : memref<112xf32, #tpu.memory_space<vmem>>[vector<16xi32>], vector<16xf32>,
      %mul3A_621 = arith.constant 16 : i32
      %mul3A_622 = arith.muli %add3A_615, %mul3A_621 : i32
      %get3A_623 = arith.index_cast %mul3A_622 : i32 to index
      %get3A_624 = tpu.vector_load %arg16[%get3A_623] {strides = array<i32>} : memref<1792xf32, #tpu.memory_space<vmem>>, vector<16xf32>,
      %add3A_625 = arith.addf %get3A_624, %gather3A_620 : vector<16xf32>
      %mul3A_626 = arith.constant 16 : i32
      %mul3A_627 = arith.muli %add3A_615, %mul3A_626 : i32
      %add3A_628 = arith.addi %mul3A_382, %mul3A_627 : i32
      %get3A_629 = arith.index_cast %add3A_628 : i32 to index
      %get3A_630 = tpu.vector_load %arg9[%get3A_629] {strides = array<i32>} : memref<3136xf32, #tpu.memory_space<vmem>>, vector<16xf32>,
      %eq3A_631 = arith.cmpf oeq, %get3A_630, %convert_element_type3A_363 : vector<16xf32>
      %gt3A_632 = arith.cmpf ogt, %get3A_630, %convert_element_type3A_363 : vector<16xf32>
      %le3A_633 = vector.broadcast %sub3A_370 : f32 to vector<16xf32>
      %le3A_634 = arith.cmpf ole, %add3A_625, %le3A_633 : vector<16xf32>
      %and3A_635 = arith.andi %eq3A_631, %le3A_634 : vector<16xi1>
      %or3A_636 = arith.ori %gt3A_632, %and3A_635 : vector<16xi1>
      %jit3A_637 = arith.constant 1.000000e+00 : f32
      %jit3A_638 = arith.constant 0.000000e+00 : f32
      %broadcast_in_dim3A_639 = vector.broadcast %jit3A_637 : f32 to vector<16xf32>
      %broadcast_in_dim3A_640 = vector.broadcast %jit3A_638 : f32 to vector<16xf32>
      %select_n3A_641 = arith.select %or3A_636, %broadcast_in_dim3A_639, %broadcast_in_dim3A_640 : vector<16xi1>, vector<16xf32>
      %mul3A_642 = arith.constant 16 : i32
      %mul3A_643 = arith.muli %add3A_615, %mul3A_642 : i32
      %get3A_644 = arith.index_cast %mul3A_643 : i32 to index
      %get3A_645 = tpu.vector_load %arg15[%get3A_644] {strides = array<i32>} : memref<4704xf32, #tpu.memory_space<vmem>>, vector<16xf32>,
      %sub3A_646 = arith.subf %select_n3A_641, %get3A_645 : vector<16xf32>
      %add3A_647 = arith.addf %sub3A_646, %get3A_645 : vector<16xf32>
      %mul3A_648 = arith.constant 16 : i32
      %mul3A_649 = arith.muli %add3A_615, %mul3A_648 : i32
      %add3A_650 = arith.constant 1568 : i32
      %add3A_651 = arith.addi %add3A_650, %mul3A_649 : i32
      %swap3A_652 = arith.index_cast %add3A_651 : i32 to index
      %swap3A_653 = tpu.vector_load %arg15[%swap3A_652] {strides = array<i32>} : memref<4704xf32, #tpu.memory_space<vmem>>, vector<16xf32>,
      tpu.vector_store %arg15[%swap3A_652], %add3A_647 {strides = array<i32>} : memref<4704xf32, #tpu.memory_space<vmem>>, vector<16xf32>,
      %mul3A_654 = arith.constant 16 : i32
      %mul3A_655 = arith.muli %add3A_615, %mul3A_654 : i32
      %add3A_656 = arith.constant 3136 : i32
      %add3A_657 = arith.addi %add3A_656, %mul3A_655 : i32
      %swap3A_658 = arith.index_cast %add3A_657 : i32 to index
      %swap3A_659 = tpu.vector_load %arg15[%swap3A_658] {strides = array<i32>} : memref<4704xf32, #tpu.memory_space<vmem>>, vector<16xf32>,
      tpu.vector_store %arg15[%swap3A_658], %select_n3A_641 {strides = array<i32>} : memref<4704xf32, #tpu.memory_space<vmem>>, vector<16xf32>,
      %mul3A_660 = arith.constant 7 : i32
      %mul3A_661 = arith.muli %scan3A_423, %mul3A_660 : i32
      %add3A_662 = arith.constant 5 : i32
      %add3A_663 = arith.addi %mul3A_661, %add3A_662 : i32
      %broadcast_in_dim3A_664 = arith.constant 0 : i32
      %broadcast_in_dim3A_665 = vector.broadcast %broadcast_in_dim3A_664 : i32 to vector<16xi32>
      %add3A_666 = vector.broadcast %add3A_663 : i32 to vector<16xi32>
      %add3A_667 = arith.addi %broadcast_in_dim3A_665, %add3A_666 : vector<16xi32>
      %gather3A_668 = tpu.vector_load_idx %arg17[%add3A_667] : memref<112xf32, #tpu.memory_space<vmem>>[vector<16xi32>], vector<16xf32>,
      %mul3A_669 = arith.constant 16 : i32
      %mul3A_670 = arith.muli %add3A_663, %mul3A_669 : i32
      %get3A_671 = arith.index_cast %mul3A_670 : i32 to index
      %get3A_672 = tpu.vector_load %arg16[%get3A_671] {strides = array<i32>} : memref<1792xf32, #tpu.memory_space<vmem>>, vector<16xf32>,
      %add3A_673 = arith.addf %get3A_672, %gather3A_668 : vector<16xf32>
      %mul3A_674 = arith.constant 16 : i32
      %mul3A_675 = arith.muli %add3A_663, %mul3A_674 : i32
      %add3A_676 = arith.addi %mul3A_382, %mul3A_675 : i32
      %get3A_677 = arith.index_cast %add3A_676 : i32 to index
      %get3A_678 = tpu.vector_load %arg9[%get3A_677] {strides = array<i32>} : memref<3136xf32, #tpu.memory_space<vmem>>, vector<16xf32>,
      %eq3A_679 = arith.cmpf oeq, %get3A_678, %convert_element_type3A_363 : vector<16xf32>
      %gt3A_680 = arith.cmpf ogt, %get3A_678, %convert_element_type3A_363 : vector<16xf32>
      %le3A_681 = vector.broadcast %sub3A_370 : f32 to vector<16xf32>
      %le3A_682 = arith.cmpf ole, %add3A_673, %le3A_681 : vector<16xf32>
      %and3A_683 = arith.andi %eq3A_679, %le3A_682 : vector<16xi1>
      %or3A_684 = arith.ori %gt3A_680, %and3A_683 : vector<16xi1>
      %jit3A_685 = arith.constant 1.000000e+00 : f32
      %jit3A_686 = arith.constant 0.000000e+00 : f32
      %broadcast_in_dim3A_687 = vector.broadcast %jit3A_685 : f32 to vector<16xf32>
      %broadcast_in_dim3A_688 = vector.broadcast %jit3A_686 : f32 to vector<16xf32>
      %select_n3A_689 = arith.select %or3A_684, %broadcast_in_dim3A_687, %broadcast_in_dim3A_688 : vector<16xi1>, vector<16xf32>
      %mul3A_690 = arith.constant 16 : i32
      %mul3A_691 = arith.muli %add3A_663, %mul3A_690 : i32
      %get3A_692 = arith.index_cast %mul3A_691 : i32 to index
      %get3A_693 = tpu.vector_load %arg15[%get3A_692] {strides = array<i32>} : memref<4704xf32, #tpu.memory_space<vmem>>, vector<16xf32>,
      %sub3A_694 = arith.subf %select_n3A_689, %get3A_693 : vector<16xf32>
      %add3A_695 = arith.addf %sub3A_694, %get3A_693 : vector<16xf32>
      %mul3A_696 = arith.constant 16 : i32
      %mul3A_697 = arith.muli %add3A_663, %mul3A_696 : i32
      %add3A_698 = arith.constant 1568 : i32
      %add3A_699 = arith.addi %add3A_698, %mul3A_697 : i32
      %swap3A_700 = arith.index_cast %add3A_699 : i32 to index
      %swap3A_701 = tpu.vector_load %arg15[%swap3A_700] {strides = array<i32>} : memref<4704xf32, #tpu.memory_space<vmem>>, vector<16xf32>,
      tpu.vector_store %arg15[%swap3A_700], %add3A_695 {strides = array<i32>} : memref<4704xf32, #tpu.memory_space<vmem>>, vector<16xf32>,
      %mul3A_702 = arith.constant 16 : i32
      %mul3A_703 = arith.muli %add3A_663, %mul3A_702 : i32
      %add3A_704 = arith.constant 3136 : i32
      %add3A_705 = arith.addi %add3A_704, %mul3A_703 : i32
      %swap3A_706 = arith.index_cast %add3A_705 : i32 to index
      %swap3A_707 = tpu.vector_load %arg15[%swap3A_706] {strides = array<i32>} : memref<4704xf32, #tpu.memory_space<vmem>>, vector<16xf32>,
      tpu.vector_store %arg15[%swap3A_706], %select_n3A_689 {strides = array<i32>} : memref<4704xf32, #tpu.memory_space<vmem>>, vector<16xf32>,
      %mul3A_708 = arith.constant 7 : i32
      %mul3A_709 = arith.muli %scan3A_423, %mul3A_708 : i32
      %add3A_710 = arith.constant 6 : i32
      %add3A_711 = arith.addi %mul3A_709, %add3A_710 : i32
      %broadcast_in_dim3A_712 = arith.constant 0 : i32
      %broadcast_in_dim3A_713 = vector.broadcast %broadcast_in_dim3A_712 : i32 to vector<16xi32>
      %add3A_714 = vector.broadcast %add3A_711 : i32 to vector<16xi32>
      %add3A_715 = arith.addi %broadcast_in_dim3A_713, %add3A_714 : vector<16xi32>
      %gather3A_716 = tpu.vector_load_idx %arg17[%add3A_715] : memref<112xf32, #tpu.memory_space<vmem>>[vector<16xi32>], vector<16xf32>,
      %mul3A_717 = arith.constant 16 : i32
      %mul3A_718 = arith.muli %add3A_711, %mul3A_717 : i32
      %get3A_719 = arith.index_cast %mul3A_718 : i32 to index
      %get3A_720 = tpu.vector_load %arg16[%get3A_719] {strides = array<i32>} : memref<1792xf32, #tpu.memory_space<vmem>>, vector<16xf32>,
      %add3A_721 = arith.addf %get3A_720, %gather3A_716 : vector<16xf32>
      %mul3A_722 = arith.constant 16 : i32
      %mul3A_723 = arith.muli %add3A_711, %mul3A_722 : i32
      %add3A_724 = arith.addi %mul3A_382, %mul3A_723 : i32
      %get3A_725 = arith.index_cast %add3A_724 : i32 to index
      %get3A_726 = tpu.vector_load %arg9[%get3A_725] {strides = array<i32>} : memref<3136xf32, #tpu.memory_space<vmem>>, vector<16xf32>,
      %eq3A_727 = arith.cmpf oeq, %get3A_726, %convert_element_type3A_363 : vector<16xf32>
      %gt3A_728 = arith.cmpf ogt, %get3A_726, %convert_element_type3A_363 : vector<16xf32>
      %le3A_729 = vector.broadcast %sub3A_370 : f32 to vector<16xf32>
      %le3A_730 = arith.cmpf ole, %add3A_721, %le3A_729 : vector<16xf32>
      %and3A_731 = arith.andi %eq3A_727, %le3A_730 : vector<16xi1>
      %or3A_732 = arith.ori %gt3A_728, %and3A_731 : vector<16xi1>
      %jit3A_733 = arith.constant 1.000000e+00 : f32
      %jit3A_734 = arith.constant 0.000000e+00 : f32
      %broadcast_in_dim3A_735 = vector.broadcast %jit3A_733 : f32 to vector<16xf32>
      %broadcast_in_dim3A_736 = vector.broadcast %jit3A_734 : f32 to vector<16xf32>
      %select_n3A_737 = arith.select %or3A_732, %broadcast_in_dim3A_735, %broadcast_in_dim3A_736 : vector<16xi1>, vector<16xf32>
      %mul3A_738 = arith.constant 16 : i32
      %mul3A_739 = arith.muli %add3A_711, %mul3A_738 : i32
      %get3A_740 = arith.index_cast %mul3A_739 : i32 to index
      %get3A_741 = tpu.vector_load %arg15[%get3A_740] {strides = array<i32>} : memref<4704xf32, #tpu.memory_space<vmem>>, vector<16xf32>,
      %sub3A_742 = arith.subf %select_n3A_737, %get3A_741 : vector<16xf32>
      %add3A_743 = arith.addf %sub3A_742, %get3A_741 : vector<16xf32>
      %mul3A_744 = arith.constant 16 : i32
      %mul3A_745 = arith.muli %add3A_711, %mul3A_744 : i32
      %add3A_746 = arith.constant 1568 : i32
      %add3A_747 = arith.addi %add3A_746, %mul3A_745 : i32
      %swap3A_748 = arith.index_cast %add3A_747 : i32 to index
      %swap3A_749 = tpu.vector_load %arg15[%swap3A_748] {strides = array<i32>} : memref<4704xf32, #tpu.memory_space<vmem>>, vector<16xf32>,
      tpu.vector_store %arg15[%swap3A_748], %add3A_743 {strides = array<i32>} : memref<4704xf32, #tpu.memory_space<vmem>>, vector<16xf32>,
      %mul3A_750 = arith.constant 16 : i32
      %mul3A_751 = arith.muli %add3A_711, %mul3A_750 : i32
      %add3A_752 = arith.constant 3136 : i32
      %add3A_753 = arith.addi %add3A_752, %mul3A_751 : i32
      %swap3A_754 = arith.index_cast %add3A_753 : i32 to index
      %swap3A_755 = tpu.vector_load %arg15[%swap3A_754] {strides = array<i32>} : memref<4704xf32, #tpu.memory_space<vmem>>, vector<16xf32>,
      tpu.vector_store %arg15[%swap3A_754], %select_n3A_737 {strides = array<i32>} : memref<4704xf32, #tpu.memory_space<vmem>>, vector<16xf32>,
      %scan3A_756 = arith.constant 0 : i32
      scf.yield %scan3A_756 : i32
    }
    %scan3A_411 = arith.constant 14 : i32
    %mul3A_412 = arith.constant 1568 : i32
    %mul3A_413 = arith.muli %add3A_373, %mul3A_412 : i32
    %lt3A = arith.constant 31 : i32
    %lt3A_414 = arith.cmpi slt, %add3A_373, %lt3A : i32
    %convert_element_type3A_415 = arith.extui %lt3A_414 : i1 to i32
    %cond3A_416 = arith.constant 0 : i32
    %cond3A_417 = arith.cmpi ne, %convert_element_type3A_415, %cond3A_416 : i32
    scf.if %cond3A_417 {
      "tpu.region"() ({
        %run_scoped3A = tpu.sem_alloc : memref<!tpu.dma_semaphore, #tpu.memory_space<semaphore_mem>>
        %dma_start3A_423 = arith.constant 0 : i32
        %dma_start3A_424 = tpu.memref_slice %arg15[%dma_start3A_423] : memref<4704xf32, #tpu.memory_space<vmem>> -> memref<1568xf32, #tpu.memory_space<vmem>>
        %dma_start3A_425 = tpu.memref_slice %arg3[%mul3A_413] : memref<50000xf32, #tpu.memory_space<hbm>> -> memref<1568xf32, #tpu.memory_space<hbm>>
        %dma_start3A_426 = tpu.memref_slice %arg3[%mul3A_413] : memref<50000xf32, #tpu.memory_space<hbm>> -> memref<1568xf32, #tpu.memory_space<hbm>>
        %dma_start3A_427 = arith.constant 0 : i32
        %dma_start3A_428 = tpu.memref_slice %arg15[%dma_start3A_427] : memref<4704xf32, #tpu.memory_space<vmem>> -> memref<1568xf32, #tpu.memory_space<vmem>>
        tpu.enqueue_dma source(%dma_start3A_428 : memref<1568xf32, #tpu.memory_space<vmem>>) target(%dma_start3A_426 : memref<1568xf32, #tpu.memory_space<hbm>>) target_semaphore(%run_scoped3A : memref<!tpu.dma_semaphore, #tpu.memory_space<semaphore_mem>>)
        %dma_wait3A_429 = arith.constant 0 : i32
        %dma_wait3A_430 = tpu.memref_slice %arg15[%dma_wait3A_429] : memref<4704xf32, #tpu.memory_space<vmem>> -> memref<1568xf32, #tpu.memory_space<vmem>>
        %dma_wait3A_431 = tpu.memref_slice %arg3[%mul3A_413] : memref<50000xf32, #tpu.memory_space<hbm>> -> memref<1568xf32, #tpu.memory_space<hbm>>
        %dma_wait3A_432 = tpu.memref_slice %arg3[%mul3A_413] : memref<50000xf32, #tpu.memory_space<hbm>> -> memref<1568xf32, #tpu.memory_space<hbm>>
        %dma_wait3A_433 = arith.constant 0 : i32
        %dma_wait3A_434 = tpu.memref_slice %arg15[%dma_wait3A_433] : memref<4704xf32, #tpu.memory_space<vmem>> -> memref<1568xf32, #tpu.memory_space<vmem>>
        tpu.wait_dma2 semaphore(%run_scoped3A : memref<!tpu.dma_semaphore, #tpu.memory_space<semaphore_mem>>) src(%dma_wait3A_434 : memref<1568xf32, #tpu.memory_space<vmem>>) dst(%dma_wait3A_432 : memref<1568xf32, #tpu.memory_space<hbm>>)
        tpu.yield
      }) : () -> ()
      "tpu.region"() ({
        %run_scoped3A = tpu.sem_alloc : memref<!tpu.dma_semaphore, #tpu.memory_space<semaphore_mem>>
        %dma_start3A_423 = arith.constant 1568 : i32
        %dma_start3A_424 = tpu.memref_slice %arg15[%dma_start3A_423] : memref<4704xf32, #tpu.memory_space<vmem>> -> memref<1568xf32, #tpu.memory_space<vmem>>
        %dma_start3A_425 = tpu.memref_slice %arg4[%mul3A_413] : memref<50000xf32, #tpu.memory_space<hbm>> -> memref<1568xf32, #tpu.memory_space<hbm>>
        %dma_start3A_426 = tpu.memref_slice %arg4[%mul3A_413] : memref<50000xf32, #tpu.memory_space<hbm>> -> memref<1568xf32, #tpu.memory_space<hbm>>
        %dma_start3A_427 = arith.constant 1568 : i32
        %dma_start3A_428 = tpu.memref_slice %arg15[%dma_start3A_427] : memref<4704xf32, #tpu.memory_space<vmem>> -> memref<1568xf32, #tpu.memory_space<vmem>>
        tpu.enqueue_dma source(%dma_start3A_428 : memref<1568xf32, #tpu.memory_space<vmem>>) target(%dma_start3A_426 : memref<1568xf32, #tpu.memory_space<hbm>>) target_semaphore(%run_scoped3A : memref<!tpu.dma_semaphore, #tpu.memory_space<semaphore_mem>>)
        %dma_wait3A_429 = arith.constant 1568 : i32
        %dma_wait3A_430 = tpu.memref_slice %arg15[%dma_wait3A_429] : memref<4704xf32, #tpu.memory_space<vmem>> -> memref<1568xf32, #tpu.memory_space<vmem>>
        %dma_wait3A_431 = tpu.memref_slice %arg4[%mul3A_413] : memref<50000xf32, #tpu.memory_space<hbm>> -> memref<1568xf32, #tpu.memory_space<hbm>>
        %dma_wait3A_432 = tpu.memref_slice %arg4[%mul3A_413] : memref<50000xf32, #tpu.memory_space<hbm>> -> memref<1568xf32, #tpu.memory_space<hbm>>
        %dma_wait3A_433 = arith.constant 1568 : i32
        %dma_wait3A_434 = tpu.memref_slice %arg15[%dma_wait3A_433] : memref<4704xf32, #tpu.memory_space<vmem>> -> memref<1568xf32, #tpu.memory_space<vmem>>
        tpu.wait_dma2 semaphore(%run_scoped3A : memref<!tpu.dma_semaphore, #tpu.memory_space<semaphore_mem>>) src(%dma_wait3A_434 : memref<1568xf32, #tpu.memory_space<vmem>>) dst(%dma_wait3A_432 : memref<1568xf32, #tpu.memory_space<hbm>>)
        tpu.yield
      }) : () -> ()
      "tpu.region"() ({
        %run_scoped3A = tpu.sem_alloc : memref<!tpu.dma_semaphore, #tpu.memory_space<semaphore_mem>>
        %dma_start3A_423 = arith.constant 3136 : i32
        %dma_start3A_424 = tpu.memref_slice %arg15[%dma_start3A_423] : memref<4704xf32, #tpu.memory_space<vmem>> -> memref<1568xf32, #tpu.memory_space<vmem>>
        %dma_start3A_425 = tpu.memref_slice %arg5[%mul3A_413] : memref<50000xf32, #tpu.memory_space<hbm>> -> memref<1568xf32, #tpu.memory_space<hbm>>
        %dma_start3A_426 = tpu.memref_slice %arg5[%mul3A_413] : memref<50000xf32, #tpu.memory_space<hbm>> -> memref<1568xf32, #tpu.memory_space<hbm>>
        %dma_start3A_427 = arith.constant 3136 : i32
        %dma_start3A_428 = tpu.memref_slice %arg15[%dma_start3A_427] : memref<4704xf32, #tpu.memory_space<vmem>> -> memref<1568xf32, #tpu.memory_space<vmem>>
        tpu.enqueue_dma source(%dma_start3A_428 : memref<1568xf32, #tpu.memory_space<vmem>>) target(%dma_start3A_426 : memref<1568xf32, #tpu.memory_space<hbm>>) target_semaphore(%run_scoped3A : memref<!tpu.dma_semaphore, #tpu.memory_space<semaphore_mem>>)
        %dma_wait3A_429 = arith.constant 3136 : i32
        %dma_wait3A_430 = tpu.memref_slice %arg15[%dma_wait3A_429] : memref<4704xf32, #tpu.memory_space<vmem>> -> memref<1568xf32, #tpu.memory_space<vmem>>
        %dma_wait3A_431 = tpu.memref_slice %arg5[%mul3A_413] : memref<50000xf32, #tpu.memory_space<hbm>> -> memref<1568xf32, #tpu.memory_space<hbm>>
        %dma_wait3A_432 = tpu.memref_slice %arg5[%mul3A_413] : memref<50000xf32, #tpu.memory_space<hbm>> -> memref<1568xf32, #tpu.memory_space<hbm>>
        %dma_wait3A_433 = arith.constant 3136 : i32
        %dma_wait3A_434 = tpu.memref_slice %arg15[%dma_wait3A_433] : memref<4704xf32, #tpu.memory_space<vmem>> -> memref<1568xf32, #tpu.memory_space<vmem>>
        tpu.wait_dma2 semaphore(%run_scoped3A : memref<!tpu.dma_semaphore, #tpu.memory_space<semaphore_mem>>) src(%dma_wait3A_434 : memref<1568xf32, #tpu.memory_space<vmem>>) dst(%dma_wait3A_432 : memref<1568xf32, #tpu.memory_space<hbm>>)
        tpu.yield
      }) : () -> ()
    } else {
    }
    %eq3A_418 = arith.constant 31 : i32
    %eq3A_419 = arith.cmpi eq, %add3A_373, %eq3A_418 : i32
    %convert_element_type3A_420 = arith.extui %eq3A_419 : i1 to i32
    %cond3A_421 = arith.constant 0 : i32
    %cond3A_422 = arith.cmpi ne, %convert_element_type3A_420, %cond3A_421 : i32
    scf.if %cond3A_422 {
      "tpu.region"() ({
        %run_scoped3A = tpu.sem_alloc : memref<!tpu.dma_semaphore, #tpu.memory_space<semaphore_mem>>
        %dma_start3A_423 = arith.constant 0 : i32
        %dma_start3A_424 = tpu.memref_slice %arg15[%dma_start3A_423] : memref<4704xf32, #tpu.memory_space<vmem>> -> memref<1392xf32, #tpu.memory_space<vmem>>
        %dma_start3A_425 = tpu.memref_slice %arg3[%mul3A_413] : memref<50000xf32, #tpu.memory_space<hbm>> -> memref<1392xf32, #tpu.memory_space<hbm>>
        %dma_start3A_426 = tpu.memref_slice %arg3[%mul3A_413] : memref<50000xf32, #tpu.memory_space<hbm>> -> memref<1392xf32, #tpu.memory_space<hbm>>
        %dma_start3A_427 = arith.constant 0 : i32
        %dma_start3A_428 = tpu.memref_slice %arg15[%dma_start3A_427] : memref<4704xf32, #tpu.memory_space<vmem>> -> memref<1392xf32, #tpu.memory_space<vmem>>
        tpu.enqueue_dma source(%dma_start3A_428 : memref<1392xf32, #tpu.memory_space<vmem>>) target(%dma_start3A_426 : memref<1392xf32, #tpu.memory_space<hbm>>) target_semaphore(%run_scoped3A : memref<!tpu.dma_semaphore, #tpu.memory_space<semaphore_mem>>)
        %dma_wait3A_429 = arith.constant 0 : i32
        %dma_wait3A_430 = tpu.memref_slice %arg15[%dma_wait3A_429] : memref<4704xf32, #tpu.memory_space<vmem>> -> memref<1392xf32, #tpu.memory_space<vmem>>
        %dma_wait3A_431 = tpu.memref_slice %arg3[%mul3A_413] : memref<50000xf32, #tpu.memory_space<hbm>> -> memref<1392xf32, #tpu.memory_space<hbm>>
        %dma_wait3A_432 = tpu.memref_slice %arg3[%mul3A_413] : memref<50000xf32, #tpu.memory_space<hbm>> -> memref<1392xf32, #tpu.memory_space<hbm>>
        %dma_wait3A_433 = arith.constant 0 : i32
        %dma_wait3A_434 = tpu.memref_slice %arg15[%dma_wait3A_433] : memref<4704xf32, #tpu.memory_space<vmem>> -> memref<1392xf32, #tpu.memory_space<vmem>>
        tpu.wait_dma2 semaphore(%run_scoped3A : memref<!tpu.dma_semaphore, #tpu.memory_space<semaphore_mem>>) src(%dma_wait3A_434 : memref<1392xf32, #tpu.memory_space<vmem>>) dst(%dma_wait3A_432 : memref<1392xf32, #tpu.memory_space<hbm>>)
        tpu.yield
      }) : () -> ()
      "tpu.region"() ({
        %run_scoped3A = tpu.sem_alloc : memref<!tpu.dma_semaphore, #tpu.memory_space<semaphore_mem>>
        %dma_start3A_423 = arith.constant 1568 : i32
        %dma_start3A_424 = tpu.memref_slice %arg15[%dma_start3A_423] : memref<4704xf32, #tpu.memory_space<vmem>> -> memref<1392xf32, #tpu.memory_space<vmem>>
        %dma_start3A_425 = tpu.memref_slice %arg4[%mul3A_413] : memref<50000xf32, #tpu.memory_space<hbm>> -> memref<1392xf32, #tpu.memory_space<hbm>>
        %dma_start3A_426 = tpu.memref_slice %arg4[%mul3A_413] : memref<50000xf32, #tpu.memory_space<hbm>> -> memref<1392xf32, #tpu.memory_space<hbm>>
        %dma_start3A_427 = arith.constant 1568 : i32
        %dma_start3A_428 = tpu.memref_slice %arg15[%dma_start3A_427] : memref<4704xf32, #tpu.memory_space<vmem>> -> memref<1392xf32, #tpu.memory_space<vmem>>
        tpu.enqueue_dma source(%dma_start3A_428 : memref<1392xf32, #tpu.memory_space<vmem>>) target(%dma_start3A_426 : memref<1392xf32, #tpu.memory_space<hbm>>) target_semaphore(%run_scoped3A : memref<!tpu.dma_semaphore, #tpu.memory_space<semaphore_mem>>)
        %dma_wait3A_429 = arith.constant 1568 : i32
        %dma_wait3A_430 = tpu.memref_slice %arg15[%dma_wait3A_429] : memref<4704xf32, #tpu.memory_space<vmem>> -> memref<1392xf32, #tpu.memory_space<vmem>>
        %dma_wait3A_431 = tpu.memref_slice %arg4[%mul3A_413] : memref<50000xf32, #tpu.memory_space<hbm>> -> memref<1392xf32, #tpu.memory_space<hbm>>
        %dma_wait3A_432 = tpu.memref_slice %arg4[%mul3A_413] : memref<50000xf32, #tpu.memory_space<hbm>> -> memref<1392xf32, #tpu.memory_space<hbm>>
        %dma_wait3A_433 = arith.constant 1568 : i32
        %dma_wait3A_434 = tpu.memref_slice %arg15[%dma_wait3A_433] : memref<4704xf32, #tpu.memory_space<vmem>> -> memref<1392xf32, #tpu.memory_space<vmem>>
        tpu.wait_dma2 semaphore(%run_scoped3A : memref<!tpu.dma_semaphore, #tpu.memory_space<semaphore_mem>>) src(%dma_wait3A_434 : memref<1392xf32, #tpu.memory_space<vmem>>) dst(%dma_wait3A_432 : memref<1392xf32, #tpu.memory_space<hbm>>)
        tpu.yield
      }) : () -> ()
      "tpu.region"() ({
        %run_scoped3A = tpu.sem_alloc : memref<!tpu.dma_semaphore, #tpu.memory_space<semaphore_mem>>
        %dma_start3A_423 = arith.constant 3136 : i32
        %dma_start3A_424 = tpu.memref_slice %arg15[%dma_start3A_423] : memref<4704xf32, #tpu.memory_space<vmem>> -> memref<1392xf32, #tpu.memory_space<vmem>>
        %dma_start3A_425 = tpu.memref_slice %arg5[%mul3A_413] : memref<50000xf32, #tpu.memory_space<hbm>> -> memref<1392xf32, #tpu.memory_space<hbm>>
        %dma_start3A_426 = tpu.memref_slice %arg5[%mul3A_413] : memref<50000xf32, #tpu.memory_space<hbm>> -> memref<1392xf32, #tpu.memory_space<hbm>>
        %dma_start3A_427 = arith.constant 3136 : i32
        %dma_start3A_428 = tpu.memref_slice %arg15[%dma_start3A_427] : memref<4704xf32, #tpu.memory_space<vmem>> -> memref<1392xf32, #tpu.memory_space<vmem>>
        tpu.enqueue_dma source(%dma_start3A_428 : memref<1392xf32, #tpu.memory_space<vmem>>) target(%dma_start3A_426 : memref<1392xf32, #tpu.memory_space<hbm>>) target_semaphore(%run_scoped3A : memref<!tpu.dma_semaphore, #tpu.memory_space<semaphore_mem>>)
        %dma_wait3A_429 = arith.constant 3136 : i32
        %dma_wait3A_430 = tpu.memref_slice %arg15[%dma_wait3A_429] : memref<4704xf32, #tpu.memory_space<vmem>> -> memref<1392xf32, #tpu.memory_space<vmem>>
        %dma_wait3A_431 = tpu.memref_slice %arg5[%mul3A_413] : memref<50000xf32, #tpu.memory_space<hbm>> -> memref<1392xf32, #tpu.memory_space<hbm>>
        %dma_wait3A_432 = tpu.memref_slice %arg5[%mul3A_413] : memref<50000xf32, #tpu.memory_space<hbm>> -> memref<1392xf32, #tpu.memory_space<hbm>>
        %dma_wait3A_433 = arith.constant 3136 : i32
        %dma_wait3A_434 = tpu.memref_slice %arg15[%dma_wait3A_433] : memref<4704xf32, #tpu.memory_space<vmem>> -> memref<1392xf32, #tpu.memory_space<vmem>>
        tpu.wait_dma2 semaphore(%run_scoped3A : memref<!tpu.dma_semaphore, #tpu.memory_space<semaphore_mem>>) src(%dma_wait3A_434 : memref<1392xf32, #tpu.memory_space<vmem>>) dst(%dma_wait3A_432 : memref<1392xf32, #tpu.memory_space<hbm>>)
        tpu.yield
      }) : () -> ()
    } else {
    }
    return
  }
}

</mosaic_0001>

<sc_bundles>
// kernel: kernel.3.cloned.1.call-start
scs
__scs_entry_jumppad:
0x0: {  	(pc) =	sbr.rel $0x88, $3  }
0x1: {  	(tag) =	ssettag $0x0;
	lr =	simm.s32 $0x1  }
0x2: {  	[smem:$0x3FA0] =	sst lr;
	_ =	strace $0xD0000000  }
0x3: {  	_ = 	snop  }
0x4: {  	_ = 	snop  }
0x5: {  	_ = 	snop  }
0x6: {  	_ = 	snop  }
0x7: {  	_ = 	snop  }
__scs_overlays_trampoline_lowered:
0x8: {  	[smem:$0x3FAF] =	sst s0  }
0x9: {  	[smem:$0x3FB0] =	sst s1  }
0xa: {  	[smem:$0x3FB1] =	sst s2  }
0xb: {  	[smem:$0x3FB2] =	sst s3  }
0xc: {  	[smem:$0x3FB3] =	sst s4  }
0xd: {  	[smem:$0x3FB4] =	sst s5  }
0xe: {  	[smem:$0x3FB5] =	sst s6  }
0xf: {  	[smem:$0x3FB6] =	sst s7  }
0x10: {  	[smem:$0x3FB7] =	sst s8  }
0x11: {  	[smem:$0x3FB8] =	sst s9;
	s0 =	simm.s32 @!p0 $0x0  }
0x12: {  	s1 =	sld [smem:$0x3F9E];
	s0 =	simm.s32 @p0 $0x1  }
0x13: {  	[smem:$0x3FB9] =	sst s0;
	s0 =	simm.s32 @!p1 $0x0  }
0x14: {  	s2 =	sld [smem:$0x3F9D];
	s0 =	simm.s32 @p1 $0x1  }
0x15: {  	[smem:$0x3FBA] =	sst s0;
	s0 =	simm.s32 @!p2 $0x0  }
0x16: {  	s3 =	sld [smem:$0x3FDB];
	s0 =	simm.s32 @p2 $0x1  }
0x17: {  	s4 =	simm.s32 $0x1BF5;
	[smem:$0x3FBC] =	sst s0  }
0x18: {  	s0 =	sld [smem:$0x3F9F];
	_ =	swait.ge [sflag:s4], $0x0  }
0x19: {  	s7 =	sld [smem:$0x3FA0]  }
0x1a: {  	s8 =	sadd.s32 $0xFFFFE003, lr  }
0x1b: {  	s9 =	sadd.s32 $0xFFFFFEF7, lr;
	s5 =	simm.s32 $0xFFFFFFFF;
	p2 =	slt.u32 s8, $0xFFFFF086  }
0x1c: {  	p1 =	slt.u32 s9, $0xF7A;
	s5 =	simm.s32 @!p2 $0x0  }
0x1d: {  	s5 =	simm.s32 @p1 $0x1;
	p0 =	seq.s32 s7, s2  }
0x1e: {  	s7 =	smul.u32 @!p0 $0xF7A, s2;
	p2 =	seq.s32 @!p0 s5, $0x0  }
0x1f: {  	s9 =	smul.u32 $0xF7A, s1;
	s8 =	simm.s32 @!p0 $0x1BF5;
	p2 =	por !p2, p0  }
0x20: {  	[sflag:s8] =	ssyncset.s32 @!p0 $0xFFFFF086;
	s6 =	sadd.s32 @!p0 s3, s7;
	s7 =	simm.s32 @!p0 $0x108  }
0x21: {  	s3 =	sadd.s32 s3, s9;
	s6 =	sadd.s32 @!p0 $0x88, s6;
	s7 =	simm.s32 @p2 $0x1082  }
0x22: {  	[simem:s7], [sflag:s8] =	dma.local @!p0 [hbm:s6], $0xF7A  }
0x23: {  	s9 =	sor.u32 $0xD0000000, s2;
	s6 =	simm.s32 $0x108;
	_ =	swait.ge @!p0 [sflag:s8], $0x0  }
0x24: {  	s3 =	sadd.s32 $0x88, s3;
	s6 =	simm.s32 @!p1 $0x1082;
	[sflag:s4] =	ssyncset.s32 $0xFFFFF086  }
0x25: {  	[simem:s6], [sflag:s4] =	dma.local [hbm:s3], $0xF7A  }
0x26: {  	[smem:$0x3FA0] =	sst s1;
	(tag) =	ssettag s2;
	_ =	strace s9  }
0x27: {  	s1 =	sld [smem:$0x3FB0]  }
0x28: {  	s2 =	sld [smem:$0x3FB1]  }
0x29: {  	s4 =	sld [smem:$0x3FB3]  }
0x2a: {  	p0 =	seq.s32 s5, $0x0;
	s5 =	sld [smem:$0x3FB4]  }
0x2b: {  	s6 =	sld [smem:$0x3FB5]  }
0x2c: {  	s7 =	sld [smem:$0x3FB6]  }
0x2d: {  	s3 =	simm.s32 $0x108;
	s8 =	sld [smem:$0x3FB7]  }
0x2e: {  	s3 =	simm.s32 @!p0 $0x1082;
	s9 =	sld [smem:$0x3FB8]  }
0x2f: {  	lr =	sadd.s32 s0, s3;
	s0 =	sld [smem:$0x3FAF]  }
0x30: {  	s3 =	sld [smem:$0x3FB2]  }
0x31: {  	[smem:$0x3FBB] =	sst s10  }
0x32: {  	s10 =	sld [smem:$0x3FB9];
	_ =	sdelay $0x3  }
0x33: {  	p0 =	seq.s32 s10, $0x1;
	s10 =	sld [smem:$0x3FBB];
	_ =	sdelay $0x3  }
0x34: {  	[smem:$0x3FBB] =	sst s10  }
0x35: {  	s10 =	sld [smem:$0x3FBA];
	_ =	sdelay $0x3  }
0x36: {  	p1 =	seq.s32 s10, $0x1;
	s10 =	sld [smem:$0x3FBB];
	_ =	sdelay $0x3  }
0x37: {  	[smem:$0x3FBB] =	sst s10  }
0x38: {  	s10 =	sld [smem:$0x3FBC]  }
0x39: {  	_ = 	snop;
	(pc) =	sbr.ind lr, $3  }
0x3a: {  	_ = 	snop  }
0x3b: {  	_ = 	snop  }
0x3c: {  	p2 =	seq.s32 s10, $0x1;
	s10 =	sld [smem:$0x3FBB]  }
0x3d: {  	_ =	shalt  }
0x3e: {  	_ =	shalt  }
0x3f: {  	_ =	shalt  }
0x40: {  	_ =	shalt  }
0x41: {  	_ =	shalt  }
0x42: {  	_ =	shalt  }
0x43: {  	_ =	shalt  }
0x44: {  	_ =	shalt  }
0x45: {  	_ =	shalt  }
0x46: {  	_ =	shalt  }
0x47: {  	_ =	shalt  }
0x48: {  	_ =	shalt  }
0x49: {  	_ =	shalt  }
0x4a: {  	_ =	shalt  }
0x4b: {  	_ =	shalt  }
0x4c: {  	_ =	shalt  }
0x4d: {  	_ =	shalt  }
0x4e: {  	_ =	shalt  }
0x4f: {  	_ =	shalt  }
0x50: {  	_ =	shalt  }
0x51: {  	_ =	shalt  }
0x52: {  	_ =	shalt  }
0x53: {  	_ =	shalt  }
0x54: {  	_ =	shalt  }
0x55: {  	_ =	shalt  }
0x56: {  	_ =	shalt  }
0x57: {  	_ =	shalt  }
0x58: {  	_ =	shalt  }
0x59: {  	_ =	shalt  }
0x5a: {  	_ =	shalt  }
0x5b: {  	_ =	shalt  }
0x5c: {  	_ =	shalt  }
0x5d: {  	_ =	shalt  }
0x5e: {  	_ =	shalt  }
0x5f: {  	_ =	shalt  }
0x60: {  	_ =	shalt  }
0x61: {  	_ =	shalt  }
0x62: {  	_ =	shalt  }
0x63: {  	_ =	shalt  }
0x64: {  	_ =	shalt  }
0x65: {  	_ =	shalt  }
0x66: {  	_ =	shalt  }
0x67: {  	_ =	shalt  }
0x68: {  	_ =	shalt  }
0x69: {  	_ =	shalt  }
0x6a: {  	_ =	shalt  }
0x6b: {  	_ =	shalt  }
0x6c: {  	_ =	shalt  }
0x6d: {  	_ =	shalt  }
0x6e: {  	_ =	shalt  }
0x6f: {  	_ =	shalt  }
0x70: {  	_ =	shalt  }
0x71: {  	_ =	shalt  }
0x72: {  	_ =	shalt  }
0x73: {  	_ =	shalt  }
0x74: {  	_ =	shalt  }
0x75: {  	_ =	shalt  }
0x76: {  	_ =	shalt  }
0x77: {  	_ =	shalt  }
0x78: {  	_ =	shalt  }
0x79: {  	_ =	shalt  }
0x7a: {  	_ =	shalt  }
0x7b: {  	_ =	shalt  }
0x7c: {  	_ =	shalt  }
0x7d: {  	_ =	shalt  }
0x7e: {  	_ =	shalt  }
0x7f: {  	_ =	shalt  }
0x80: {  	_ =	shalt  }
0x81: {  	_ =	shalt  }
0x82: {  	_ =	shalt  }
0x83: {  	_ =	shalt  }
0x84: {  	_ =	shalt  }
0x85: {  	_ =	shalt  }
0x86: {  	_ =	shalt  }
0x87: {  	_ =	shalt  }
.Lfunc_end0:
.L_simem_size_0:
called_computation_lowered:
.L_overlay_start_0:
0x88: {  	s2 =	sld [smem:$0x3FD9]  }
0x89: {  	s3 =	sld [smem:$0x3FFE];
	_ =	sdelay $0x1  }
0x8a: {  	s1 =	srdreg.scid  }
0x8b: {  	s0 =	sand.u32 $0x1, s1  }
0x8c: {  	s14 =	sshll.u32 s0, $0xA;
	s2 =	sadd.s32 s3, s2  }
0x8d: {  	s2 =	sadd.s32 s2, s14  }
0x8e: {  	[smem:$0x3FC7] =	sst s2  }
0x8f: {  	_ = 	snop  }
0x90: {  	s2 =	sld [smem:$0x3FD0];
	_ =	sdelay $0x2  }
0x91: {  	s15 =	simm.s32 $0xA;
	s4 =	simm.s32 $0x10  }
0x92: {  	[smem:s4], [sflag:s15] =	dma.local [hbm:s2], $0x1  }
0x93: {  	_ =	swait.eq [sflag:s15], $0x1  }
0x94: {  	s16 =	sld [smem:$0x10];
	[sflag:s15] =	ssyncset.done $0x0  }
0x95: {  	s17 =	sld [smem:$0x11];
	[sflag:s15] =	ssyncadd.s32 $0xFFFFFFFF  }
0x96: {  	s18 =	sld [smem:$0x12];
	(tm) =	ssettm $0x1  }
0x97: {  	s5 =	sld [smem:$0x3FFB];
	_ =	sdelay $0x3  }
0x98: {  	_ =	strace s5  }
0x99: {  	s5 =	sld [smem:$0x3FFC];
	_ =	sdelay $0x3  }
0x9a: {  	_ =	strace s5  }
0x9b: {  	s5 =	sld [smem:$0x3FFD];
	_ =	sdelay $0x3  }
0x9c: {  	_ =	strace s5  }
0x9d: {  	_ =	strace $0x8FFFFFFF  }
0x9e: {  	s19 =	sld [smem:$0x3FDB];
	_ =	sdelay $0x1  }
0x9f: {  	s6 =	simm.s32 $_scs_section_size  }
0xa0: {  	s7 =	simm.s32 $_size__tile_overlayer_lowered;
	s8 =	simm.s32 $_tile_overlayer_lowered  }
0xa1: {  	s22 =	simm.s32 $0x1BFF;
	s21 =	sshll.u32 s8, $0x1;
	s5 =	sadd.s32 s6, s19  }
0xa2: {  	s9 =	simm.s32 $0x0;
	s20 =	sshll.u32 s7, $0x1;
	s7 =	sadd.s32 s21, s5  }
0xa3: {  	[timem:s9], [sflag:s22] =	dma.local [hbm:s7], s20  }
0xa4: {  	_ =	swait.ge [sflag:s22], s20  }
0xa5: {  	s6 =	ssub.s32 $0x0, s20;
	[sflag:s22] =	ssyncset.done $0x0  }
0xa6: {  	[sflag:s22] =	ssyncadd.s32 s6;
	_ =	sdelay $0x1  }
0xa7: {  	s23 =	simm.s32 $0x1B8B  }
0xa8: {  	_ =	swait.ge [sflag:s23], $0x1  }
0xa9: {  	[sflag:s23] =	ssyncset.done $0x0  }
0xaa: {  	s25 =	simm.s32 $0x1B8E;
	s24 =	sld [smem:$0x3FFE];
	[sflag:s23] =	ssyncadd.s32 $0xFFFFFFFF  }
0xab: {  	s26 =	simm.s32 $execute0_lowered;
	[smem:$0x3FD2] =	sst s25  }
0xac: {  	s7 =	sshll.u32 s26, $0x1;
	_ =	strace $0x80000046;
	[dreg:$0x1] =	wrdreg $0xFFFFFFFF  }
0xad: {  	s28 =	simm.s32 $_size_execute0_lowered;
	s5 =	sadd.s32 s5, s7;
	[dreg:$0x0] =	wrdreg $0x0  }
0xae: {  	s7 =	sshll.u32 s28, $0x1;
	[dreg:$0x2] =	wrdreg s5  }
0xaf: {  	[dreg:$0x3] =	wrdreg s7  }
0xb0: {  	[dreg:$0x4] =	wrdreg $0xC0  }
0xb1: {  	_ =	task [dreg:s9], $0x5FFFF  }
0xb2: {  	[dreg:$0x1] =	wrdreg $0xFFFFFFFF  }
0xb3: {  	[dreg:$0x0] =	wrdreg $0x60  }
0xb4: {  	[dreg:$0x2] =	wrdreg s24  }
0xb5: {  	[dreg:$0x3] =	wrdreg s16  }
0xb6: {  	[dreg:$0x4] =	wrdreg s17  }
0xb7: {  	[dreg:$0x5] =	wrdreg s18  }
0xb8: {  	[dreg:$0x6] =	wrdreg $0xEB800  }
0xb9: {  	[dreg:$0x7] =	wrdreg $0x9  }
0xba: {  	_ =	task.clear_ibuf [dreg:s9], $0x8FFFF;
	_ =	strace $0x90000046  }
0xbb: {  	s29 =	simm.s32 $0x9;
	_ =	strace $0x80000048  }
0xbc: {  	_ =	swait.ge [sflag:s29], $0x1  }
0xbd: {  	[sflag:s29] =	ssyncadd.s32 $0xFFFFFFFF  }
0xbe: {  	_ =	strace $0x90000048  }
0xbf: {  	_ =	sfence  }
0xc0: {  	s30 =	sld [smem:$0x0];
	_ =	sdelay $0x2  }
0xc1: {  	s31 =	sshll.u32 s1, $0xD;
	s1 =	sshrl.u32 s1, $0x2  }
0xc2: {  	s3 =	sand.u32 $0x4000, s31;
	s1 =	sadd.s32 s1, s30  }
0xc3: {  	s0 =	sor.u32 s3, s0;
	s1 =	sshll.u32 s1, $0x11  }
0xc4: {  	s0 =	sor.u32 s1, s0  }
0xc5: {  	s0 =	sadd.s32 $0x8F2B, s0  }
0xc6: {  	[sflag:s0] =	ssyncadd.remote.s32 $0x1  }
0xc7: {  	_ =	sfence.sel $0xFFFF  }
0xc8: {  	[dreg:$0x0] =	wrdreg $0xFFFFFFFF;
	(pc) =	sbr.abs _section_cstart, $3  }
0xc9: {  	[dreg:$0x1] =	wrdreg $0xFFFFFFFF  }
0xca: {  	_ =	task.clear_ibuf [dreg:s9], $0x2FFFF;
	_ =	strace $0x9FFFFFFF  }
0xcb: {  	(tm) =	ssettm $0x7FFFFFFF  }
tec
execute0_lowered:
.L_overlay_start_1:
0x0: {  	(tag) =	ssettag $0x1  }
0x1: {  	s0 =	rddreg [dreg:$0x0]  }
0x2: {  	s1 =	rddreg [dreg:$0x1]  }
0x3: {  	s2 =	rddreg [dreg:$0x2]  }
0x4: {  	s3 =	rddreg [dreg:$0x3]  }
0x5: {  	s5 =	rddreg [dreg:$0x4];
	s6 =	simm.s32 $0x0;
	s11 =	stileid.u32  }
0x6: {  	s4 =	srdreg.scid;
	s28 =	simm.s32 $0x1DA40;
	s13 =	smul.u32 $0x4E20, s11  }
0x7: {  	s30 =	simm.s32 $0x1D5C0;
	[smem:$0x7FF] =	sst s6;
	s10 =	smul.u32 $0x31000, s11  }
0x8: {  	s7 =	sand.u32 $0x1, s4;
	s8 =	smul.u32 $0x3100, s11;
	s21 =	sshll.u32 s11, $0x5  }
0x9: {  	_ =	strace $0x80000047;
	s4 =	ssub.s32 $0x2, s7;
	s16 =	sshrl.u32 s10, $0x2  }
0xa: {  	s14 =	sshrl.u32 s8, $0x2;
	s8 =	sadd.s32 s21, s5;
	s17 =	sadd.s32 s16, s5  }
0xb: {  	s6 =	sshrl.u32 s13, $0x3;
	s24 =	sadd.s32 $0xC4000, s8;
	[dreg:$0x8] =	wrdreg s17  }
0xc: {  	s9 =	sshrl.u32 s4, $0x1;
	s26 =	sadd.s32 $0xC4200, s8;
	[dreg:$0xd] =	wrdreg s24  }
0xd: {  	s0 =	sadd.s32 s6, s0;
	s31 =	sadd.s32 $0xC4010, s8;
	[dreg:$0xe] =	wrdreg s26  }
0xe: {  	s6 =	ssub.s32 s4, s9;
	s8 =	sadd.s32 $0xC4210, s8;
	[dreg:$0xf] =	wrdreg s31  }
0xf: {  	s4 =	sadd.s32 s14, s5;
	s5 =	sadd.s32 $0xC4000, s5;
	[dreg:$0x10] =	wrdreg s8  }
0x10: {  	s20 =	sshll.u32 s11, $0x1;
	s14 =	sadd.s32 $0x17BC, s1;
	[dreg:$0x11] =	wrdreg s5  }
0x11: {  	p0 =	sne.s32 s11, $0xF;
	s16 =	sadd.s32 $0x17BC, s3;
	[dreg:$0x15] =	wrdreg s14  }
0x12: {  	s11 =	simm.s32 $0x1C8C0;
	s15 =	sadd.s32 $0x600, s0;
	[dreg:$0x17] =	wrdreg s16  }
0x13: {  	s10 =	sor.u32 s7, s20;
	s0 =	sadd.s32 $0xAE2, s0;
	[dreg:$0x6] =	wrdreg s15  }
0x14: {  	s25 =	smul.u32 $0xC4, s10;
	s18 =	sadd.s32 $0xC400, s4;
	[dreg:$0x7] =	wrdreg s0  }
0x15: {  	s9 =	smul.u32 $0x1880, s7;
	s19 =	sadd.s32 $0x18800, s4;
	[dreg:$0x9] =	wrdreg s18  }
0x16: {  	p1 =	seq.s32 s10, $0x1F;
	s22 =	sadd.s32 $0x24C00, s4;
	[dreg:$0xa] =	wrdreg s19  }
0x17: {  	s7 =	simm.s32 $0x2780;
	s23 =	sadd.s32 $0x31000, s4;
	[dreg:$0xb] =	wrdreg s22  }
0x18: {  	s20 =	sadd.s32 $0x3D400, s4;
	s21 =	sadd.s32 $0x49800, s4;
	[dreg:$0xc] =	wrdreg s23  }
0x19: {  	s24 =	sadd.s32 $0x6E400, s4;
	s26 =	sadd.s32 $0x86C00, s4;
	[dreg:$0x19] =	wrdreg s20  }
0x1a: {  	s31 =	sadd.s32 $0x93000, s4;
	s5 =	sadd.s32 $0xB7C00, s4;
	[dreg:$0x1a] =	wrdreg s21  }
0x1b: {  	s8 =	simm.s32 $0x8;
	s14 =	simm.s32 $0x3;
	[dreg:$0x1d] =	wrdreg s24  }
0x1c: {  	s16 =	simm.s32 $0x5;
	s12 =	sadd.s32 s1, s25;
	[dreg:$0x1f] =	wrdreg s26  }
0x1d: {  	s13 =	sadd.s32 s2, s25;
	s0 =	sadd.s32 s3, s25;
	[smem:$0x7FD] =	sst s31  }
0x1e: {  	s15 =	sadd.s32 $0x17BC, s2;
	s17 =	sshrl.u32 s9, $0x2;
	[dreg:$0x12] =	wrdreg s12  }
0x1f: {  	s18 =	smax.u32 s6, $0x1;
	s22 =	sadd.s32 $0x55C00, s4;
	[dreg:$0x13] =	wrdreg s13  }
0x20: {  	s23 =	sadd.s32 $0x62000, s4;
	s25 =	sadd.s32 $0x7A800, s4;
	[dreg:$0x14] =	wrdreg s0  }
0x21: {  	s2 =	sadd.s32 $0x9F400, s4;
	s3 =	sadd.s32 $0xAB800, s4;
	[dreg:$0x16] =	wrdreg s15  }
0x22: {  	s6 =	simm.s32 $0x1;
	s9 =	simm.s32 $0x1BC40;
	[dreg:$0x18] =	wrdreg s18  }
0x23: {  	s26 =	simm.s32 $0x1880;
	s20 =	simm.s32 $0x1ECC0;
	[dreg:$0x1b] =	wrdreg s22  }
0x24: {  	v0 =	vlaneseq.u32;
	s21 =	simm.s32 $0x1F3C0;
	s19 =	sadd.s32 $0x1B020, s17;
	[dreg:$0x1c] =	wrdreg s23  }
0x25: {  	v4 =	vmul.u32 $0xFFFFFFFF, v0;
	s29 =	sadd.s32 $0x1AFF0, s17;
	[dreg:$0x1e] =	wrdreg s25;
	s12 =	simm.s32 $0xC40;
	v1 =	vmov s19  }
0x26: {  	v2 =	vimm.f32 $0.0e+00;
	v3 =	vimm.f32 $1.000000000e+00;
	s13 =	simm.s32 $0x2;
	s15 =	simm.s32 $0x4;
	s17 =	simm.s32 $0x6  }
0x27: {  	v5 =	vimm.s32 $0x0;
	vm0 =	vcmask @!p0 $0x300;
	v4 =	vadd.s32 $0xF, v4;
	s18 =	simm.s32 $0x7;
	s22 =	simm.s32 $0x0;
	s19 =	simm.s32 $0x1D540  }
.LBB2_1:
0x28: {  	s0 =	simm.s32 $0x0;
	s1 =	rddreg [dreg:$0x6]  }
0x29: {  	[tilespmem:s0], [sflag:$0x1] =	stream.linear.gather [hbm4b:s1+s0], $0x2710, $0x38;
	[tilespmem:$0x1F440] =	vst v63  }
0x2a: {  	s0 =	simm.s32 $0x27C0  }
0x2b: {  	[tilespmem:s0+$0xFFFFFFC0] =	vst v2  }
0x2c: {  	[tilespmem:s0+$0x30] =	vst v2  }
0x2d: {  	[tilespmem:s0+$0x20] =	vst v2  }
0x2e: {  	[tilespmem:s0+$0x10] =	vst v2  }
0x2f: {  	[tilespmem:s0+$0x0] =	vst v2  }
0x30: {  	[tilespmem:s0+$0xFFFFFFF0] =	vst v2  }
0x31: {  	s1 =	simm.s32 $0x0;
	[tilespmem:s0+$0xFFFFFFE0] =	vst v2  }
.LBB2_2:
0x32: {  	s1 =	sadd.s32 $0x8, s1;
	[tilespmem:s0+$0xFFFFFFD0] =	vst v2;
	s0 =	sadd.s32 $0x80, s0  }
0x33: {  	[tilespmem:s0+$0xFFFFFFC0] =	vst v2;
	p2 =	slt.u32 s1, $0xC38  }
0x34: {  	[tilespmem:s0+$0x30] =	vst v2  }
.Ltmp0:
0x35: {  	[tilespmem:s0+$0x20] =	vst v2;
	(pc) =	sbr.rel @p2 .LBB2_2-.Ltmp0, $4  }
0x36: {  	[tilespmem:s0+$0x10] =	vst v2  }
0x37: {  	[tilespmem:s0+$0x0] =	vst v2  }
0x38: {  	[tilespmem:s0+$0xFFFFFFF0] =	vst v2  }
0x39: {  	[tilespmem:s0+$0xFFFFFFE0] =	vst v2  }
0x3a: {  	[tilespmem:s0+$0xFFFFFFD0] =	vst v2  }
0x3b: {  	_ =	swait.ge [sflag:s6], $0x2710  }
0x3c: {  	[sflag:s6] =	ssyncset.done $0x0  }
0x3d: {  	s31 =	simm.s32 $0x0;
	[sflag:s6] =	ssyncadd.s32 $0xFFFFD8F0  }
0x3e: {  	v7 =	vld [tilespmem:s31+$0x0]  }
0x3f: {  	v8 =	vld [tilespmem:s31+$0x10]  }
0x40: {  	v9 =	vld [tilespmem:s31+$0x20]  }
0x41: {  	v10 =	vld [tilespmem:s31+$0x30];
	_ =	sdelay $0x1  }
0x42: {  	v6 =	vld [tilespmem:s31+$0x40];
	_ =	sdelay $0x2  }
0x43: {  	[tilespmem:v7+s7+$0x0] =	vst.idx.add.f32.msk $0xffff, v3  }
0x44: {  	[tilespmem:v8+s7+$0x0] =	vst.idx.add.f32.msk $0xffff, v3  }
0x45: {  	[tilespmem:v9+s7+$0x0] =	vst.idx.add.f32.msk $0xffff, v3  }
0x46: {  	s0 =	simm.s32 $0x140;
	s1 =	simm.s32 $0x280;
	[tilespmem:v10+s7+$0x0] =	vst.idx.add.f32.msk $0xffff, v3  }
.LBB2_4:
0x47: {  	p2 =	sne.s32 s1, $0x9B00  }
0x48: {  	s23 =	sshra.s32 s0, $0x2;
	[tilespmem:v6+s7+$0x0] =	vst.idx.add.f32.msk $0xffff, v3;
	s0 =	smov.u32 s1;
	s1 =	sadd.s32 $0x140, s1  }
0x49: {  	v7 =	vld [tilespmem:s23+$0x0]  }
0x4a: {  	v8 =	vld [tilespmem:s23+$0x10]  }
0x4b: {  	v9 =	vld [tilespmem:s23+$0x20]  }
0x4c: {  	v10 =	vld [tilespmem:s23+$0x30]  }
0x4d: {  	v6 =	vld [tilespmem:s23+$0x40];
	_ =	sdelay $0x2  }
.Ltmp1:
0x4e: {  	(pc) =	sbr.rel @p2 .LBB2_4-.Ltmp1, $4  }
0x4f: {  	[tilespmem:v7+s7+$0x0] =	vst.idx.add.f32.msk $0xffff, v3  }
0x50: {  	[tilespmem:v8+s7+$0x0] =	vst.idx.add.f32.msk $0xffff, v3  }
0x51: {  	[tilespmem:v9+s7+$0x0] =	vst.idx.add.f32.msk $0xffff, v3  }
0x52: {  	[tilespmem:v10+s7+$0x0] =	vst.idx.add.f32.msk $0xffff, v3  }
0x53: {  	_ =	sdelay $0x3  }
0x54: {  	s0 =	sshra.s32 s0, $0x2;
	[tilespmem:v6+s7+$0x0] =	vst.idx.add.f32.msk $0xffff, v3  }
0x55: {  	v6 =	vld [tilespmem:s0+$0x0]  }
0x56: {  	v7 =	vld [tilespmem:s0+$0x10]  }
0x57: {  	v8 =	vld [tilespmem:s0+$0x20]  }
0x58: {  	v9 =	vld [tilespmem:s0+$0x30]  }
0x59: {  	v10 =	vld [tilespmem:s0+$0x40];
	_ =	sdelay $0x3  }
0x5a: {  	[tilespmem:v6+s7+$0x0] =	vst.idx.add.f32.msk $0xffff, v3  }
0x5b: {  	[tilespmem:v7+s7+$0x0] =	vst.idx.add.f32.msk $0xffff, v3  }
0x5c: {  	[tilespmem:v8+s7+$0x0] =	vst.idx.add.f32.msk $0xffff, v3  }
0x5d: {  	[tilespmem:v9+s7+$0x0] =	vst.idx.add.f32.msk $0xffff, v3  }
0x5e: {  	s25 =	simm.s32 $0x0;
	s1 =	rddreg [dreg:$0x7];
	[tilespmem:v10+s7+$0x0] =	vst.idx.add.f32.msk $0xffff, v3  }
0x5f: {  	[tilespmem:s25], [sflag:$0x1] =	stream.linear.gather [hbm4b:s1+s25], $0x2710, $0x38;
	[tilespmem:$0x1F440] =	vst v63  }
0x60: {  	_ =	swait.ge [sflag:s6], $0x2710  }
0x61: {  	[sflag:s6] =	ssyncset.done $0x0  }
0x62: {  	s31 =	simm.s32 $0x0;
	[sflag:s6] =	ssyncadd.s32 $0xFFFFD8F0  }
0x63: {  	v7 =	vld [tilespmem:s31+$0x0]  }
0x64: {  	v8 =	vld [tilespmem:s31+$0x10]  }
0x65: {  	v62 =	vld [tilespmem:s31+$0x20]  }
0x66: {  	v63 =	vld [tilespmem:s31+$0x30];
	_ =	sdelay $0x1  }
0x67: {  	v6 =	vld [tilespmem:s31+$0x40];
	_ =	sdelay $0x2  }
0x68: {  	[tilespmem:v7+s7+$0x0] =	vst.idx.add.f32.msk $0xffff, v3  }
0x69: {  	[tilespmem:v8+s7+$0x0] =	vst.idx.add.f32.msk $0xffff, v3  }
0x6a: {  	[tilespmem:v62+s7+$0x0] =	vst.idx.add.f32.msk $0xffff, v3  }
0x6b: {  	s0 =	simm.s32 $0x140;
	s1 =	simm.s32 $0x280;
	[tilespmem:v63+s7+$0x0] =	vst.idx.add.f32.msk $0xffff, v3  }
.LBB2_6:
0x6c: {  	p2 =	sne.s32 s1, $0x9B00  }
0x6d: {  	s23 =	sshra.s32 s0, $0x2;
	[tilespmem:v6+s7+$0x0] =	vst.idx.add.f32.msk $0xffff, v3;
	s0 =	smov.u32 s1;
	s1 =	sadd.s32 $0x140, s1  }
0x6e: {  	v7 =	vld [tilespmem:s23+$0x0]  }
0x6f: {  	v8 =	vld [tilespmem:s23+$0x10]  }
0x70: {  	v9 =	vld [tilespmem:s23+$0x20]  }
0x71: {  	v10 =	vld [tilespmem:s23+$0x30]  }
0x72: {  	v6 =	vld [tilespmem:s23+$0x40];
	_ =	sdelay $0x2  }
.Ltmp2:
0x73: {  	(pc) =	sbr.rel @p2 .LBB2_6-.Ltmp2, $4  }
0x74: {  	[tilespmem:v7+s7+$0x0] =	vst.idx.add.f32.msk $0xffff, v3  }
0x75: {  	[tilespmem:v8+s7+$0x0] =	vst.idx.add.f32.msk $0xffff, v3  }
0x76: {  	[tilespmem:v9+s7+$0x0] =	vst.idx.add.f32.msk $0xffff, v3  }
0x77: {  	[tilespmem:v10+s7+$0x0] =	vst.idx.add.f32.msk $0xffff, v3  }
0x78: {  	_ =	sdelay $0x3  }
0x79: {  	s0 =	sshra.s32 s0, $0x2;
	[tilespmem:v6+s7+$0x0] =	vst.idx.add.f32.msk $0xffff, v3  }
0x7a: {  	v6 =	vld [tilespmem:s0+$0x0]  }
0x7b: {  	v7 =	vld [tilespmem:s0+$0x10]  }
0x7c: {  	v8 =	vld [tilespmem:s0+$0x20]  }
0x7d: {  	v9 =	vld [tilespmem:s0+$0x30]  }
0x7e: {  	v10 =	vld [tilespmem:s0+$0x40];
	_ =	sdelay $0x3  }
0x7f: {  	[tilespmem:v6+s7+$0x0] =	vst.idx.add.f32.msk $0xffff, v3  }
0x80: {  	[tilespmem:v7+s7+$0x0] =	vst.idx.add.f32.msk $0xffff, v3  }
0x81: {  	[tilespmem:v8+s7+$0x0] =	vst.idx.add.f32.msk $0xffff, v3  }
0x82: {  	[tilespmem:v9+s7+$0x0] =	vst.idx.add.f32.msk $0xffff, v3  }
0x83: {  	s31 =	rddreg [dreg:$0x8];
	[tilespmem:v10+s7+$0x0] =	vst.idx.add.f32.msk $0xffff, v3  }
0x84: {  	[spmem:s31] =	stream.linear.scatter [tilespmem:s7], [sflag:$0x8], $0xC400, $0x38;
	[tilespmem:$0x1F440] =	vst v63  }
0x85: {  	_ =	swait.ge [sflag:s8], $0xC400  }
0x86: {  	[sflag:s8] =	ssyncset.done $0x0  }
0x87: {  	[sflag:s8] =	ssyncadd.s32 $0xFFFF3C00  }
0x88: {  	[bflag:$0x0] =	sbarrier.arrive $0xFFFF  }
0x89: {  	[tilespmem:s9], [sflag:$0x2] =	stream.linear.gather [spmem:s4], $0xC40, $0x38;
	[tilespmem:$0x1F440] =	vst v63  }
0x8a: {  	s1 =	rddreg [dreg:$0x9]  }
0x8b: {  	[tilespmem:s11], [sflag:$0x3] =	stream.linear.gather [spmem:s1], $0xC40, $0x38;
	[tilespmem:$0x1F440] =	vst v63  }
0x8c: {  	s23 =	simm.s32 $0x0;
	s1 =	rddreg [dreg:$0xa]  }
0x8d: {  	[tilespmem:s23], [sflag:$0x4] =	stream.linear.gather [spmem:s1], $0xC40, $0x38;
	[tilespmem:$0x1F440] =	vst v63  }
0x8e: {  	s24 =	rddreg [dreg:$0xb]  }
0x8f: {  	[tilespmem:s12], [sflag:$0x5] =	stream.linear.gather [spmem:s24], $0xC40, $0x38;
	[tilespmem:$0x1F440] =	vst v63  }
0x90: {  	s25 =	rddreg [dreg:$0xc]  }
0x91: {  	[tilespmem:s26], [sflag:$0x6] =	stream.linear.gather [spmem:s25], $0xC40, $0x38;
	[tilespmem:$0x1F440] =	vst v63  }
0x92: {  	s31 =	rddreg [dreg:$0x19]  }
0x93: {  	[tilespmem:s28], [sflag:$0x7] =	stream.linear.gather [spmem:s31], $0xC40, $0x38;
	[tilespmem:$0x1F440] =	vst v63  }
0x94: {  	_ =	swait.ge [sflag:s13], $0xC40  }
0x95: {  	[sflag:s13] =	ssyncset.done $0x0  }
0x96: {  	[sflag:s13] =	ssyncadd.s32 $0xFFFFF3C0  }
0x97: {  	_ =	swait.ge [sflag:s14], $0xC40  }
0x98: {  	[sflag:s14] =	ssyncset.done $0x0  }
0x99: {  	[sflag:s14] =	ssyncadd.s32 $0xFFFFF3C0  }
0x9a: {  	_ =	swait.ge [sflag:s15], $0xC40  }
0x9b: {  	[sflag:s15] =	ssyncset.done $0x0  }
0x9c: {  	[sflag:s15] =	ssyncadd.s32 $0xFFFFF3C0  }
0x9d: {  	_ =	swait.ge [sflag:s16], $0xC40  }
0x9e: {  	[sflag:s16] =	ssyncset.done $0x0  }
0x9f: {  	s23 =	simm.s32 $0x0;
	[sflag:s16] =	ssyncadd.s32 $0xFFFFF3C0  }
0xa0: {  	v6 =	vld [tilespmem:s23+$0x1BCA0]  }
0xa1: {  	v7 =	vld [tilespmem:s23+$0x1C920]  }
0xa2: {  	v8 =	vld [tilespmem:s23+$0x1BC40]  }
0xa3: {  	v9 =	vld [tilespmem:s23+$0x60]  }
0xa4: {  	v10 =	vld [tilespmem:s23+$0x1C8C0]  }
0xa5: {  	v11 =	vld [tilespmem:s23+$0xCA0]  }
0xa6: {  	v12 =	vld [tilespmem:s23+$0x1BC50]  }
0xa7: {  	v13 =	vld [tilespmem:s23+$0x1BC60]  }
0xa8: {  	v14 =	vld [tilespmem:s23+$0x1BC70]  }
0xa9: {  	v15 =	vld [tilespmem:s23+$0x1BC80]  }
0xaa: {  	v16 =	vld [tilespmem:s23+$0x1BC90]  }
0xab: {  	v17 =	vld [tilespmem:s23+$0x1C910]  }
0xac: {  	v18 =	vld [tilespmem:s23+$0x0]  }
0xad: {  	v19 =	vld [tilespmem:s23+$0x10];
	v6 =	vadd.f32 v7, v6  }
0xae: {  	v20 =	vld [tilespmem:s23+$0x20]  }
0xaf: {  	v21 =	vld [tilespmem:s23+$0x30];
	v6 =	vadd.f32 v9, v6  }
0xb0: {  	v22 =	vld [tilespmem:s23+$0x40]  }
0xb1: {  	v7 =	vld [tilespmem:s23+$0x1C8D0];
	v6 =	vadd.f32 v11, v6  }
0xb2: {  	v9 =	vld [tilespmem:s23+$0x1C8E0]  }
0xb3: {  	[tilespmem:s23+$0x1B020] =	vst v6;
	v6 =	vld [tilespmem:s23+$0x1C900]  }
0xb4: {  	v11 =	vld [tilespmem:s23+$0x1C8F0]  }
0xb5: {  	v23 =	vld [tilespmem:s23+$0x50]  }
0xb6: {  	v24 =	vld [tilespmem:s23+$0xC40];
	v8 =	vadd.f32 v10, v8;
	v7 =	vadd.f32 v7, v12  }
0xb7: {  	v25 =	vld [tilespmem:s23+$0xC50];
	v9 =	vadd.f32 v9, v13;
	v13 =	vadd.f32 v17, v16  }
0xb8: {  	v12 =	vld [tilespmem:s23+$0xC60];
	v16 =	vadd.f32 v19, v7;
	v6 =	vadd.f32 v6, v15  }
0xb9: {  	v10 =	vadd.f32 v11, v14;
	v11 =	vld [tilespmem:s23+$0xC70];
	v15 =	vadd.f32 v18, v8  }
0xba: {  	v14 =	vadd.f32 v20, v9;
	v9 =	vld [tilespmem:s23+$0xC80];
	v8 =	vadd.f32 v22, v6  }
0xbb: {  	s24 =	simm.s32 $0x70;
	v6 =	vadd.f32 v23, v13;
	v13 =	vld [tilespmem:s23+$0xC90];
	v15 =	vadd.f32 v24, v15  }
0xbc: {  	s25 =	simm.s32 $0x380;
	v7 =	vld [tilespmem:s24+$0x1BCA0];
	v16 =	vadd.f32 v25, v16;
	v10 =	vadd.f32 v21, v10  }
.LBB2_8:
0xbd: {  	p2 =	sne.s32 s25, $0x2F40;
	v17 =	vld [tilespmem:s24+$0x1C920];
	[tilespmem:s23+$0x1AFC0] =	vst v15;
	v12 =	vadd.f32 v12, v14  }
0xbe: {  	v14 =	vld [tilespmem:s24+$0x1BC40];
	[tilespmem:s23+$0x1AFD0] =	vst v16;
	v10 =	vadd.f32 v11, v10  }
0xbf: {  	v11 =	vld [tilespmem:s24+$0x60];
	[tilespmem:s23+$0x1AFE0] =	vst v12;
	v8 =	vadd.f32 v9, v8  }
0xc0: {  	v9 =	vld [tilespmem:s24+$0x1C8C0];
	[tilespmem:s23+$0x1AFF0] =	vst v10;
	v6 =	vadd.f32 v13, v6  }
0xc1: {  	v10 =	vld [tilespmem:s24+$0xCA0];
	[tilespmem:s23+$0x1B000] =	vst v8  }
0xc2: {  	v8 =	vld [tilespmem:s24+$0x1BC50];
	v7 =	vadd.f32 v17, v7;
	[tilespmem:s23+$0x1B010] =	vst v6;
	s23 =	smov.u32 s24  }
0xc3: {  	v6 =	vld [tilespmem:s23+$0x1C8D0]  }
0xc4: {  	v12 =	vld [tilespmem:s23+$0x1BC60];
	v7 =	vadd.f32 v11, v7  }
0xc5: {  	v9 =	vadd.f32 v9, v14;
	v11 =	vld [tilespmem:s23+$0x1C8E0]  }
0xc6: {  	v13 =	vld [tilespmem:s23+$0x1BC70];
	v7 =	vadd.f32 v10, v7  }
0xc7: {  	v10 =	vld [tilespmem:s23+$0x1C8F0]  }
0xc8: {  	v6 =	vadd.f32 v6, v8;
	v8 =	vld [tilespmem:s23+$0x1BC80];
	[tilespmem:s23+$0x1B020] =	vst v7  }
0xc9: {  	v7 =	vld [tilespmem:s23+$0x1C900]  }
0xca: {  	v11 =	vadd.f32 v11, v12;
	v12 =	vld [tilespmem:s23+$0x1BC90]  }
0xcb: {  	v14 =	vld [tilespmem:s23+$0x1C910]  }
0xcc: {  	v15 =	vld [tilespmem:s23+$0x0];
	v10 =	vadd.f32 v10, v13  }
0xcd: {  	v13 =	vld [tilespmem:s23+$0x10]  }
0xce: {  	v16 =	vld [tilespmem:s23+$0x20];
	v7 =	vadd.f32 v7, v8  }
0xcf: {  	v8 =	vld [tilespmem:s23+$0x30]  }
0xd0: {  	v17 =	vld [tilespmem:s23+$0x40];
	v18 =	vadd.f32 v14, v12  }
0xd1: {  	v15 =	vadd.f32 v15, v9;
	v19 =	vld [tilespmem:s23+$0x50]  }
0xd2: {  	v20 =	vld [tilespmem:s23+$0xC40];
	v21 =	vadd.f32 v13, v6  }
0xd3: {  	v22 =	vld [tilespmem:s23+$0xC50];
	v14 =	vadd.f32 v16, v11  }
.Ltmp3:
0xd4: {  	v12 =	vld [tilespmem:s23+$0xC60];
	v10 =	vadd.f32 v8, v10;
	(pc) =	sbr.rel @p2 .LBB2_8-.Ltmp3, $4  }
0xd5: {  	v11 =	vld [tilespmem:s23+$0xC70];
	v8 =	vadd.f32 v17, v7  }
0xd6: {  	v9 =	vld [tilespmem:s23+$0xC80];
	v6 =	vadd.f32 v19, v18  }
0xd7: {  	s24 =	sshra.s32 s25, $0x2;
	v15 =	vadd.f32 v20, v15;
	v13 =	vld [tilespmem:s23+$0xC90]  }
0xd8: {  	s25 =	sadd.s32 $0x1C0, s25;
	v7 =	vld [tilespmem:s24+$0x1BCA0];
	v16 =	vadd.f32 v22, v21  }
0xd9: {  	v17 =	vld [tilespmem:s24+$0x1C920];
	[tilespmem:s23+$0x1AFC0] =	vst v15;
	v12 =	vadd.f32 v12, v14  }
0xda: {  	v15 =	vld [tilespmem:s24+$0x1BC40];
	[tilespmem:s23+$0x1AFD0] =	vst v16;
	v10 =	vadd.f32 v11, v10  }
0xdb: {  	v14 =	vld [tilespmem:s24+$0x60];
	[tilespmem:s23+$0x1AFE0] =	vst v12;
	v8 =	vadd.f32 v9, v8  }
0xdc: {  	v11 =	vld [tilespmem:s24+$0x1C8C0];
	[tilespmem:s23+$0x1AFF0] =	vst v10;
	v6 =	vadd.f32 v13, v6  }
0xdd: {  	v9 =	vld [tilespmem:s24+$0xCA0];
	[tilespmem:s23+$0x1B000] =	vst v8  }
0xde: {  	v8 =	vld [tilespmem:s24+$0x1BC50];
	[tilespmem:s23+$0x1B010] =	vst v6  }
0xdf: {  	v6 =	vadd.f32 v17, v7;
	v7 =	vld [tilespmem:s24+$0x1C8D0]  }
0xe0: {  	v10 =	vld [tilespmem:s24+$0x1BC60]  }
0xe1: {  	v12 =	vld [tilespmem:s24+$0x1C8E0]  }
0xe2: {  	v13 =	vld [tilespmem:s24+$0x1BC70]  }
0xe3: {  	v16 =	vld [tilespmem:s24+$0x1BC90]  }
0xe4: {  	v17 =	vld [tilespmem:s24+$0x1C910]  }
0xe5: {  	v18 =	vld [tilespmem:s24+$0x0]  }
0xe6: {  	v19 =	vld [tilespmem:s24+$0x10]  }
0xe7: {  	v20 =	vld [tilespmem:s24+$0x20]  }
0xe8: {  	v21 =	vld [tilespmem:s24+$0x30]  }
0xe9: {  	v22 =	vld [tilespmem:s24+$0x40]  }
0xea: {  	v23 =	vld [tilespmem:s24+$0x50];
	v6 =	vadd.f32 v14, v6  }
0xeb: {  	v24 =	vld [tilespmem:s24+$0xC40]  }
0xec: {  	v6 =	vadd.f32 v9, v6;
	v9 =	vld [tilespmem:s24+$0x1C8F0]  }
0xed: {  	v14 =	vld [tilespmem:s24+$0x1BC80]  }
0xee: {  	v11 =	vadd.f32 v11, v15;
	[tilespmem:s24+$0x1B020] =	vst v6;
	v6 =	vld [tilespmem:s24+$0x1C900]  }
0xef: {  	v7 =	vadd.f32 v7, v8;
	v8 =	vld [tilespmem:s24+$0xC50]  }
0xf0: {  	v10 =	vadd.f32 v12, v10;
	v12 =	vld [tilespmem:s24+$0xC60];
	v11 =	vadd.f32 v18, v11  }
0xf1: {  	v7 =	vadd.f32 v19, v7;
	v9 =	vadd.f32 v9, v13;
	v13 =	vld [tilespmem:s24+$0xC70]  }
0xf2: {  	v15 =	vld [tilespmem:s24+$0xC80];
	v10 =	vadd.f32 v20, v10;
	v11 =	vadd.f32 v24, v11  }
0xf3: {  	v6 =	vadd.f32 v6, v14;
	v14 =	vadd.f32 v17, v16;
	v16 =	vld [tilespmem:s24+$0xC90]  }
0xf4: {  	v9 =	vadd.f32 v21, v9;
	v7 =	vadd.f32 v8, v7  }
0xf5: {  	[tilespmem:s24+$0x1AFC0] =	vst v11;
	v8 =	vadd.f32 v12, v10;
	v6 =	vadd.f32 v22, v6  }
0xf6: {  	v10 =	vadd.f32 v23, v14;
	[tilespmem:s24+$0x1AFD0] =	vst v7;
	v7 =	vadd.f32 v13, v9  }
0xf7: {  	[tilespmem:s24+$0x1AFE0] =	vst v8;
	v6 =	vadd.f32 v15, v6  }
0xf8: {  	[tilespmem:s24+$0x1AFF0] =	vst v7;
	v7 =	vadd.f32 v16, v10  }
0xf9: {  	[tilespmem:s24+$0x1B000] =	vst v6  }
0xfa: {  	s0 =	rddreg [dreg:$0x1a];
	[tilespmem:s24+$0x1B010] =	vst v7  }
0xfb: {  	[tilespmem:s9], [sflag:$0x2] =	stream.linear.gather [spmem:s0], $0xC40, $0x38;
	[tilespmem:$0x1F440] =	vst v63  }
0xfc: {  	s24 =	rddreg [dreg:$0x1b]  }
0xfd: {  	[tilespmem:s11], [sflag:$0x3] =	stream.linear.gather [spmem:s24], $0xC40, $0x38;
	[tilespmem:$0x1F440] =	vst v63  }
0xfe: {  	s25 =	simm.s32 $0x0;
	s1 =	rddreg [dreg:$0x1c]  }
0xff: {  	[tilespmem:s25], [sflag:$0x4] =	stream.linear.gather [spmem:s1], $0xC40, $0x38;
	[tilespmem:$0x1F440] =	vst v63  }
0x100: {  	s31 =	rddreg [dreg:$0x1d]  }
0x101: {  	[tilespmem:s12], [sflag:$0x5] =	stream.linear.gather [spmem:s31], $0xC40, $0x38;
	[tilespmem:$0x1F440] =	vst v63  }
0x102: {  	_ =	swait.ge [sflag:s17], $0xC40  }
0x103: {  	[sflag:s17] =	ssyncset.done $0x0  }
0x104: {  	[sflag:s17] =	ssyncadd.s32 $0xFFFFF3C0  }
0x105: {  	_ =	swait.ge [sflag:s18], $0xC40  }
0x106: {  	[sflag:s18] =	ssyncset.done $0x0  }
0x107: {  	[sflag:s18] =	ssyncadd.s32 $0xFFFFF3C0  }
0x108: {  	_ =	swait.ge [sflag:s13], $0xC40  }
0x109: {  	[sflag:s13] =	ssyncset.done $0x0  }
0x10a: {  	s23 =	simm.s32 $0x0;
	[sflag:s13] =	ssyncadd.s32 $0xFFFFF3C0  }
0x10b: {  	v10 =	vld [tilespmem:s23+$0x1BC40]  }
0x10c: {  	v9 =	vld [tilespmem:s23+$0x1BC50]  }
0x10d: {  	v8 =	vld [tilespmem:s23+$0x1BC60]  }
0x10e: {  	v7 =	vld [tilespmem:s23+$0x1BC70]  }
0x10f: {  	v6 =	vld [tilespmem:s23+$0x1BC80]  }
0x110: {  	v19 =	vld [tilespmem:s23+$0x1DA40]  }
0x111: {  	v14 =	vld [tilespmem:s23+$0x1DA50]  }
0x112: {  	v13 =	vld [tilespmem:s23+$0x1DA60]  }
0x113: {  	v12 =	vld [tilespmem:s23+$0x1DA70]  }
0x114: {  	v11 =	vld [tilespmem:s23+$0x1DA80]  }
0x115: {  	v20 =	vld [tilespmem:s23+$0x1880]  }
0x116: {  	v22 =	vld [tilespmem:s23+$0x1890]  }
0x117: {  	v24 =	vld [tilespmem:s23+$0x18A0]  }
0x118: {  	v17 =	vld [tilespmem:s23+$0x18B0]  }
0x119: {  	v16 =	vld [tilespmem:s23+$0x18C0]  }
0x11a: {  	v21 =	vld [tilespmem:s23+$0x1AFC0]  }
0x11b: {  	v23 =	vld [tilespmem:s23+$0x1AFD0]  }
0x11c: {  	v25 =	vld [tilespmem:s23+$0x1AFE0]  }
0x11d: {  	v18 =	vld [tilespmem:s23+$0x18D0]  }
0x11e: {  	v15 =	vld [tilespmem:s23+$0x18E0]  }
0x11f: {  	v26 =	vadd.f32 v20, v21;
	v21 =	vld [tilespmem:s23+$0x1AFF0]  }
0x120: {  	v22 =	vadd.f32 v22, v23;
	v20 =	vld [tilespmem:s23+$0x1B000]  }
0x121: {  	s24 =	simm.s32 $0x1C0;
	v24 =	vadd.f32 v24, v25;
	v23 =	vadd.f32 v19, v26;
	v19 =	vld [tilespmem:s23+$0x1B010]  }
.LBB2_10:
0x122: {  	p2 =	sne.s32 s24, $0x2F40;
	v14 =	vadd.f32 v14, v22;
	v22 =	vld [tilespmem:s23+$0x1B020]  }
0x123: {  	v23 =	vadd.f32 v10, v23;
	v10 =	vadd.f32 v13, v24;
	v13 =	vld [tilespmem:s23+$0x1DA90]  }
0x124: {  	v14 =	vadd.f32 v9, v14;
	v9 =	vadd.f32 v17, v21;
	v17 =	vld [tilespmem:s23+$0x1DAA0]  }
0x125: {  	v21 =	vadd.f32 v8, v10;
	v8 =	vadd.f32 v16, v20;
	v16 =	vld [tilespmem:s23+$0x1BC90]  }
0x126: {  	s0 =	sshra.s32 s24, $0x2;
	v12 =	vadd.f32 v12, v9;
	v18 =	vadd.f32 v18, v19;
	v19 =	vld [tilespmem:s23+$0x1BCA0]  }
0x127: {  	v10 =	vld [tilespmem:s0+$0x1BC40];
	[tilespmem:s23+$0x1AFC0] =	vst v23;
	v11 =	vadd.f32 v11, v8;
	v15 =	vadd.f32 v15, v22  }
0x128: {  	v9 =	vld [tilespmem:s0+$0x1BC50];
	[tilespmem:s23+$0x1AFD0] =	vst v14;
	v12 =	vadd.f32 v7, v12;
	v13 =	vadd.f32 v13, v18  }
0x129: {  	v8 =	vld [tilespmem:s0+$0x1BC60];
	[tilespmem:s23+$0x1AFE0] =	vst v21;
	v11 =	vadd.f32 v6, v11;
	v14 =	vadd.f32 v17, v15  }
0x12a: {  	v7 =	vld [tilespmem:s0+$0x1BC70];
	[tilespmem:s23+$0x1AFF0] =	vst v12;
	v12 =	vadd.f32 v16, v13  }
0x12b: {  	v6 =	vld [tilespmem:s0+$0x1BC80];
	[tilespmem:s23+$0x1B000] =	vst v11;
	v11 =	vadd.f32 v19, v14  }
0x12c: {  	v19 =	vld [tilespmem:s0+$0x1DA40];
	[tilespmem:s23+$0x1B010] =	vst v12  }
0x12d: {  	v14 =	vld [tilespmem:s0+$0x1DA50];
	[tilespmem:s23+$0x1B020] =	vst v11;
	s23 =	smov.u32 s0  }
0x12e: {  	v13 =	vld [tilespmem:s23+$0x1DA60]  }
0x12f: {  	v12 =	vld [tilespmem:s23+$0x1DA70]  }
0x130: {  	v11 =	vld [tilespmem:s23+$0x1DA80]  }
0x131: {  	v20 =	vld [tilespmem:s23+$0x1880]  }
0x132: {  	v22 =	vld [tilespmem:s23+$0x1890]  }
0x133: {  	v24 =	vld [tilespmem:s23+$0x18A0]  }
0x134: {  	v17 =	vld [tilespmem:s23+$0x18B0]  }
0x135: {  	v16 =	vld [tilespmem:s23+$0x18C0]  }
0x136: {  	v21 =	vld [tilespmem:s23+$0x1AFC0]  }
0x137: {  	v23 =	vld [tilespmem:s23+$0x1AFD0]  }
0x138: {  	v25 =	vld [tilespmem:s23+$0x1AFE0]  }
.Ltmp4:
0x139: {  	v18 =	vld [tilespmem:s23+$0x18D0];
	(pc) =	sbr.rel @p2 .LBB2_10-.Ltmp4, $4  }
0x13a: {  	v15 =	vld [tilespmem:s23+$0x18E0]  }
0x13b: {  	v26 =	vadd.f32 v20, v21;
	v21 =	vld [tilespmem:s23+$0x1AFF0]  }
0x13c: {  	v22 =	vadd.f32 v22, v23;
	v20 =	vld [tilespmem:s23+$0x1B000]  }
0x13d: {  	s24 =	sadd.s32 $0x1C0, s24;
	v23 =	vadd.f32 v19, v26;
	v24 =	vadd.f32 v24, v25;
	v19 =	vld [tilespmem:s23+$0x1B010]  }
0x13e: {  	v14 =	vadd.f32 v14, v22;
	v22 =	vld [tilespmem:s23+$0x1B020]  }
0x13f: {  	v10 =	vadd.f32 v10, v23;
	v13 =	vadd.f32 v13, v24;
	v23 =	vld [tilespmem:s23+$0x1DA90]  }
0x140: {  	v9 =	vadd.f32 v9, v14;
	v14 =	vadd.f32 v17, v21;
	v17 =	vld [tilespmem:s23+$0x1DAA0]  }
0x141: {  	v8 =	vadd.f32 v8, v13;
	v13 =	vadd.f32 v16, v20;
	v16 =	vld [tilespmem:s23+$0x1BC90]  }
0x142: {  	v12 =	vadd.f32 v12, v14;
	v14 =	vadd.f32 v18, v19;
	v18 =	vld [tilespmem:s23+$0x1BCA0]  }
0x143: {  	[tilespmem:s23+$0x1AFC0] =	vst v10;
	v10 =	vadd.f32 v11, v13;
	v11 =	vadd.f32 v15, v22  }
0x144: {  	[tilespmem:s23+$0x1AFD0] =	vst v9;
	v7 =	vadd.f32 v7, v12;
	v9 =	vadd.f32 v23, v14  }
0x145: {  	[tilespmem:s23+$0x1AFE0] =	vst v8;
	v6 =	vadd.f32 v6, v10;
	v8 =	vadd.f32 v17, v11  }
0x146: {  	[tilespmem:s23+$0x1AFF0] =	vst v7;
	v7 =	vadd.f32 v16, v9  }
0x147: {  	[tilespmem:s23+$0x1B000] =	vst v6;
	v6 =	vadd.f32 v18, v8  }
0x148: {  	s0 =	rddreg [dreg:$0x1e];
	[tilespmem:s23+$0x1B010] =	vst v7  }
0x149: {  	s31 =	sld [smem:$0x7FD];
	[tilespmem:s23+$0x1B020] =	vst v6  }
0x14a: {  	[tilespmem:s26], [sflag:$0x6] =	stream.linear.gather [spmem:s0], $0xC40, $0x38;
	[tilespmem:$0x1F440] =	vst v63  }
0x14b: {  	s26 =	rddreg [dreg:$0x1f]  }
0x14c: {  	[tilespmem:s28], [sflag:$0x7] =	stream.linear.gather [spmem:s26], $0xC40, $0x38;
	[tilespmem:$0x1F440] =	vst v63  }
0x14d: {  	_ = 	snop  }
0x14e: {  	[tilespmem:s9], [sflag:$0x2] =	stream.linear.gather [spmem:s31], $0xC40, $0x38;
	[tilespmem:$0x1F440] =	vst v63  }
0x14f: {  	_ =	swait.ge [sflag:s14], $0xC40  }
0x150: {  	[sflag:s14] =	ssyncset.done $0x0  }
0x151: {  	[sflag:s14] =	ssyncadd.s32 $0xFFFFF3C0  }
0x152: {  	_ =	swait.ge [sflag:s15], $0xC40  }
0x153: {  	[sflag:s15] =	ssyncset.done $0x0  }
0x154: {  	[sflag:s15] =	ssyncadd.s32 $0xFFFFF3C0  }
0x155: {  	_ =	swait.ge [sflag:s16], $0xC40  }
0x156: {  	[sflag:s16] =	ssyncset.done $0x0  }
0x157: {  	s23 =	simm.s32 $0x0;
	[sflag:s16] =	ssyncadd.s32 $0xFFFFF3C0  }
0x158: {  	v10 =	vld [tilespmem:s23+$0xC40]  }
0x159: {  	v9 =	vld [tilespmem:s23+$0xC50]  }
0x15a: {  	v8 =	vld [tilespmem:s23+$0xC60]  }
0x15b: {  	v7 =	vld [tilespmem:s23+$0xC70]  }
0x15c: {  	v6 =	vld [tilespmem:s23+$0xC80]  }
0x15d: {  	v19 =	vld [tilespmem:s23+$0x0]  }
0x15e: {  	v14 =	vld [tilespmem:s23+$0x10]  }
0x15f: {  	v13 =	vld [tilespmem:s23+$0x20]  }
0x160: {  	v12 =	vld [tilespmem:s23+$0x30]  }
0x161: {  	v11 =	vld [tilespmem:s23+$0x40]  }
0x162: {  	v20 =	vld [tilespmem:s23+$0x1C8C0]  }
0x163: {  	v22 =	vld [tilespmem:s23+$0x1C8D0]  }
0x164: {  	v24 =	vld [tilespmem:s23+$0x1C8E0]  }
0x165: {  	v17 =	vld [tilespmem:s23+$0x1C8F0]  }
0x166: {  	v16 =	vld [tilespmem:s23+$0x1C900]  }
0x167: {  	v21 =	vld [tilespmem:s23+$0x1AFC0]  }
0x168: {  	v23 =	vld [tilespmem:s23+$0x1AFD0]  }
0x169: {  	v25 =	vld [tilespmem:s23+$0x1AFE0]  }
0x16a: {  	v18 =	vld [tilespmem:s23+$0x1C910]  }
0x16b: {  	v15 =	vld [tilespmem:s23+$0x1C920]  }
0x16c: {  	v26 =	vadd.f32 v20, v21;
	v21 =	vld [tilespmem:s23+$0x1AFF0]  }
0x16d: {  	v22 =	vadd.f32 v22, v23;
	v20 =	vld [tilespmem:s23+$0x1B000]  }
0x16e: {  	s24 =	simm.s32 $0x1C0;
	v24 =	vadd.f32 v24, v25;
	v23 =	vadd.f32 v19, v26;
	v19 =	vld [tilespmem:s23+$0x1B010]  }
.LBB2_12:
0x16f: {  	p2 =	sne.s32 s24, $0x2F40;
	v14 =	vadd.f32 v14, v22;
	v22 =	vld [tilespmem:s23+$0x1B020]  }
0x170: {  	v23 =	vadd.f32 v10, v23;
	v10 =	vadd.f32 v13, v24;
	v13 =	vld [tilespmem:s23+$0x50]  }
0x171: {  	v14 =	vadd.f32 v9, v14;
	v9 =	vadd.f32 v17, v21;
	v17 =	vld [tilespmem:s23+$0x60]  }
0x172: {  	v21 =	vadd.f32 v8, v10;
	v8 =	vadd.f32 v16, v20;
	v16 =	vld [tilespmem:s23+$0xC90]  }
0x173: {  	s0 =	sshra.s32 s24, $0x2;
	v12 =	vadd.f32 v12, v9;
	v18 =	vadd.f32 v18, v19;
	v19 =	vld [tilespmem:s23+$0xCA0]  }
0x174: {  	v10 =	vld [tilespmem:s0+$0xC40];
	[tilespmem:s23+$0x1AFC0] =	vst v23;
	v11 =	vadd.f32 v11, v8;
	v15 =	vadd.f32 v15, v22  }
0x175: {  	v9 =	vld [tilespmem:s0+$0xC50];
	[tilespmem:s23+$0x1AFD0] =	vst v14;
	v12 =	vadd.f32 v7, v12;
	v13 =	vadd.f32 v13, v18  }
0x176: {  	v8 =	vld [tilespmem:s0+$0xC60];
	[tilespmem:s23+$0x1AFE0] =	vst v21;
	v11 =	vadd.f32 v6, v11;
	v14 =	vadd.f32 v17, v15  }
0x177: {  	v7 =	vld [tilespmem:s0+$0xC70];
	[tilespmem:s23+$0x1AFF0] =	vst v12;
	v12 =	vadd.f32 v16, v13  }
0x178: {  	v6 =	vld [tilespmem:s0+$0xC80];
	[tilespmem:s23+$0x1B000] =	vst v11;
	v11 =	vadd.f32 v19, v14  }
0x179: {  	v19 =	vld [tilespmem:s0+$0x0];
	[tilespmem:s23+$0x1B010] =	vst v12  }
0x17a: {  	v14 =	vld [tilespmem:s0+$0x10];
	[tilespmem:s23+$0x1B020] =	vst v11;
	s23 =	smov.u32 s0  }
0x17b: {  	v13 =	vld [tilespmem:s23+$0x20]  }
0x17c: {  	v12 =	vld [tilespmem:s23+$0x30]  }
0x17d: {  	v11 =	vld [tilespmem:s23+$0x40]  }
0x17e: {  	v20 =	vld [tilespmem:s23+$0x1C8C0]  }
0x17f: {  	v22 =	vld [tilespmem:s23+$0x1C8D0]  }
0x180: {  	v24 =	vld [tilespmem:s23+$0x1C8E0]  }
0x181: {  	v17 =	vld [tilespmem:s23+$0x1C8F0]  }
0x182: {  	v16 =	vld [tilespmem:s23+$0x1C900]  }
0x183: {  	v21 =	vld [tilespmem:s23+$0x1AFC0]  }
0x184: {  	v23 =	vld [tilespmem:s23+$0x1AFD0]  }
0x185: {  	v25 =	vld [tilespmem:s23+$0x1AFE0]  }
.Ltmp5:
0x186: {  	v18 =	vld [tilespmem:s23+$0x1C910];
	(pc) =	sbr.rel @p2 .LBB2_12-.Ltmp5, $4  }
0x187: {  	v15 =	vld [tilespmem:s23+$0x1C920]  }
0x188: {  	v26 =	vadd.f32 v20, v21;
	v21 =	vld [tilespmem:s23+$0x1AFF0]  }
0x189: {  	v22 =	vadd.f32 v22, v23;
	v20 =	vld [tilespmem:s23+$0x1B000]  }
0x18a: {  	s24 =	sadd.s32 $0x1C0, s24;
	v23 =	vadd.f32 v19, v26;
	v24 =	vadd.f32 v24, v25;
	v19 =	vld [tilespmem:s23+$0x1B010]  }
0x18b: {  	v14 =	vadd.f32 v14, v22;
	v22 =	vld [tilespmem:s23+$0x1B020]  }
0x18c: {  	v10 =	vadd.f32 v10, v23;
	v13 =	vadd.f32 v13, v24;
	v23 =	vld [tilespmem:s23+$0x50]  }
0x18d: {  	v9 =	vadd.f32 v9, v14;
	v14 =	vadd.f32 v17, v21;
	v17 =	vld [tilespmem:s23+$0x60]  }
0x18e: {  	v8 =	vadd.f32 v8, v13;
	v13 =	vadd.f32 v16, v20;
	v16 =	vld [tilespmem:s23+$0xC90]  }
0x18f: {  	v12 =	vadd.f32 v12, v14;
	v14 =	vadd.f32 v18, v19;
	v18 =	vld [tilespmem:s23+$0xCA0]  }
0x190: {  	[tilespmem:s23+$0x1AFC0] =	vst v10;
	v10 =	vadd.f32 v11, v13;
	v11 =	vadd.f32 v15, v22  }
0x191: {  	[tilespmem:s23+$0x1AFD0] =	vst v9;
	v7 =	vadd.f32 v7, v12;
	v9 =	vadd.f32 v23, v14  }
0x192: {  	[tilespmem:s23+$0x1AFE0] =	vst v8;
	v6 =	vadd.f32 v6, v10;
	v8 =	vadd.f32 v17, v11  }
0x193: {  	[tilespmem:s23+$0x1AFF0] =	vst v7;
	v7 =	vadd.f32 v16, v9  }
0x194: {  	[tilespmem:s23+$0x1B000] =	vst v6;
	v6 =	vadd.f32 v18, v8  }
0x195: {  	[tilespmem:s23+$0x1B010] =	vst v7  }
0x196: {  	[tilespmem:s23+$0x1B020] =	vst v6  }
0x197: {  	[tilespmem:s11], [sflag:$0x3] =	stream.linear.gather [spmem:s2], $0xC40, $0x38;
	[tilespmem:$0x1F440] =	vst v63  }
0x198: {  	s0 =	simm.s32 $0x0  }
0x199: {  	[tilespmem:s0], [sflag:$0x4] =	stream.linear.gather [spmem:s3], $0xC40, $0x38;
	[tilespmem:$0x1F440] =	vst v63  }
0x19a: {  	_ = 	snop  }
0x19b: {  	[tilespmem:s12], [sflag:$0x5] =	stream.linear.gather [spmem:s5], $0xC40, $0x38;
	[tilespmem:$0x1F440] =	vst v63  }
0x19c: {  	_ =	swait.ge [sflag:s17], $0xC40  }
0x19d: {  	[sflag:s17] =	ssyncset.done $0x0  }
0x19e: {  	[sflag:s17] =	ssyncadd.s32 $0xFFFFF3C0  }
0x19f: {  	_ =	swait.ge [sflag:s18], $0xC40  }
0x1a0: {  	[sflag:s18] =	ssyncset.done $0x0  }
0x1a1: {  	[sflag:s18] =	ssyncadd.s32 $0xFFFFF3C0  }
0x1a2: {  	_ =	swait.ge [sflag:s13], $0xC40  }
0x1a3: {  	[sflag:s13] =	ssyncset.done $0x0  }
0x1a4: {  	s23 =	simm.s32 $0x0;
	[sflag:s13] =	ssyncadd.s32 $0xFFFFF3C0  }
0x1a5: {  	v10 =	vld [tilespmem:s23+$0x1BC40]  }
0x1a6: {  	v9 =	vld [tilespmem:s23+$0x1BC50]  }
0x1a7: {  	v8 =	vld [tilespmem:s23+$0x1BC60]  }
0x1a8: {  	v7 =	vld [tilespmem:s23+$0x1BC70]  }
0x1a9: {  	v6 =	vld [tilespmem:s23+$0x1BC80]  }
0x1aa: {  	v19 =	vld [tilespmem:s23+$0x1DA40]  }
0x1ab: {  	v14 =	vld [tilespmem:s23+$0x1DA50]  }
0x1ac: {  	v13 =	vld [tilespmem:s23+$0x1DA60]  }
0x1ad: {  	v12 =	vld [tilespmem:s23+$0x1DA70]  }
0x1ae: {  	v11 =	vld [tilespmem:s23+$0x1DA80]  }
0x1af: {  	v20 =	vld [tilespmem:s23+$0x1880]  }
0x1b0: {  	v22 =	vld [tilespmem:s23+$0x1890]  }
0x1b1: {  	v24 =	vld [tilespmem:s23+$0x18A0]  }
0x1b2: {  	v17 =	vld [tilespmem:s23+$0x18B0]  }
0x1b3: {  	v16 =	vld [tilespmem:s23+$0x18C0]  }
0x1b4: {  	v21 =	vld [tilespmem:s23+$0x1AFC0]  }
0x1b5: {  	v23 =	vld [tilespmem:s23+$0x1AFD0]  }
0x1b6: {  	v25 =	vld [tilespmem:s23+$0x1AFE0]  }
0x1b7: {  	v18 =	vld [tilespmem:s23+$0x18D0]  }
0x1b8: {  	v15 =	vld [tilespmem:s23+$0x18E0]  }
0x1b9: {  	v26 =	vadd.f32 v20, v21;
	v21 =	vld [tilespmem:s23+$0x1AFF0]  }
0x1ba: {  	v22 =	vadd.f32 v22, v23;
	v20 =	vld [tilespmem:s23+$0x1B000]  }
0x1bb: {  	s24 =	simm.s32 $0x1C0;
	v24 =	vadd.f32 v24, v25;
	v23 =	vadd.f32 v19, v26;
	v19 =	vld [tilespmem:s23+$0x1B010]  }
.LBB2_14:
0x1bc: {  	p2 =	sne.s32 s24, $0x2F40;
	v14 =	vadd.f32 v14, v22;
	v22 =	vld [tilespmem:s23+$0x1B020]  }
0x1bd: {  	v23 =	vadd.f32 v10, v23;
	v10 =	vadd.f32 v13, v24;
	v13 =	vld [tilespmem:s23+$0x1DA90]  }
0x1be: {  	v14 =	vadd.f32 v9, v14;
	v9 =	vadd.f32 v17, v21;
	v17 =	vld [tilespmem:s23+$0x1DAA0]  }
0x1bf: {  	v21 =	vadd.f32 v8, v10;
	v8 =	vadd.f32 v16, v20;
	v16 =	vld [tilespmem:s23+$0x1BC90]  }
0x1c0: {  	s0 =	sshra.s32 s24, $0x2;
	v12 =	vadd.f32 v12, v9;
	v18 =	vadd.f32 v18, v19;
	v19 =	vld [tilespmem:s23+$0x1BCA0]  }
0x1c1: {  	v10 =	vld [tilespmem:s0+$0x1BC40];
	[tilespmem:s23+$0x1AFC0] =	vst v23;
	v11 =	vadd.f32 v11, v8;
	v15 =	vadd.f32 v15, v22  }
0x1c2: {  	v9 =	vld [tilespmem:s0+$0x1BC50];
	[tilespmem:s23+$0x1AFD0] =	vst v14;
	v12 =	vadd.f32 v7, v12;
	v13 =	vadd.f32 v13, v18  }
0x1c3: {  	v8 =	vld [tilespmem:s0+$0x1BC60];
	[tilespmem:s23+$0x1AFE0] =	vst v21;
	v11 =	vadd.f32 v6, v11;
	v14 =	vadd.f32 v17, v15  }
0x1c4: {  	v7 =	vld [tilespmem:s0+$0x1BC70];
	[tilespmem:s23+$0x1AFF0] =	vst v12;
	v12 =	vadd.f32 v16, v13  }
0x1c5: {  	v6 =	vld [tilespmem:s0+$0x1BC80];
	[tilespmem:s23+$0x1B000] =	vst v11;
	v11 =	vadd.f32 v19, v14  }
0x1c6: {  	v19 =	vld [tilespmem:s0+$0x1DA40];
	[tilespmem:s23+$0x1B010] =	vst v12  }
0x1c7: {  	v14 =	vld [tilespmem:s0+$0x1DA50];
	[tilespmem:s23+$0x1B020] =	vst v11;
	s23 =	smov.u32 s0  }
0x1c8: {  	v13 =	vld [tilespmem:s23+$0x1DA60]  }
0x1c9: {  	v12 =	vld [tilespmem:s23+$0x1DA70]  }
0x1ca: {  	v11 =	vld [tilespmem:s23+$0x1DA80]  }
0x1cb: {  	v20 =	vld [tilespmem:s23+$0x1880]  }
0x1cc: {  	v22 =	vld [tilespmem:s23+$0x1890]  }
0x1cd: {  	v24 =	vld [tilespmem:s23+$0x18A0]  }
0x1ce: {  	v17 =	vld [tilespmem:s23+$0x18B0]  }
0x1cf: {  	v16 =	vld [tilespmem:s23+$0x18C0]  }
0x1d0: {  	v21 =	vld [tilespmem:s23+$0x1AFC0]  }
0x1d1: {  	v23 =	vld [tilespmem:s23+$0x1AFD0]  }
0x1d2: {  	v25 =	vld [tilespmem:s23+$0x1AFE0]  }
.Ltmp6:
0x1d3: {  	v18 =	vld [tilespmem:s23+$0x18D0];
	(pc) =	sbr.rel @p2 .LBB2_14-.Ltmp6, $4  }
0x1d4: {  	v15 =	vld [tilespmem:s23+$0x18E0]  }
0x1d5: {  	v26 =	vadd.f32 v20, v21;
	v21 =	vld [tilespmem:s23+$0x1AFF0]  }
0x1d6: {  	v22 =	vadd.f32 v22, v23;
	v20 =	vld [tilespmem:s23+$0x1B000]  }
0x1d7: {  	s24 =	sadd.s32 $0x1C0, s24;
	v23 =	vadd.f32 v19, v26;
	v24 =	vadd.f32 v24, v25;
	v19 =	vld [tilespmem:s23+$0x1B010]  }
0x1d8: {  	v14 =	vadd.f32 v14, v22;
	v22 =	vld [tilespmem:s23+$0x1B020]  }
0x1d9: {  	v10 =	vadd.f32 v10, v23;
	v13 =	vadd.f32 v13, v24;
	v23 =	vld [tilespmem:s23+$0x1DA90]  }
0x1da: {  	v9 =	vadd.f32 v9, v14;
	v14 =	vadd.f32 v17, v21;
	v17 =	vld [tilespmem:s23+$0x1DAA0]  }
0x1db: {  	v8 =	vadd.f32 v8, v13;
	v13 =	vadd.f32 v16, v20;
	v16 =	vld [tilespmem:s23+$0x1BC90]  }
0x1dc: {  	v12 =	vadd.f32 v12, v14;
	v14 =	vadd.f32 v18, v19;
	v18 =	vld [tilespmem:s23+$0x1BCA0]  }
0x1dd: {  	[tilespmem:s23+$0x1AFC0] =	vst v10;
	v10 =	vadd.f32 v11, v13;
	v11 =	vadd.f32 v15, v22  }
0x1de: {  	[tilespmem:s23+$0x1AFD0] =	vst v9;
	v7 =	vadd.f32 v7, v12;
	v9 =	vadd.f32 v23, v14  }
0x1df: {  	[tilespmem:s23+$0x1AFE0] =	vst v8;
	v6 =	vadd.f32 v6, v10;
	v8 =	vadd.f32 v17, v11  }
0x1e0: {  	[tilespmem:s23+$0x1AFF0] =	vst v7;
	v7 =	vadd.f32 v16, v9  }
0x1e1: {  	[tilespmem:s23+$0x1B000] =	vst v6;
	v6 =	vadd.f32 v18, v8  }
0x1e2: {  	[tilespmem:s23+$0x1B010] =	vst v7  }
0x1e3: {  	[tilespmem:s23+$0x1B020] =	vst v6  }
0x1e4: {  	_ =	swait.ge [sflag:s14], $0xC40  }
0x1e5: {  	[sflag:s14] =	ssyncset.done $0x0  }
0x1e6: {  	[sflag:s14] =	ssyncadd.s32 $0xFFFFF3C0  }
0x1e7: {  	_ =	swait.ge [sflag:s15], $0xC40  }
0x1e8: {  	[sflag:s15] =	ssyncset.done $0x0  }
0x1e9: {  	[sflag:s15] =	ssyncadd.s32 $0xFFFFF3C0  }
0x1ea: {  	_ =	swait.ge [sflag:s16], $0xC40  }
0x1eb: {  	[sflag:s16] =	ssyncset.done $0x0  }
0x1ec: {  	s23 =	simm.s32 $0x0;
	[sflag:s16] =	ssyncadd.s32 $0xFFFFF3C0  }
0x1ed: {  	v10 =	vld [tilespmem:s23+$0xC40]  }
0x1ee: {  	v9 =	vld [tilespmem:s23+$0xC50]  }
0x1ef: {  	v8 =	vld [tilespmem:s23+$0xC60]  }
0x1f0: {  	v7 =	vld [tilespmem:s23+$0xC70]  }
0x1f1: {  	v6 =	vld [tilespmem:s23+$0xC80]  }
0x1f2: {  	v19 =	vld [tilespmem:s23+$0x0]  }
0x1f3: {  	v14 =	vld [tilespmem:s23+$0x10]  }
0x1f4: {  	v13 =	vld [tilespmem:s23+$0x20]  }
0x1f5: {  	v12 =	vld [tilespmem:s23+$0x30]  }
0x1f6: {  	v11 =	vld [tilespmem:s23+$0x40]  }
0x1f7: {  	v20 =	vld [tilespmem:s23+$0x1C8C0]  }
0x1f8: {  	v22 =	vld [tilespmem:s23+$0x1C8D0]  }
0x1f9: {  	v24 =	vld [tilespmem:s23+$0x1C8E0]  }
0x1fa: {  	v17 =	vld [tilespmem:s23+$0x1C8F0]  }
0x1fb: {  	v16 =	vld [tilespmem:s23+$0x1C900]  }
0x1fc: {  	v21 =	vld [tilespmem:s23+$0x1AFC0]  }
0x1fd: {  	v23 =	vld [tilespmem:s23+$0x1AFD0]  }
0x1fe: {  	v25 =	vld [tilespmem:s23+$0x1AFE0]  }
0x1ff: {  	v18 =	vld [tilespmem:s23+$0x1C910]  }
0x200: {  	v15 =	vld [tilespmem:s23+$0x1C920]  }
0x201: {  	v26 =	vadd.f32 v20, v21;
	v21 =	vld [tilespmem:s23+$0x1AFF0]  }
0x202: {  	v22 =	vadd.f32 v22, v23;
	v20 =	vld [tilespmem:s23+$0x1B000]  }
0x203: {  	s24 =	simm.s32 $0x1C0;
	v24 =	vadd.f32 v24, v25;
	v23 =	vadd.f32 v19, v26;
	v19 =	vld [tilespmem:s23+$0x1B010]  }
.LBB2_16:
0x204: {  	p2 =	sne.s32 s24, $0x2F40;
	v14 =	vadd.f32 v14, v22;
	v22 =	vld [tilespmem:s23+$0x1B020]  }
0x205: {  	v23 =	vadd.f32 v10, v23;
	v10 =	vadd.f32 v13, v24;
	v13 =	vld [tilespmem:s23+$0x50]  }
0x206: {  	v14 =	vadd.f32 v9, v14;
	v9 =	vadd.f32 v17, v21;
	v17 =	vld [tilespmem:s23+$0x60]  }
0x207: {  	v21 =	vadd.f32 v8, v10;
	v8 =	vadd.f32 v16, v20;
	v16 =	vld [tilespmem:s23+$0xC90]  }
0x208: {  	s0 =	sshra.s32 s24, $0x2;
	v12 =	vadd.f32 v12, v9;
	v18 =	vadd.f32 v18, v19;
	v19 =	vld [tilespmem:s23+$0xCA0]  }
0x209: {  	v10 =	vld [tilespmem:s0+$0xC40];
	[tilespmem:s23+$0x1AFC0] =	vst v23;
	v11 =	vadd.f32 v11, v8;
	v15 =	vadd.f32 v15, v22  }
0x20a: {  	v9 =	vld [tilespmem:s0+$0xC50];
	[tilespmem:s23+$0x1AFD0] =	vst v14;
	v12 =	vadd.f32 v7, v12;
	v13 =	vadd.f32 v13, v18  }
0x20b: {  	v8 =	vld [tilespmem:s0+$0xC60];
	[tilespmem:s23+$0x1AFE0] =	vst v21;
	v11 =	vadd.f32 v6, v11;
	v14 =	vadd.f32 v17, v15  }
0x20c: {  	v7 =	vld [tilespmem:s0+$0xC70];
	[tilespmem:s23+$0x1AFF0] =	vst v12;
	v12 =	vadd.f32 v16, v13  }
0x20d: {  	v6 =	vld [tilespmem:s0+$0xC80];
	[tilespmem:s23+$0x1B000] =	vst v11;
	v11 =	vadd.f32 v19, v14  }
0x20e: {  	v19 =	vld [tilespmem:s0+$0x0];
	[tilespmem:s23+$0x1B010] =	vst v12  }
0x20f: {  	v14 =	vld [tilespmem:s0+$0x10];
	[tilespmem:s23+$0x1B020] =	vst v11;
	s23 =	smov.u32 s0  }
0x210: {  	v13 =	vld [tilespmem:s23+$0x20]  }
0x211: {  	v12 =	vld [tilespmem:s23+$0x30]  }
0x212: {  	v11 =	vld [tilespmem:s23+$0x40]  }
0x213: {  	v20 =	vld [tilespmem:s23+$0x1C8C0]  }
0x214: {  	v22 =	vld [tilespmem:s23+$0x1C8D0]  }
0x215: {  	v24 =	vld [tilespmem:s23+$0x1C8E0]  }
0x216: {  	v17 =	vld [tilespmem:s23+$0x1C8F0]  }
0x217: {  	v16 =	vld [tilespmem:s23+$0x1C900]  }
0x218: {  	v21 =	vld [tilespmem:s23+$0x1AFC0]  }
0x219: {  	v23 =	vld [tilespmem:s23+$0x1AFD0]  }
0x21a: {  	v25 =	vld [tilespmem:s23+$0x1AFE0]  }
.Ltmp7:
0x21b: {  	v18 =	vld [tilespmem:s23+$0x1C910];
	(pc) =	sbr.rel @p2 .LBB2_16-.Ltmp7, $4  }
0x21c: {  	v15 =	vld [tilespmem:s23+$0x1C920]  }
0x21d: {  	v26 =	vadd.f32 v20, v21;
	v21 =	vld [tilespmem:s23+$0x1AFF0]  }
0x21e: {  	v22 =	vadd.f32 v22, v23;
	v20 =	vld [tilespmem:s23+$0x1B000]  }
0x21f: {  	s24 =	sadd.s32 $0x1C0, s24;
	v23 =	vadd.f32 v19, v26;
	v24 =	vadd.f32 v24, v25;
	v19 =	vld [tilespmem:s23+$0x1B010]  }
0x220: {  	v14 =	vadd.f32 v14, v22;
	v50 =	vld [tilespmem:s23+$0x1B020]  }
0x221: {  	v51 =	vld [tilespmem:s23+$0x50];
	v10 =	vadd.f32 v10, v23;
	v13 =	vadd.f32 v13, v24  }
0x222: {  	v53 =	vld [tilespmem:s23+$0x60];
	v9 =	vadd.f32 v9, v14;
	v52 =	vadd.f32 v17, v21  }
0x223: {  	v55 =	vld [tilespmem:s23+$0xC90];
	v8 =	vadd.f32 v8, v13;
	v54 =	vadd.f32 v16, v20  }
0x224: {  	v57 =	vld [tilespmem:s23+$0xCA0];
	v12 =	vadd.f32 v12, v52;
	v56 =	vadd.f32 v18, v19  }
0x225: {  	[tilespmem:s23+$0x1AFC0] =	vst v10;
	v10 =	vadd.f32 v11, v54;
	v11 =	vadd.f32 v15, v50  }
0x226: {  	[tilespmem:s23+$0x1AFD0] =	vst v9;
	v7 =	vadd.f32 v7, v12;
	v9 =	vadd.f32 v51, v56  }
0x227: {  	[tilespmem:s23+$0x1AFE0] =	vst v8;
	v6 =	vadd.f32 v6, v10;
	v8 =	vadd.f32 v53, v11  }
0x228: {  	[tilespmem:s23+$0x1AFF0] =	vst v7;
	v7 =	vadd.f32 v55, v9  }
0x229: {  	[tilespmem:s23+$0x1B000] =	vst v6;
	v6 =	vadd.f32 v57, v8  }
0x22a: {  	[tilespmem:s23+$0x1B010] =	vst v7  }
0x22b: {  	[tilespmem:s23+$0x1B020] =	vst v6;
	v6 =	vimm.f32 $0.0e+00  }
0x22c: {  	s0 =	simm.s32 $0x0;
	[tilespmem:$0x1D540] =	vst v6  }
0x22d: {  	v7 =	vld [tilespmem:s0+$0x1AFC0];
	_ =	sdelay $0x2  }
0x22e: {  	v8 =	vld [tilespmem:s0+$0x1AFE0]  }
0x22f: {  	v9 =	vld [tilespmem:s0+$0x1AFD0]  }
0x230: {  	v10 =	vld [tilespmem:s0+$0x1AFF0];
	v58 =	vmin.f32 v7, $1.500000000e+01  }
0x231: {  	v6 =	vadd.f32 v7, v6;
	v7 =	vtrunc.f32 v58  }
0x232: {  	v11 =	vld [tilespmem:s0+$0x1B000];
	v7 =	vcvt.f32.s32 v7;
	_ =	sdelay $0x1  }
0x233: {  	v62 =	vld [tilespmem:s0+$0x1B010];
	v60 =	vmin.f32 v9, $1.500000000e+01;
	v9 =	vadd.f32 v9, v6  }
0x234: {  	v59 =	vmin.f32 v8, $1.500000000e+01;
	v61 =	vmin.f32 v10, $1.500000000e+01;
	v6 =	vld [tilespmem:s0+$0x1B020]  }
0x235: {  	v12 =	vtrunc.f32 v59;
	v13 =	vtrunc.f32 v60;
	v8 =	vadd.f32 v8, v9  }
0x236: {  	v63 =	vmin.f32 v11, $1.500000000e+01;
	v14 =	vtrunc.f32 v61;
	v13 =	vcvt.f32.s32 v13  }
0x237: {  	v16 =	vtrunc.f32 v63;
	v12 =	vcvt.f32.s32 v12;
	[tilespmem:v7+s19+$0x0] =	vst.idx.add.f32.msk $0xffff, v3;
	v7 =	vadd.f32 v10, v8  }
0x238: {  	v14 =	vcvt.f32.s32 v14;
	v16 =	vcvt.f32.s32 v16;
	v8 =	vmin.f32 v62, $1.500000000e+01  }
0x239: {  	v9 =	vmin.f32 v6, $1.500000000e+01;
	v10 =	vadd.f32 v11, v7;
	v7 =	vtrunc.f32 v8  }
0x23a: {  	v8 =	vtrunc.f32 v9;
	v7 =	vcvt.f32.s32 v7  }
0x23b: {  	v8 =	vcvt.f32.s32 v8  }
0x23c: {  	[tilespmem:v13+s19+$0x0] =	vst.idx.add.f32.msk $0xffff, v3  }
0x23d: {  	[tilespmem:v12+s19+$0x0] =	vst.idx.add.f32.msk $0xffff, v3  }
0x23e: {  	[tilespmem:v14+s19+$0x0] =	vst.idx.add.f32.msk $0xffff, v3  }
0x23f: {  	s23 =	simm.s32 $0x1C0;
	v9 =	vadd.f32 v62, v10;
	[tilespmem:v16+s19+$0x0] =	vst.idx.add.f32.msk $0xffff, v3  }
.LBB2_18:
0x240: {  	p2 =	sne.s32 s23, $0x16C0;
	[tilespmem:v7+s19+$0x0] =	vst.idx.add.f32.msk $0xffff, v3;
	s0 =	smov.u32 s23;
	s23 =	sadd.s32 $0x1C0, s23  }
0x241: {  	s0 =	sshra.s32 s0, $0x2;
	[tilespmem:v8+s19+$0x0] =	vst.idx.add.f32.msk $0xffff, v3  }
0x242: {  	v6 =	vadd.f32 v6, v9;
	v7 =	vld [tilespmem:s0+$0x1AFC0]  }
0x243: {  	v8 =	vld [tilespmem:s0+$0x1AFE0]  }
0x244: {  	v9 =	vld [tilespmem:s0+$0x1AFD0]  }
0x245: {  	v10 =	vld [tilespmem:s0+$0x1AFF0]  }
0x246: {  	v11 =	vld [tilespmem:s0+$0x1B000]  }
0x247: {  	v12 =	vld [tilespmem:s0+$0x1B010];
	v13 =	vmin.f32 v7, $1.500000000e+01;
	v7 =	vadd.f32 v7, v6  }
0x248: {  	v13 =	vtrunc.f32 v13;
	v14 =	vmin.f32 v8, $1.500000000e+01  }
0x249: {  	v6 =	vld [tilespmem:s0+$0x1B020];
	v13 =	vcvt.f32.s32 v13;
	v15 =	vmin.f32 v9, $1.500000000e+01;
	v14 =	vtrunc.f32 v14  }
0x24a: {  	v7 =	vadd.f32 v9, v7;
	v15 =	vtrunc.f32 v15;
	v16 =	vmin.f32 v10, $1.500000000e+01  }
0x24b: {  	v9 =	vcvt.f32.s32 v15;
	v15 =	vtrunc.f32 v16;
	v16 =	vmin.f32 v11, $1.500000000e+01  }
0x24c: {  	v14 =	vcvt.f32.s32 v14;
	v16 =	vtrunc.f32 v16;
	v17 =	vmin.f32 v12, $1.500000000e+01  }
0x24d: {  	v8 =	vadd.f32 v8, v7;
	v15 =	vcvt.f32.s32 v15;
	v17 =	vtrunc.f32 v17  }
0x24e: {  	v16 =	vcvt.f32.s32 v16;
	v18 =	vmin.f32 v6, $1.500000000e+01  }
0x24f: {  	v10 =	vadd.f32 v10, v8;
	v7 =	vcvt.f32.s32 v17;
	v17 =	vtrunc.f32 v18;
	[tilespmem:v13+s19+$0x0] =	vst.idx.add.f32.msk $0xffff, v3  }
.Ltmp8:
0x250: {  	v8 =	vcvt.f32.s32 v17;
	(pc) =	sbr.rel @p2 .LBB2_18-.Ltmp8, $4  }
0x251: {  	[tilespmem:v9+s19+$0x0] =	vst.idx.add.f32.msk $0xffff, v3;
	v9 =	vadd.f32 v11, v10  }
0x252: {  	[tilespmem:v14+s19+$0x0] =	vst.idx.add.f32.msk $0xffff, v3  }
0x253: {  	[tilespmem:v15+s19+$0x0] =	vst.idx.add.f32.msk $0xffff, v3;
	v9 =	vadd.f32 v12, v9  }
0x254: {  	[tilespmem:v16+s19+$0x0] =	vst.idx.add.f32.msk $0xffff, v3  }
0x255: {  	_ =	sdelay $0x3  }
0x256: {  	[tilespmem:v7+s19+$0x0] =	vst.idx.add.f32.msk $0xffff, v3  }
0x257: {  	s0 =	rddreg [dreg:$0xd];
	[tilespmem:v8+s19+$0x0] =	vst.idx.add.f32.msk $0xffff, v3  }
0x258: {  	v6 =	vadd.f32 v6, v9;
	[spmem:s0] =	stream.linear.scatter [tilespmem:s19], [sflag:$0x8], $0x10, $0x38;
	[tilespmem:$0x1F440] =	vst v63  }
0x259: {  	_ =	swait.ge [sflag:s8], $0x10  }
0x25a: {  	(xrf2) =	vadd.scan.msk.f32 $0xffff, v6;
	_ =	sdelay $0x9  }
0x25b: {  	v6, _, _ =	vpop (xrf2)  }
0x25c: {  	[sflag:s8] =	ssyncset.done $0x0;
	v6 =	vbroadcast v6, $0xF  }
0x25d: {  	[sflag:s8] =	ssyncadd.s32 $0xFFFFFFF0  }
0x25e: {  	s28 =	rddreg [dreg:$0xe];
	[tilespmem:$0x1D5C0] =	vst v6  }
0x25f: {  	[spmem:s28] =	stream.linear.scatter [tilespmem:s30], [sflag:$0x8], $0x10, $0x38;
	[tilespmem:$0x1F440] =	vst v63  }
0x260: {  	_ =	swait.ge [sflag:s8], $0x10  }
0x261: {  	[sflag:s8] =	ssyncset.done $0x0  }
0x262: {  	v6 =	vimm.f32 $0.0e+00;
	[sflag:s8] =	ssyncadd.s32 $0xFFFFFFF0  }
0x263: {  	s23 =	simm.s32 $0x1B630;
	[tilespmem:$0x1D540] =	vst v6  }
0x264: {  	v7 =	vld [tilespmem:s23+$0xFFFFFFB0]  }
0x265: {  	v8 =	vld [tilespmem:s23+$0xFFFFFFC0];
	_ =	sdelay $0x1  }
0x266: {  	v9 =	vld [tilespmem:s23+$0xFFFFFFD0]  }
0x267: {  	v10 =	vld [tilespmem:s23+$0xFFFFFFE0]  }
0x268: {  	v11 =	vmin.f32 v7, $1.500000000e+01  }
0x269: {  	s31 =	simm.s32 $0x0;
	v12 =	vadd.f32 v7, v6;
	v7 =	vmin.f32 v8, $1.500000000e+01;
	v6 =	vtrunc.f32 v11;
	v11 =	vld [tilespmem:s23+$0xFFFFFFF0]  }
0x26a: {  	s0 =	sand.u32 $0x7F0, s31;
	v7 =	vtrunc.f32 v7;
	v14 =	vcvt.f32.s32 v6;
	v6 =	vld [tilespmem:s23+$0x0]  }
0x26b: {  	v13 =	vmin.f32 v9, $1.500000000e+01;
	v15 =	vcvt.f32.s32 v7;
	v7 =	vld [tilespmem:s0+$0x1B640];
	v8 =	vadd.f32 v8, v12  }
0x26c: {  	v16 =	vmin.f32 v10, $1.500000000e+01;
	v13 =	vtrunc.f32 v13  }
0x26d: {  	v16 =	vtrunc.f32 v16;
	v13 =	vcvt.f32.s32 v13;
	v8 =	vadd.f32 v9, v8  }
0x26e: {  	v59 =	vcvt.f32.s32 v16;
	v60 =	vmin.f32 v11, $1.500000000e+01  }
0x26f: {  	v17 =	vadd.f32 v10, v8;
	v9 =	vtrunc.f32 v60;
	v61 =	vmin.f32 v6, $1.500000000e+01  }
0x270: {  	v63 =	vmin.f32 v7, $1.500000000e+01;
	v62 =	vtrunc.f32 v61;
	v8 =	vcvt.f32.s32 v9  }
0x271: {  	[tilespmem:v14+s19+$0x0] =	vst.idx.add.f32.msk $0xffff, v3;
	v10 =	vtrunc.f32 v63;
	v9 =	vcvt.f32.s32 v62  }
0x272: {  	[tilespmem:v15+s19+$0x0] =	vst.idx.add.f32.msk $0xffff, v3;
	v10 =	vcvt.f32.s32 v10  }
0x273: {  	[tilespmem:v13+s19+$0x0] =	vst.idx.add.f32.msk $0xffff, v3  }
0x274: {  	s24 =	simm.s32 $0x70;
	v11 =	vadd.f32 v11, v17;
	[tilespmem:v59+s19+$0x0] =	vst.idx.add.f32.msk $0xffff, v3  }
.LBB2_20:
0x275: {  	p2 =	sne.s32 s24, $0x5B0  }
0x276: {  	[tilespmem:v8+s19+$0x0] =	vst.idx.add.f32.msk $0xffff, v3;
	s23 =	sadd.s32 $0x70, s23;
	s0 =	smov.u32 s24;
	s24 =	sadd.s32 $0x70, s24  }
0x277: {  	v6 =	vadd.f32 v6, v11;
	[tilespmem:v9+s19+$0x0] =	vst.idx.add.f32.msk $0xffff, v3  }
0x278: {  	[tilespmem:v10+s19+$0x0] =	vst.idx.add.f32.msk $0xffff, v3  }
0x279: {  	v7 =	vadd.f32 v7, v6;
	v8 =	vld [tilespmem:s23+$0xFFFFFFB0]  }
0x27a: {  	v9 =	vld [tilespmem:s23+$0xFFFFFFD0]  }
0x27b: {  	v10 =	vld [tilespmem:s23+$0xFFFFFFC0]  }
0x27c: {  	v11 =	vld [tilespmem:s23+$0xFFFFFFF0]  }
0x27d: {  	v12 =	vld [tilespmem:s23+$0xFFFFFFE0]  }
0x27e: {  	s0 =	sand.u32 $0x7F0, s0;
	v6 =	vld [tilespmem:s23+$0x0];
	v13 =	vmin.f32 v8, $1.500000000e+01;
	v8 =	vadd.f32 v8, v7  }
0x27f: {  	v7 =	vld [tilespmem:s0+$0x1B640];
	v13 =	vtrunc.f32 v13;
	v14 =	vmin.f32 v9, $1.500000000e+01  }
0x280: {  	v13 =	vcvt.f32.s32 v13;
	v15 =	vmin.f32 v10, $1.500000000e+01;
	v14 =	vtrunc.f32 v14  }
0x281: {  	v10 =	vadd.f32 v10, v8;
	v15 =	vtrunc.f32 v15;
	v16 =	vmin.f32 v11, $1.500000000e+01  }
0x282: {  	v15 =	vcvt.f32.s32 v15;
	v8 =	vmin.f32 v12, $1.500000000e+01;
	v16 =	vtrunc.f32 v16  }
0x283: {  	v14 =	vcvt.f32.s32 v14;
	v8 =	vtrunc.f32 v8;
	v17 =	vmin.f32 v6, $1.500000000e+01  }
0x284: {  	v18 =	vcvt.f32.s32 v8;
	v17 =	vtrunc.f32 v17;
	v19 =	vmin.f32 v7, $1.500000000e+01  }
0x285: {  	v8 =	vcvt.f32.s32 v16;
	v16 =	vtrunc.f32 v19;
	v19 =	vadd.f32 v9, v10  }
.Ltmp9:
0x286: {  	v9 =	vcvt.f32.s32 v17;
	[tilespmem:v13+s19+$0x0] =	vst.idx.add.f32.msk $0xffff, v3;
	(pc) =	sbr.rel @p2 .LBB2_20-.Ltmp9, $4  }
0x287: {  	v10 =	vcvt.f32.s32 v16;
	v12 =	vadd.f32 v12, v19  }
0x288: {  	[tilespmem:v15+s19+$0x0] =	vst.idx.add.f32.msk $0xffff, v3  }
0x289: {  	[tilespmem:v14+s19+$0x0] =	vst.idx.add.f32.msk $0xffff, v3;
	v11 =	vadd.f32 v11, v12  }
0x28a: {  	[tilespmem:v18+s19+$0x0] =	vst.idx.add.f32.msk $0xffff, v3  }
0x28b: {  	_ =	sdelay $0x3  }
0x28c: {  	[tilespmem:v8+s19+$0x0] =	vst.idx.add.f32.msk $0xffff, v3  }
0x28d: {  	[tilespmem:v9+s19+$0x0] =	vst.idx.add.f32.msk $0xffff, v3  }
0x28e: {  	[tilespmem:v10+s19+$0x0] =	vst.idx.add.f32.msk $0xffff, v3  }
0x28f: {  	v8 =	vld @!p0 [tilespmem:$0x1D540];
	_ =	sdelay $0x2  }
0x290: {  	v9 =	vimm.f32 @!p0 $-0.0e+00  }
0x291: {  	v9 =	vsel @!p0 vm0, $0xC3300000, v9  }
0x292: {  	v8 =	vadd.f32 @!p0 v9, v8  }
0x293: {  	v6 =	vadd.f32 v6, v11  }
0x294: {  	s0 =	rddreg [dreg:$0xf];
	[tilespmem:$0x1D540] =	vst @!p0 v8  }
0x295: {  	v6 =	vadd.f32 v7, v6;
	[spmem:s0] =	stream.linear.scatter [tilespmem:s19], [sflag:$0x8], $0x10, $0x38;
	[tilespmem:$0x1F440] =	vst v63  }
0x296: {  	_ =	swait.ge [sflag:s8], $0x10  }
0x297: {  	(xrf2) =	vadd.scan.msk.f32 $0xffff, v6;
	_ =	sdelay $0x9  }
0x298: {  	v6, _, _ =	vpop (xrf2)  }
0x299: {  	[sflag:s8] =	ssyncset.done $0x0;
	v6 =	vbroadcast v6, $0xF  }
0x29a: {  	[sflag:s8] =	ssyncadd.s32 $0xFFFFFFF0  }
0x29b: {  	s23 =	rddreg [dreg:$0x10];
	[tilespmem:$0x1D5C0] =	vst v6  }
0x29c: {  	[spmem:s23] =	stream.linear.scatter [tilespmem:s30], [sflag:$0x8], $0x10, $0x38;
	[tilespmem:$0x1F440] =	vst v63  }
0x29d: {  	_ =	swait.ge [sflag:s8], $0x10  }
0x29e: {  	[sflag:s8] =	ssyncset.done $0x0  }
0x29f: {  	[sflag:s8] =	ssyncadd.s32 $0xFFFFFFF0  }
0x2a0: {  	[bflag:$0x0] =	sbarrier.arrive $0xFFFF  }
0x2a1: {  	s1 =	simm.s32 $0x1D640;
	s24 =	rddreg [dreg:$0x11]  }
0x2a2: {  	[tilespmem:s1], [sflag:$0x8] =	stream.linear.gather [spmem:s24], $0x400, $0x38;
	[tilespmem:$0x1F440] =	vst v63  }
0x2a3: {  	_ =	swait.ge [sflag:s8], $0x400  }
0x2a4: {  	[sflag:s8] =	ssyncset.done $0x0  }
0x2a5: {  	[sflag:s8] =	ssyncadd.s32 $0xFFFFFC00  }
0x2a6: {  	v6 =	vld [tilespmem:$0x1D640];
	_ =	sdelay $0x1  }
0x2a7: {  	v7 =	vld [tilespmem:$0x1D650];
	_ =	sdelay $0x1  }
0x2a8: {  	v8 =	vld [tilespmem:$0x1D660]  }
0x2a9: {  	v6 =	vadd.f32 $0.0e+00, v6  }
0x2aa: {  	v9 =	vld [tilespmem:$0x1D670]  }
0x2ab: {  	v6 =	vadd.f32 v7, v6  }
0x2ac: {  	v7 =	vld [tilespmem:$0x1D680]  }
0x2ad: {  	v6 =	vadd.f32 v8, v6  }
0x2ae: {  	v8 =	vld [tilespmem:$0x1D690]  }
0x2af: {  	v6 =	vadd.f32 v9, v6  }
0x2b0: {  	v9 =	vld [tilespmem:$0x1D6A0]  }
0x2b1: {  	v6 =	vadd.f32 v7, v6  }
0x2b2: {  	v7 =	vld [tilespmem:$0x1D6B0]  }
0x2b3: {  	v6 =	vadd.f32 v8, v6  }
0x2b4: {  	v8 =	vld [tilespmem:$0x1D6C0]  }
0x2b5: {  	v6 =	vadd.f32 v9, v6  }
0x2b6: {  	v9 =	vld [tilespmem:$0x1D6D0]  }
0x2b7: {  	v6 =	vadd.f32 v7, v6  }
0x2b8: {  	v7 =	vld [tilespmem:$0x1D6E0]  }
0x2b9: {  	v6 =	vadd.f32 v8, v6  }
0x2ba: {  	v8 =	vld [tilespmem:$0x1D6F0]  }
0x2bb: {  	v6 =	vadd.f32 v9, v6  }
0x2bc: {  	v9 =	vld [tilespmem:$0x1D700]  }
0x2bd: {  	v6 =	vadd.f32 v7, v6  }
0x2be: {  	v7 =	vld [tilespmem:$0x1D710]  }
0x2bf: {  	v6 =	vadd.f32 v8, v6  }
0x2c0: {  	v8 =	vld [tilespmem:$0x1D720]  }
0x2c1: {  	v6 =	vadd.f32 v9, v6  }
0x2c2: {  	v9 =	vld [tilespmem:$0x1D730]  }
0x2c3: {  	v6 =	vadd.f32 v7, v6  }
0x2c4: {  	v7 =	vld [tilespmem:$0x1D740]  }
0x2c5: {  	v6 =	vadd.f32 v8, v6  }
0x2c6: {  	v8 =	vld [tilespmem:$0x1D750]  }
0x2c7: {  	v6 =	vadd.f32 v9, v6  }
0x2c8: {  	v9 =	vld [tilespmem:$0x1D760]  }
0x2c9: {  	v6 =	vadd.f32 v7, v6  }
0x2ca: {  	v7 =	vld [tilespmem:$0x1D770]  }
0x2cb: {  	v6 =	vadd.f32 v8, v6  }
0x2cc: {  	v8 =	vld [tilespmem:$0x1D780]  }
0x2cd: {  	v6 =	vadd.f32 v9, v6  }
0x2ce: {  	v9 =	vld [tilespmem:$0x1D790]  }
0x2cf: {  	v6 =	vadd.f32 v7, v6  }
0x2d0: {  	v7 =	vld [tilespmem:$0x1D7A0]  }
0x2d1: {  	v6 =	vadd.f32 v8, v6  }
0x2d2: {  	v8 =	vld [tilespmem:$0x1D7B0]  }
0x2d3: {  	v6 =	vadd.f32 v9, v6  }
0x2d4: {  	v9 =	vld [tilespmem:$0x1D7C0]  }
0x2d5: {  	v6 =	vadd.f32 v7, v6  }
0x2d6: {  	v7 =	vld [tilespmem:$0x1D7D0]  }
0x2d7: {  	v6 =	vadd.f32 v8, v6  }
0x2d8: {  	v8 =	vld [tilespmem:$0x1D7E0]  }
0x2d9: {  	v6 =	vadd.f32 v9, v6  }
0x2da: {  	v9 =	vld [tilespmem:$0x1D7F0]  }
0x2db: {  	v6 =	vadd.f32 v7, v6  }
0x2dc: {  	v7 =	vld [tilespmem:$0x1D800]  }
0x2dd: {  	v6 =	vadd.f32 v8, v6  }
0x2de: {  	v8 =	vld [tilespmem:$0x1D810]  }
0x2df: {  	v6 =	vadd.f32 v9, v6  }
0x2e0: {  	v9 =	vld [tilespmem:$0x1D820]  }
0x2e1: {  	v6 =	vadd.f32 v7, v6  }
0x2e2: {  	v7 =	vld [tilespmem:$0x1D830]  }
0x2e3: {  	v6 =	vadd.f32 v8, v6;
	_ =	sdelay $0x1  }
0x2e4: {  	v6 =	vadd.f32 v9, v6;
	_ =	sdelay $0x1  }
0x2e5: {  	v7 =	vadd.f32 v7, v6;
	_ =	sdelay $0x1  }
0x2e6: {  	v6 =	vperm.xlane v7, v4;
	_ =	sdelay $0x1  }
0x2e7: {  	(xrf2) =	vadd.scan.msk.f32 $0xffff, v6;
	_ =	sdelay $0x9  }
0x2e8: {  	v8, _, _ =	vpop (xrf2)  }
0x2e9: {  	v8 =	vperm.xlane v8, v4  }
0x2ea: {  	s25 =	simm.s32 $0x1D680  }
0x2eb: {  	v16 =	vld [tilespmem:s25+$0xFFFFFFC0];
	vm1 =	vge.f32 v8, $2.500000000e+04  }
0x2ec: {  	v8 =	vmpcnt.ones.xlane vm1  }
0x2ed: {  	v17 =	vld [tilespmem:s25+$0xFFFFFFD0]  }
0x2ee: {  	v18 =	vld [tilespmem:s25+$0xFFFFFFE0];
	v8 =	vadd.s32 $0xFFFFFFFF, v8  }
0x2ef: {  	v10 =	vld [tilespmem:$0x1D860];
	vm1 =	veq.s32 v8, v0  }
0x2f0: {  	v11 =	vld [tilespmem:$0x1D870];
	v16 =	vnsel vm1, $0x0, v16  }
0x2f1: {  	v12 =	vld [tilespmem:$0x1D880];
	(xrf2) =	vadd.scan.msk.f32 $0xffff, v16  }
0x2f2: {  	v13 =	vld [tilespmem:$0x1D890];
	v20 =	vnsel vm1, $0x0, v17  }
0x2f3: {  	v19 =	vld [tilespmem:s25+$0xFFFFFFF0];
	v18 =	vnsel vm1, $0x0, v18;
	(xrf2) =	vadd.scan.msk.f32 $0xffff, v20  }
0x2f4: {  	v22 =	vld [tilespmem:s25+$0x0];
	(xrf2) =	vadd.scan.msk.f32 $0xffff, v18  }
0x2f5: {  	v23 =	vld [tilespmem:s25+$0x10]  }
0x2f6: {  	v14 =	vld [tilespmem:$0x1D8A0]  }
0x2f7: {  	v15 =	vld [tilespmem:$0x1D8B0]  }
0x2f8: {  	v21 =	vld [tilespmem:$0x1D910];
	v20 =	vnsel vm1, $0x0, v19  }
0x2f9: {  	v28 =	vld [tilespmem:$0x1D980];
	v24 =	vnsel vm1, $0x0, v22;
	(xrf2) =	vadd.scan.msk.f32 $0xffff, v20  }
0x2fa: {  	s24 =	simm.s32 $0x1D700;
	v31 =	vld [tilespmem:s25+$0x30];
	v25 =	vnsel vm1, $0x0, v23;
	(xrf2) =	vadd.scan.msk.f32 $0xffff, v24  }
0x2fb: {  	v32 =	vld [tilespmem:s24+$0xFFFFFFD0];
	v26, _, _ =	vpop (xrf2);
	(xrf2) =	vadd.scan.msk.f32 $0xffff, v25  }
0x2fc: {  	v34 =	vld [tilespmem:s24+$0xFFFFFFE0]  }
0x2fd: {  	v36 =	vld [tilespmem:$0x1D990];
	(v2sf) =	vpush v26, $0xF;
	v27, _, _ =	vpop (xrf2)  }
0x2fe: {  	v37 =	vld [tilespmem:$0x1D9A0];
	(v2sf) =	vpush v27, $0xF;
	v29, _, _ =	vpop (xrf2)  }
0x2ff: {  	(v2sf) =	vpush v29, $0xF;
	v29 =	vld [tilespmem:s25+$0x20]  }
0x300: {  	v38 =	vld [tilespmem:$0x1D9B0]  }
0x301: {  	v39 =	vld [tilespmem:$0x1D9C0]  }
0x302: {  	v35 =	vld [tilespmem:$0x1D9D0]  }
0x303: {  	v40 =	vld [tilespmem:s24+$0x0];
	v30, _, _ =	vpop (xrf2)  }
0x304: {  	v41 =	vld [tilespmem:s24+$0x10];
	v33, _, _ =	vpop (xrf2);
	v29 =	vnsel vm1, $0x0, v29  }
0x305: {  	v9 =	vld [tilespmem:$0x1D850];
	v59, _, _ =	vpop (xrf2);
	(xrf2) =	vadd.scan.msk.f32 $0xffff, v29  }
0x306: {  	(v2sf) =	vpush v30, $0xF;
	v30 =	vld [tilespmem:s24+$0xFFFFFFC0]  }
0x307: {  	v6 =	vld [tilespmem:$0x1D840];
	v29 =	vnsel vm1, $0x0, v31  }
0x308: {  	v17 =	vld [tilespmem:$0x1D8D0];
	(xrf2) =	vadd.scan.msk.f32 $0xffff, v29  }
0x309: {  	v22 =	vld [tilespmem:$0x1D920]  }
0x30a: {  	v23 =	vld [tilespmem:$0x1D930]  }
0x30b: {  	v62 =	vnsel vm1, $0x0, v41;
	v41 =	vld [tilespmem:s24+$0x20];
	(v2sf) =	vpush v33, $0xF;
	v29 =	vnsel vm1, $0x0, v30  }
0x30c: {  	v16 =	vld [tilespmem:$0x1D8C0];
	(v2sf) =	vpush v59, $0xF;
	(xrf2) =	vadd.scan.msk.f32 $0xffff, v29  }
0x30d: {  	v19 =	vld [tilespmem:$0x1D8F0]  }
0x30e: {  	v18 =	vld [tilespmem:$0x1D8E0]  }
0x30f: {  	v31 =	vld [tilespmem:s24+$0xFFFFFFF0];
	v29 =	vnsel vm1, $0x0, v32;
	s0 =	spop (v2sf);
	v42, _, _ =	vpop (xrf2)  }
0x310: {  	v20 =	vld [tilespmem:$0x1D900];
	v30 =	vnsel vm1, $0x0, v34;
	(xrf2) =	vadd.scan.msk.f32 $0xffff, v29;
	s1 =	spop (v2sf);
	(v2sf) =	vpush v42, $0xF  }
0x311: {  	v24 =	vld [tilespmem:$0x1D940];
	(xrf2) =	vadd.scan.msk.f32 $0xffff, v30  }
0x312: {  	p2 =	sgt.u32 s10, $0x0;
	v25 =	vld [tilespmem:$0x1D950];
	v60, _, _ =	vpop (xrf2)  }
0x313: {  	s26 =	simm.f32 $0.0e+00;
	v26 =	vld [tilespmem:$0x1D960];
	s0 =	simm.s32 @!p2 $0x0;
	(v2sf) =	vpush v60, $0xF  }
0x314: {  	v27 =	vld [tilespmem:$0x1D970];
	v43 =	vnsel vm1, $0x0, v31;
	p2 =	sgt.u32 s10, $0x1;
	s0 =	sadd.f32 s0, s26  }
0x315: {  	v33 =	vld [tilespmem:$0x1DA10];
	s1 =	simm.s32 @!p2 $0x0;
	(xrf2) =	vadd.scan.msk.f32 $0xffff, v43  }
0x316: {  	v34 =	vld [tilespmem:$0x1DA00];
	p2 =	sgt.u32 s10, $0x2;
	s0 =	sadd.f32 s1, s0;
	s1 =	spop (v2sf);
	v61, _, _ =	vpop (xrf2)  }
0x317: {  	s28 =	simm.s32 $0x6;
	s23 =	simm.s32 $0x8;
	v40 =	vnsel vm1, $0x0, v40;
	v32 =	vld [tilespmem:$0x1D9E0];
	s1 =	simm.s32 @!p2 $0x0;
	(v2sf) =	vpush v61, $0xF  }
0x318: {  	v29 =	vld [tilespmem:$0x1D9F0];
	p2 =	sgt.u32 s10, $0x3;
	s0 =	sadd.f32 s1, s0;
	s1 =	spop (v2sf);
	(xrf2) =	vadd.scan.msk.f32 $0xffff, v40  }
0x319: {  	s25 =	simm.s32 $0x0;
	v30 =	vld [tilespmem:$0x1DA20];
	s26 =	simm.s32 $0x10;
	s1 =	simm.s32 @!p2 $0x0  }
0x31a: {  	v40 =	vld [tilespmem:s24+$0x30];
	v63, _, _ =	vpop (xrf2);
	p2 =	sgt.u32 s10, $0x4;
	s30 =	sadd.f32 s1, s0;
	s0 =	spop (v2sf)  }
0x31b: {  	v31 =	vld [tilespmem:$0x1DA30];
	(xrf2) =	vadd.scan.msk.f32 $0xffff, v62;
	(v2sf) =	vpush v63, $0xF;
	v42, _, _ =	vpop (xrf2);
	s1 =	simm.s32 $0x5;
	s0 =	simm.s32 @!p2 $0x0;
	s31 =	spop (v2sf)  }
.LBB2_22:
0x31c: {  	p2 =	slt.u32 s26, $0x18  }
0x31d: {  	v41 =	vnsel vm1, $0x0, v41;
	s0 =	sadd.f32 s0, s30;
	p3 =	slt.u32 s1, s10;
	s1 =	smov.u32 s26  }
0x31e: {  	s26 =	sadd.s32 $0x8, s26;
	s24 =	sadd.s32 $0x80, s24;
	(v2sf) =	vpush v42, $0xF;
	(xrf2) =	vadd.scan.msk.f32 $0xffff, v41;
	s31 =	simm.s32 @!p3 $0x0  }
0x31f: {  	p3 =	slt.u32 s28, s10;
	v41 =	vld [tilespmem:s24+$0xFFFFFFC0];
	v40 =	vnsel vm1, $0x0, v40;
	v42, _, _ =	vpop (xrf2);
	s0 =	sadd.f32 s31, s0;
	s28 =	spop (v2sf)  }
0x320: {  	s30 =	sadd.s32 $0x7, s25;
	s25 =	smov.u32 s23;
	(v2sf) =	vpush v42, $0xF;
	s28 =	simm.s32 @!p3 $0x0  }
0x321: {  	s23 =	smov.u32 s1;
	p3 =	slt.u32 s30, s10;
	v42 =	vld [tilespmem:s24+$0xFFFFFFD0];
	(xrf2) =	vadd.scan.msk.f32 $0xffff, v40;
	s0 =	sadd.f32 s28, s0  }
0x322: {  	v40, _, _ =	vpop (xrf2);
	s1 =	spop (v2sf)  }
0x323: {  	v43 =	vld [tilespmem:s24+$0xFFFFFFE0];
	s1 =	simm.s32 @!p3 $0x0  }
0x324: {  	v41 =	vnsel vm1, $0x0, v41;
	s0 =	sadd.f32 s1, s0  }
0x325: {  	(xrf2) =	vadd.scan.msk.f32 $0xffff, v41;
	(v2sf) =	vpush v40, $0xF;
	v40, _, _ =	vpop (xrf2)  }
0x326: {  	p3 =	slt.u32 s25, s10;
	v44 =	vnsel vm1, $0x0, v42;
	s1 =	spop (v2sf);
	(v2sf) =	vpush v40, $0xF  }
0x327: {  	s1 =	simm.s32 @!p3 $0x0  }
0x328: {  	v40 =	vnsel vm1, $0x0, v43;
	v42 =	vld [tilespmem:s24+$0xFFFFFFF0];
	(xrf2) =	vadd.scan.msk.f32 $0xffff, v44;
	v41, _, _ =	vpop (xrf2)  }
0x329: {  	s28 =	sadd.s32 $0x1, s25;
	(v2sf) =	vpush v41, $0xF  }
0x32a: {  	p3 =	slt.u32 s28, s10;
	v41 =	vld [tilespmem:s24+$0x0]  }
0x32b: {  	s0 =	sadd.f32 s1, s0;
	(xrf2) =	vadd.scan.msk.f32 $0xffff, v40;
	s1 =	spop (v2sf);
	v40, _, _ =	vpop (xrf2)  }
0x32c: {  	s28 =	sadd.s32 $0x2, s25;
	v43 =	vld [tilespmem:s24+$0x10];
	s1 =	simm.s32 @!p3 $0x0;
	(v2sf) =	vpush v40, $0xF  }
0x32d: {  	p3 =	slt.u32 s28, s10;
	v40 =	vnsel vm1, $0x0, v42;
	s0 =	sadd.f32 s1, s0;
	s1 =	spop (v2sf)  }
0x32e: {  	s28 =	sadd.s32 $0x3, s25;
	(xrf2) =	vadd.scan.msk.f32 $0xffff, v40;
	s1 =	simm.s32 @!p3 $0x0  }
0x32f: {  	p3 =	slt.u32 s28, s10;
	v40 =	vnsel vm1, $0x0, v41;
	v41, _, _ =	vpop (xrf2);
	s0 =	sadd.f32 s1, s0;
	s1 =	spop (v2sf)  }
0x330: {  	(v2sf) =	vpush v41, $0xF;
	s1 =	simm.s32 @!p3 $0x0  }
.Ltmp10:
0x331: {  	v42 =	vnsel vm1, $0x0, v43;
	v41 =	vld [tilespmem:s24+$0x20];
	(xrf2) =	vadd.scan.msk.f32 $0xffff, v40;
	s30 =	sadd.f32 s1, s0;
	(pc) =	sbr.rel @p2 .LBB2_22-.Ltmp10, $4  }
0x332: {  	s0 =	sadd.s32 $0x4, s25;
	v43, _, _ =	vpop (xrf2)  }
0x333: {  	p3 =	slt.u32 s0, s10;
	v40 =	vld [tilespmem:s24+$0x30]  }
0x334: {  	s28 =	sadd.s32 $0x6, s25;
	(xrf2) =	vadd.scan.msk.f32 $0xffff, v42;
	s0 =	spop (v2sf)  }
0x335: {  	s1 =	sadd.s32 $0x5, s25;
	(v2sf) =	vpush v43, $0xF;
	v42, _, _ =	vpop (xrf2);
	s0 =	simm.s32 @!p3 $0x0;
	s31 =	spop (v2sf)  }
0x336: {  	v6 =	vadd.f32 $0.0e+00, v6;
	_ =	sdelay $0x1  }
0x337: {  	v6 =	vadd.f32 v9, v6;
	_ =	sdelay $0x1  }
0x338: {  	v6 =	vadd.f32 v10, v6;
	_ =	sdelay $0x1  }
0x339: {  	v6 =	vadd.f32 v11, v6;
	_ =	sdelay $0x1  }
0x33a: {  	v6 =	vadd.f32 v12, v6;
	_ =	sdelay $0x1  }
0x33b: {  	v6 =	vadd.f32 v13, v6;
	_ =	sdelay $0x1  }
0x33c: {  	v6 =	vadd.f32 v14, v6;
	_ =	sdelay $0x1  }
0x33d: {  	v6 =	vadd.f32 v15, v6;
	_ =	sdelay $0x1  }
0x33e: {  	v6 =	vadd.f32 v16, v6;
	_ =	sdelay $0x1  }
0x33f: {  	v6 =	vadd.f32 v17, v6;
	_ =	sdelay $0x1  }
0x340: {  	v6 =	vadd.f32 v18, v6;
	_ =	sdelay $0x1  }
0x341: {  	v6 =	vadd.f32 v19, v6;
	_ =	sdelay $0x1  }
0x342: {  	v6 =	vadd.f32 v20, v6;
	_ =	sdelay $0x1  }
0x343: {  	v6 =	vadd.f32 v21, v6;
	_ =	sdelay $0x1  }
0x344: {  	v6 =	vadd.f32 v22, v6;
	_ =	sdelay $0x1  }
0x345: {  	v6 =	vadd.f32 v23, v6;
	_ =	sdelay $0x1  }
0x346: {  	v6 =	vadd.f32 v24, v6;
	_ =	sdelay $0x1  }
0x347: {  	v6 =	vadd.f32 v25, v6;
	_ =	sdelay $0x1  }
0x348: {  	v6 =	vadd.f32 v26, v6;
	_ =	sdelay $0x1  }
0x349: {  	v6 =	vadd.f32 v27, v6;
	_ =	sdelay $0x1  }
0x34a: {  	v6 =	vadd.f32 v28, v6  }
0x34b: {  	v9 =	vnsel vm1, $0x0, v41  }
0x34c: {  	(xrf2) =	vadd.scan.msk.f32 $0xffff, v9;
	v6 =	vadd.f32 v36, v6  }
0x34d: {  	v9 =	vnsel vm1, $0x0, v40  }
0x34e: {  	(xrf2) =	vadd.scan.msk.f32 $0xffff, v9;
	v6 =	vadd.f32 v37, v6  }
0x34f: {  	(v2sf) =	vpush v42, $0xF  }
0x350: {  	v9, _, _ =	vpop (xrf2);
	v6 =	vadd.f32 v38, v6  }
0x351: {  	(v2sf) =	vpush v9, $0xF  }
0x352: {  	v9, _, _ =	vpop (xrf2);
	v6 =	vadd.f32 v39, v6  }
0x353: {  	(v2sf) =	vpush v9, $0xF  }
0x354: {  	s0 =	sadd.f32 s0, s30;
	p2 =	slt.u32 s1, s10;
	v9, _, _ =	vpop (xrf2);
	v6 =	vadd.f32 v35, v6  }
0x355: {  	s31 =	simm.s32 @!p2 $0x0;
	(v2sf) =	vpush v9, $0xF  }
0x356: {  	p2 =	slt.u32 s28, s10;
	s0 =	sadd.f32 s31, s0;
	s1 =	spop (v2sf);
	v9, _, _ =	vpop (xrf2);
	v6 =	vadd.f32 v32, v6  }
0x357: {  	s24 =	sadd.s32 $0x7, s25;
	s1 =	simm.s32 @!p2 $0x0;
	(v2sf) =	vpush v9, $0xF  }
0x358: {  	p2 =	slt.u32 s24, s10;
	s0 =	sadd.f32 s1, s0;
	s1 =	spop (v2sf);
	v9, _, _ =	vpop (xrf2);
	v6 =	vadd.f32 v29, v6  }
0x359: {  	s1 =	simm.s32 @!p2 $0x0;
	(v2sf) =	vpush v9, $0xF  }
0x35a: {  	p2 =	slt.u32 s23, s10;
	s0 =	sadd.f32 s1, s0;
	s24 =	spop (v2sf);
	v6 =	vadd.f32 v34, v6  }
0x35b: {  	s26 =	sadd.s32 $0x1, s23;
	s24 =	simm.s32 @!p2 $0x0  }
0x35c: {  	p2 =	slt.u32 s26, s10;
	s0 =	sadd.f32 s24, s0;
	s25 =	spop (v2sf);
	v6 =	vadd.f32 v33, v6  }
0x35d: {  	s30 =	sadd.s32 $0x2, s23;
	s25 =	simm.s32 @!p2 $0x0  }
0x35e: {  	p2 =	slt.u32 s30, s10;
	s1 =	spop (v2sf);
	s0 =	sadd.f32 s25, s0;
	v6 =	vadd.f32 v30, v6  }
0x35f: {  	s31 =	sadd.s32 $0x3, s23;
	s1 =	simm.s32 @!p2 $0x0  }
0x360: {  	p2 =	slt.u32 s31, s10;
	s0 =	sadd.f32 s1, s0;
	s1 =	spop (v2sf);
	v6 =	vadd.f32 v31, v6  }
0x361: {  	s25 =	sadd.s32 $0x4, s23;
	s1 =	simm.s32 @!p2 $0x0  }
0x362: {  	p2 =	slt.u32 s25, s10;
	s0 =	sadd.f32 s1, s0;
	s1 =	spop (v2sf);
	(erf) = vrcp.f32 v6  }
0x363: {  	s26 =	sadd.s32 $0x5, s23;
	s1 =	simm.s32 @!p2 $0x0  }
0x364: {  	s25 =	spop (v2sf);
	p2 =	slt.u32 s26, s10;
	s0 =	sadd.f32 s1, s0  }
0x365: {  	p3 =	por $0x0, $0x0;
	s30 =	sadd.s32 $0x6, s23;
	s25 =	simm.s32 @!p2 $0x0  }
0x366: {  	p2 =	slt.u32 s30, s10;
	s0 =	sadd.f32 s25, s0;
	s1 =	spop (v2sf)  }
.Ltmp11:
0x367: {  	s31 =	sadd.s32 $0x7, s23;
	s1 =	simm.s32 @!p2 $0x0;
	(pc) =	sbr.rel @p3 .LBB2_28-.Ltmp11, $4  }
0x368: {  	p2 =	slt.u32 s31, s10;
	s0 =	sadd.f32 s1, s0;
	s1 =	spop (v2sf)  }
0x369: {  	s1 =	simm.s32 @!p2 $0x0  }
0x36a: {  	s28 =	simm.s32 $0x1C0;
	s23 =	sadd.f32 s1, s0  }
0x36b: {  	s25 =	simm.s32 $0x0;
	p2 =	por $0x0, $0x0;
	s0 =	simm.s32 $0x0;
	v6 =	vcvt.s32.f32 v8;
	v9 =	vpop (erf)  }
0x36c: {  	_ =	sdelay $0x2  }
0x36d: {  	s26 =	simm.s32 $0x0  }
0x36e: {  	v10 =	vld.idx.msk [tilespmem:v1+s26+$0xFFFFFFA0 ss:$0x1], $0xffff;
	_ =	sdelay $0x4  }
0x36f: {  	vm1 =	veq.f32 v10, v6  }
0x370: {  	v11 =	vsel vm1, $0x3F800000, v5  }
0x371: {  	(xrf2) =	vadd.scan.msk.f32 $0xffff, v11;
	_ =	sdelay $0x5  }
0x372: {  	v10 =	vmul.f32 v10, v9;
	_ =	sdelay $0x3  }
0x373: {  	[tilespmem:s26+$0x1DA40] =	vst v10;
	v10, _, _ =	vpop (xrf2)  }
0x374: {  	[tilespmem:s26+$0x1ECC0] =	vst v10  }
0x375: {  	v10 =	vld.idx.msk [tilespmem:v1+s26+$0xFFFFFFB0 ss:$0x1], $0xffff;
	_ =	sdelay $0x4  }
0x376: {  	vm1 =	veq.f32 v10, v6  }
0x377: {  	v11 =	vsel vm1, $0x3F800000, v5  }
0x378: {  	(xrf2) =	vadd.scan.msk.f32 $0xffff, v11;
	_ =	sdelay $0x5  }
0x379: {  	v10 =	vmul.f32 v10, v9;
	_ =	sdelay $0x3  }
0x37a: {  	[tilespmem:s26+$0x1DA50] =	vst v10;
	v10, _, _ =	vpop (xrf2)  }
0x37b: {  	[tilespmem:s26+$0x1ECD0] =	vst v10  }
0x37c: {  	v10 =	vld.idx.msk [tilespmem:v1+s26+$0xFFFFFFC0 ss:$0x1], $0xffff;
	_ =	sdelay $0x4  }
0x37d: {  	vm1 =	veq.f32 v10, v6  }
0x37e: {  	v11 =	vsel vm1, $0x3F800000, v5  }
0x37f: {  	(xrf2) =	vadd.scan.msk.f32 $0xffff, v11;
	_ =	sdelay $0x5  }
0x380: {  	v10 =	vmul.f32 v10, v9;
	_ =	sdelay $0x3  }
0x381: {  	[tilespmem:s26+$0x1DA60] =	vst v10;
	v10, _, _ =	vpop (xrf2)  }
0x382: {  	[tilespmem:s26+$0x1ECE0] =	vst v10  }
0x383: {  	v10 =	vld.idx.msk [tilespmem:v1+s26+$0xFFFFFFD0 ss:$0x1], $0xffff;
	_ =	sdelay $0x4  }
0x384: {  	vm1 =	veq.f32 v10, v6  }
0x385: {  	v11 =	vsel vm1, $0x3F800000, v5  }
0x386: {  	(xrf2) =	vadd.scan.msk.f32 $0xffff, v11;
	_ =	sdelay $0x5  }
0x387: {  	v10 =	vmul.f32 v10, v9;
	_ =	sdelay $0x3  }
0x388: {  	[tilespmem:s26+$0x1DA70] =	vst v10;
	v10, _, _ =	vpop (xrf2)  }
0x389: {  	[tilespmem:s26+$0x1ECF0] =	vst v10  }
0x38a: {  	v10 =	vld.idx.msk [tilespmem:v1+s26+$0xFFFFFFE0 ss:$0x1], $0xffff;
	_ =	sdelay $0x4  }
0x38b: {  	vm1 =	veq.f32 v10, v6  }
0x38c: {  	v11 =	vsel vm1, $0x3F800000, v5  }
0x38d: {  	(xrf2) =	vadd.scan.msk.f32 $0xffff, v11;
	_ =	sdelay $0x5  }
0x38e: {  	v10 =	vmul.f32 v10, v9;
	_ =	sdelay $0x3  }
0x38f: {  	[tilespmem:s26+$0x1DA80] =	vst v10;
	v10, _, _ =	vpop (xrf2)  }
0x390: {  	[tilespmem:s26+$0x1ED00] =	vst v10  }
0x391: {  	v10 =	vld.idx.msk [tilespmem:v1+s26+$0xFFFFFFF0 ss:$0x1], $0xffff;
	_ =	sdelay $0x4  }
0x392: {  	vm1 =	veq.f32 v10, v6  }
0x393: {  	v11 =	vsel vm1, $0x3F800000, v5  }
0x394: {  	(xrf2) =	vadd.scan.msk.f32 $0xffff, v11;
	_ =	sdelay $0x5  }
0x395: {  	v10 =	vmul.f32 v10, v9;
	_ =	sdelay $0x3  }
0x396: {  	[tilespmem:s26+$0x1DA90] =	vst v10;
	v10, _, _ =	vpop (xrf2)  }
0x397: {  	[tilespmem:s26+$0x1ED10] =	vst v10  }
0x398: {  	v10 =	vld.idx.msk [tilespmem:v1+s26+$0x0 ss:$0x1], $0xffff;
	_ =	sdelay $0x4  }
0x399: {  	vm1 =	veq.f32 v10, v6  }
0x39a: {  	v11 =	vsel vm1, $0x3F800000, v5  }
0x39b: {  	(xrf2) =	vadd.scan.msk.f32 $0xffff, v11;
	_ =	sdelay $0x4  }
0x39c: {  	p3 =	por $0x0, $0x0  }
.Ltmp12:
0x39d: {  	v10 =	vmul.f32 v10, v9;
	(pc) =	sbr.rel @p3 .LBB2_25-.Ltmp12, $2  }
0x39e: {  	_ =	sdelay $0x2  }
0x39f: {  	s24 =	simm.s32 $0x380;
	p2 =	por $0x1, $0x1;
	[tilespmem:s26+$0x1DAA0] =	vst v10;
	v10, _, _ =	vpop (xrf2)  }
.LBB2_26:
0x3a0: {  	p3 =	seq.s32 s24, $0x16C0  }
0x3a1: {  	[tilespmem:s26+$0x1ED20] =	vst v10;
	s26 =	sshra.s32 s28, $0x2;
	s28 =	smov.u32 s24;
	s24 =	sadd.s32 $0x1C0, s24  }
0x3a2: {  	v10 =	vld.idx.msk [tilespmem:v1+s26+$0xFFFFFFA0 ss:$0x1], $0xffff;
	_ =	sdelay $0x5  }
0x3a3: {  	vm1 =	veq.f32 v10, v6;
	v10 =	vmul.f32 v10, v9  }
0x3a4: {  	v11 =	vsel vm1, $0x3F800000, v5  }
0x3a5: {  	(xrf2) =	vadd.scan.msk.f32 $0xffff, v11;
	_ =	sdelay $0x9  }
0x3a6: {  	[tilespmem:s26+$0x1DA40] =	vst v10;
	v10, _, _ =	vpop (xrf2)  }
0x3a7: {  	[tilespmem:s26+$0x1ECC0] =	vst v10  }
0x3a8: {  	v10 =	vld.idx.msk [tilespmem:v1+s26+$0xFFFFFFB0 ss:$0x1], $0xffff;
	_ =	sdelay $0x5  }
0x3a9: {  	vm1 =	veq.f32 v10, v6;
	v10 =	vmul.f32 v10, v9  }
0x3aa: {  	v11 =	vsel vm1, $0x3F800000, v5  }
0x3ab: {  	(xrf2) =	vadd.scan.msk.f32 $0xffff, v11;
	_ =	sdelay $0x9  }
0x3ac: {  	[tilespmem:s26+$0x1DA50] =	vst v10;
	v10, _, _ =	vpop (xrf2)  }
0x3ad: {  	[tilespmem:s26+$0x1ECD0] =	vst v10  }
0x3ae: {  	v10 =	vld.idx.msk [tilespmem:v1+s26+$0xFFFFFFC0 ss:$0x1], $0xffff;
	_ =	sdelay $0x5  }
0x3af: {  	vm1 =	veq.f32 v10, v6;
	v10 =	vmul.f32 v10, v9  }
0x3b0: {  	v11 =	vsel vm1, $0x3F800000, v5  }
0x3b1: {  	[tilespmem:s26+$0x1DA60] =	vst v10;
	(xrf2) =	vadd.scan.msk.f32 $0xffff, v11;
	_ =	sdelay $0x9  }
0x3b2: {  	v10, _, _ =	vpop (xrf2)  }
0x3b3: {  	[tilespmem:s26+$0x1ECE0] =	vst v10  }
0x3b4: {  	v10 =	vld.idx.msk [tilespmem:v1+s26+$0xFFFFFFD0 ss:$0x1], $0xffff;
	_ =	sdelay $0x5  }
0x3b5: {  	vm1 =	veq.f32 v10, v6;
	v10 =	vmul.f32 v10, v9  }
0x3b6: {  	v11 =	vsel vm1, $0x3F800000, v5  }
0x3b7: {  	[tilespmem:s26+$0x1DA70] =	vst v10;
	(xrf2) =	vadd.scan.msk.f32 $0xffff, v11;
	_ =	sdelay $0x9  }
0x3b8: {  	v10, _, _ =	vpop (xrf2)  }
0x3b9: {  	[tilespmem:s26+$0x1ECF0] =	vst v10  }
0x3ba: {  	v10 =	vld.idx.msk [tilespmem:v1+s26+$0xFFFFFFE0 ss:$0x1], $0xffff;
	_ =	sdelay $0x5  }
0x3bb: {  	vm1 =	veq.f32 v10, v6;
	v10 =	vmul.f32 v10, v9  }
0x3bc: {  	v11 =	vsel vm1, $0x3F800000, v5  }
0x3bd: {  	[tilespmem:s26+$0x1DA80] =	vst v10;
	(xrf2) =	vadd.scan.msk.f32 $0xffff, v11;
	_ =	sdelay $0x9  }
0x3be: {  	v10, _, _ =	vpop (xrf2)  }
0x3bf: {  	[tilespmem:s26+$0x1ED00] =	vst v10  }
0x3c0: {  	v10 =	vld.idx.msk [tilespmem:v1+s26+$0xFFFFFFF0 ss:$0x1], $0xffff;
	_ =	sdelay $0x5  }
0x3c1: {  	vm1 =	veq.f32 v10, v6;
	v10 =	vmul.f32 v10, v9  }
0x3c2: {  	v11 =	vsel vm1, $0x3F800000, v5  }
0x3c3: {  	[tilespmem:s26+$0x1DA90] =	vst v10;
	(xrf2) =	vadd.scan.msk.f32 $0xffff, v11;
	_ =	sdelay $0x9  }
0x3c4: {  	v10, _, _ =	vpop (xrf2)  }
0x3c5: {  	[tilespmem:s26+$0x1ED10] =	vst v10  }
0x3c6: {  	v10 =	vld.idx.msk [tilespmem:v1+s26+$0x0 ss:$0x1], $0xffff;
	_ =	sdelay $0x5  }
0x3c7: {  	vm1 =	veq.f32 v10, v6;
	v10 =	vmul.f32 v10, v9  }
0x3c8: {  	v11 =	vsel vm1, $0x3F800000, v5  }
0x3c9: {  	[tilespmem:s26+$0x1DAA0] =	vst v10;
	(xrf2) =	vadd.scan.msk.f32 $0xffff, v11;
	_ =	sdelay $0x5  }
.Ltmp13:
0x3ca: {  	(pc) =	sbr.rel @!p3 .LBB2_26-.Ltmp13, $2  }
0x3cb: {  	_ =	sdelay $0x2  }
0x3cc: {  	v10, _, _ =	vpop (xrf2)  }
0x3cd: {  	s0 =	smov.u32 s28  }
.LBB2_28:
0x3ce: {  	_ =	sdelay $0x2  }
0x3cf: {  	s0 =	sshra.s32 s0, $0x2;
	[tilespmem:s26+$0x1ED20] =	vst @p2 v10  }
0x3d0: {  	v10 =	vld.idx.msk [tilespmem:v1+s0+$0xFFFFFFA0 ss:$0x1], $0xffff;
	_ =	sdelay $0x4  }
0x3d1: {  	vm1 =	veq.f32 v10, v6  }
0x3d2: {  	v11 =	vsel vm1, $0x3F800000, v5  }
0x3d3: {  	(xrf2) =	vadd.scan.msk.f32 $0xffff, v11;
	_ =	sdelay $0x5  }
0x3d4: {  	v10 =	vmul.f32 v10, v9;
	_ =	sdelay $0x3  }
0x3d5: {  	[tilespmem:s0+$0x1DA40] =	vst v10;
	v10, _, _ =	vpop (xrf2)  }
0x3d6: {  	[tilespmem:s0+$0x1ECC0] =	vst v10  }
0x3d7: {  	v10 =	vld.idx.msk [tilespmem:v1+s0+$0xFFFFFFB0 ss:$0x1], $0xffff;
	_ =	sdelay $0x4  }
0x3d8: {  	vm1 =	veq.f32 v10, v6  }
0x3d9: {  	v11 =	vsel vm1, $0x3F800000, v5  }
0x3da: {  	(xrf2) =	vadd.scan.msk.f32 $0xffff, v11;
	_ =	sdelay $0x5  }
0x3db: {  	v10 =	vmul.f32 v10, v9;
	_ =	sdelay $0x3  }
0x3dc: {  	[tilespmem:s0+$0x1DA50] =	vst v10;
	v10, _, _ =	vpop (xrf2)  }
0x3dd: {  	[tilespmem:s0+$0x1ECD0] =	vst v10  }
0x3de: {  	v10 =	vld.idx.msk [tilespmem:v1+s0+$0xFFFFFFC0 ss:$0x1], $0xffff;
	_ =	sdelay $0x4  }
0x3df: {  	vm1 =	veq.f32 v10, v6  }
0x3e0: {  	v11 =	vsel vm1, $0x3F800000, v5  }
0x3e1: {  	(xrf2) =	vadd.scan.msk.f32 $0xffff, v11;
	_ =	sdelay $0x5  }
0x3e2: {  	v10 =	vmul.f32 v10, v9;
	_ =	sdelay $0x3  }
0x3e3: {  	[tilespmem:s0+$0x1DA60] =	vst v10;
	v10, _, _ =	vpop (xrf2)  }
0x3e4: {  	[tilespmem:s0+$0x1ECE0] =	vst v10  }
0x3e5: {  	v10 =	vld.idx.msk [tilespmem:v1+s0+$0xFFFFFFD0 ss:$0x1], $0xffff;
	_ =	sdelay $0x4  }
0x3e6: {  	vm1 =	veq.f32 v10, v6  }
0x3e7: {  	v11 =	vsel vm1, $0x3F800000, v5  }
0x3e8: {  	(xrf2) =	vadd.scan.msk.f32 $0xffff, v11;
	_ =	sdelay $0x5  }
0x3e9: {  	v10 =	vmul.f32 v10, v9;
	_ =	sdelay $0x3  }
0x3ea: {  	[tilespmem:s0+$0x1DA70] =	vst v10;
	v10, _, _ =	vpop (xrf2)  }
0x3eb: {  	[tilespmem:s0+$0x1ECF0] =	vst v10  }
0x3ec: {  	v10 =	vld.idx.msk [tilespmem:v1+s0+$0xFFFFFFE0 ss:$0x1], $0xffff;
	_ =	sdelay $0x4  }
0x3ed: {  	vm1 =	veq.f32 v10, v6  }
0x3ee: {  	v11 =	vsel vm1, $0x3F800000, v5  }
0x3ef: {  	(xrf2) =	vadd.scan.msk.f32 $0xffff, v11;
	_ =	sdelay $0x5  }
0x3f0: {  	v10 =	vmul.f32 v10, v9;
	_ =	sdelay $0x3  }
0x3f1: {  	[tilespmem:s0+$0x1DA80] =	vst v10;
	v10, _, _ =	vpop (xrf2)  }
0x3f2: {  	[tilespmem:s0+$0x1ED00] =	vst v10  }
0x3f3: {  	v10 =	vld.idx.msk [tilespmem:v1+s0+$0xFFFFFFF0 ss:$0x1], $0xffff;
	_ =	sdelay $0x4  }
0x3f4: {  	vm1 =	veq.f32 v10, v6  }
0x3f5: {  	v11 =	vsel vm1, $0x3F800000, v5  }
0x3f6: {  	(xrf2) =	vadd.scan.msk.f32 $0xffff, v11;
	_ =	sdelay $0x5  }
0x3f7: {  	v10 =	vmul.f32 v10, v9;
	_ =	sdelay $0x3  }
0x3f8: {  	[tilespmem:s0+$0x1DA90] =	vst v10;
	v10, _, _ =	vpop (xrf2)  }
0x3f9: {  	[tilespmem:s0+$0x1ED10] =	vst v10  }
0x3fa: {  	v10 =	vld.idx.msk [tilespmem:v1+s0+$0x0 ss:$0x1], $0xffff;
	_ =	sdelay $0x4  }
0x3fb: {  	vm1 =	veq.f32 v10, v6  }
0x3fc: {  	v11 =	vsel vm1, $0x3F800000, v5  }
0x3fd: {  	(xrf2) =	vadd.scan.msk.f32 $0xffff, v11;
	_ =	sdelay $0x5  }
0x3fe: {  	v9 =	vmul.f32 v10, v9;
	_ =	sdelay $0x3  }
0x3ff: {  	[tilespmem:s0+$0x1DAA0] =	vst v9;
	v9, _, _ =	vpop (xrf2)  }
0x400: {  	[tilespmem:s0+$0x1ED20] =	vst v9;
	v9 =	vmul.u32 $0x10, v0;
	_ =	sdelay $0x1  }
0x401: {  	v9 =	vor.u32 $0xF, v9  }
0x402: {  	v10 =	vor.u32 s25, v9;
	_ =	sdelay $0x4  }
0x403: {  	v10 =	vld.idx.msk [tilespmem:v10+s20+$0x0], $0xffff;
	_ =	sdelay $0x4  }
0x404: {  	(xrf2) =	vadd.scan.msk.f32 $0xffff, v10;
	_ =	sdelay $0x9  }
0x405: {  	v11, _, _ =	vpop (xrf2)  }
0x406: {  	(v2sf) =	vpush v11, $0xF  }
0x407: {  	s31 =	simm.s32 $0x100  }
0x408: {  	v12 =	vor.u32 s31, v9;
	v10 =	vsub.f32 v11, v10;
	_ =	sdelay $0x1  }
0x409: {  	v10 =	vadd.f32 s23, v10  }
0x40a: {  	s24 =	simm.s32 $0x1F3C0  }
0x40b: {  	[tilespmem:s24+$0x0] =	vst v10  }
0x40c: {  	v10 =	vld.idx.msk [tilespmem:v12+s20+$0x0], $0xffff;
	_ =	sdelay $0x4  }
0x40d: {  	(xrf2) =	vadd.scan.msk.f32 $0xffff, v10;
	_ =	sdelay $0x2  }
0x40e: {  	s0 =	simm.s32 $0x200;
	s1 =	spop (v2sf)  }
.LBB2_29:
0x40f: {  	s23 =	sadd.f32 s1, s23  }
0x410: {  	s24 =	sadd.s32 $0x10, s24;
	s1 =	smov.u32 s0;
	s25 =	sadd.s32 $0x100, s0  }
0x411: {  	p2 =	seq.s32 s0, $0x600;
	_ =	sdelay $0x3  }
0x412: {  	v11, _, _ =	vpop (xrf2)  }
0x413: {  	v12 =	vor.u32 s1, v9;
	v10 =	vsub.f32 v11, v10;
	(v2sf) =	vpush v11, $0xF;
	_ =	sdelay $0x1  }
0x414: {  	v10 =	vadd.f32 s23, v10;
	_ =	sdelay $0x1  }
0x415: {  	[tilespmem:s24+$0x0] =	vst v10  }
0x416: {  	v10 =	vld.idx.msk [tilespmem:v12+s20+$0x0], $0xffff;
	_ =	sdelay $0x5  }
.Ltmp14:
0x417: {  	(xrf2) =	vadd.scan.msk.f32 $0xffff, v10;
	(pc) =	sbr.rel @!p2 .LBB2_29-.Ltmp14, $2  }
0x418: {  	_ =	sdelay $0x2  }
0x419: {  	s0 =	smov.u32 s25;
	s1 =	spop (v2sf)  }
0x41a: {  	_ =	sdelay $0x4  }
0x41b: {  	v9, _, _ =	vpop (xrf2)  }
0x41c: {  	(v2sf) =	vpush v9, $0xF;
	_ =	sdelay $0x1  }
0x41d: {  	vm1 =	vlt.s32 v8, v0  }
0x41e: {  	v7 =	vnsel vm1, $0x0, v7  }
0x41f: {  	(xrf2) =	vadd.scan.msk.f32 $0xffff, v7;
	_ =	sdelay $0x9  }
0x420: {  	v7, _, _ =	vpop (xrf2)  }
0x421: {  	s25 =	spop (v2sf);
	(v2sf) =	vpush v7, $0xF;
	_ =	sdelay $0x4  }
0x422: {  	s26 =	simm.s32 $0x0  }
0x423: {  	s0 =	sadd.f32 s1, s23;
	v8 =	vmov s26;
	v9 =	vsub.f32 v9, v10;
	_ =	sdelay $0x1  }
0x424: {  	v9 =	vadd.f32 s0, v9  }
0x425: {  	s24 =	sadd.s32 $0x10, s24  }
0x426: {  	[tilespmem:s24+$0x0] =	vst v9  }
0x427: {  	s23 =	simm.s32 $0x1ECF0;
	v8 =	vld.idx.msk [tilespmem:v8+s21+$0x0], $0xffff  }
0x428: {  	v9 =	vld [tilespmem:s23+$0xFFFFFFD0];
	_ =	sdelay $0x1  }
0x429: {  	v10 =	vld [tilespmem:s29+$0xFFFFFFD0]  }
0x42a: {  	s0 =	spop (v2sf)  }
0x42b: {  	s0 =	ssub.f32 $2.500000000e+04, s0  }
0x42c: {  	v8 =	vadd.f32 v9, v8;
	s25 =	simm.s32 $0x1E090  }
0x42d: {  	v9 =	vld [tilespmem:s25+$0xFFFFF9B0];
	v7 =	vmov s0  }
0x42e: {  	vm1 =	veq.f32 v10, v6;
	vm2 =	vle.f32 v8, v7  }
0x42f: {  	vm3 =	vgt.f32 v10, v6;
	vm1 =	vmand vm1, vm2  }
0x430: {  	vm1 =	vmor vm3, vm1  }
0x431: {  	s30 =	simm.s32 $0x1;
	v8 =	vsel vm1, $0x3F800000, v2  }
0x432: {  	v11 =	vmov s30;
	v10 =	vsub.f32 v8, v9;
	_ =	sdelay $0x1  }
0x433: {  	v9 =	vadd.f32 v10, v9  }
0x434: {  	[tilespmem:s25+$0x5F0] =	vst v8  }
0x435: {  	[tilespmem:s25+$0xFFFFFFD0] =	vst v9  }
0x436: {  	v8 =	vld.idx.msk [tilespmem:v11+s21+$0x0], $0xffff  }
0x437: {  	v9 =	vld [tilespmem:s23+$0xFFFFFFE0];
	_ =	sdelay $0x1  }
0x438: {  	v10 =	vld [tilespmem:s29+$0xFFFFFFE0];
	_ =	sdelay $0x2  }
0x439: {  	v8 =	vadd.f32 v9, v8  }
0x43a: {  	v9 =	vld [tilespmem:s25+$0xFFFFF9C0]  }
0x43b: {  	vm1 =	veq.f32 v10, v6;
	vm2 =	vle.f32 v8, v7  }
0x43c: {  	vm3 =	vgt.f32 v10, v6;
	vm1 =	vmand vm1, vm2  }
0x43d: {  	vm1 =	vmor vm3, vm1  }
0x43e: {  	s31 =	simm.s32 $0x2;
	v8 =	vsel vm1, $0x3F800000, v2  }
0x43f: {  	v11 =	vmov s31;
	v10 =	vsub.f32 v8, v9;
	_ =	sdelay $0x1  }
0x440: {  	v9 =	vadd.f32 v10, v9  }
0x441: {  	[tilespmem:s25+$0x600] =	vst v8  }
0x442: {  	[tilespmem:s25+$0xFFFFFFE0] =	vst v9  }
0x443: {  	v8 =	vld.idx.msk [tilespmem:v11+s21+$0x0], $0xffff  }
0x444: {  	v9 =	vld [tilespmem:s23+$0xFFFFFFF0];
	_ =	sdelay $0x1  }
0x445: {  	v10 =	vld [tilespmem:s29+$0xFFFFFFF0];
	_ =	sdelay $0x2  }
0x446: {  	v8 =	vadd.f32 v9, v8  }
0x447: {  	v9 =	vld [tilespmem:s25+$0xFFFFF9D0]  }
0x448: {  	vm1 =	veq.f32 v10, v6;
	vm2 =	vle.f32 v8, v7  }
0x449: {  	vm3 =	vgt.f32 v10, v6;
	vm1 =	vmand vm1, vm2  }
0x44a: {  	vm1 =	vmor vm3, vm1  }
0x44b: {  	s1 =	simm.s32 $0x3;
	v8 =	vsel vm1, $0x3F800000, v2  }
0x44c: {  	v11 =	vmov s1;
	v10 =	vsub.f32 v8, v9;
	_ =	sdelay $0x1  }
0x44d: {  	v9 =	vadd.f32 v10, v9  }
0x44e: {  	[tilespmem:s25+$0x610] =	vst v8  }
0x44f: {  	[tilespmem:s25+$0xFFFFFFF0] =	vst v9  }
0x450: {  	v8 =	vld.idx.msk [tilespmem:v11+s21+$0x0], $0xffff  }
0x451: {  	v9 =	vld [tilespmem:s23+$0x0];
	_ =	sdelay $0x1  }
0x452: {  	v10 =	vld [tilespmem:s29+$0x0];
	_ =	sdelay $0x2  }
0x453: {  	v8 =	vadd.f32 v9, v8  }
0x454: {  	v9 =	vld [tilespmem:s25+$0xFFFFF9E0]  }
0x455: {  	vm1 =	veq.f32 v10, v6;
	vm2 =	vle.f32 v8, v7  }
0x456: {  	vm3 =	vgt.f32 v10, v6;
	vm1 =	vmand vm1, vm2  }
0x457: {  	vm1 =	vmor vm3, vm1  }
0x458: {  	s26 =	simm.s32 $0x4;
	v8 =	vsel vm1, $0x3F800000, v2  }
0x459: {  	v11 =	vmov s26;
	v10 =	vsub.f32 v8, v9;
	_ =	sdelay $0x1  }
0x45a: {  	v9 =	vadd.f32 v10, v9  }
0x45b: {  	[tilespmem:s25+$0x620] =	vst v8  }
0x45c: {  	[tilespmem:s25+$0x0] =	vst v9  }
0x45d: {  	v8 =	vld.idx.msk [tilespmem:v11+s21+$0x0], $0xffff  }
0x45e: {  	v9 =	vld [tilespmem:s23+$0x10];
	_ =	sdelay $0x1  }
0x45f: {  	v10 =	vld [tilespmem:s29+$0x10];
	_ =	sdelay $0x2  }
0x460: {  	v8 =	vadd.f32 v9, v8  }
0x461: {  	v9 =	vld [tilespmem:s25+$0xFFFFF9F0]  }
0x462: {  	vm1 =	veq.f32 v10, v6;
	vm2 =	vle.f32 v8, v7  }
0x463: {  	vm3 =	vgt.f32 v10, v6;
	vm1 =	vmand vm1, vm2  }
0x464: {  	vm1 =	vmor vm3, vm1  }
0x465: {  	s30 =	simm.s32 $0x5;
	v8 =	vsel vm1, $0x3F800000, v2  }
0x466: {  	v11 =	vmov s30;
	v10 =	vsub.f32 v8, v9;
	_ =	sdelay $0x1  }
0x467: {  	v9 =	vadd.f32 v10, v9  }
0x468: {  	[tilespmem:s25+$0x630] =	vst v8  }
0x469: {  	[tilespmem:s25+$0x10] =	vst v9  }
0x46a: {  	v8 =	vld.idx.msk [tilespmem:v11+s21+$0x0], $0xffff  }
0x46b: {  	v9 =	vld [tilespmem:s23+$0x20];
	_ =	sdelay $0x1  }
0x46c: {  	v10 =	vld [tilespmem:s29+$0x20];
	_ =	sdelay $0x2  }
0x46d: {  	v8 =	vadd.f32 v9, v8  }
0x46e: {  	v9 =	vld [tilespmem:s25+$0xFFFFFA00]  }
0x46f: {  	vm1 =	veq.f32 v10, v6;
	vm2 =	vle.f32 v8, v7  }
0x470: {  	vm3 =	vgt.f32 v10, v6;
	vm1 =	vmand vm1, vm2  }
0x471: {  	vm1 =	vmor vm3, vm1  }
0x472: {  	s24 =	simm.s32 $0x6;
	v8 =	vsel vm1, $0x3F800000, v2  }
0x473: {  	v11 =	vmov s24;
	v10 =	vsub.f32 v8, v9;
	_ =	sdelay $0x1  }
0x474: {  	v9 =	vadd.f32 v10, v9  }
0x475: {  	[tilespmem:s25+$0x640] =	vst v8  }
0x476: {  	[tilespmem:s25+$0x20] =	vst v9  }
0x477: {  	v8 =	vld.idx.msk [tilespmem:v11+s21+$0x0], $0xffff  }
0x478: {  	v9 =	vld [tilespmem:s23+$0x30];
	_ =	sdelay $0x1  }
0x479: {  	v10 =	vld [tilespmem:s29+$0x30];
	_ =	sdelay $0x2  }
0x47a: {  	v8 =	vadd.f32 v9, v8  }
0x47b: {  	v9 =	vld [tilespmem:s25+$0xFFFFFA10]  }
0x47c: {  	vm1 =	veq.f32 v10, v6;
	vm2 =	vle.f32 v8, v7  }
0x47d: {  	vm3 =	vgt.f32 v10, v6;
	vm1 =	vmand vm1, vm2  }
0x47e: {  	vm1 =	vmor vm3, vm1  }
0x47f: {  	s31 =	simm.s32 $0x7;
	v10 =	vsel vm1, $0x3F800000, v2  }
0x480: {  	v8 =	vmov s31;
	v11 =	vsub.f32 v10, v9  }
0x481: {  	s28 =	simm.s32 $0xD  }
0x482: {  	s0 =	simm.s32 $0x14;
	s26 =	simm.s32 $0x1E100;
	s24 =	smov.u32 s29;
	[tilespmem:s25+$0x650] =	vst v10;
	v9 =	vadd.f32 v11, v9  }
.LBB2_31:
0x483: {  	s24 =	sadd.s32 $0x70, s24;
	s23 =	sadd.s32 $0x70, s23  }
0x484: {  	[tilespmem:s25+$0x30] =	vst v9;
	s31 =	smov.u32 s0;
	s30 =	sadd.s32 $0x7, s0;
	s25 =	smov.u32 s26  }
0x485: {  	p2 =	sne.s32 s0, $0x61;
	v8 =	vld.idx.msk [tilespmem:v8+s21+$0x0], $0xffff  }
0x486: {  	v9 =	vld [tilespmem:s23+$0xFFFFFFD0];
	_ =	sdelay $0x1  }
0x487: {  	v10 =	vld [tilespmem:s24+$0xFFFFFFD0];
	_ =	sdelay $0x2  }
0x488: {  	v8 =	vadd.f32 v9, v8  }
0x489: {  	v9 =	vld [tilespmem:s26+$0xFFFFF9B0]  }
0x48a: {  	vm1 =	veq.f32 v10, v6;
	vm2 =	vle.f32 v8, v7  }
0x48b: {  	vm3 =	vgt.f32 v10, v6;
	vm1 =	vmand vm1, vm2  }
0x48c: {  	vm1 =	vmor vm3, vm1  }
0x48d: {  	s0 =	sadd.s32 $0xFFFFFFFB, s28;
	v8 =	vsel vm1, $0x3F800000, v2  }
0x48e: {  	v11 =	vmov s0;
	v10 =	vsub.f32 v8, v9;
	_ =	sdelay $0x1  }
0x48f: {  	v9 =	vadd.f32 v10, v9  }
0x490: {  	[tilespmem:s26+$0x5F0] =	vst v8  }
0x491: {  	[tilespmem:s26+$0xFFFFFFD0] =	vst v9  }
0x492: {  	v8 =	vld.idx.msk [tilespmem:v11+s21+$0x0], $0xffff  }
0x493: {  	v9 =	vld [tilespmem:s23+$0xFFFFFFE0];
	_ =	sdelay $0x1  }
0x494: {  	v10 =	vld [tilespmem:s24+$0xFFFFFFE0];
	_ =	sdelay $0x2  }
0x495: {  	v8 =	vadd.f32 v9, v8  }
0x496: {  	v9 =	vld [tilespmem:s26+$0xFFFFF9C0]  }
0x497: {  	vm1 =	veq.f32 v10, v6;
	vm2 =	vle.f32 v8, v7  }
0x498: {  	vm3 =	vgt.f32 v10, v6;
	vm1 =	vmand vm1, vm2  }
0x499: {  	vm1 =	vmor vm3, vm1  }
0x49a: {  	s0 =	sadd.s32 $0xFFFFFFFC, s28;
	v8 =	vsel vm1, $0x3F800000, v2  }
0x49b: {  	v11 =	vmov s0;
	v10 =	vsub.f32 v8, v9;
	_ =	sdelay $0x1  }
0x49c: {  	v9 =	vadd.f32 v10, v9  }
0x49d: {  	[tilespmem:s26+$0x600] =	vst v8  }
0x49e: {  	[tilespmem:s26+$0xFFFFFFE0] =	vst v9  }
0x49f: {  	v8 =	vld.idx.msk [tilespmem:v11+s21+$0x0], $0xffff  }
0x4a0: {  	v9 =	vld [tilespmem:s23+$0xFFFFFFF0];
	_ =	sdelay $0x1  }
0x4a1: {  	v10 =	vld [tilespmem:s24+$0xFFFFFFF0];
	_ =	sdelay $0x2  }
0x4a2: {  	v8 =	vadd.f32 v9, v8  }
0x4a3: {  	v9 =	vld [tilespmem:s26+$0xFFFFF9D0]  }
0x4a4: {  	vm1 =	veq.f32 v10, v6;
	vm2 =	vle.f32 v8, v7  }
0x4a5: {  	vm3 =	vgt.f32 v10, v6;
	vm1 =	vmand vm1, vm2  }
0x4a6: {  	vm1 =	vmor vm3, vm1  }
0x4a7: {  	s0 =	sadd.s32 $0xFFFFFFFD, s28;
	v8 =	vsel vm1, $0x3F800000, v2  }
0x4a8: {  	v11 =	vmov s0;
	v10 =	vsub.f32 v8, v9;
	_ =	sdelay $0x1  }
0x4a9: {  	v9 =	vadd.f32 v10, v9  }
0x4aa: {  	[tilespmem:s26+$0x610] =	vst v8  }
0x4ab: {  	[tilespmem:s26+$0xFFFFFFF0] =	vst v9  }
0x4ac: {  	v8 =	vld.idx.msk [tilespmem:v11+s21+$0x0], $0xffff  }
0x4ad: {  	v9 =	vld [tilespmem:s23+$0x0];
	_ =	sdelay $0x1  }
0x4ae: {  	v10 =	vld [tilespmem:s24+$0x0];
	_ =	sdelay $0x2  }
0x4af: {  	v8 =	vadd.f32 v9, v8  }
0x4b0: {  	v9 =	vld [tilespmem:s26+$0xFFFFF9E0]  }
0x4b1: {  	vm1 =	veq.f32 v10, v6;
	vm2 =	vle.f32 v8, v7  }
0x4b2: {  	vm3 =	vgt.f32 v10, v6;
	vm1 =	vmand vm1, vm2  }
0x4b3: {  	vm1 =	vmor vm3, vm1  }
0x4b4: {  	s0 =	sadd.s32 $0xFFFFFFFE, s28;
	v8 =	vsel vm1, $0x3F800000, v2  }
0x4b5: {  	v10 =	vsub.f32 v8, v9;
	[tilespmem:s26+$0x620] =	vst v8;
	v8 =	vmov s0;
	_ =	sdelay $0x1  }
0x4b6: {  	v9 =	vadd.f32 v10, v9;
	_ =	sdelay $0x1  }
0x4b7: {  	[tilespmem:s26+$0x0] =	vst v9  }
0x4b8: {  	v8 =	vld.idx.msk [tilespmem:v8+s21+$0x0], $0xffff  }
0x4b9: {  	v9 =	vld [tilespmem:s23+$0x10]  }
0x4ba: {  	v10 =	vld [tilespmem:s24+$0x10];
	_ =	sdelay $0x3  }
0x4bb: {  	v8 =	vadd.f32 v9, v8  }
0x4bc: {  	v9 =	vld [tilespmem:s26+$0xFFFFF9F0]  }
0x4bd: {  	vm1 =	veq.f32 v10, v6;
	vm2 =	vle.f32 v8, v7  }
0x4be: {  	vm3 =	vgt.f32 v10, v6;
	vm1 =	vmand vm1, vm2  }
0x4bf: {  	vm1 =	vmor vm3, vm1  }
0x4c0: {  	s0 =	sadd.s32 $0xFFFFFFFF, s28;
	v8 =	vsel vm1, $0x3F800000, v2  }
0x4c1: {  	v10 =	vsub.f32 v8, v9;
	[tilespmem:s26+$0x630] =	vst v8;
	v8 =	vmov s0;
	_ =	sdelay $0x1  }
0x4c2: {  	v9 =	vadd.f32 v10, v9;
	_ =	sdelay $0x1  }
0x4c3: {  	[tilespmem:s26+$0x10] =	vst v9  }
0x4c4: {  	v8 =	vld.idx.msk [tilespmem:v8+s21+$0x0], $0xffff  }
0x4c5: {  	v9 =	vld [tilespmem:s23+$0x20]  }
0x4c6: {  	v10 =	vld [tilespmem:s24+$0x20];
	_ =	sdelay $0x3  }
0x4c7: {  	v8 =	vadd.f32 v9, v8  }
0x4c8: {  	v9 =	vld [tilespmem:s26+$0xFFFFFA00]  }
0x4c9: {  	vm1 =	veq.f32 v10, v6;
	vm2 =	vle.f32 v8, v7  }
0x4ca: {  	vm3 =	vgt.f32 v10, v6;
	vm1 =	vmand vm1, vm2  }
0x4cb: {  	vm1 =	vmor vm3, vm1  }
0x4cc: {  	v8 =	vsel vm1, $0x3F800000, v2  }
0x4cd: {  	v10 =	vsub.f32 v8, v9;
	[tilespmem:s26+$0x640] =	vst v8;
	v8 =	vmov s28;
	s28 =	smov.u32 s31;
	_ =	sdelay $0x1  }
0x4ce: {  	v9 =	vadd.f32 v10, v9;
	_ =	sdelay $0x1  }
0x4cf: {  	[tilespmem:s26+$0x20] =	vst v9  }
0x4d0: {  	v8 =	vld.idx.msk [tilespmem:v8+s21+$0x0], $0xffff  }
0x4d1: {  	v9 =	vld [tilespmem:s23+$0x30]  }
0x4d2: {  	v10 =	vld [tilespmem:s24+$0x30];
	_ =	sdelay $0x3  }
0x4d3: {  	v8 =	vadd.f32 v9, v8  }
0x4d4: {  	v9 =	vld [tilespmem:s26+$0xFFFFFA10]  }
0x4d5: {  	vm1 =	veq.f32 v10, v6;
	vm2 =	vle.f32 v8, v7  }
0x4d6: {  	vm3 =	vgt.f32 v10, v6;
	vm1 =	vmand vm1, vm2  }
0x4d7: {  	vm1 =	vmor vm3, vm1  }
.Ltmp15:
0x4d8: {  	s0 =	sadd.s32 $0xFFFFFFFA, s28;
	v10 =	vsel vm1, $0x3F800000, v2;
	(pc) =	sbr.rel @p2 .LBB2_31-.Ltmp15, $3  }
0x4d9: {  	v8 =	vmov s0;
	v11 =	vsub.f32 v10, v9;
	[tilespmem:s26+$0x650] =	vst v10;
	_ =	sdelay $0x1  }
0x4da: {  	v9 =	vadd.f32 v11, v9  }
0x4db: {  	s0 =	smov.u32 s30;
	s26 =	sadd.s32 $0x70, s26  }
0x4dc: {  	_ =	sdelay $0x2  }
0x4dd: {  	[tilespmem:s25+$0x30] =	vst v9  }
0x4de: {  	s23 =	sadd.s32 $0x70, s23;
	v8 =	vld.idx.msk [tilespmem:v8+s21+$0x0], $0xffff  }
0x4df: {  	v9 =	vld [tilespmem:s23+$0xFFFFFFD0]  }
0x4e0: {  	s24 =	sadd.s32 $0x70, s24  }
0x4e1: {  	v10 =	vld [tilespmem:s24+$0xFFFFFFD0];
	_ =	sdelay $0x2  }
0x4e2: {  	v8 =	vadd.f32 v9, v8  }
0x4e3: {  	v34 =	vld [tilespmem:s26+$0xFFFFF9B0]  }
0x4e4: {  	vm1 =	veq.f32 v10, v6;
	vm2 =	vle.f32 v8, v7  }
0x4e5: {  	vm3 =	vgt.f32 v10, v6;
	vm1 =	vmand vm1, vm2  }
0x4e6: {  	vm1 =	vmor vm3, vm1  }
0x4e7: {  	s0 =	sadd.s32 $0xFFFFFFFB, s28;
	v35 =	vsel vm1, $0x3F800000, v2  }
0x4e8: {  	v11 =	vmov s0;
	v36 =	vsub.f32 v35, v34;
	_ =	sdelay $0x1  }
0x4e9: {  	v9 =	vadd.f32 v36, v34  }
0x4ea: {  	[tilespmem:s26+$0x5F0] =	vst v35  }
0x4eb: {  	[tilespmem:s26+$0xFFFFFFD0] =	vst v9  }
0x4ec: {  	v8 =	vld.idx.msk [tilespmem:v11+s21+$0x0], $0xffff  }
0x4ed: {  	v9 =	vld [tilespmem:s23+$0xFFFFFFE0];
	_ =	sdelay $0x1  }
0x4ee: {  	v37 =	vld [tilespmem:s24+$0xFFFFFFE0];
	_ =	sdelay $0x2  }
0x4ef: {  	v8 =	vadd.f32 v9, v8  }
0x4f0: {  	v38 =	vld [tilespmem:s26+$0xFFFFF9C0]  }
0x4f1: {  	vm1 =	veq.f32 v37, v6;
	vm2 =	vle.f32 v8, v7  }
0x4f2: {  	vm3 =	vgt.f32 v37, v6;
	vm1 =	vmand vm1, vm2  }
0x4f3: {  	vm1 =	vmor vm3, vm1  }
0x4f4: {  	s25 =	sadd.s32 $0xFFFFFFFC, s28;
	v39 =	vsel vm1, $0x3F800000, v2  }
0x4f5: {  	v41 =	vmov s25;
	v40 =	vsub.f32 v39, v38;
	_ =	sdelay $0x1  }
0x4f6: {  	v9 =	vadd.f32 v40, v38  }
0x4f7: {  	[tilespmem:s26+$0x600] =	vst v39  }
0x4f8: {  	[tilespmem:s26+$0xFFFFFFE0] =	vst v9  }
0x4f9: {  	v8 =	vld.idx.msk [tilespmem:v41+s21+$0x0], $0xffff  }
0x4fa: {  	v9 =	vld [tilespmem:s23+$0xFFFFFFF0];
	_ =	sdelay $0x1  }
0x4fb: {  	v42 =	vld [tilespmem:s24+$0xFFFFFFF0];
	_ =	sdelay $0x2  }
0x4fc: {  	v8 =	vadd.f32 v9, v8  }
0x4fd: {  	v43 =	vld [tilespmem:s26+$0xFFFFF9D0]  }
0x4fe: {  	vm1 =	veq.f32 v42, v6;
	vm2 =	vle.f32 v8, v7  }
0x4ff: {  	vm3 =	vgt.f32 v42, v6;
	vm1 =	vmand vm1, vm2  }
0x500: {  	vm1 =	vmor vm3, vm1  }
0x501: {  	s31 =	sadd.s32 $0xFFFFFFFD, s28;
	v44 =	vsel vm1, $0x3F800000, v2  }
0x502: {  	v46 =	vmov s31;
	v45 =	vsub.f32 v44, v43;
	_ =	sdelay $0x1  }
0x503: {  	v9 =	vadd.f32 v45, v43  }
0x504: {  	[tilespmem:s26+$0x610] =	vst v44  }
0x505: {  	[tilespmem:s26+$0xFFFFFFF0] =	vst v9  }
0x506: {  	v8 =	vld.idx.msk [tilespmem:v46+s21+$0x0], $0xffff  }
0x507: {  	v9 =	vld [tilespmem:s23+$0x0];
	_ =	sdelay $0x1  }
0x508: {  	v47 =	vld [tilespmem:s24+$0x0];
	_ =	sdelay $0x2  }
0x509: {  	v8 =	vadd.f32 v9, v8  }
0x50a: {  	v48 =	vld [tilespmem:s26+$0xFFFFF9E0]  }
0x50b: {  	vm1 =	veq.f32 v47, v6;
	vm2 =	vle.f32 v8, v7  }
0x50c: {  	vm3 =	vgt.f32 v47, v6;
	vm1 =	vmand vm1, vm2  }
0x50d: {  	vm1 =	vmor vm3, vm1  }
0x50e: {  	s1 =	sadd.s32 $0xFFFFFFFE, s28;
	v49 =	vsel vm1, $0x3F800000, v2  }
0x50f: {  	v51 =	vmov s1;
	v50 =	vsub.f32 v49, v48;
	_ =	sdelay $0x1  }
0x510: {  	v9 =	vadd.f32 v50, v48  }
0x511: {  	[tilespmem:s26+$0x620] =	vst v49  }
0x512: {  	[tilespmem:s26+$0x0] =	vst v9  }
0x513: {  	v8 =	vld.idx.msk [tilespmem:v51+s21+$0x0], $0xffff  }
0x514: {  	v9 =	vld [tilespmem:s23+$0x10];
	_ =	sdelay $0x1  }
0x515: {  	v52 =	vld [tilespmem:s24+$0x10];
	_ =	sdelay $0x2  }
0x516: {  	v8 =	vadd.f32 v9, v8  }
0x517: {  	v53 =	vld [tilespmem:s26+$0xFFFFF9F0]  }
0x518: {  	vm1 =	veq.f32 v52, v6;
	vm2 =	vle.f32 v8, v7  }
0x519: {  	vm3 =	vgt.f32 v52, v6;
	vm1 =	vmand vm1, vm2  }
0x51a: {  	vm1 =	vmor vm3, vm1  }
0x51b: {  	s25 =	sadd.s32 $0xFFFFFFFF, s28;
	v54 =	vsel vm1, $0x3F800000, v2  }
0x51c: {  	v56 =	vmov s25;
	v55 =	vsub.f32 v54, v53;
	_ =	sdelay $0x1  }
0x51d: {  	v9 =	vadd.f32 v55, v53  }
0x51e: {  	[tilespmem:s26+$0x630] =	vst v54  }
0x51f: {  	[tilespmem:s26+$0x10] =	vst v9  }
0x520: {  	v8 =	vld.idx.msk [tilespmem:v56+s21+$0x0], $0xffff  }
0x521: {  	v9 =	vld [tilespmem:s23+$0x20];
	_ =	sdelay $0x1  }
0x522: {  	v57 =	vld [tilespmem:s24+$0x20];
	_ =	sdelay $0x2  }
0x523: {  	v8 =	vadd.f32 v9, v8  }
0x524: {  	v58 =	vld [tilespmem:s26+$0xFFFFFA00]  }
0x525: {  	vm1 =	veq.f32 v57, v6;
	vm2 =	vle.f32 v8, v7  }
0x526: {  	vm3 =	vgt.f32 v57, v6;
	vm1 =	vmand vm1, vm2  }
0x527: {  	vm1 =	vmor vm3, vm1  }
0x528: {  	v59 =	vsel vm1, $0x3F800000, v2  }
0x529: {  	v61 =	vmov s28;
	v60 =	vsub.f32 v59, v58;
	_ =	sdelay $0x1  }
0x52a: {  	v9 =	vadd.f32 v60, v58  }
0x52b: {  	[tilespmem:s26+$0x640] =	vst v59  }
0x52c: {  	[tilespmem:s26+$0x20] =	vst v9  }
0x52d: {  	v8 =	vld.idx.msk [tilespmem:v61+s21+$0x0], $0xffff  }
0x52e: {  	v9 =	vld [tilespmem:s23+$0x30];
	_ =	sdelay $0x1  }
0x52f: {  	v62 =	vld [tilespmem:s24+$0x30];
	_ =	sdelay $0x2  }
0x530: {  	v8 =	vadd.f32 v9, v8  }
0x531: {  	v63 =	vld [tilespmem:s26+$0xFFFFFA10]  }
0x532: {  	vm1 =	veq.f32 v62, v6;
	vm2 =	vle.f32 v8, v7  }
0x533: {  	vm3 =	vgt.f32 v62, v6;
	vm1 =	vmand vm1, vm2  }
0x534: {  	vm1 =	vmor vm3, vm1  }
0x535: {  	v6 =	vsel vm1, $0x3F800000, v2  }
0x536: {  	v7 =	vsub.f32 v6, v63;
	_ =	sdelay $0x1  }
0x537: {  	v7 =	vadd.f32 v7, v63  }
0x538: {  	[tilespmem:s26+$0x650] =	vst v6  }
0x539: {  	s0 =	simm.s32 @p1 $0x0;
	s1 =	simm.s32 @p1 $0x1DA40;
	s23 =	rddreg [dreg:$0x15];
	[tilespmem:s26+$0x30] =	vst v7  }
0x53a: {  	[hbm4b:s23+s0] =	stream.linear.scatter @p1 [tilespmem:s1], [sflag:$0x8], $0x570, $0x38;
	[tilespmem:$0x1F440] =	vst v63  }
0x53b: {  	s1 =	simm.s32 @p1 $0x8  }
0x53c: {  	_ =	swait.ge @p1 [sflag:s1], $0x570  }
0x53d: {  	[sflag:s1] =	ssyncset.done @p1 $0x0  }
0x53e: {  	s23 =	simm.s32 @p1 $0x1E060;
	s24 =	rddreg [dreg:$0x16];
	[sflag:s1] =	ssyncadd.s32 @p1 $0xFFFFFA90  }
0x53f: {  	[hbm4b:s24+s0] =	stream.linear.scatter @p1 [tilespmem:s23], [sflag:$0x8], $0x570, $0x38;
	[tilespmem:$0x1F440] =	vst v63  }
0x540: {  	_ =	swait.ge @p1 [sflag:s1], $0x570  }
0x541: {  	[sflag:s1] =	ssyncset.done @p1 $0x0  }
0x542: {  	s23 =	simm.s32 @p1 $0x1E680;
	s24 =	rddreg [dreg:$0x17];
	[sflag:s1] =	ssyncadd.s32 @p1 $0xFFFFFA90  }
0x543: {  	[hbm4b:s24+s0] =	stream.linear.scatter @p1 [tilespmem:s23], [sflag:$0x8], $0x570, $0x38;
	[tilespmem:$0x1F440] =	vst v63  }
0x544: {  	_ =	swait.ge @p1 [sflag:s1], $0x570  }
0x545: {  	s0 =	simm.s32 @!p1 $0x0;
	[sflag:s1] =	ssyncset.done @p1 $0x0  }
0x546: {  	s23 =	rddreg [dreg:$0x12];
	[sflag:s1] =	ssyncadd.s32 @p1 $0xFFFFFA90;
	s1 =	simm.s32 @!p1 $0x1DA40  }
0x547: {  	[hbm4b:s23+s0] =	stream.linear.scatter @!p1 [tilespmem:s1], [sflag:$0x8], $0x620, $0x38;
	[tilespmem:$0x1F440] =	vst v63  }
0x548: {  	s1 =	simm.s32 @!p1 $0x8  }
0x549: {  	_ =	swait.ge @!p1 [sflag:s1], $0x620  }
0x54a: {  	[sflag:s1] =	ssyncset.done @!p1 $0x0  }
0x54b: {  	s23 =	simm.s32 @!p1 $0x1E060;
	s24 =	rddreg [dreg:$0x13];
	[sflag:s1] =	ssyncadd.s32 @!p1 $0xFFFFF9E0  }
0x54c: {  	[hbm4b:s24+s0] =	stream.linear.scatter @!p1 [tilespmem:s23], [sflag:$0x8], $0x620, $0x38;
	[tilespmem:$0x1F440] =	vst v63  }
0x54d: {  	_ =	swait.ge @!p1 [sflag:s1], $0x620  }
0x54e: {  	[sflag:s1] =	ssyncset.done @!p1 $0x0  }
0x54f: {  	s23 =	simm.s32 @!p1 $0x1E680;
	s24 =	rddreg [dreg:$0x14];
	[sflag:s1] =	ssyncadd.s32 @!p1 $0xFFFFF9E0  }
0x550: {  	[hbm4b:s24+s0] =	stream.linear.scatter @!p1 [tilespmem:s23], [sflag:$0x8], $0x620, $0x38;
	[tilespmem:$0x1F440] =	vst v63  }
0x551: {  	_ =	swait.ge @!p1 [sflag:s1], $0x620  }
0x552: {  	s22 =	sadd.s32 $0x1, s22;
	s31 =	rddreg [dreg:$0x18]  }
0x553: {  	p2 =	sne.s32 s22, s31  }
.Ltmp16:
0x554: {  	_ = 	snop;
	(pc) =	sbr.rel @p2 .LBB2_1-.Ltmp16, $4  }
.Ltmp17:
0x555: {  	_ = 	snop;
	(pc) =	sbr.rel @!p2 .LBB2_33-.Ltmp17, $4  }
0x556: {  	_ = 	snop  }
0x557: {  	s30 =	simm.s32 $0x1D5C0;
	[sflag:s1] =	ssyncset.done @!p1 $0x0  }
0x558: {  	s28 =	simm.s32 $0x1DA40;
	s26 =	simm.s32 $0x1880;
	[sflag:s1] =	ssyncadd.s32 @!p1 $0xFFFFF9E0  }
0x559: {  	_ = 	snop  }
.LBB2_25:
.Ltmp18:
0x55a: {  	(pc) =	sbr.rel .LBB2_28-.Ltmp18, $2  }
0x55b: {  	_ =	sdelay $0x2  }
0x55c: {  	s0 =	simm.s32 $0x1C0  }
.LBB2_33:
0x55d: {  	_ =	sfence.sel $0x180000  }
0x55e: {  	[bflag:$0x0] =	sbarrier.arrive $0xFFFF  }
0x55f: {  	_ =	strace $0x90000047  }
0x560: {  	s0 =	stileid.u32;
	[bflag:$0x2] =	sbarrier.arrive $0xFFFF  }
0x561: {  	p0 =	sne.s32 s0, $0x0;
	s0 =	rddreg [dreg:$0x5]  }
0x562: {  	s0 =	sadd.s32 @!p0 $0x100000, s0  }
0x563: {  	[sflag:s0] =	ssyncadd.tile.s32 @!p0 $0x1;
	_ =	shalt  }
.Lfunc_end2:
_tile_overlayer_lowered:
.L_overlay_start_2:
0x564: {  	(tag) =	ssettag $0x2  }
0x565: {  	s0 =	rddreg [dreg:$0x0];
	s2 =	stileid.u32  }
0x566: {  	s1 =	rddreg [dreg:$0x1];
	p0 =	sne.s32 s2, $0x0  }
0x567: {  	s3 =	rddreg [dreg:$0x2];
	[bflag:$0x3] =	sbarrier.arrive $0xFFFF;
	s2 =	simm.s32 @!p0 $0x1C08  }
0x568: {  	[timem:s3], [sflag:s2] =	dma.local @!p0 [hbm:s0], s1  }
0x569: {  	s0 =	simm.s32 @!p0 $0x8  }
0x56a: {  	_ =	swait.ge @!p0 [sflag:s0], s1  }
0x56b: {  	s1 =	ssub.s32 @!p0 $0x0, s1;
	[sflag:s0] =	ssyncset.done @!p0 $0x0  }
0x56c: {  	[sflag:s0] =	ssyncadd.s32 @!p0 s1  }
0x56d: {  	[bflag:$0x3] =	sbarrier.arrive $0xFFFF  }
0x56e: {  	_ =	shalt  }

</sc_bundles>
